<compile_context>
chip_gen: v7x
topology: tpu7x:2x2x1
jax: 0.10.2.dev20260603
libtpu: 0.0.44.dev20260713+nightly
codegen_flags: <defaults>
</compile_context>

<pallas_src>
import functools
import math

import jax
import jax.numpy as jnp
from jax import lax
from jax.experimental import pallas as pl
from jax.experimental.pallas import tpu as pltpu
from jax.experimental.pallas import tpu_sc as plsc

N = 10000
E = 160000
FEAT = 256
EMB = 512
HALF = 256
HID2 = 2 * EMB
L = 3
K = int(math.ceil(0.5 * N))

NP = 10240
KP = 5120
RBLK = 1000
NSUB = 16
NCORE = 2
NW = NSUB * NCORE
E_PER_W = 5008
E_PAD = NW * E_PER_W
NODE_CHUNK = 80
N_CHUNKS = N // NODE_CHUNK
G = 64
BCAP = 256
DROWS = KP // NSUB
MCAP = 2048


def _score_body(x_ref, q_ref, o_ref):
    o_ref[...] = jnp.tanh(
        jnp.sum(x_ref[...] * q_ref[...], axis=1, keepdims=True))


def _score_call(x, q2d):
    return pl.pallas_call(
        _score_body,
        out_shape=jax.ShapeDtypeStruct((N, 1), jnp.float32),
    )(x, q2d)


def _select_body(s_ref, sm_ref, nm_ref):
    s = s_ref[...]
    bits = lax.bitcast_convert_type(s, jnp.int32)
    key = bits ^ ((bits >> 31) & jnp.int32(0x7FFFFFFF))
    kf = jnp.float32(K)

    def tbit(i, lo_u):
        b = 31 - i
        cand = lo_u | (jnp.int32(1) << b)
        t_s = cand ^ jnp.int32(-2147483648)
        cnt = jnp.sum((key >= t_s).astype(jnp.float32))
        return jnp.where(cnt >= kf, cand, lo_u)

    lo_u = lax.fori_loop(0, 32, tbit, jnp.int32(0))
    t_star = lo_u ^ jnp.int32(-2147483648)
    cnt_gt = jnp.sum((key > t_star).astype(jnp.float32))
    r = kf - cnt_gt

    rr = lax.broadcasted_iota(jnp.int32, s.shape, 0)
    cc = lax.broadcasted_iota(jnp.int32, s.shape, 1)
    idx = rr * 128 + cc
    eq = key == t_star

    def mbit(i, lo_m):
        b = 14 - i
        cand = lo_m | (jnp.int32(1) << b)
        ecnt = jnp.sum((eq & (idx < cand)).astype(jnp.float32))
        return jnp.where(ecnt <= r, cand, lo_m)

    m_star = lax.fori_loop(0, 15, mbit, jnp.int32(0))
    mask = (key > t_star) | (eq & (idx < m_star))
    maskf = mask.astype(jnp.float32)
    sm_ref[...] = maskf * s

    tri = (lax.broadcasted_iota(jnp.int32, (128, 128), 0)
           < lax.broadcasted_iota(jnp.int32, (128, 128), 1)).astype(jnp.float32)
    pre_in_row = jnp.dot(maskf, tri, preferred_element_type=jnp.float32)
    rows = s.shape[0]
    rs = jnp.sum(maskf, axis=1, keepdims=True)
    plow = (lax.broadcasted_iota(jnp.int32, (rows, rows), 1)
            < lax.broadcasted_iota(jnp.int32, (rows, rows), 0)
            ).astype(jnp.float32)
    row_off = jnp.dot(plow, rs, preferred_element_type=jnp.float32)
    c2d = row_off + pre_in_row
    nm_ref[...] = jnp.where(mask, c2d.astype(jnp.int32), jnp.int32(-1))


def _select_call(scorep):
    return pl.pallas_call(
        _select_body,
        out_shape=[
            jax.ShapeDtypeStruct((NP // 128, 128), jnp.float32),
            jax.ShapeDtypeStruct((NP // 128, 128), jnp.int32),
        ],
    )(scorep)


def _prescale_body(x_ref, sm_ref, o_ref):
    o_ref[...] = x_ref[...] * sm_ref[...]


def _prescale_call(x, sm_col):
    return pl.pallas_call(
        _prescale_body,
        grid=(5,),
        in_specs=[
            pl.BlockSpec((2000, FEAT), lambda i: (i, 0)),
            pl.BlockSpec((2000, 1), lambda i: (i, 0)),
        ],
        out_specs=pl.BlockSpec((2000, FEAT), lambda i: (i, 0)),
        out_shape=jax.ShapeDtypeStruct((N, FEAT), jnp.float32),
    )(x, sm_col)


def _compact_body(xsm_hbm, nm_hbm, rowp_hbm, colp_hbm,
                  xs_out, elist_out, ecnt_out,
                  nm_v, rowb, colb, bbuf, cntb, xrows, slotb, sem):
    cid = lax.axis_index("c")
    sid = lax.axis_index("s")
    w = sid * NCORE + cid
    pltpu.sync_copy(nm_hbm, nm_v)

    def do_chunk(ch):
        base = ch * NODE_CHUNK
        pltpu.sync_copy(xsm_hbm.at[pl.ds(base, NODE_CHUNK)], xrows)

        def lane(v, c2):
            nm16 = nm_v[pl.ds(base + v * 16, 16)]
            slotb[pl.ds(v * 16, 16)] = jnp.where(
                nm16 >= 0, nm16, jnp.int32(K) + w)
            return c2

        lax.fori_loop(0, NODE_CHUNK // 16, lane, 0)
        pltpu.sync_copy(xrows, xs_out.at[slotb])

    def chunk_loop(k, c2):
        ch = w + NW * k

        @pl.when(ch < N_CHUNKS)
        def _():
            do_chunk(ch)
        return c2

    lax.fori_loop(0, (N_CHUNKS + NW - 1) // NW, chunk_loop, 0)

    ebase = w * E_PER_W
    pltpu.sync_copy(rowp_hbm.at[pl.ds(ebase, E_PER_W)], rowb)
    pltpu.sync_copy(colp_hbm.at[pl.ds(ebase, E_PER_W)], colb)

    lane16 = lax.iota(jnp.int32, 16)

    def egroup(g, cntv):
        r16 = rowb[pl.ds(g * 16, 16)]
        c16 = colb[pl.ds(g * 16, 16)]
        mr = plsc.load_gather(nm_v, [r16])
        mc = plsc.load_gather(nm_v, [c16])
        keep = (mr >= 0) & (mc >= 0)
        packed = mr | (mc << 13)
        bucket = lax.div(mc, jnp.int32(DROWS))
        for b in range(NSUB):
            keepb = keep & (bucket == b)
            plsc.store_compressed(
                bbuf.at[b, pl.ds(cntv[b], 16)], packed, mask=keepb)
            onehot = (lane16 == b).astype(jnp.int32)
            cntv = cntv + onehot * jnp.sum(keepb.astype(jnp.int32))
        return cntv

    cntv = lax.fori_loop(0, E_PER_W // 16, egroup,
                         jnp.zeros((16,), jnp.int32))
    cntb[pl.ds(0, 16)] = cntv
    pltpu.sync_copy(bbuf, elist_out.at[w])
    pltpu.sync_copy(cntb, ecnt_out.at[pl.ds(w * 16, 16)])


def _make_compact_call():
    mesh = plsc.VectorSubcoreMesh(core_axis_name="c", subcore_axis_name="s")
    return pl.kernel(
        _compact_body,
        out_type=[
            jax.ShapeDtypeStruct((KP, FEAT), jnp.float32),
            jax.ShapeDtypeStruct((NW, NSUB, BCAP), jnp.int32),
            jax.ShapeDtypeStruct((NW * 16,), jnp.int32),
        ],
        mesh=mesh,
        scratch_types=[
            pltpu.VMEM((NP,), jnp.int32),
            pltpu.VMEM((E_PER_W,), jnp.int32),
            pltpu.VMEM((E_PER_W,), jnp.int32),
            pltpu.VMEM((NSUB, BCAP), jnp.int32),
            pltpu.VMEM((16,), jnp.int32),
            pltpu.VMEM((NODE_CHUNK, FEAT), jnp.float32),
            pltpu.VMEM((NODE_CHUNK,), jnp.int32),
            pltpu.SemaphoreType.DMA,
        ],
        compiler_params=pltpu.CompilerParams(needs_layout_passes=False),
    )


def _pack_bf16(h):
    r = h.shape[0]
    b = lax.bitcast_convert_type(h, jnp.int32)
    rb = b + jnp.int32(0x7FFF) + ((b >> 16) & 1)
    h4 = rb.reshape(r, HALF // 32, 2, 16)
    lo = (h4[:, :, 0, :] >> 16) & jnp.int32(0xFFFF)
    hi = h4[:, :, 1, :] & jnp.int32(-65536)
    return (lo | hi).reshape(r, HALF // 2)


def _fc_body(x_ref, w_ref, hA, hB, rA, rB):
    z = jnp.dot(x_ref[...], w_ref[...], preferred_element_type=jnp.float32)
    zr = jnp.maximum(z, 0.0)
    hA[...] = z[:, :HALF]
    hB[...] = z[:, HALF:]
    rA[...] = _pack_bf16(zr[:, :HALF])
    rB[...] = _pack_bf16(zr[:, HALF:])


def _fc_call(xs, w_fc):
    half_spec = pl.BlockSpec((RBLK, HALF), lambda i: (i, 0))
    return pl.pallas_call(
        _fc_body,
        grid=(K // RBLK,),
        in_specs=[
            pl.BlockSpec((RBLK, FEAT), lambda i: (i, 0)),
            pl.BlockSpec((FEAT, EMB), lambda i: (0, 0)),
        ],
        out_specs=[half_spec] * 2
        + [pl.BlockSpec((RBLK, HALF // 2), lambda i: (i, 0))] * 2,
        out_shape=[jax.ShapeDtypeStruct((K, HALF), jnp.float32)] * 2
        + [jax.ShapeDtypeStruct((K, HALF // 2), jnp.int32)] * 2,
    )(xs, w_fc)


def _merge_body(elist_hbm, ecnt_hbm, mlist_out, mcnt_out,
                lbuf, cball, big, cntb, sem):
    cid = lax.axis_index("c")
    sid = lax.axis_index("s")
    pltpu.sync_copy(ecnt_hbm, cball.at[pl.ds(0, NW * 16)])
    lane16 = lax.iota(jnp.int32, 16)

    def wloop(wi, off):
        w = cid * NSUB + wi
        pltpu.sync_copy(elist_hbm.at[w, sid], lbuf)
        cnt = cball[pl.ds(w * 16 + sid, 16)][0]
        ng = lax.div(cnt + 15, jnp.int32(16))

        def cp(t, c2):
            big[pl.ds(off + t * 16, 16)] = lbuf[pl.ds(t * 16, 16)]
            return c2

        lax.fori_loop(0, ng, cp, 0)
        return off + cnt

    off = lax.fori_loop(0, NSUB, wloop, jnp.int32(0))
    padv = (lane16 * 0 + (sid * DROWS + DROWS)) << 13
    for t in range(G // 16):
        big[pl.ds(off + t * 16, 16)] = padv
    cntb[pl.ds(0, 16)] = lane16 * 0 + off
    seg = sid * 2 + cid
    pltpu.sync_copy(big, mlist_out.at[seg])
    pltpu.sync_copy(cntb, mcnt_out.at[pl.ds(seg * 16, 16)])


def _make_merge_call():
    mesh = plsc.VectorSubcoreMesh(core_axis_name="c", subcore_axis_name="s")
    return pl.kernel(
        _merge_body,
        out_type=[
            jax.ShapeDtypeStruct((NW, MCAP), jnp.int32),
            jax.ShapeDtypeStruct((NW * 16,), jnp.int32),
        ],
        mesh=mesh,
        scratch_types=[
            pltpu.VMEM((BCAP,), jnp.int32),
            pltpu.VMEM((NW * 16 + 16,), jnp.int32),
            pltpu.VMEM((MCAP,), jnp.int32),
            pltpu.VMEM((16,), jnp.int32),
            pltpu.SemaphoreType.DMA,
        ],
        compiler_params=pltpu.CompilerParams(needs_layout_passes=False),
    )


def _agg_body(mlist_hbm, mcnt_hbm, zeros_hbm, rhA, rhB, oA, oB,
              lbuf2, cball, srcb, offb, rows0, rows1, acc, sem0, sem1):
    cid = lax.axis_index("c")
    sid = lax.axis_index("s")

    pltpu.sync_copy(mcnt_hbm, cball.at[pl.ds(0, NW * 16)])
    pltpu.sync_copy(zeros_hbm, acc.at[pl.ds(0, DROWS * HALF)])
    pltpu.sync_copy(mlist_hbm.at[sid * 2], lbuf2.at[pl.ds(0, MCAP)])
    pltpu.sync_copy(mlist_hbm.at[sid * 2 + 1], lbuf2.at[pl.ds(MCAP, MCAP)])

    def unpack(pos, p):
        def sub_loop(sub, c):
            p16 = lbuf2[pl.ds(pos + sub * 16, 16)]
            srcb[pl.ds(p * G + sub * 16, 16)] = p16 & jnp.int32(0x1FFF)
            offb[pl.ds(p * G + sub * 16, 16)] = (
                (p16 >> 13) - sid * DROWS) * jnp.int32(HALF)
            return c

        lax.fori_loop(0, G // 16, sub_loop, 0)

    def start_gather(p, rows_ref, sem_ref):
        idx = srcb.at[pl.ds(p * G, G)]

        @pl.when(cid == 0)
        def _():
            pltpu.async_copy(rhA.at[idx], rows_ref, sem_ref)

        @pl.when(cid == 1)
        def _():
            pltpu.async_copy(rhB.at[idx], rows_ref, sem_ref)

    def wait_gather(p, rows_ref, sem_ref):
        pltpu.make_async_copy(
            rhA.at[srcb.at[pl.ds(p * G, G)]], rows_ref, sem_ref).wait()

    def accumulate(p, rows_ref):
        @functools.partial(plsc.parallel_loop, 0, G // 16)
        def sub_loop(sub):
            off16 = offb[pl.ds(p * G + sub * 16, 16)]
            for e in range(16):
                base = off16[e]
                for q in range(HALF // 32):
                    v = rows_ref[sub * 16 + e, pl.ds(q * 16, 16)]
                    plsc.addupdate(
                        acc.at[pl.ds(base + q * 32, 16)],
                        plsc.bitcast(v << 16, jnp.float32))
                    plsc.addupdate(
                        acc.at[pl.ds(base + q * 32 + 16, 16)],
                        plsc.bitcast(v & jnp.int32(-65536), jnp.float32))

    def seg_loop(seg, c0):
        segbase = seg * MCAP
        cnt = cball[pl.ds(sid * 32 + seg * 16, 16)][0]
        ng = lax.div(cnt + (G - 1), jnp.int32(G))

        @pl.when(ng > 0)
        def _():
            unpack(segbase, 0)
            start_gather(0, rows0, sem0)

            def body(g, c2):
                @pl.when((g & 1) == 0)
                def _():
                    @pl.when(g + 1 < ng)
                    def _():
                        unpack(segbase + (g + 1) * G, 1)
                        start_gather(1, rows1, sem1)

                    wait_gather(0, rows0, sem0)
                    accumulate(0, rows0)

                @pl.when((g & 1) == 1)
                def _():
                    @pl.when(g + 1 < ng)
                    def _():
                        unpack(segbase + (g + 1) * G, 0)
                        start_gather(0, rows0, sem0)

                    wait_gather(1, rows1, sem1)
                    accumulate(1, rows1)

                return c2

            lax.fori_loop(0, ng, body, 0)

        return c0

    lax.fori_loop(0, 2, seg_loop, 0)
    out_slice = pl.ds(sid * DROWS * HALF, DROWS * HALF)

    @pl.when(cid == 0)
    def _():
        pltpu.sync_copy(acc.at[pl.ds(0, DROWS * HALF)], oA.at[out_slice])

    @pl.when(cid == 1)
    def _():
        pltpu.sync_copy(acc.at[pl.ds(0, DROWS * HALF)], oB.at[out_slice])


def _make_agg_call():
    mesh = plsc.VectorSubcoreMesh(core_axis_name="c", subcore_axis_name="s")
    return pl.kernel(
        _agg_body,
        out_type=[jax.ShapeDtypeStruct((KP * HALF,), jnp.float32)] * 2,
        mesh=mesh,
        scratch_types=[
            pltpu.VMEM((2 * MCAP,), jnp.int32),
            pltpu.VMEM((NW * 16 + 16,), jnp.int32),
            pltpu.VMEM((2 * G,), jnp.int32),
            pltpu.VMEM((2 * G,), jnp.int32),
            pltpu.VMEM((G, HALF // 2), jnp.int32),
            pltpu.VMEM((G, HALF // 2), jnp.int32),
            pltpu.VMEM(((DROWS + 1) * HALF,), jnp.float32),
            pltpu.SemaphoreType.DMA,
            pltpu.SemaphoreType.DMA,
        ],
        compiler_params=pltpu.CompilerParams(needs_layout_passes=False),
    )


def _layer_fused_body(hA, hB, aA, aB, w1_ref, b1_ref, g1_ref, be1_ref,
                      w2_ref, b2_ref, gbn_ref, bbn_ref, eps_ref,
                      outA, outB, outRA, outRB, z1_s, z2_s, st1_s, st2_s,
                      *, last):
    p = pl.program_id(0)
    i = pl.program_id(1)
    kf = jnp.float32(K)

    @pl.when((p == 0) & (i == 0))
    def _():
        st1_s[...] = jnp.zeros_like(st1_s)
        st2_s[...] = jnp.zeros_like(st2_s)

    @pl.when(p == 0)
    def _():
        h = jnp.concatenate([hA[...], hB[...]], axis=1)
        a = jnp.concatenate([aA[...], aB[...]], axis=1)
        zin = h * (1.0 + eps_ref[0]) + a
        z1 = jnp.dot(zin, w1_ref[...], preferred_element_type=jnp.float32)
        z1 = z1 + b1_ref[...]
        z1_s[pl.ds(i * RBLK, RBLK), :] = z1
        st1_s[0:1, :] = st1_s[0:1, :] + jnp.sum(z1, axis=0, keepdims=True)
        st1_s[1:2, :] = st1_s[1:2, :] + jnp.sum(z1 * z1, axis=0,
                                                keepdims=True)

    @pl.when(p == 1)
    def _():
        mean = st1_s[0:1, :] / kf
        var = st1_s[1:2, :] / kf - mean * mean
        z1 = z1_s[pl.ds(i * RBLK, RBLK), :]
        xb = g1_ref[...] * (z1 - mean) / jnp.sqrt(var + 1e-5) + be1_ref[...]
        y = jnp.maximum(xb, 0.0)
        z2 = jnp.dot(y, w2_ref[...], preferred_element_type=jnp.float32)
        z2 = z2 + b2_ref[...]
        z2_s[pl.ds(i * RBLK, RBLK), :] = z2
        st2_s[0:1, :] = st2_s[0:1, :] + jnp.sum(z2, axis=0, keepdims=True)
        st2_s[1:2, :] = st2_s[1:2, :] + jnp.sum(z2 * z2, axis=0,
                                                keepdims=True)

    @pl.when(p == 2)
    def _():
        mean = st2_s[0:1, :] / kf
        var = st2_s[1:2, :] / kf - mean * mean
        z2 = z2_s[pl.ds(i * RBLK, RBLK), :]
        h = gbn_ref[...] * (z2 - mean) / jnp.sqrt(var + 1e-5) + bbn_ref[...]
        if last:
            @pl.when(i == 0)
            def _():
                outA[...] = jnp.zeros_like(outA)

            outA[0:1, :] = outA[0:1, :] + jnp.sum(h, axis=0, keepdims=True)
        else:
            h = jnp.maximum(h, 0.0)
            outA[...] = h[:, :HALF]
            outB[...] = h[:, HALF:]
            outRA[...] = _pack_bf16(h[:, :HALF])
            outRB[...] = _pack_bf16(h[:, HALF:])


def _layer_fused_call(hA, hB, aA, aB, w1l, b1l, g1l, be1l, w2l, b2l,
                      gbnl, bbnl, epsl, last):
    nblk = K // RBLK

    def blk0(p, i):
        return (jnp.where(p == 0, i, 0), 0)

    def blk2(p, i):
        return (jnp.where(p == 2, i, 0), 0)

    const = pl.BlockSpec((1, HID2), lambda p, i: (0, 0))
    const2 = pl.BlockSpec((1, EMB), lambda p, i: (0, 0))
    if last:
        out_specs = ([pl.BlockSpec((8, EMB), lambda p, i: (0, 0))] * 2
                     + [pl.BlockSpec((8, EMB // 2), lambda p, i: (0, 0))] * 2)
        out_shape = ([jax.ShapeDtypeStruct((8, EMB), jnp.float32)] * 2
                     + [jax.ShapeDtypeStruct((8, EMB // 2), jnp.int32)] * 2)
    else:
        out_specs = ([pl.BlockSpec((RBLK, HALF), blk2)] * 2
                     + [pl.BlockSpec((RBLK, HALF // 2), blk2)] * 2)
        out_shape = ([jax.ShapeDtypeStruct((K, HALF), jnp.float32)] * 2
                     + [jax.ShapeDtypeStruct((K, HALF // 2), jnp.int32)] * 2)
    return pl.pallas_call(
        functools.partial(_layer_fused_body, last=last),
        grid=(3, nblk),
        in_specs=[
            pl.BlockSpec((RBLK, HALF), blk0),
            pl.BlockSpec((RBLK, HALF), blk0),
            pl.BlockSpec((RBLK, HALF), blk0),
            pl.BlockSpec((RBLK, HALF), blk0),
            pl.BlockSpec((EMB, HID2), lambda p, i: (0, 0)),
            const,
            const,
            const,
            pl.BlockSpec((HID2, EMB), lambda p, i: (0, 0)),
            const2,
            const2,
            const2,
            pl.BlockSpec(memory_space=pltpu.SMEM),
        ],
        out_specs=out_specs,
        out_shape=out_shape,
        scratch_shapes=[
            pltpu.VMEM((K, HID2), jnp.float32),
            pltpu.VMEM((K, EMB), jnp.float32),
            pltpu.VMEM((8, HID2), jnp.float32),
            pltpu.VMEM((8, EMB), jnp.float32),
        ],
        compiler_params=pltpu.CompilerParams(
            vmem_limit_bytes=100 * 1024 * 1024),
    )(hA, hB, aA, aB, w1l, b1l, g1l, be1l, w2l, b2l, gbnl, bbnl, epsl)


def _layer_a_body(hA, hB, aA, aB, w_ref, b_ref, eps_ref, z1_ref, st_ref):
    i = pl.program_id(0)
    h = jnp.concatenate([hA[...], hB[...]], axis=1)
    a = jnp.concatenate([aA[...], aB[...]], axis=1)
    zin = h * (1.0 + eps_ref[0]) + a
    z1 = jnp.dot(zin, w_ref[...], preferred_element_type=jnp.float32)
    z1 = z1 + b_ref[...]
    z1_ref[...] = z1

    @pl.when(i == 0)
    def _():
        st_ref[...] = jnp.zeros_like(st_ref)

    st_ref[0:1, :] = st_ref[0:1, :] + jnp.sum(z1, axis=0, keepdims=True)
    st_ref[1:2, :] = st_ref[1:2, :] + jnp.sum(z1 * z1, axis=0, keepdims=True)


def _layer_a_call(hA, hB, aA, aB, w1l, b1l, epsl):
    half_spec = pl.BlockSpec((RBLK, HALF), lambda i: (i, 0))
    return pl.pallas_call(
        _layer_a_body,
        grid=(K // RBLK,),
        in_specs=[half_spec] * 4 + [
            pl.BlockSpec((EMB, HID2), lambda i: (0, 0)),
            pl.BlockSpec((1, HID2), lambda i: (0, 0)),
            pl.BlockSpec(memory_space=pltpu.SMEM),
        ],
        out_specs=[
            pl.BlockSpec((RBLK, HID2), lambda i: (i, 0)),
            pl.BlockSpec((8, HID2), lambda i: (0, 0)),
        ],
        out_shape=[
            jax.ShapeDtypeStruct((K, HID2), jnp.float32),
            jax.ShapeDtypeStruct((8, HID2), jnp.float32),
        ],
    )(hA, hB, aA, aB, w1l, b1l, epsl)


def _layer_b_body(z1_ref, st_ref, g_ref, be_ref, w_ref, b_ref,
                  z2_ref, st2_ref):
    i = pl.program_id(0)
    kf = jnp.float32(K)
    mean = st_ref[0:1, :] / kf
    var = st_ref[1:2, :] / kf - mean * mean
    z1 = z1_ref[...]
    xb = g_ref[...] * (z1 - mean) / jnp.sqrt(var + 1e-5) + be_ref[...]
    y = jnp.maximum(xb, 0.0)
    z2 = jnp.dot(y, w_ref[...], preferred_element_type=jnp.float32)
    z2 = z2 + b_ref[...]
    z2_ref[...] = z2

    @pl.when(i == 0)
    def _():
        st2_ref[...] = jnp.zeros_like(st2_ref)

    st2_ref[0:1, :] = st2_ref[0:1, :] + jnp.sum(z2, axis=0, keepdims=True)
    st2_ref[1:2, :] = st2_ref[1:2, :] + jnp.sum(z2 * z2, axis=0, keepdims=True)


def _layer_b_call(z1, st, g1l, be1l, w2l, b2l):
    return pl.pallas_call(
        _layer_b_body,
        grid=(K // RBLK,),
        in_specs=[
            pl.BlockSpec((RBLK, HID2), lambda i: (i, 0)),
            pl.BlockSpec((8, HID2), lambda i: (0, 0)),
            pl.BlockSpec((1, HID2), lambda i: (0, 0)),
            pl.BlockSpec((1, HID2), lambda i: (0, 0)),
            pl.BlockSpec((HID2, EMB), lambda i: (0, 0)),
            pl.BlockSpec((1, EMB), lambda i: (0, 0)),
        ],
        out_specs=[
            pl.BlockSpec((RBLK, EMB), lambda i: (i, 0)),
            pl.BlockSpec((8, EMB), lambda i: (0, 0)),
        ],
        out_shape=[
            jax.ShapeDtypeStruct((K, EMB), jnp.float32),
            jax.ShapeDtypeStruct((8, EMB), jnp.float32),
        ],
    )(z1, st, g1l, be1l, w2l, b2l)


def _layer_c_body(z2_ref, st_ref, g_ref, be_ref, hA, hB):
    kf = jnp.float32(K)
    mean = st_ref[0:1, :] / kf
    var = st_ref[1:2, :] / kf - mean * mean
    xb = g_ref[...] * (z2_ref[...] - mean) / jnp.sqrt(var + 1e-5) + be_ref[...]
    h = jnp.maximum(xb, 0.0)
    hA[...] = h[:, :HALF]
    hB[...] = h[:, HALF:]


def _layer_c_call(z2, st2, gbnl, bbnl):
    half_spec = pl.BlockSpec((RBLK, HALF), lambda i: (i, 0))
    return pl.pallas_call(
        _layer_c_body,
        grid=(K // RBLK,),
        in_specs=[
            pl.BlockSpec((RBLK, EMB), lambda i: (i, 0)),
            pl.BlockSpec((8, EMB), lambda i: (0, 0)),
            pl.BlockSpec((1, EMB), lambda i: (0, 0)),
            pl.BlockSpec((1, EMB), lambda i: (0, 0)),
        ],
        out_specs=[half_spec] * 2,
        out_shape=[jax.ShapeDtypeStruct((K, HALF), jnp.float32)] * 2,
    )(z2, st2, gbnl, bbnl)


def _layer_pool_body(z2_ref, st_ref, g_ref, be_ref, pool_ref):
    i = pl.program_id(0)
    kf = jnp.float32(K)
    mean = st_ref[0:1, :] / kf
    var = st_ref[1:2, :] / kf - mean * mean
    h = g_ref[...] * (z2_ref[...] - mean) / jnp.sqrt(var + 1e-5) + be_ref[...]

    @pl.when(i == 0)
    def _():
        pool_ref[...] = jnp.zeros_like(pool_ref)

    pool_ref[0:1, :] = pool_ref[0:1, :] + jnp.sum(h, axis=0, keepdims=True)


def _layer_pool_call(z2, st2, gbnl, bbnl):
    return pl.pallas_call(
        _layer_pool_body,
        grid=(K // RBLK,),
        in_specs=[
            pl.BlockSpec((RBLK, EMB), lambda i: (i, 0)),
            pl.BlockSpec((8, EMB), lambda i: (0, 0)),
            pl.BlockSpec((1, EMB), lambda i: (0, 0)),
            pl.BlockSpec((1, EMB), lambda i: (0, 0)),
        ],
        out_specs=pl.BlockSpec((8, EMB), lambda i: (0, 0)),
        out_shape=jax.ShapeDtypeStruct((8, EMB), jnp.float32),
    )(z2, st2, gbnl, bbnl)


def _head_body(pool_ref, text_ref, wp1_ref, bp1_ref, wp2_ref, bp2_ref, o_ref):
    p = pool_ref[0:1, :] * (1.0 / jnp.float32(K))
    a1 = wp1_ref[0:EMB, :]
    a2 = wp1_ref[EMB:EMB + FEAT, :]
    r = jnp.dot(p, a1, preferred_element_type=jnp.float32)
    r = r + jnp.dot(text_ref[...], a2, preferred_element_type=jnp.float32)
    r = jnp.maximum(r + bp1_ref[...], 0.0)
    o = jnp.dot(r, wp2_ref[...], preferred_element_type=jnp.float32)
    o_ref[...] = o + bp2_ref[...]


def _head_call(pool, text_emb, wp1, bp1, wp2, bp2):
    return pl.pallas_call(
        _head_body,
        out_shape=jax.ShapeDtypeStruct((1, 2), jnp.float32),
    )(pool, text_emb, wp1, bp1, wp2, bp2)


def kernel(text_emb, demand_kg_emb, x, edge_index, W_fc, eps, W1, b1, g1,
           be1, W2, b2, gbn, bbn, Wp1, bp1, Wp2, bp2):
    score = _score_call(x, demand_kg_emb)
    scorep = jnp.concatenate(
        [score.reshape(N), jnp.full((NP - N,), -2.0, jnp.float32)]
    ).reshape(NP // 128, 128)
    sm2d, nm2d = _select_call(scorep)
    sm_col = sm2d.reshape(NP)[:N].reshape(N, 1)
    nm_flat = nm2d.reshape(NP)

    xsm = _prescale_call(x, sm_col)

    row = edge_index[0].astype(jnp.int32)
    col = edge_index[1].astype(jnp.int32)
    pad = jnp.full((E_PAD - E,), jnp.int32(N))
    rowp = jnp.concatenate([row, pad])
    colp = jnp.concatenate([col, pad])

    compact_fn = _make_compact_call()
    xs, elist, ecnt = compact_fn(xsm, nm_flat, rowp, colp)
    merge_fn = _make_merge_call()
    mlist, mcnt = merge_fn(elist, ecnt)

    hA, hB, rA, rB = _fc_call(xs, W_fc)

    zeros_sc = jnp.zeros((DROWS * HALF,), jnp.float32)
    agg_fn = _make_agg_call()

    for l in range(L):
        aAf, aBf = agg_fn(mlist, mcnt, zeros_sc, rA, rB)
        aA = aAf.reshape(KP, HALF)
        aB = aBf.reshape(KP, HALF)
        outs = _layer_fused_call(
            hA, hB, aA, aB, W1[l], b1[l].reshape(1, HID2),
            g1[l].reshape(1, HID2), be1[l].reshape(1, HID2), W2[l],
            b2[l].reshape(1, EMB), gbn[l].reshape(1, EMB),
            bbn[l].reshape(1, EMB), eps[l].reshape(1), last=(l == L - 1))
        if l < L - 1:
            hA, hB, rA, rB = outs
        else:
            pool = outs[0]

    return _head_call(pool, text_emb, Wp1, bp1.reshape(1, -1), Wp2,
                      bp2.reshape(1, 2))

# --- scband reference (transcript-rebuilt; emitter-appended) ---
"""Pipeline reference for scband-att-inter-60816736911838 (READ-ONLY COPY).

The authoritative reference and input builder live on the scoring server;
editing this copy changes nothing except your own understanding.
"""

import jax, jax.numpy as jnp
import numpy as np
import math

N = 10000
E = 160000
FEAT = 256
EMB = 512
HID = 512
L = 3
RATIO = 0.5
K = int(math.ceil(RATIO * N))


def _p(key, shape, fan_in):
    return jax.random.normal(key, shape, jnp.float32) / np.sqrt(fan_in).astype(np.float32)


def setup_inputs(seed: int = 0):
    key = jax.random.key(seed)
    ks = jax.random.split(key, 16)
    inp = {}
    inp["text_emb"] = jax.random.normal(ks[0], (1, FEAT), jnp.float32)
    inp["demand_kg_emb"] = jax.random.normal(ks[1], (1, FEAT), jnp.float32)
    inp["x"] = jax.random.normal(ks[2], (N, FEAT), jnp.float32)
    inp["edge_index"] = jax.random.randint(ks[3], (2, E), 0, N)
    inp["W_fc"] = _p(ks[4], (FEAT, EMB), FEAT)
    inp["eps"] = jnp.zeros((L,), jnp.float32)
    inp["W1"] = _p(ks[5], (L, EMB, 2 * EMB), EMB)
    inp["b1"] = jnp.zeros((L, 2 * EMB), jnp.float32)
    inp["g1"] = jnp.ones((L, 2 * EMB), jnp.float32)
    inp["be1"] = jnp.zeros((L, 2 * EMB), jnp.float32)
    inp["W2"] = _p(ks[6], (L, 2 * EMB, EMB), 2 * EMB)
    inp["b2"] = jnp.zeros((L, EMB), jnp.float32)
    inp["gbn"] = jnp.ones((L, EMB), jnp.float32)
    inp["bbn"] = jnp.zeros((L, EMB), jnp.float32)
    inp["Wp1"] = _p(ks[7], (EMB + FEAT, HID), EMB + FEAT)
    inp["bp1"] = jnp.zeros((HID,), jnp.float32)
    inp["Wp2"] = _p(ks[8], (HID, 2), HID)
    inp["bp2"] = jnp.zeros((2,), jnp.float32)
    return inp


def _batchnorm(h, gamma, beta):
    m = jnp.mean(h, axis=0, keepdims=True)
    v = jnp.var(h, axis=0, keepdims=True)
    return gamma * (h - m) / jnp.sqrt(v + 1e-5) + beta


def _forward(text_emb, demand_kg_emb, x, W_fc, eps, W1, b1, g1, be1, W2, b2, gbn, bbn, Wp1, bp1, Wp2, bp2, edge_index):
    # AttnPooling: score = tanh(x @ query_vec); topk selection (single graph, batch all zeros)
    q = demand_kg_emb.reshape(-1)
    score = jnp.tanh(x @ q)
    top_vals, perm = jax.lax.top_k(score, K)
    xs = x[perm] * top_vals[:, None]
    # filter_adj: keep edges with both endpoints selected, relabel (fixed-shape masked form)
    node_map = jnp.full((N,), -1, dtype=jnp.int32).at[perm].set(jnp.arange(K, dtype=jnp.int32))
    row = edge_index[0]
    col = edge_index[1]
    mrow = node_map[row]
    mcol = node_map[col]
    emask = (mrow >= 0) & (mcol >= 0)
    src = jnp.where(emask, mrow, 0)
    dst = jnp.where(emask, mcol, K)
    # GNN_node: fc then L GIN layers (edge_attr=None), BatchNorm (batch stats), JK='last', dropout=0
    h = xs @ W_fc
    for l in range(L):
        msg = jax.nn.relu(h[src]) * emask[:, None].astype(h.dtype)
        agg = jnp.zeros((K + 1, EMB), h.dtype).at[dst].add(msg)[:K]
        z = (1.0 + eps[l]) * h + agg
        z = z @ W1[l] + b1[l]
        z = _batchnorm(z, g1[l], be1[l])
        z = jax.nn.relu(z)
        z = z @ W2[l] + b2[l]
        z = _batchnorm(z, gbn[l], bbn[l])
        if l < L - 1:
            z = jax.nn.relu(z)
        h = z
    # global_mean_pool over single graph
    sub_kg_emb = jnp.mean(h, axis=0, keepdims=True)
    # predictor MLP on concat(sub_kg_emb, text_emb)
    cat = jnp.concatenate([sub_kg_emb, text_emb], axis=-1)
    out = jax.nn.relu(cat @ Wp1 + bp1) @ Wp2 + bp2
    return out


def reference(text_emb, demand_kg_emb, x, edge_index, W_fc, eps, W1, b1, g1, be1, W2, b2, gbn, bbn, Wp1, bp1, Wp2, bp2):
    return _forward(text_emb, demand_kg_emb, x, W_fc, eps, W1, b1, g1, be1, W2, b2, gbn, bbn, Wp1, bp1, Wp2, bp2, edge_index)

if __name__ == "__main__":
    import jax
    _d = setup_inputs()
    print(jax.jit(kernel)(*tuple(_d.values())))

</pallas_src>

<mosaic_0001>
#map = affine_map<(d0, d1) -> (0, 0)>
#map1 = affine_map<(d0, d1) -> (0)>
module attributes {stable_mosaic.version = 14 : i64} {
  func.func @_agg_body(%arg0: i32, %arg1: i32, %arg2: memref<32x2048xi32, #tpu.memory_space<hbm>>, %arg3: memref<512xi32, #tpu.memory_space<hbm>>, %arg4: memref<81920xf32, #tpu.memory_space<hbm>>, %arg5: memref<5000x128xi32, #tpu.memory_space<hbm>>, %arg6: memref<5000x128xi32, #tpu.memory_space<hbm>>, %arg7: memref<1310720xf32, #tpu.memory_space<hbm>>, %arg8: memref<1310720xf32, #tpu.memory_space<hbm>>, %arg9: memref<4096xi32, #tpu.memory_space<vmem>>, %arg10: memref<528xi32, #tpu.memory_space<vmem>>, %arg11: memref<128xi32, #tpu.memory_space<vmem>>, %arg12: memref<128xi32, #tpu.memory_space<vmem>>, %arg13: memref<64x128xi32, #tpu.memory_space<vmem>>, %arg14: memref<64x128xi32, #tpu.memory_space<vmem>>, %arg15: memref<82176xf32, #tpu.memory_space<vmem>>, %arg16: memref<!tpu.dma_semaphore, #tpu.memory_space<semaphore_mem>>, %arg17: memref<!tpu.dma_semaphore, #tpu.memory_space<semaphore_mem>>) attributes {dimension_semantics = [#tpu.dimension_semantics<core_parallel>, #tpu.dimension_semantics<subcore_parallel>], iteration_bounds = array<i64: 2, 16>, scalar_prefetch = 0 : i64, scratch_operands = 9 : i64, tpu.core_type = #tpu.core_type<sc_vector_subcore>, window_params = [{transform_indices = #map}, {transform_indices = #map1}, {transform_indices = #map1}, {transform_indices = #map}, {transform_indices = #map}, {transform_indices = #map1}, {transform_indices = #map1}]} {
    "tpu.region"() ({
      %run_scoped3A = tpu.sem_alloc : memref<!tpu.dma_semaphore, #tpu.memory_space<semaphore_mem>>
      %dma_start3A = arith.constant 0 : i32
      %dma_start3A_20 = tpu.memref_slice %arg10[%dma_start3A] : memref<528xi32, #tpu.memory_space<vmem>> -> memref<512xi32, #tpu.memory_space<vmem>>
      %dma_start3A_21 = arith.constant 0 : i32
      %dma_start3A_22 = tpu.memref_slice %arg10[%dma_start3A_21] : memref<528xi32, #tpu.memory_space<vmem>> -> memref<512xi32, #tpu.memory_space<vmem>>
      tpu.enqueue_dma source(%arg3 : memref<512xi32, #tpu.memory_space<hbm>>) target(%dma_start3A_22 : memref<512xi32, #tpu.memory_space<vmem>>) target_semaphore(%run_scoped3A : memref<!tpu.dma_semaphore, #tpu.memory_space<semaphore_mem>>)
      %dma_wait3A = arith.constant 0 : i32
      %dma_wait3A_23 = tpu.memref_slice %arg10[%dma_wait3A] : memref<528xi32, #tpu.memory_space<vmem>> -> memref<512xi32, #tpu.memory_space<vmem>>
      %dma_wait3A_24 = arith.constant 0 : i32
      %dma_wait3A_25 = tpu.memref_slice %arg10[%dma_wait3A_24] : memref<528xi32, #tpu.memory_space<vmem>> -> memref<512xi32, #tpu.memory_space<vmem>>
      tpu.wait_dma2 semaphore(%run_scoped3A : memref<!tpu.dma_semaphore, #tpu.memory_space<semaphore_mem>>) src(%arg3 : memref<512xi32, #tpu.memory_space<hbm>>) dst(%dma_wait3A_25 : memref<512xi32, #tpu.memory_space<vmem>>)
      tpu.yield
    }) : () -> ()
    "tpu.region"() ({
      %run_scoped3A = tpu.sem_alloc : memref<!tpu.dma_semaphore, #tpu.memory_space<semaphore_mem>>
      %dma_start3A = arith.constant 0 : i32
      %dma_start3A_20 = tpu.memref_slice %arg15[%dma_start3A] : memref<82176xf32, #tpu.memory_space<vmem>> -> memref<81920xf32, #tpu.memory_space<vmem>>
      %dma_start3A_21 = arith.constant 0 : i32
      %dma_start3A_22 = tpu.memref_slice %arg15[%dma_start3A_21] : memref<82176xf32, #tpu.memory_space<vmem>> -> memref<81920xf32, #tpu.memory_space<vmem>>
      tpu.enqueue_dma source(%arg4 : memref<81920xf32, #tpu.memory_space<hbm>>) target(%dma_start3A_22 : memref<81920xf32, #tpu.memory_space<vmem>>) target_semaphore(%run_scoped3A : memref<!tpu.dma_semaphore, #tpu.memory_space<semaphore_mem>>)
      %dma_wait3A = arith.constant 0 : i32
      %dma_wait3A_23 = tpu.memref_slice %arg15[%dma_wait3A] : memref<82176xf32, #tpu.memory_space<vmem>> -> memref<81920xf32, #tpu.memory_space<vmem>>
      %dma_wait3A_24 = arith.constant 0 : i32
      %dma_wait3A_25 = tpu.memref_slice %arg15[%dma_wait3A_24] : memref<82176xf32, #tpu.memory_space<vmem>> -> memref<81920xf32, #tpu.memory_space<vmem>>
      tpu.wait_dma2 semaphore(%run_scoped3A : memref<!tpu.dma_semaphore, #tpu.memory_space<semaphore_mem>>) src(%arg4 : memref<81920xf32, #tpu.memory_space<hbm>>) dst(%dma_wait3A_25 : memref<81920xf32, #tpu.memory_space<vmem>>)
      tpu.yield
    }) : () -> ()
    %mul3A = arith.constant 2 : i32
    %mul3A_0 = arith.muli %arg1, %mul3A : i32
    "tpu.region"() ({
      %run_scoped3A = tpu.sem_alloc : memref<!tpu.dma_semaphore, #tpu.memory_space<semaphore_mem>>
      %dma_start3A = arith.constant 0 : i32
      %dma_start3A_20 = tpu.memref_slice %arg9[%dma_start3A] : memref<4096xi32, #tpu.memory_space<vmem>> -> memref<2048xi32, #tpu.memory_space<vmem>>
      %dma_start3A_21 = arith.constant 0 : i32
      %dma_start3A_22 = tpu.memref_slice %arg2[%mul3A_0, %dma_start3A_21] : memref<32x2048xi32, #tpu.memory_space<hbm>> -> memref<1x2048xi32, #tpu.memory_space<hbm>>
      %dma_start3A_23 = tpu.memref_squeeze %dma_start3A_22 : memref<1x2048xi32, #tpu.memory_space<hbm>> -> memref<2048xi32, #tpu.memory_space<hbm>>
      %dma_start3A_24 = arith.constant 0 : i32
      %dma_start3A_25 = tpu.memref_slice %arg9[%dma_start3A_24] : memref<4096xi32, #tpu.memory_space<vmem>> -> memref<2048xi32, #tpu.memory_space<vmem>>
      %dma_start3A_26 = arith.constant 0 : i32
      %dma_start3A_27 = tpu.memref_slice %arg2[%mul3A_0, %dma_start3A_26] : memref<32x2048xi32, #tpu.memory_space<hbm>> -> memref<1x2048xi32, #tpu.memory_space<hbm>>
      %dma_start3A_28 = tpu.memref_squeeze %dma_start3A_27 : memref<1x2048xi32, #tpu.memory_space<hbm>> -> memref<2048xi32, #tpu.memory_space<hbm>>
      tpu.enqueue_dma source(%dma_start3A_28 : memref<2048xi32, #tpu.memory_space<hbm>>) target(%dma_start3A_25 : memref<2048xi32, #tpu.memory_space<vmem>>) target_semaphore(%run_scoped3A : memref<!tpu.dma_semaphore, #tpu.memory_space<semaphore_mem>>)
      %dma_wait3A = arith.constant 0 : i32
      %dma_wait3A_29 = tpu.memref_slice %arg9[%dma_wait3A] : memref<4096xi32, #tpu.memory_space<vmem>> -> memref<2048xi32, #tpu.memory_space<vmem>>
      %dma_wait3A_30 = arith.constant 0 : i32
      %dma_wait3A_31 = tpu.memref_slice %arg2[%mul3A_0, %dma_wait3A_30] : memref<32x2048xi32, #tpu.memory_space<hbm>> -> memref<1x2048xi32, #tpu.memory_space<hbm>>
      %dma_wait3A_32 = tpu.memref_squeeze %dma_wait3A_31 : memref<1x2048xi32, #tpu.memory_space<hbm>> -> memref<2048xi32, #tpu.memory_space<hbm>>
      %dma_wait3A_33 = arith.constant 0 : i32
      %dma_wait3A_34 = tpu.memref_slice %arg9[%dma_wait3A_33] : memref<4096xi32, #tpu.memory_space<vmem>> -> memref<2048xi32, #tpu.memory_space<vmem>>
      %dma_wait3A_35 = arith.constant 0 : i32
      %dma_wait3A_36 = tpu.memref_slice %arg2[%mul3A_0, %dma_wait3A_35] : memref<32x2048xi32, #tpu.memory_space<hbm>> -> memref<1x2048xi32, #tpu.memory_space<hbm>>
      %dma_wait3A_37 = tpu.memref_squeeze %dma_wait3A_36 : memref<1x2048xi32, #tpu.memory_space<hbm>> -> memref<2048xi32, #tpu.memory_space<hbm>>
      tpu.wait_dma2 semaphore(%run_scoped3A : memref<!tpu.dma_semaphore, #tpu.memory_space<semaphore_mem>>) src(%dma_wait3A_37 : memref<2048xi32, #tpu.memory_space<hbm>>) dst(%dma_wait3A_34 : memref<2048xi32, #tpu.memory_space<vmem>>)
      tpu.yield
    }) : () -> ()
    %mul3A_1 = arith.constant 2 : i32
    %mul3A_2 = arith.muli %arg1, %mul3A_1 : i32
    %add3A = arith.constant 1 : i32
    %add3A_3 = arith.addi %mul3A_2, %add3A : i32
    "tpu.region"() ({
      %run_scoped3A = tpu.sem_alloc : memref<!tpu.dma_semaphore, #tpu.memory_space<semaphore_mem>>
      %dma_start3A = arith.constant 2048 : i32
      %dma_start3A_20 = tpu.memref_slice %arg9[%dma_start3A] : memref<4096xi32, #tpu.memory_space<vmem>> -> memref<2048xi32, #tpu.memory_space<vmem>>
      %dma_start3A_21 = arith.constant 0 : i32
      %dma_start3A_22 = tpu.memref_slice %arg2[%add3A_3, %dma_start3A_21] : memref<32x2048xi32, #tpu.memory_space<hbm>> -> memref<1x2048xi32, #tpu.memory_space<hbm>>
      %dma_start3A_23 = tpu.memref_squeeze %dma_start3A_22 : memref<1x2048xi32, #tpu.memory_space<hbm>> -> memref<2048xi32, #tpu.memory_space<hbm>>
      %dma_start3A_24 = arith.constant 2048 : i32
      %dma_start3A_25 = tpu.memref_slice %arg9[%dma_start3A_24] : memref<4096xi32, #tpu.memory_space<vmem>> -> memref<2048xi32, #tpu.memory_space<vmem>>
      %dma_start3A_26 = arith.constant 0 : i32
      %dma_start3A_27 = tpu.memref_slice %arg2[%add3A_3, %dma_start3A_26] : memref<32x2048xi32, #tpu.memory_space<hbm>> -> memref<1x2048xi32, #tpu.memory_space<hbm>>
      %dma_start3A_28 = tpu.memref_squeeze %dma_start3A_27 : memref<1x2048xi32, #tpu.memory_space<hbm>> -> memref<2048xi32, #tpu.memory_space<hbm>>
      tpu.enqueue_dma source(%dma_start3A_28 : memref<2048xi32, #tpu.memory_space<hbm>>) target(%dma_start3A_25 : memref<2048xi32, #tpu.memory_space<vmem>>) target_semaphore(%run_scoped3A : memref<!tpu.dma_semaphore, #tpu.memory_space<semaphore_mem>>)
      %dma_wait3A = arith.constant 2048 : i32
      %dma_wait3A_29 = tpu.memref_slice %arg9[%dma_wait3A] : memref<4096xi32, #tpu.memory_space<vmem>> -> memref<2048xi32, #tpu.memory_space<vmem>>
      %dma_wait3A_30 = arith.constant 0 : i32
      %dma_wait3A_31 = tpu.memref_slice %arg2[%add3A_3, %dma_wait3A_30] : memref<32x2048xi32, #tpu.memory_space<hbm>> -> memref<1x2048xi32, #tpu.memory_space<hbm>>
      %dma_wait3A_32 = tpu.memref_squeeze %dma_wait3A_31 : memref<1x2048xi32, #tpu.memory_space<hbm>> -> memref<2048xi32, #tpu.memory_space<hbm>>
      %dma_wait3A_33 = arith.constant 2048 : i32
      %dma_wait3A_34 = tpu.memref_slice %arg9[%dma_wait3A_33] : memref<4096xi32, #tpu.memory_space<vmem>> -> memref<2048xi32, #tpu.memory_space<vmem>>
      %dma_wait3A_35 = arith.constant 0 : i32
      %dma_wait3A_36 = tpu.memref_slice %arg2[%add3A_3, %dma_wait3A_35] : memref<32x2048xi32, #tpu.memory_space<hbm>> -> memref<1x2048xi32, #tpu.memory_space<hbm>>
      %dma_wait3A_37 = tpu.memref_squeeze %dma_wait3A_36 : memref<1x2048xi32, #tpu.memory_space<hbm>> -> memref<2048xi32, #tpu.memory_space<hbm>>
      tpu.wait_dma2 semaphore(%run_scoped3A : memref<!tpu.dma_semaphore, #tpu.memory_space<semaphore_mem>>) src(%dma_wait3A_37 : memref<2048xi32, #tpu.memory_space<hbm>>) dst(%dma_wait3A_34 : memref<2048xi32, #tpu.memory_space<vmem>>)
      tpu.yield
    }) : () -> ()
    %scan3A = arith.constant 0 : i32
    %scan3A_4 = arith.constant 0 : i32
    %scan3A_5 = arith.constant 2 : i32
    %scan3A_6 = arith.addi %scan3A_4, %scan3A_5 : i32
    %scan3A_7 = arith.constant 1 : i32
    scf.for %scan3A_20 = %scan3A_4 to %scan3A_6 step %scan3A_7  : i32 {
      %mul3A_21 = arith.constant 2048 : i32
      %mul3A_22 = arith.muli %scan3A_20, %mul3A_21 : i32
      %mul3A_23 = arith.constant 32 : i32
      %mul3A_24 = arith.muli %arg1, %mul3A_23 : i32
      %mul3A_25 = arith.constant 16 : i32
      %mul3A_26 = arith.muli %scan3A_20, %mul3A_25 : i32
      %add3A_27 = arith.addi %mul3A_24, %mul3A_26 : i32
      %get3A = arith.index_cast %add3A_27 : i32 to index
      %get3A_28 = tpu.vector_load %arg10[%get3A] {strides = array<i32>} : memref<528xi32, #tpu.memory_space<vmem>>, vector<16xi32>,
      %slice3A = vector.extract_strided_slice %get3A_28 {offsets = [0], sizes = [1], strides = [1]} : vector<16xi32> to vector<1xi32>
      %squeeze3A = vector.extract %slice3A[0] : i32 from vector<1xi32>
      %add3A_29 = arith.constant 63 : i32
      %add3A_30 = arith.addi %squeeze3A, %add3A_29 : i32
      %div3A = arith.constant 64 : i32
      %div3A_31 = arith.divsi %add3A_30, %div3A : i32
      %gt3A = arith.constant 0 : i32
      %gt3A_32 = arith.cmpi sgt, %div3A_31, %gt3A : i32
      %convert_element_type3A_33 = arith.extui %gt3A_32 : i1 to i32
      %cond3A_34 = arith.constant 0 : i32
      %cond3A_35 = arith.cmpi ne, %convert_element_type3A_33, %cond3A_34 : i32
      scf.if %cond3A_35 {
        %scan3A_36 = arith.constant 0 : i32
        %scan3A_37 = arith.constant 0 : i32
        %scan3A_38 = arith.constant 4 : i32
        %scan3A_39 = arith.addi %scan3A_37, %scan3A_38 : i32
        %scan3A_40 = arith.constant 1 : i32
        scf.for %scan3A_61 = %scan3A_37 to %scan3A_39 step %scan3A_40  : i32 {
          %mul3A_62 = arith.constant 16 : i32
          %mul3A_63 = arith.muli %scan3A_61, %mul3A_62 : i32
          %add3A_64 = arith.addi %mul3A_22, %mul3A_63 : i32
          %get3A_65 = arith.index_cast %add3A_64 : i32 to index
          %get3A_66 = tpu.vector_load %arg9[%get3A_65] {strides = array<i32>} : memref<4096xi32, #tpu.memory_space<vmem>>, vector<16xi32>,
          %and3A = arith.constant 8191 : i32
          %and3A_67 = vector.broadcast %and3A : i32 to vector<16xi32>
          %and3A_68 = arith.andi %get3A_66, %and3A_67 : vector<16xi32>
          %mul3A_69 = arith.constant 16 : i32
          %mul3A_70 = arith.muli %scan3A_61, %mul3A_69 : i32
          %add3A_71 = arith.constant 0 : i32
          %add3A_72 = arith.addi %add3A_71, %mul3A_70 : i32
          %swap3A = arith.index_cast %add3A_72 : i32 to index
          %swap3A_73 = tpu.vector_load %arg11[%swap3A] {strides = array<i32>} : memref<128xi32, #tpu.memory_space<vmem>>, vector<16xi32>,
          tpu.vector_store %arg11[%swap3A], %and3A_68 {strides = array<i32>} : memref<128xi32, #tpu.memory_space<vmem>>, vector<16xi32>,
          %shift_right_arithmetic3A = arith.constant 13 : i32
          %shift_right_arithmetic3A_74 = vector.broadcast %shift_right_arithmetic3A : i32 to vector<16xi32>
          %shift_right_arithmetic3A_75 = arith.shrsi %get3A_66, %shift_right_arithmetic3A_74 : vector<16xi32>
          %mul3A_76 = arith.constant 320 : i32
          %mul3A_77 = arith.muli %arg1, %mul3A_76 : i32
          %sub3A = vector.broadcast %mul3A_77 : i32 to vector<16xi32>
          %sub3A_78 = arith.subi %shift_right_arithmetic3A_75, %sub3A : vector<16xi32>
          %mul3A_79 = arith.constant 256 : i32
          %mul3A_80 = vector.broadcast %mul3A_79 : i32 to vector<16xi32>
          %mul3A_81 = arith.muli %sub3A_78, %mul3A_80 : vector<16xi32>
          %mul3A_82 = arith.constant 16 : i32
          %mul3A_83 = arith.muli %scan3A_61, %mul3A_82 : i32
          %add3A_84 = arith.constant 0 : i32
          %add3A_85 = arith.addi %add3A_84, %mul3A_83 : i32
          %swap3A_86 = arith.index_cast %add3A_85 : i32 to index
          %swap3A_87 = tpu.vector_load %arg12[%swap3A_86] {strides = array<i32>} : memref<128xi32, #tpu.memory_space<vmem>>, vector<16xi32>,
          tpu.vector_store %arg12[%swap3A_86], %mul3A_81 {strides = array<i32>} : memref<128xi32, #tpu.memory_space<vmem>>, vector<16xi32>,
        }
        %scan3A_41 = arith.constant 4 : i32
        %eq3A_42 = arith.constant 0 : i32
        %eq3A_43 = arith.cmpi eq, %arg0, %eq3A_42 : i32
        %convert_element_type3A_44 = arith.extui %eq3A_43 : i1 to i32
        %cond3A_45 = arith.constant 0 : i32
        %cond3A_46 = arith.cmpi ne, %convert_element_type3A_44, %cond3A_45 : i32
        scf.if %cond3A_46 {
          %dma_start3A = arith.constant 0 : i32
          %dma_start3A_61 = tpu.memref_slice %arg11[%dma_start3A] : memref<128xi32, #tpu.memory_space<vmem>> -> memref<64xi32, #tpu.memory_space<vmem>>
          %dma_start3A_62 = arith.constant 0 : i32
          %dma_start3A_63 = arith.constant 0 : i32
          %dma_start3A_64 = tpu.memref_slice %arg5[%dma_start3A_62, %dma_start3A_63] : memref<5000x128xi32, #tpu.memory_space<hbm>> -> memref<5000x128xi32, #tpu.memory_space<hbm>>
          tpu.enqueue_indirect_dma source(%dma_start3A_64 : memref<5000x128xi32, #tpu.memory_space<hbm>>) target(%arg13 : memref<64x128xi32, #tpu.memory_space<vmem>>) offsets(%dma_start3A_61 : memref<64xi32, #tpu.memory_space<vmem>>) semaphore(%arg16 : memref<!tpu.dma_semaphore, #tpu.memory_space<semaphore_mem>>)
        } else {
        }
        %eq3A_47 = arith.constant 1 : i32
        %eq3A_48 = arith.cmpi eq, %arg0, %eq3A_47 : i32
        %convert_element_type3A_49 = arith.extui %eq3A_48 : i1 to i32
        %cond3A_50 = arith.constant 0 : i32
        %cond3A_51 = arith.cmpi ne, %convert_element_type3A_49, %cond3A_50 : i32
        scf.if %cond3A_51 {
          %dma_start3A = arith.constant 0 : i32
          %dma_start3A_61 = tpu.memref_slice %arg11[%dma_start3A] : memref<128xi32, #tpu.memory_space<vmem>> -> memref<64xi32, #tpu.memory_space<vmem>>
          %dma_start3A_62 = arith.constant 0 : i32
          %dma_start3A_63 = arith.constant 0 : i32
          %dma_start3A_64 = tpu.memref_slice %arg6[%dma_start3A_62, %dma_start3A_63] : memref<5000x128xi32, #tpu.memory_space<hbm>> -> memref<5000x128xi32, #tpu.memory_space<hbm>>
          tpu.enqueue_indirect_dma source(%dma_start3A_64 : memref<5000x128xi32, #tpu.memory_space<hbm>>) target(%arg13 : memref<64x128xi32, #tpu.memory_space<vmem>>) offsets(%dma_start3A_61 : memref<64xi32, #tpu.memory_space<vmem>>) semaphore(%arg16 : memref<!tpu.dma_semaphore, #tpu.memory_space<semaphore_mem>>)
        } else {
        }
        %while3A = arith.constant 0 : i32
        %while3A_52 = arith.constant 0 : i32
        %while3A_53 = arith.subi %div3A_31, %while3A_52 : i32
        %while3A_54 = arith.addi %while3A_52, %while3A_53 : i32
        %while3A_55 = arith.constant 1 : i32
        %while3A_56 = arith.divsi %while3A_53, %while3A_55 : i32
        %while3A_57 = arith.muli %while3A_56, %while3A_55 : i32
        %while3A_58 = arith.addi %while3A_52, %while3A_57 : i32
        %while3A_59 = arith.constant 1 : i32
        scf.for %while3A_61 = %while3A_52 to %while3A_58 step %while3A_59  : i32 {
          %and3A = arith.constant 1 : i32
          %and3A_62 = arith.andi %while3A_61, %and3A : i32
          %eq3A_63 = arith.constant 0 : i32
          %eq3A_64 = arith.cmpi eq, %and3A_62, %eq3A_63 : i32
          %convert_element_type3A_65 = arith.extui %eq3A_64 : i1 to i32
          %cond3A_66 = arith.constant 0 : i32
          %cond3A_67 = arith.cmpi ne, %convert_element_type3A_65, %cond3A_66 : i32
          scf.if %cond3A_67 {
            %add3A_75 = arith.constant 1 : i32
            %add3A_76 = arith.addi %while3A_61, %add3A_75 : i32
            %lt3A = arith.cmpi slt, %add3A_76, %div3A_31 : i32
            %convert_element_type3A_77 = arith.extui %lt3A : i1 to i32
            %cond3A_78 = arith.constant 0 : i32
            %cond3A_79 = arith.cmpi ne, %convert_element_type3A_77, %cond3A_78 : i32
            scf.if %cond3A_79 {
              %add3A_84 = arith.constant 1 : i32
              %add3A_85 = arith.addi %while3A_61, %add3A_84 : i32
              %mul3A_86 = arith.constant 64 : i32
              %mul3A_87 = arith.muli %add3A_85, %mul3A_86 : i32
              %add3A_88 = arith.addi %mul3A_22, %mul3A_87 : i32
              %scan3A_89 = arith.constant 0 : i32
              %scan3A_90 = arith.constant 0 : i32
              %scan3A_91 = arith.constant 4 : i32
              %scan3A_92 = arith.addi %scan3A_90, %scan3A_91 : i32
              %scan3A_93 = arith.constant 1 : i32
              scf.for %scan3A_105 = %scan3A_90 to %scan3A_92 step %scan3A_93  : i32 {
                %mul3A_106 = arith.constant 16 : i32
                %mul3A_107 = arith.muli %scan3A_105, %mul3A_106 : i32
                %add3A_108 = arith.addi %add3A_88, %mul3A_107 : i32
                %get3A_109 = arith.index_cast %add3A_108 : i32 to index
                %get3A_110 = tpu.vector_load %arg9[%get3A_109] {strides = array<i32>} : memref<4096xi32, #tpu.memory_space<vmem>>, vector<16xi32>,
                %and3A_111 = arith.constant 8191 : i32
                %and3A_112 = vector.broadcast %and3A_111 : i32 to vector<16xi32>
                %and3A_113 = arith.andi %get3A_110, %and3A_112 : vector<16xi32>
                %mul3A_114 = arith.constant 16 : i32
                %mul3A_115 = arith.muli %scan3A_105, %mul3A_114 : i32
                %add3A_116 = arith.constant 64 : i32
                %add3A_117 = arith.addi %add3A_116, %mul3A_115 : i32
                %swap3A = arith.index_cast %add3A_117 : i32 to index
                %swap3A_118 = tpu.vector_load %arg11[%swap3A] {strides = array<i32>} : memref<128xi32, #tpu.memory_space<vmem>>, vector<16xi32>,
                tpu.vector_store %arg11[%swap3A], %and3A_113 {strides = array<i32>} : memref<128xi32, #tpu.memory_space<vmem>>, vector<16xi32>,
                %shift_right_arithmetic3A = arith.constant 13 : i32
                %shift_right_arithmetic3A_119 = vector.broadcast %shift_right_arithmetic3A : i32 to vector<16xi32>
                %shift_right_arithmetic3A_120 = arith.shrsi %get3A_110, %shift_right_arithmetic3A_119 : vector<16xi32>
                %mul3A_121 = arith.constant 320 : i32
                %mul3A_122 = arith.muli %arg1, %mul3A_121 : i32
                %sub3A = vector.broadcast %mul3A_122 : i32 to vector<16xi32>
                %sub3A_123 = arith.subi %shift_right_arithmetic3A_120, %sub3A : vector<16xi32>
                %mul3A_124 = arith.constant 256 : i32
                %mul3A_125 = vector.broadcast %mul3A_124 : i32 to vector<16xi32>
                %mul3A_126 = arith.muli %sub3A_123, %mul3A_125 : vector<16xi32>
                %mul3A_127 = arith.constant 16 : i32
                %mul3A_128 = arith.muli %scan3A_105, %mul3A_127 : i32
                %add3A_129 = arith.constant 64 : i32
                %add3A_130 = arith.addi %add3A_129, %mul3A_128 : i32
                %swap3A_131 = arith.index_cast %add3A_130 : i32 to index
                %swap3A_132 = tpu.vector_load %arg12[%swap3A_131] {strides = array<i32>} : memref<128xi32, #tpu.memory_space<vmem>>, vector<16xi32>,
                tpu.vector_store %arg12[%swap3A_131], %mul3A_126 {strides = array<i32>} : memref<128xi32, #tpu.memory_space<vmem>>, vector<16xi32>,
              }
              %scan3A_94 = arith.constant 4 : i32
              %eq3A_95 = arith.constant 0 : i32
              %eq3A_96 = arith.cmpi eq, %arg0, %eq3A_95 : i32
              %convert_element_type3A_97 = arith.extui %eq3A_96 : i1 to i32
              %cond3A_98 = arith.constant 0 : i32
              %cond3A_99 = arith.cmpi ne, %convert_element_type3A_97, %cond3A_98 : i32
              scf.if %cond3A_99 {
                %dma_start3A = arith.constant 64 : i32
                %dma_start3A_105 = tpu.memref_slice %arg11[%dma_start3A] : memref<128xi32, #tpu.memory_space<vmem>> -> memref<64xi32, #tpu.memory_space<vmem>>
                %dma_start3A_106 = arith.constant 0 : i32
                %dma_start3A_107 = arith.constant 0 : i32
                %dma_start3A_108 = tpu.memref_slice %arg5[%dma_start3A_106, %dma_start3A_107] : memref<5000x128xi32, #tpu.memory_space<hbm>> -> memref<5000x128xi32, #tpu.memory_space<hbm>>
                tpu.enqueue_indirect_dma source(%dma_start3A_108 : memref<5000x128xi32, #tpu.memory_space<hbm>>) target(%arg14 : memref<64x128xi32, #tpu.memory_space<vmem>>) offsets(%dma_start3A_105 : memref<64xi32, #tpu.memory_space<vmem>>) semaphore(%arg17 : memref<!tpu.dma_semaphore, #tpu.memory_space<semaphore_mem>>)
              } else {
              }
              %eq3A_100 = arith.constant 1 : i32
              %eq3A_101 = arith.cmpi eq, %arg0, %eq3A_100 : i32
              %convert_element_type3A_102 = arith.extui %eq3A_101 : i1 to i32
              %cond3A_103 = arith.constant 0 : i32
              %cond3A_104 = arith.cmpi ne, %convert_element_type3A_102, %cond3A_103 : i32
              scf.if %cond3A_104 {
                %dma_start3A = arith.constant 64 : i32
                %dma_start3A_105 = tpu.memref_slice %arg11[%dma_start3A] : memref<128xi32, #tpu.memory_space<vmem>> -> memref<64xi32, #tpu.memory_space<vmem>>
                %dma_start3A_106 = arith.constant 0 : i32
                %dma_start3A_107 = arith.constant 0 : i32
                %dma_start3A_108 = tpu.memref_slice %arg6[%dma_start3A_106, %dma_start3A_107] : memref<5000x128xi32, #tpu.memory_space<hbm>> -> memref<5000x128xi32, #tpu.memory_space<hbm>>
                tpu.enqueue_indirect_dma source(%dma_start3A_108 : memref<5000x128xi32, #tpu.memory_space<hbm>>) target(%arg14 : memref<64x128xi32, #tpu.memory_space<vmem>>) offsets(%dma_start3A_105 : memref<64xi32, #tpu.memory_space<vmem>>) semaphore(%arg17 : memref<!tpu.dma_semaphore, #tpu.memory_space<semaphore_mem>>)
              } else {
              }
            } else {
            }
            %dma_wait3A = arith.constant 0 : i32
            %dma_wait3A_80 = tpu.memref_slice %arg11[%dma_wait3A] : memref<128xi32, #tpu.memory_space<vmem>> -> memref<64xi32, #tpu.memory_space<vmem>>
            %dma_wait3A_81 = arith.constant 0 : i32
            %dma_wait3A_82 = arith.constant 0 : i32
            %dma_wait3A_83 = tpu.memref_slice %arg5[%dma_wait3A_81, %dma_wait3A_82] : memref<5000x128xi32, #tpu.memory_space<hbm>> -> memref<5000x128xi32, #tpu.memory_space<hbm>>
            tpu.wait_indirect_dma semaphore(%arg16 : memref<!tpu.dma_semaphore, #tpu.memory_space<semaphore_mem>>) src(%dma_wait3A_83 : memref<5000x128xi32, #tpu.memory_space<hbm>>) dst(%arg13 : memref<64x128xi32, #tpu.memory_space<vmem>>)
          } else {
          }
          %and3A_68 = arith.constant 1 : i32
          %and3A_69 = arith.andi %while3A_61, %and3A_68 : i32
          %eq3A_70 = arith.constant 1 : i32
          %eq3A_71 = arith.cmpi eq, %and3A_69, %eq3A_70 : i32
          %convert_element_type3A_72 = arith.extui %eq3A_71 : i1 to i32
          %cond3A_73 = arith.constant 0 : i32
          %cond3A_74 = arith.cmpi ne, %convert_element_type3A_72, %cond3A_73 : i32
          scf.if %cond3A_74 {
            %add3A_75 = arith.constant 1 : i32
            %add3A_76 = arith.addi %while3A_61, %add3A_75 : i32
            %lt3A = arith.cmpi slt, %add3A_76, %div3A_31 : i32
            %convert_element_type3A_77 = arith.extui %lt3A : i1 to i32
            %cond3A_78 = arith.constant 0 : i32
            %cond3A_79 = arith.cmpi ne, %convert_element_type3A_77, %cond3A_78 : i32
            scf.if %cond3A_79 {
              %add3A_84 = arith.constant 1 : i32
              %add3A_85 = arith.addi %while3A_61, %add3A_84 : i32
              %mul3A_86 = arith.constant 64 : i32
              %mul3A_87 = arith.muli %add3A_85, %mul3A_86 : i32
              %add3A_88 = arith.addi %mul3A_22, %mul3A_87 : i32
              %scan3A_89 = arith.constant 0 : i32
              %scan3A_90 = arith.constant 0 : i32
              %scan3A_91 = arith.constant 4 : i32
              %scan3A_92 = arith.addi %scan3A_90, %scan3A_91 : i32
              %scan3A_93 = arith.constant 1 : i32
              scf.for %scan3A_105 = %scan3A_90 to %scan3A_92 step %scan3A_93  : i32 {
                %mul3A_106 = arith.constant 16 : i32
                %mul3A_107 = arith.muli %scan3A_105, %mul3A_106 : i32
                %add3A_108 = arith.addi %add3A_88, %mul3A_107 : i32
                %get3A_109 = arith.index_cast %add3A_108 : i32 to index
                %get3A_110 = tpu.vector_load %arg9[%get3A_109] {strides = array<i32>} : memref<4096xi32, #tpu.memory_space<vmem>>, vector<16xi32>,
                %and3A_111 = arith.constant 8191 : i32
                %and3A_112 = vector.broadcast %and3A_111 : i32 to vector<16xi32>
                %and3A_113 = arith.andi %get3A_110, %and3A_112 : vector<16xi32>
                %mul3A_114 = arith.constant 16 : i32
                %mul3A_115 = arith.muli %scan3A_105, %mul3A_114 : i32
                %add3A_116 = arith.constant 0 : i32
                %add3A_117 = arith.addi %add3A_116, %mul3A_115 : i32
                %swap3A = arith.index_cast %add3A_117 : i32 to index
                %swap3A_118 = tpu.vector_load %arg11[%swap3A] {strides = array<i32>} : memref<128xi32, #tpu.memory_space<vmem>>, vector<16xi32>,
                tpu.vector_store %arg11[%swap3A], %and3A_113 {strides = array<i32>} : memref<128xi32, #tpu.memory_space<vmem>>, vector<16xi32>,
                %shift_right_arithmetic3A = arith.constant 13 : i32
                %shift_right_arithmetic3A_119 = vector.broadcast %shift_right_arithmetic3A : i32 to vector<16xi32>
                %shift_right_arithmetic3A_120 = arith.shrsi %get3A_110, %shift_right_arithmetic3A_119 : vector<16xi32>
                %mul3A_121 = arith.constant 320 : i32
                %mul3A_122 = arith.muli %arg1, %mul3A_121 : i32
                %sub3A = vector.broadcast %mul3A_122 : i32 to vector<16xi32>
                %sub3A_123 = arith.subi %shift_right_arithmetic3A_120, %sub3A : vector<16xi32>
                %mul3A_124 = arith.constant 256 : i32
                %mul3A_125 = vector.broadcast %mul3A_124 : i32 to vector<16xi32>
                %mul3A_126 = arith.muli %sub3A_123, %mul3A_125 : vector<16xi32>
                %mul3A_127 = arith.constant 16 : i32
                %mul3A_128 = arith.muli %scan3A_105, %mul3A_127 : i32
                %add3A_129 = arith.constant 0 : i32
                %add3A_130 = arith.addi %add3A_129, %mul3A_128 : i32
                %swap3A_131 = arith.index_cast %add3A_130 : i32 to index
                %swap3A_132 = tpu.vector_load %arg12[%swap3A_131] {strides = array<i32>} : memref<128xi32, #tpu.memory_space<vmem>>, vector<16xi32>,
                tpu.vector_store %arg12[%swap3A_131], %mul3A_126 {strides = array<i32>} : memref<128xi32, #tpu.memory_space<vmem>>, vector<16xi32>,
              }
              %scan3A_94 = arith.constant 4 : i32
              %eq3A_95 = arith.constant 0 : i32
              %eq3A_96 = arith.cmpi eq, %arg0, %eq3A_95 : i32
              %convert_element_type3A_97 = arith.extui %eq3A_96 : i1 to i32
              %cond3A_98 = arith.constant 0 : i32
              %cond3A_99 = arith.cmpi ne, %convert_element_type3A_97, %cond3A_98 : i32
              scf.if %cond3A_99 {
                %dma_start3A = arith.constant 0 : i32
                %dma_start3A_105 = tpu.memref_slice %arg11[%dma_start3A] : memref<128xi32, #tpu.memory_space<vmem>> -> memref<64xi32, #tpu.memory_space<vmem>>
                %dma_start3A_106 = arith.constant 0 : i32
                %dma_start3A_107 = arith.constant 0 : i32
                %dma_start3A_108 = tpu.memref_slice %arg5[%dma_start3A_106, %dma_start3A_107] : memref<5000x128xi32, #tpu.memory_space<hbm>> -> memref<5000x128xi32, #tpu.memory_space<hbm>>
                tpu.enqueue_indirect_dma source(%dma_start3A_108 : memref<5000x128xi32, #tpu.memory_space<hbm>>) target(%arg13 : memref<64x128xi32, #tpu.memory_space<vmem>>) offsets(%dma_start3A_105 : memref<64xi32, #tpu.memory_space<vmem>>) semaphore(%arg16 : memref<!tpu.dma_semaphore, #tpu.memory_space<semaphore_mem>>)
              } else {
              }
              %eq3A_100 = arith.constant 1 : i32
              %eq3A_101 = arith.cmpi eq, %arg0, %eq3A_100 : i32
              %convert_element_type3A_102 = arith.extui %eq3A_101 : i1 to i32
              %cond3A_103 = arith.constant 0 : i32
              %cond3A_104 = arith.cmpi ne, %convert_element_type3A_102, %cond3A_103 : i32
              scf.if %cond3A_104 {
                %dma_start3A = arith.constant 0 : i32
                %dma_start3A_105 = tpu.memref_slice %arg11[%dma_start3A] : memref<128xi32, #tpu.memory_space<vmem>> -> memref<64xi32, #tpu.memory_space<vmem>>
                %dma_start3A_106 = arith.constant 0 : i32
                %dma_start3A_107 = arith.constant 0 : i32
                %dma_start3A_108 = tpu.memref_slice %arg6[%dma_start3A_106, %dma_start3A_107] : memref<5000x128xi32, #tpu.memory_space<hbm>> -> memref<5000x128xi32, #tpu.memory_space<hbm>>
                tpu.enqueue_indirect_dma source(%dma_start3A_108 : memref<5000x128xi32, #tpu.memory_space<hbm>>) target(%arg13 : memref<64x128xi32, #tpu.memory_space<vmem>>) offsets(%dma_start3A_105 : memref<64xi32, #tpu.memory_space<vmem>>) semaphore(%arg16 : memref<!tpu.dma_semaphore, #tpu.memory_space<semaphore_mem>>)
              } else {
              }
            } else {
            }
            %dma_wait3A = arith.constant 64 : i32
            %dma_wait3A_80 = tpu.memref_slice %arg11[%dma_wait3A] : memref<128xi32, #tpu.memory_space<vmem>> -> memref<64xi32, #tpu.memory_space<vmem>>
            %dma_wait3A_81 = arith.constant 0 : i32
            %dma_wait3A_82 = arith.constant 0 : i32
            %dma_wait3A_83 = tpu.memref_slice %arg5[%dma_wait3A_81, %dma_wait3A_82] : memref<5000x128xi32, #tpu.memory_space<hbm>> -> memref<5000x128xi32, #tpu.memory_space<hbm>>
            tpu.wait_indirect_dma semaphore(%arg17 : memref<!tpu.dma_semaphore, #tpu.memory_space<semaphore_mem>>) src(%dma_wait3A_83 : memref<5000x128xi32, #tpu.memory_space<hbm>>) dst(%arg14 : memref<64x128xi32, #tpu.memory_space<vmem>>)
          } else {
          }
        }
        %while3A_60 = arith.constant 1 : i32
        scf.for %while3A_61 = %while3A_58 to %while3A_54 step %while3A_60  : i32 {
          %and3A = arith.constant 1 : i32
          %and3A_62 = arith.andi %while3A_61, %and3A : i32
          %eq3A_63 = arith.constant 0 : i32
          %eq3A_64 = arith.cmpi eq, %and3A_62, %eq3A_63 : i32
          %convert_element_type3A_65 = arith.extui %eq3A_64 : i1 to i32
          %cond3A_66 = arith.constant 0 : i32
          %cond3A_67 = arith.cmpi ne, %convert_element_type3A_65, %cond3A_66 : i32
          scf.if %cond3A_67 {
            %add3A_75 = arith.constant 1 : i32
            %add3A_76 = arith.addi %while3A_61, %add3A_75 : i32
            %lt3A = arith.cmpi slt, %add3A_76, %div3A_31 : i32
            %convert_element_type3A_77 = arith.extui %lt3A : i1 to i32
            %cond3A_78 = arith.constant 0 : i32
            %cond3A_79 = arith.cmpi ne, %convert_element_type3A_77, %cond3A_78 : i32
            scf.if %cond3A_79 {
              %add3A_84 = arith.constant 1 : i32
              %add3A_85 = arith.addi %while3A_61, %add3A_84 : i32
              %mul3A_86 = arith.constant 64 : i32
              %mul3A_87 = arith.muli %add3A_85, %mul3A_86 : i32
              %add3A_88 = arith.addi %mul3A_22, %mul3A_87 : i32
              %scan3A_89 = arith.constant 0 : i32
              %scan3A_90 = arith.constant 0 : i32
              %scan3A_91 = arith.constant 4 : i32
              %scan3A_92 = arith.addi %scan3A_90, %scan3A_91 : i32
              %scan3A_93 = arith.constant 1 : i32
              scf.for %scan3A_105 = %scan3A_90 to %scan3A_92 step %scan3A_93  : i32 {
                %mul3A_106 = arith.constant 16 : i32
                %mul3A_107 = arith.muli %scan3A_105, %mul3A_106 : i32
                %add3A_108 = arith.addi %add3A_88, %mul3A_107 : i32
                %get3A_109 = arith.index_cast %add3A_108 : i32 to index
                %get3A_110 = tpu.vector_load %arg9[%get3A_109] {strides = array<i32>} : memref<4096xi32, #tpu.memory_space<vmem>>, vector<16xi32>,
                %and3A_111 = arith.constant 8191 : i32
                %and3A_112 = vector.broadcast %and3A_111 : i32 to vector<16xi32>
                %and3A_113 = arith.andi %get3A_110, %and3A_112 : vector<16xi32>
                %mul3A_114 = arith.constant 16 : i32
                %mul3A_115 = arith.muli %scan3A_105, %mul3A_114 : i32
                %add3A_116 = arith.constant 64 : i32
                %add3A_117 = arith.addi %add3A_116, %mul3A_115 : i32
                %swap3A = arith.index_cast %add3A_117 : i32 to index
                %swap3A_118 = tpu.vector_load %arg11[%swap3A] {strides = array<i32>} : memref<128xi32, #tpu.memory_space<vmem>>, vector<16xi32>,
                tpu.vector_store %arg11[%swap3A], %and3A_113 {strides = array<i32>} : memref<128xi32, #tpu.memory_space<vmem>>, vector<16xi32>,
                %shift_right_arithmetic3A = arith.constant 13 : i32
                %shift_right_arithmetic3A_119 = vector.broadcast %shift_right_arithmetic3A : i32 to vector<16xi32>
                %shift_right_arithmetic3A_120 = arith.shrsi %get3A_110, %shift_right_arithmetic3A_119 : vector<16xi32>
                %mul3A_121 = arith.constant 320 : i32
                %mul3A_122 = arith.muli %arg1, %mul3A_121 : i32
                %sub3A = vector.broadcast %mul3A_122 : i32 to vector<16xi32>
                %sub3A_123 = arith.subi %shift_right_arithmetic3A_120, %sub3A : vector<16xi32>
                %mul3A_124 = arith.constant 256 : i32
                %mul3A_125 = vector.broadcast %mul3A_124 : i32 to vector<16xi32>
                %mul3A_126 = arith.muli %sub3A_123, %mul3A_125 : vector<16xi32>
                %mul3A_127 = arith.constant 16 : i32
                %mul3A_128 = arith.muli %scan3A_105, %mul3A_127 : i32
                %add3A_129 = arith.constant 64 : i32
                %add3A_130 = arith.addi %add3A_129, %mul3A_128 : i32
                %swap3A_131 = arith.index_cast %add3A_130 : i32 to index
                %swap3A_132 = tpu.vector_load %arg12[%swap3A_131] {strides = array<i32>} : memref<128xi32, #tpu.memory_space<vmem>>, vector<16xi32>,
                tpu.vector_store %arg12[%swap3A_131], %mul3A_126 {strides = array<i32>} : memref<128xi32, #tpu.memory_space<vmem>>, vector<16xi32>,
              }
              %scan3A_94 = arith.constant 4 : i32
              %eq3A_95 = arith.constant 0 : i32
              %eq3A_96 = arith.cmpi eq, %arg0, %eq3A_95 : i32
              %convert_element_type3A_97 = arith.extui %eq3A_96 : i1 to i32
              %cond3A_98 = arith.constant 0 : i32
              %cond3A_99 = arith.cmpi ne, %convert_element_type3A_97, %cond3A_98 : i32
              scf.if %cond3A_99 {
                %dma_start3A = arith.constant 64 : i32
                %dma_start3A_105 = tpu.memref_slice %arg11[%dma_start3A] : memref<128xi32, #tpu.memory_space<vmem>> -> memref<64xi32, #tpu.memory_space<vmem>>
                %dma_start3A_106 = arith.constant 0 : i32
                %dma_start3A_107 = arith.constant 0 : i32
                %dma_start3A_108 = tpu.memref_slice %arg5[%dma_start3A_106, %dma_start3A_107] : memref<5000x128xi32, #tpu.memory_space<hbm>> -> memref<5000x128xi32, #tpu.memory_space<hbm>>
                tpu.enqueue_indirect_dma source(%dma_start3A_108 : memref<5000x128xi32, #tpu.memory_space<hbm>>) target(%arg14 : memref<64x128xi32, #tpu.memory_space<vmem>>) offsets(%dma_start3A_105 : memref<64xi32, #tpu.memory_space<vmem>>) semaphore(%arg17 : memref<!tpu.dma_semaphore, #tpu.memory_space<semaphore_mem>>)
              } else {
              }
              %eq3A_100 = arith.constant 1 : i32
              %eq3A_101 = arith.cmpi eq, %arg0, %eq3A_100 : i32
              %convert_element_type3A_102 = arith.extui %eq3A_101 : i1 to i32
              %cond3A_103 = arith.constant 0 : i32
              %cond3A_104 = arith.cmpi ne, %convert_element_type3A_102, %cond3A_103 : i32
              scf.if %cond3A_104 {
                %dma_start3A = arith.constant 64 : i32
                %dma_start3A_105 = tpu.memref_slice %arg11[%dma_start3A] : memref<128xi32, #tpu.memory_space<vmem>> -> memref<64xi32, #tpu.memory_space<vmem>>
                %dma_start3A_106 = arith.constant 0 : i32
                %dma_start3A_107 = arith.constant 0 : i32
                %dma_start3A_108 = tpu.memref_slice %arg6[%dma_start3A_106, %dma_start3A_107] : memref<5000x128xi32, #tpu.memory_space<hbm>> -> memref<5000x128xi32, #tpu.memory_space<hbm>>
                tpu.enqueue_indirect_dma source(%dma_start3A_108 : memref<5000x128xi32, #tpu.memory_space<hbm>>) target(%arg14 : memref<64x128xi32, #tpu.memory_space<vmem>>) offsets(%dma_start3A_105 : memref<64xi32, #tpu.memory_space<vmem>>) semaphore(%arg17 : memref<!tpu.dma_semaphore, #tpu.memory_space<semaphore_mem>>)
              } else {
              }
            } else {
            }
            %dma_wait3A = arith.constant 0 : i32
            %dma_wait3A_80 = tpu.memref_slice %arg11[%dma_wait3A] : memref<128xi32, #tpu.memory_space<vmem>> -> memref<64xi32, #tpu.memory_space<vmem>>
            %dma_wait3A_81 = arith.constant 0 : i32
            %dma_wait3A_82 = arith.constant 0 : i32
            %dma_wait3A_83 = tpu.memref_slice %arg5[%dma_wait3A_81, %dma_wait3A_82] : memref<5000x128xi32, #tpu.memory_space<hbm>> -> memref<5000x128xi32, #tpu.memory_space<hbm>>
            tpu.wait_indirect_dma semaphore(%arg16 : memref<!tpu.dma_semaphore, #tpu.memory_space<semaphore_mem>>) src(%dma_wait3A_83 : memref<5000x128xi32, #tpu.memory_space<hbm>>) dst(%arg13 : memref<64x128xi32, #tpu.memory_space<vmem>>)
          } else {
          }
          %and3A_68 = arith.constant 1 : i32
          %and3A_69 = arith.andi %while3A_61, %and3A_68 : i32
          %eq3A_70 = arith.constant 1 : i32
          %eq3A_71 = arith.cmpi eq, %and3A_69, %eq3A_70 : i32
          %convert_element_type3A_72 = arith.extui %eq3A_71 : i1 to i32
          %cond3A_73 = arith.constant 0 : i32
          %cond3A_74 = arith.cmpi ne, %convert_element_type3A_72, %cond3A_73 : i32
          scf.if %cond3A_74 {
            %add3A_75 = arith.constant 1 : i32
            %add3A_76 = arith.addi %while3A_61, %add3A_75 : i32
            %lt3A = arith.cmpi slt, %add3A_76, %div3A_31 : i32
            %convert_element_type3A_77 = arith.extui %lt3A : i1 to i32
            %cond3A_78 = arith.constant 0 : i32
            %cond3A_79 = arith.cmpi ne, %convert_element_type3A_77, %cond3A_78 : i32
            scf.if %cond3A_79 {
              %add3A_84 = arith.constant 1 : i32
              %add3A_85 = arith.addi %while3A_61, %add3A_84 : i32
              %mul3A_86 = arith.constant 64 : i32
              %mul3A_87 = arith.muli %add3A_85, %mul3A_86 : i32
              %add3A_88 = arith.addi %mul3A_22, %mul3A_87 : i32
              %scan3A_89 = arith.constant 0 : i32
              %scan3A_90 = arith.constant 0 : i32
              %scan3A_91 = arith.constant 4 : i32
              %scan3A_92 = arith.addi %scan3A_90, %scan3A_91 : i32
              %scan3A_93 = arith.constant 1 : i32
              scf.for %scan3A_105 = %scan3A_90 to %scan3A_92 step %scan3A_93  : i32 {
                %mul3A_106 = arith.constant 16 : i32
                %mul3A_107 = arith.muli %scan3A_105, %mul3A_106 : i32
                %add3A_108 = arith.addi %add3A_88, %mul3A_107 : i32
                %get3A_109 = arith.index_cast %add3A_108 : i32 to index
                %get3A_110 = tpu.vector_load %arg9[%get3A_109] {strides = array<i32>} : memref<4096xi32, #tpu.memory_space<vmem>>, vector<16xi32>,
                %and3A_111 = arith.constant 8191 : i32
                %and3A_112 = vector.broadcast %and3A_111 : i32 to vector<16xi32>
                %and3A_113 = arith.andi %get3A_110, %and3A_112 : vector<16xi32>
                %mul3A_114 = arith.constant 16 : i32
                %mul3A_115 = arith.muli %scan3A_105, %mul3A_114 : i32
                %add3A_116 = arith.constant 0 : i32
                %add3A_117 = arith.addi %add3A_116, %mul3A_115 : i32
                %swap3A = arith.index_cast %add3A_117 : i32 to index
                %swap3A_118 = tpu.vector_load %arg11[%swap3A] {strides = array<i32>} : memref<128xi32, #tpu.memory_space<vmem>>, vector<16xi32>,
                tpu.vector_store %arg11[%swap3A], %and3A_113 {strides = array<i32>} : memref<128xi32, #tpu.memory_space<vmem>>, vector<16xi32>,
                %shift_right_arithmetic3A = arith.constant 13 : i32
                %shift_right_arithmetic3A_119 = vector.broadcast %shift_right_arithmetic3A : i32 to vector<16xi32>
                %shift_right_arithmetic3A_120 = arith.shrsi %get3A_110, %shift_right_arithmetic3A_119 : vector<16xi32>
                %mul3A_121 = arith.constant 320 : i32
                %mul3A_122 = arith.muli %arg1, %mul3A_121 : i32
                %sub3A = vector.broadcast %mul3A_122 : i32 to vector<16xi32>
                %sub3A_123 = arith.subi %shift_right_arithmetic3A_120, %sub3A : vector<16xi32>
                %mul3A_124 = arith.constant 256 : i32
                %mul3A_125 = vector.broadcast %mul3A_124 : i32 to vector<16xi32>
                %mul3A_126 = arith.muli %sub3A_123, %mul3A_125 : vector<16xi32>
                %mul3A_127 = arith.constant 16 : i32
                %mul3A_128 = arith.muli %scan3A_105, %mul3A_127 : i32
                %add3A_129 = arith.constant 0 : i32
                %add3A_130 = arith.addi %add3A_129, %mul3A_128 : i32
                %swap3A_131 = arith.index_cast %add3A_130 : i32 to index
                %swap3A_132 = tpu.vector_load %arg12[%swap3A_131] {strides = array<i32>} : memref<128xi32, #tpu.memory_space<vmem>>, vector<16xi32>,
                tpu.vector_store %arg12[%swap3A_131], %mul3A_126 {strides = array<i32>} : memref<128xi32, #tpu.memory_space<vmem>>, vector<16xi32>,
              }
              %scan3A_94 = arith.constant 4 : i32
              %eq3A_95 = arith.constant 0 : i32
              %eq3A_96 = arith.cmpi eq, %arg0, %eq3A_95 : i32
              %convert_element_type3A_97 = arith.extui %eq3A_96 : i1 to i32
              %cond3A_98 = arith.constant 0 : i32
              %cond3A_99 = arith.cmpi ne, %convert_element_type3A_97, %cond3A_98 : i32
              scf.if %cond3A_99 {
                %dma_start3A = arith.constant 0 : i32
                %dma_start3A_105 = tpu.memref_slice %arg11[%dma_start3A] : memref<128xi32, #tpu.memory_space<vmem>> -> memref<64xi32, #tpu.memory_space<vmem>>
                %dma_start3A_106 = arith.constant 0 : i32
                %dma_start3A_107 = arith.constant 0 : i32
                %dma_start3A_108 = tpu.memref_slice %arg5[%dma_start3A_106, %dma_start3A_107] : memref<5000x128xi32, #tpu.memory_space<hbm>> -> memref<5000x128xi32, #tpu.memory_space<hbm>>
                tpu.enqueue_indirect_dma source(%dma_start3A_108 : memref<5000x128xi32, #tpu.memory_space<hbm>>) target(%arg13 : memref<64x128xi32, #tpu.memory_space<vmem>>) offsets(%dma_start3A_105 : memref<64xi32, #tpu.memory_space<vmem>>) semaphore(%arg16 : memref<!tpu.dma_semaphore, #tpu.memory_space<semaphore_mem>>)
              } else {
              }
              %eq3A_100 = arith.constant 1 : i32
              %eq3A_101 = arith.cmpi eq, %arg0, %eq3A_100 : i32
              %convert_element_type3A_102 = arith.extui %eq3A_101 : i1 to i32
              %cond3A_103 = arith.constant 0 : i32
              %cond3A_104 = arith.cmpi ne, %convert_element_type3A_102, %cond3A_103 : i32
              scf.if %cond3A_104 {
                %dma_start3A = arith.constant 0 : i32
                %dma_start3A_105 = tpu.memref_slice %arg11[%dma_start3A] : memref<128xi32, #tpu.memory_space<vmem>> -> memref<64xi32, #tpu.memory_space<vmem>>
                %dma_start3A_106 = arith.constant 0 : i32
                %dma_start3A_107 = arith.constant 0 : i32
                %dma_start3A_108 = tpu.memref_slice %arg6[%dma_start3A_106, %dma_start3A_107] : memref<5000x128xi32, #tpu.memory_space<hbm>> -> memref<5000x128xi32, #tpu.memory_space<hbm>>
                tpu.enqueue_indirect_dma source(%dma_start3A_108 : memref<5000x128xi32, #tpu.memory_space<hbm>>) target(%arg13 : memref<64x128xi32, #tpu.memory_space<vmem>>) offsets(%dma_start3A_105 : memref<64xi32, #tpu.memory_space<vmem>>) semaphore(%arg16 : memref<!tpu.dma_semaphore, #tpu.memory_space<semaphore_mem>>)
              } else {
              }
            } else {
            }
            %dma_wait3A = arith.constant 64 : i32
            %dma_wait3A_80 = tpu.memref_slice %arg11[%dma_wait3A] : memref<128xi32, #tpu.memory_space<vmem>> -> memref<64xi32, #tpu.memory_space<vmem>>
            %dma_wait3A_81 = arith.constant 0 : i32
            %dma_wait3A_82 = arith.constant 0 : i32
            %dma_wait3A_83 = tpu.memref_slice %arg5[%dma_wait3A_81, %dma_wait3A_82] : memref<5000x128xi32, #tpu.memory_space<hbm>> -> memref<5000x128xi32, #tpu.memory_space<hbm>>
            tpu.wait_indirect_dma semaphore(%arg17 : memref<!tpu.dma_semaphore, #tpu.memory_space<semaphore_mem>>) src(%dma_wait3A_83 : memref<5000x128xi32, #tpu.memory_space<hbm>>) dst(%arg14 : memref<64x128xi32, #tpu.memory_space<vmem>>)
          } else {
          }
        }
      } else {
      }
    }
    %scan3A_8 = arith.constant 2 : i32
    %mul3A_9 = arith.constant 320 : i32
    %mul3A_10 = arith.muli %arg1, %mul3A_9 : i32
    %mul3A_11 = arith.constant 256 : i32
    %mul3A_12 = arith.muli %mul3A_10, %mul3A_11 : i32
    %eq3A = arith.constant 0 : i32
    %eq3A_13 = arith.cmpi eq, %arg0, %eq3A : i32
    %convert_element_type3A = arith.extui %eq3A_13 : i1 to i32
    %cond3A = arith.constant 0 : i32
    %cond3A_14 = arith.cmpi ne, %convert_element_type3A, %cond3A : i32
    scf.if %cond3A_14 {
      "tpu.region"() ({
        %run_scoped3A = tpu.sem_alloc : memref<!tpu.dma_semaphore, #tpu.memory_space<semaphore_mem>>
        %dma_start3A = arith.constant 0 : i32
        %dma_start3A_20 = tpu.memref_slice %arg15[%dma_start3A] : memref<82176xf32, #tpu.memory_space<vmem>> -> memref<81920xf32, #tpu.memory_space<vmem>>
        %dma_start3A_21 = tpu.memref_slice %arg7[%mul3A_12] : memref<1310720xf32, #tpu.memory_space<hbm>> -> memref<81920xf32, #tpu.memory_space<hbm>>
        %dma_start3A_22 = tpu.memref_slice %arg7[%mul3A_12] : memref<1310720xf32, #tpu.memory_space<hbm>> -> memref<81920xf32, #tpu.memory_space<hbm>>
        %dma_start3A_23 = arith.constant 0 : i32
        %dma_start3A_24 = tpu.memref_slice %arg15[%dma_start3A_23] : memref<82176xf32, #tpu.memory_space<vmem>> -> memref<81920xf32, #tpu.memory_space<vmem>>
        tpu.enqueue_dma source(%dma_start3A_24 : memref<81920xf32, #tpu.memory_space<vmem>>) target(%dma_start3A_22 : memref<81920xf32, #tpu.memory_space<hbm>>) target_semaphore(%run_scoped3A : memref<!tpu.dma_semaphore, #tpu.memory_space<semaphore_mem>>)
        %dma_wait3A = arith.constant 0 : i32
        %dma_wait3A_25 = tpu.memref_slice %arg15[%dma_wait3A] : memref<82176xf32, #tpu.memory_space<vmem>> -> memref<81920xf32, #tpu.memory_space<vmem>>
        %dma_wait3A_26 = tpu.memref_slice %arg7[%mul3A_12] : memref<1310720xf32, #tpu.memory_space<hbm>> -> memref<81920xf32, #tpu.memory_space<hbm>>
        %dma_wait3A_27 = tpu.memref_slice %arg7[%mul3A_12] : memref<1310720xf32, #tpu.memory_space<hbm>> -> memref<81920xf32, #tpu.memory_space<hbm>>
        %dma_wait3A_28 = arith.constant 0 : i32
        %dma_wait3A_29 = tpu.memref_slice %arg15[%dma_wait3A_28] : memref<82176xf32, #tpu.memory_space<vmem>> -> memref<81920xf32, #tpu.memory_space<vmem>>
        tpu.wait_dma2 semaphore(%run_scoped3A : memref<!tpu.dma_semaphore, #tpu.memory_space<semaphore_mem>>) src(%dma_wait3A_29 : memref<81920xf32, #tpu.memory_space<vmem>>) dst(%dma_wait3A_27 : memref<81920xf32, #tpu.memory_space<hbm>>)
        tpu.yield
      }) : () -> ()
    } else {
    }
    %eq3A_15 = arith.constant 1 : i32
    %eq3A_16 = arith.cmpi eq, %arg0, %eq3A_15 : i32
    %convert_element_type3A_17 = arith.extui %eq3A_16 : i1 to i32
    %cond3A_18 = arith.constant 0 : i32
    %cond3A_19 = arith.cmpi ne, %convert_element_type3A_17, %cond3A_18 : i32
    scf.if %cond3A_19 {
      "tpu.region"() ({
        %run_scoped3A = tpu.sem_alloc : memref<!tpu.dma_semaphore, #tpu.memory_space<semaphore_mem>>
        %dma_start3A = arith.constant 0 : i32
        %dma_start3A_20 = tpu.memref_slice %arg15[%dma_start3A] : memref<82176xf32, #tpu.memory_space<vmem>> -> memref<81920xf32, #tpu.memory_space<vmem>>
        %dma_start3A_21 = tpu.memref_slice %arg8[%mul3A_12] : memref<1310720xf32, #tpu.memory_space<hbm>> -> memref<81920xf32, #tpu.memory_space<hbm>>
        %dma_start3A_22 = tpu.memref_slice %arg8[%mul3A_12] : memref<1310720xf32, #tpu.memory_space<hbm>> -> memref<81920xf32, #tpu.memory_space<hbm>>
        %dma_start3A_23 = arith.constant 0 : i32
        %dma_start3A_24 = tpu.memref_slice %arg15[%dma_start3A_23] : memref<82176xf32, #tpu.memory_space<vmem>> -> memref<81920xf32, #tpu.memory_space<vmem>>
        tpu.enqueue_dma source(%dma_start3A_24 : memref<81920xf32, #tpu.memory_space<vmem>>) target(%dma_start3A_22 : memref<81920xf32, #tpu.memory_space<hbm>>) target_semaphore(%run_scoped3A : memref<!tpu.dma_semaphore, #tpu.memory_space<semaphore_mem>>)
        %dma_wait3A = arith.constant 0 : i32
        %dma_wait3A_25 = tpu.memref_slice %arg15[%dma_wait3A] : memref<82176xf32, #tpu.memory_space<vmem>> -> memref<81920xf32, #tpu.memory_space<vmem>>
        %dma_wait3A_26 = tpu.memref_slice %arg8[%mul3A_12] : memref<1310720xf32, #tpu.memory_space<hbm>> -> memref<81920xf32, #tpu.memory_space<hbm>>
        %dma_wait3A_27 = tpu.memref_slice %arg8[%mul3A_12] : memref<1310720xf32, #tpu.memory_space<hbm>> -> memref<81920xf32, #tpu.memory_space<hbm>>
        %dma_wait3A_28 = arith.constant 0 : i32
        %dma_wait3A_29 = tpu.memref_slice %arg15[%dma_wait3A_28] : memref<82176xf32, #tpu.memory_space<vmem>> -> memref<81920xf32, #tpu.memory_space<vmem>>
        tpu.wait_dma2 semaphore(%run_scoped3A : memref<!tpu.dma_semaphore, #tpu.memory_space<semaphore_mem>>) src(%dma_wait3A_29 : memref<81920xf32, #tpu.memory_space<vmem>>) dst(%dma_wait3A_27 : memref<81920xf32, #tpu.memory_space<hbm>>)
        tpu.yield
      }) : () -> ()
    } else {
    }
    return
  }
}

#map = affine_map<(d0, d1) -> (0, 0, 0)>
#map1 = affine_map<(d0, d1) -> (0)>
#map2 = affine_map<(d0, d1) -> (0, 0)>
module attributes {stable_mosaic.version = 14 : i64} {
  func.func @_merge_body(%arg0: i32, %arg1: i32, %arg2: memref<32x16x256xi32, #tpu.memory_space<hbm>>, %arg3: memref<512xi32, #tpu.memory_space<hbm>>, %arg4: memref<32x2048xi32, #tpu.memory_space<hbm>>, %arg5: memref<512xi32, #tpu.memory_space<hbm>>, %arg6: memref<256xi32, #tpu.memory_space<vmem>>, %arg7: memref<528xi32, #tpu.memory_space<vmem>>, %arg8: memref<2048xi32, #tpu.memory_space<vmem>>, %arg9: memref<16xi32, #tpu.memory_space<vmem>>, %arg10: memref<!tpu.dma_semaphore, #tpu.memory_space<semaphore_mem>>) attributes {dimension_semantics = [#tpu.dimension_semantics<core_parallel>, #tpu.dimension_semantics<subcore_parallel>], iteration_bounds = array<i64: 2, 16>, scalar_prefetch = 0 : i64, scratch_operands = 5 : i64, tpu.core_type = #tpu.core_type<sc_vector_subcore>, window_params = [{transform_indices = #map}, {transform_indices = #map1}, {transform_indices = #map2}, {transform_indices = #map1}]} {
    "tpu.region"() ({
      %run_scoped3A = tpu.sem_alloc : memref<!tpu.dma_semaphore, #tpu.memory_space<semaphore_mem>>
      %dma_start3A = arith.constant 0 : i32
      %dma_start3A_42 = tpu.memref_slice %arg7[%dma_start3A] : memref<528xi32, #tpu.memory_space<vmem>> -> memref<512xi32, #tpu.memory_space<vmem>>
      %dma_start3A_43 = arith.constant 0 : i32
      %dma_start3A_44 = tpu.memref_slice %arg7[%dma_start3A_43] : memref<528xi32, #tpu.memory_space<vmem>> -> memref<512xi32, #tpu.memory_space<vmem>>
      tpu.enqueue_dma source(%arg3 : memref<512xi32, #tpu.memory_space<hbm>>) target(%dma_start3A_44 : memref<512xi32, #tpu.memory_space<vmem>>) target_semaphore(%run_scoped3A : memref<!tpu.dma_semaphore, #tpu.memory_space<semaphore_mem>>)
      %dma_wait3A = arith.constant 0 : i32
      %dma_wait3A_45 = tpu.memref_slice %arg7[%dma_wait3A] : memref<528xi32, #tpu.memory_space<vmem>> -> memref<512xi32, #tpu.memory_space<vmem>>
      %dma_wait3A_46 = arith.constant 0 : i32
      %dma_wait3A_47 = tpu.memref_slice %arg7[%dma_wait3A_46] : memref<528xi32, #tpu.memory_space<vmem>> -> memref<512xi32, #tpu.memory_space<vmem>>
      tpu.wait_dma2 semaphore(%run_scoped3A : memref<!tpu.dma_semaphore, #tpu.memory_space<semaphore_mem>>) src(%arg3 : memref<512xi32, #tpu.memory_space<hbm>>) dst(%dma_wait3A_47 : memref<512xi32, #tpu.memory_space<vmem>>)
      tpu.yield
    }) : () -> ()
    %iota3A = tpu.iota {dimensions = array<i32: 0>} : vector<16xi32>
    %scan3A = arith.constant 0 : i32
    %scan3A_0 = arith.constant 0 : i32
    %scan3A_1 = arith.constant 16 : i32
    %scan3A_2 = arith.addi %scan3A_0, %scan3A_1 : i32
    %scan3A_3 = arith.constant 1 : i32
    %scan3A_4 = scf.for %scan3A_42 = %scan3A_0 to %scan3A_2 step %scan3A_3 iter_args(%scan3A_43 = %scan3A) -> (i32)  : i32 {
      %mul3A_44 = arith.constant 16 : i32
      %mul3A_45 = arith.muli %arg0, %mul3A_44 : i32
      %add3A_46 = arith.addi %mul3A_45, %scan3A_42 : i32
      "tpu.region"() ({
        %run_scoped3A = tpu.sem_alloc : memref<!tpu.dma_semaphore, #tpu.memory_space<semaphore_mem>>
        %dma_start3A = arith.constant 0 : i32
        %dma_start3A_64 = tpu.memref_slice %arg2[%add3A_46, %arg1, %dma_start3A] : memref<32x16x256xi32, #tpu.memory_space<hbm>> -> memref<1x1x256xi32, #tpu.memory_space<hbm>>
        %dma_start3A_65 = tpu.memref_squeeze %dma_start3A_64 : memref<1x1x256xi32, #tpu.memory_space<hbm>> -> memref<256xi32, #tpu.memory_space<hbm>>
        %dma_start3A_66 = arith.constant 0 : i32
        %dma_start3A_67 = tpu.memref_slice %arg2[%add3A_46, %arg1, %dma_start3A_66] : memref<32x16x256xi32, #tpu.memory_space<hbm>> -> memref<1x1x256xi32, #tpu.memory_space<hbm>>
        %dma_start3A_68 = tpu.memref_squeeze %dma_start3A_67 : memref<1x1x256xi32, #tpu.memory_space<hbm>> -> memref<256xi32, #tpu.memory_space<hbm>>
        tpu.enqueue_dma source(%dma_start3A_68 : memref<256xi32, #tpu.memory_space<hbm>>) target(%arg6 : memref<256xi32, #tpu.memory_space<vmem>>) target_semaphore(%run_scoped3A : memref<!tpu.dma_semaphore, #tpu.memory_space<semaphore_mem>>)
        %dma_wait3A = arith.constant 0 : i32
        %dma_wait3A_69 = tpu.memref_slice %arg2[%add3A_46, %arg1, %dma_wait3A] : memref<32x16x256xi32, #tpu.memory_space<hbm>> -> memref<1x1x256xi32, #tpu.memory_space<hbm>>
        %dma_wait3A_70 = tpu.memref_squeeze %dma_wait3A_69 : memref<1x1x256xi32, #tpu.memory_space<hbm>> -> memref<256xi32, #tpu.memory_space<hbm>>
        %dma_wait3A_71 = arith.constant 0 : i32
        %dma_wait3A_72 = tpu.memref_slice %arg2[%add3A_46, %arg1, %dma_wait3A_71] : memref<32x16x256xi32, #tpu.memory_space<hbm>> -> memref<1x1x256xi32, #tpu.memory_space<hbm>>
        %dma_wait3A_73 = tpu.memref_squeeze %dma_wait3A_72 : memref<1x1x256xi32, #tpu.memory_space<hbm>> -> memref<256xi32, #tpu.memory_space<hbm>>
        tpu.wait_dma2 semaphore(%run_scoped3A : memref<!tpu.dma_semaphore, #tpu.memory_space<semaphore_mem>>) src(%dma_wait3A_73 : memref<256xi32, #tpu.memory_space<hbm>>) dst(%arg6 : memref<256xi32, #tpu.memory_space<vmem>>)
        tpu.yield
      }) : () -> ()
      %mul3A_47 = arith.constant 16 : i32
      %mul3A_48 = arith.muli %add3A_46, %mul3A_47 : i32
      %add3A_49 = arith.addi %mul3A_48, %arg1 : i32
      %get3A = arith.index_cast %add3A_49 : i32 to index
      %get3A_50 = tpu.vector_load %arg7[%get3A] {strides = array<i32>} : memref<528xi32, #tpu.memory_space<vmem>>, vector<16xi32>,
      %slice3A = vector.extract_strided_slice %get3A_50 {offsets = [0], sizes = [1], strides = [1]} : vector<16xi32> to vector<1xi32>
      %squeeze3A = vector.extract %slice3A[0] : i32 from vector<1xi32>
      %add3A_51 = arith.constant 15 : i32
      %add3A_52 = arith.addi %squeeze3A, %add3A_51 : i32
      %div3A = arith.constant 16 : i32
      %div3A_53 = arith.divsi %add3A_52, %div3A : i32
      %while3A = arith.constant 0 : i32
      %while3A_54 = arith.constant 0 : i32
      %while3A_55 = arith.subi %div3A_53, %while3A_54 : i32
      %while3A_56 = arith.addi %while3A_54, %while3A_55 : i32
      %while3A_57 = arith.constant 1 : i32
      %while3A_58 = arith.divsi %while3A_55, %while3A_57 : i32
      %while3A_59 = arith.muli %while3A_58, %while3A_57 : i32
      %while3A_60 = arith.addi %while3A_54, %while3A_59 : i32
      %while3A_61 = arith.constant 1 : i32
      scf.for %while3A_64 = %while3A_54 to %while3A_60 step %while3A_61  : i32 {
        %mul3A_65 = arith.constant 16 : i32
        %mul3A_66 = arith.muli %while3A_64, %mul3A_65 : i32
        %get3A_67 = arith.index_cast %mul3A_66 : i32 to index
        %get3A_68 = tpu.vector_load %arg6[%get3A_67] {strides = array<i32>} : memref<256xi32, #tpu.memory_space<vmem>>, vector<16xi32>,
        %mul3A_69 = arith.constant 16 : i32
        %mul3A_70 = arith.muli %while3A_64, %mul3A_69 : i32
        %add3A_71 = arith.addi %scan3A_43, %mul3A_70 : i32
        %swap3A_72 = arith.index_cast %add3A_71 : i32 to index
        %swap3A_73 = tpu.vector_load %arg8[%swap3A_72] {strides = array<i32>} : memref<2048xi32, #tpu.memory_space<vmem>>, vector<16xi32>,
        tpu.vector_store %arg8[%swap3A_72], %get3A_68 {strides = array<i32>} : memref<2048xi32, #tpu.memory_space<vmem>>, vector<16xi32>,
      }
      %while3A_62 = arith.constant 1 : i32
      scf.for %while3A_64 = %while3A_60 to %while3A_56 step %while3A_62  : i32 {
        %mul3A_65 = arith.constant 16 : i32
        %mul3A_66 = arith.muli %while3A_64, %mul3A_65 : i32
        %get3A_67 = arith.index_cast %mul3A_66 : i32 to index
        %get3A_68 = tpu.vector_load %arg6[%get3A_67] {strides = array<i32>} : memref<256xi32, #tpu.memory_space<vmem>>, vector<16xi32>,
        %mul3A_69 = arith.constant 16 : i32
        %mul3A_70 = arith.muli %while3A_64, %mul3A_69 : i32
        %add3A_71 = arith.addi %scan3A_43, %mul3A_70 : i32
        %swap3A_72 = arith.index_cast %add3A_71 : i32 to index
        %swap3A_73 = tpu.vector_load %arg8[%swap3A_72] {strides = array<i32>} : memref<2048xi32, #tpu.memory_space<vmem>>, vector<16xi32>,
        tpu.vector_store %arg8[%swap3A_72], %get3A_68 {strides = array<i32>} : memref<2048xi32, #tpu.memory_space<vmem>>, vector<16xi32>,
      }
      %add3A_63 = arith.addi %scan3A_43, %squeeze3A : i32
      scf.yield %add3A_63 : i32
    }
    %scan3A_5 = arith.constant 16 : i32
    %mul3A = arith.constant 0 : i32
    %mul3A_6 = vector.broadcast %mul3A : i32 to vector<16xi32>
    %mul3A_7 = arith.muli %iota3A, %mul3A_6 : vector<16xi32>
    %mul3A_8 = arith.constant 320 : i32
    %mul3A_9 = arith.muli %arg1, %mul3A_8 : i32
    %add3A = arith.constant 320 : i32
    %add3A_10 = arith.addi %mul3A_9, %add3A : i32
    %add3A_11 = vector.broadcast %add3A_10 : i32 to vector<16xi32>
    %add3A_12 = arith.addi %mul3A_7, %add3A_11 : vector<16xi32>
    %shift_left3A = arith.constant 13 : i32
    %shift_left3A_13 = vector.broadcast %shift_left3A : i32 to vector<16xi32>
    %shift_left3A_14 = arith.shli %add3A_12, %shift_left3A_13 : vector<16xi32>
    %add3A_15 = arith.constant 0 : i32
    %add3A_16 = arith.addi %scan3A_4, %add3A_15 : i32
    %swap3A = arith.index_cast %add3A_16 : i32 to index
    %swap3A_17 = tpu.vector_load %arg8[%swap3A] {strides = array<i32>} : memref<2048xi32, #tpu.memory_space<vmem>>, vector<16xi32>,
    tpu.vector_store %arg8[%swap3A], %shift_left3A_14 {strides = array<i32>} : memref<2048xi32, #tpu.memory_space<vmem>>, vector<16xi32>,
    %add3A_18 = arith.constant 16 : i32
    %add3A_19 = arith.addi %scan3A_4, %add3A_18 : i32
    %swap3A_20 = arith.index_cast %add3A_19 : i32 to index
    %swap3A_21 = tpu.vector_load %arg8[%swap3A_20] {strides = array<i32>} : memref<2048xi32, #tpu.memory_space<vmem>>, vector<16xi32>,
    tpu.vector_store %arg8[%swap3A_20], %shift_left3A_14 {strides = array<i32>} : memref<2048xi32, #tpu.memory_space<vmem>>, vector<16xi32>,
    %add3A_22 = arith.constant 32 : i32
    %add3A_23 = arith.addi %scan3A_4, %add3A_22 : i32
    %swap3A_24 = arith.index_cast %add3A_23 : i32 to index
    %swap3A_25 = tpu.vector_load %arg8[%swap3A_24] {strides = array<i32>} : memref<2048xi32, #tpu.memory_space<vmem>>, vector<16xi32>,
    tpu.vector_store %arg8[%swap3A_24], %shift_left3A_14 {strides = array<i32>} : memref<2048xi32, #tpu.memory_space<vmem>>, vector<16xi32>,
    %add3A_26 = arith.constant 48 : i32
    %add3A_27 = arith.addi %scan3A_4, %add3A_26 : i32
    %swap3A_28 = arith.index_cast %add3A_27 : i32 to index
    %swap3A_29 = tpu.vector_load %arg8[%swap3A_28] {strides = array<i32>} : memref<2048xi32, #tpu.memory_space<vmem>>, vector<16xi32>,
    tpu.vector_store %arg8[%swap3A_28], %shift_left3A_14 {strides = array<i32>} : memref<2048xi32, #tpu.memory_space<vmem>>, vector<16xi32>,
    %mul3A_30 = arith.constant 0 : i32
    %mul3A_31 = vector.broadcast %mul3A_30 : i32 to vector<16xi32>
    %mul3A_32 = arith.muli %iota3A, %mul3A_31 : vector<16xi32>
    %add3A_33 = vector.broadcast %scan3A_4 : i32 to vector<16xi32>
    %add3A_34 = arith.addi %mul3A_32, %add3A_33 : vector<16xi32>
    %swap3A_35 = arith.constant 0 : index
    %swap3A_36 = tpu.vector_load %arg9[%swap3A_35] {strides = array<i32>} : memref<16xi32, #tpu.memory_space<vmem>>, vector<16xi32>,
    tpu.vector_store %arg9[%swap3A_35], %add3A_34 {strides = array<i32>} : memref<16xi32, #tpu.memory_space<vmem>>, vector<16xi32>,
    %mul3A_37 = arith.constant 2 : i32
    %mul3A_38 = arith.muli %arg1, %mul3A_37 : i32
    %add3A_39 = arith.addi %mul3A_38, %arg0 : i32
    "tpu.region"() ({
      %run_scoped3A = tpu.sem_alloc : memref<!tpu.dma_semaphore, #tpu.memory_space<semaphore_mem>>
      %dma_start3A = arith.constant 0 : i32
      %dma_start3A_42 = tpu.memref_slice %arg4[%add3A_39, %dma_start3A] : memref<32x2048xi32, #tpu.memory_space<hbm>> -> memref<1x2048xi32, #tpu.memory_space<hbm>>
      %dma_start3A_43 = tpu.memref_squeeze %dma_start3A_42 : memref<1x2048xi32, #tpu.memory_space<hbm>> -> memref<2048xi32, #tpu.memory_space<hbm>>
      %dma_start3A_44 = arith.constant 0 : i32
      %dma_start3A_45 = tpu.memref_slice %arg4[%add3A_39, %dma_start3A_44] : memref<32x2048xi32, #tpu.memory_space<hbm>> -> memref<1x2048xi32, #tpu.memory_space<hbm>>
      %dma_start3A_46 = tpu.memref_squeeze %dma_start3A_45 : memref<1x2048xi32, #tpu.memory_space<hbm>> -> memref<2048xi32, #tpu.memory_space<hbm>>
      tpu.enqueue_dma source(%arg8 : memref<2048xi32, #tpu.memory_space<vmem>>) target(%dma_start3A_46 : memref<2048xi32, #tpu.memory_space<hbm>>) target_semaphore(%run_scoped3A : memref<!tpu.dma_semaphore, #tpu.memory_space<semaphore_mem>>)
      %dma_wait3A = arith.constant 0 : i32
      %dma_wait3A_47 = tpu.memref_slice %arg4[%add3A_39, %dma_wait3A] : memref<32x2048xi32, #tpu.memory_space<hbm>> -> memref<1x2048xi32, #tpu.memory_space<hbm>>
      %dma_wait3A_48 = tpu.memref_squeeze %dma_wait3A_47 : memref<1x2048xi32, #tpu.memory_space<hbm>> -> memref<2048xi32, #tpu.memory_space<hbm>>
      %dma_wait3A_49 = arith.constant 0 : i32
      %dma_wait3A_50 = tpu.memref_slice %arg4[%add3A_39, %dma_wait3A_49] : memref<32x2048xi32, #tpu.memory_space<hbm>> -> memref<1x2048xi32, #tpu.memory_space<hbm>>
      %dma_wait3A_51 = tpu.memref_squeeze %dma_wait3A_50 : memref<1x2048xi32, #tpu.memory_space<hbm>> -> memref<2048xi32, #tpu.memory_space<hbm>>
      tpu.wait_dma2 semaphore(%run_scoped3A : memref<!tpu.dma_semaphore, #tpu.memory_space<semaphore_mem>>) src(%arg8 : memref<2048xi32, #tpu.memory_space<vmem>>) dst(%dma_wait3A_51 : memref<2048xi32, #tpu.memory_space<hbm>>)
      tpu.yield
    }) : () -> ()
    %mul3A_40 = arith.constant 16 : i32
    %mul3A_41 = arith.muli %add3A_39, %mul3A_40 : i32
    "tpu.region"() ({
      %run_scoped3A = tpu.sem_alloc : memref<!tpu.dma_semaphore, #tpu.memory_space<semaphore_mem>>
      %dma_start3A = tpu.memref_slice %arg5[%mul3A_41] : memref<512xi32, #tpu.memory_space<hbm>> -> memref<16xi32, #tpu.memory_space<hbm>>
      %dma_start3A_42 = tpu.memref_slice %arg5[%mul3A_41] : memref<512xi32, #tpu.memory_space<hbm>> -> memref<16xi32, #tpu.memory_space<hbm>>
      tpu.enqueue_dma source(%arg9 : memref<16xi32, #tpu.memory_space<vmem>>) target(%dma_start3A_42 : memref<16xi32, #tpu.memory_space<hbm>>) target_semaphore(%run_scoped3A : memref<!tpu.dma_semaphore, #tpu.memory_space<semaphore_mem>>)
      %dma_wait3A = tpu.memref_slice %arg5[%mul3A_41] : memref<512xi32, #tpu.memory_space<hbm>> -> memref<16xi32, #tpu.memory_space<hbm>>
      %dma_wait3A_43 = tpu.memref_slice %arg5[%mul3A_41] : memref<512xi32, #tpu.memory_space<hbm>> -> memref<16xi32, #tpu.memory_space<hbm>>
      tpu.wait_dma2 semaphore(%run_scoped3A : memref<!tpu.dma_semaphore, #tpu.memory_space<semaphore_mem>>) src(%arg9 : memref<16xi32, #tpu.memory_space<vmem>>) dst(%dma_wait3A_43 : memref<16xi32, #tpu.memory_space<hbm>>)
      tpu.yield
    }) : () -> ()
    return
  }
}

#map = affine_map<(d0, d1) -> (0, 0)>
#map1 = affine_map<(d0, d1) -> (0)>
#map2 = affine_map<(d0, d1) -> (0, 0, 0)>
module attributes {stable_mosaic.version = 14 : i64} {
  func.func @_compact_body(%arg0: i32, %arg1: i32, %arg2: memref<10000x256xf32, #tpu.memory_space<hbm>>, %arg3: memref<10240xi32, #tpu.memory_space<hbm>>, %arg4: memref<160256xi32, #tpu.memory_space<hbm>>, %arg5: memref<160256xi32, #tpu.memory_space<hbm>>, %arg6: memref<5120x256xf32, #tpu.memory_space<hbm>>, %arg7: memref<32x16x256xi32, #tpu.memory_space<hbm>>, %arg8: memref<512xi32, #tpu.memory_space<hbm>>, %arg9: memref<10240xi32, #tpu.memory_space<vmem>>, %arg10: memref<5008xi32, #tpu.memory_space<vmem>>, %arg11: memref<5008xi32, #tpu.memory_space<vmem>>, %arg12: memref<16x256xi32, #tpu.memory_space<vmem>>, %arg13: memref<16xi32, #tpu.memory_space<vmem>>, %arg14: memref<80x256xf32, #tpu.memory_space<vmem>>, %arg15: memref<80xi32, #tpu.memory_space<vmem>>, %arg16: memref<!tpu.dma_semaphore, #tpu.memory_space<semaphore_mem>>) attributes {dimension_semantics = [#tpu.dimension_semantics<core_parallel>, #tpu.dimension_semantics<subcore_parallel>], iteration_bounds = array<i64: 2, 16>, scalar_prefetch = 0 : i64, scratch_operands = 8 : i64, tpu.core_type = #tpu.core_type<sc_vector_subcore>, window_params = [{transform_indices = #map}, {transform_indices = #map1}, {transform_indices = #map1}, {transform_indices = #map1}, {transform_indices = #map}, {transform_indices = #map2}, {transform_indices = #map1}]} {
    %mul3A = arith.constant 2 : i32
    %mul3A_0 = arith.muli %arg1, %mul3A : i32
    %add3A = arith.addi %mul3A_0, %arg0 : i32
    "tpu.region"() ({
      %run_scoped3A = tpu.sem_alloc : memref<!tpu.dma_semaphore, #tpu.memory_space<semaphore_mem>>
      tpu.enqueue_dma source(%arg3 : memref<10240xi32, #tpu.memory_space<hbm>>) target(%arg9 : memref<10240xi32, #tpu.memory_space<vmem>>) target_semaphore(%run_scoped3A : memref<!tpu.dma_semaphore, #tpu.memory_space<semaphore_mem>>)
      tpu.wait_dma2 semaphore(%run_scoped3A : memref<!tpu.dma_semaphore, #tpu.memory_space<semaphore_mem>>) src(%arg3 : memref<10240xi32, #tpu.memory_space<hbm>>) dst(%arg9 : memref<10240xi32, #tpu.memory_space<vmem>>)
      tpu.yield
    }) : () -> ()
    %scan3A = arith.constant 0 : i32
    %scan3A_1 = arith.constant 0 : i32
    %scan3A_2 = arith.constant 4 : i32
    %scan3A_3 = arith.addi %scan3A_1, %scan3A_2 : i32
    %scan3A_4 = arith.constant 1 : i32
    scf.for %scan3A_18 = %scan3A_1 to %scan3A_3 step %scan3A_4  : i32 {
      %mul3A_19 = arith.constant 32 : i32
      %mul3A_20 = arith.muli %mul3A_19, %scan3A_18 : i32
      %add3A_21 = arith.addi %add3A, %mul3A_20 : i32
      %lt3A = arith.constant 125 : i32
      %lt3A_22 = arith.cmpi slt, %add3A_21, %lt3A : i32
      %convert_element_type3A = arith.extui %lt3A_22 : i1 to i32
      %cond3A = arith.constant 0 : i32
      %cond3A_23 = arith.cmpi ne, %convert_element_type3A, %cond3A : i32
      scf.if %cond3A_23 {
        %mul3A_24 = arith.constant 80 : i32
        %mul3A_25 = arith.muli %add3A_21, %mul3A_24 : i32
        "tpu.region"() ({
          %run_scoped3A = tpu.sem_alloc : memref<!tpu.dma_semaphore, #tpu.memory_space<semaphore_mem>>
          %dma_start3A = arith.constant 0 : i32
          %dma_start3A_32 = tpu.memref_slice %arg2[%mul3A_25, %dma_start3A] : memref<10000x256xf32, #tpu.memory_space<hbm>> -> memref<80x256xf32, #tpu.memory_space<hbm>>
          %dma_start3A_33 = arith.constant 0 : i32
          %dma_start3A_34 = tpu.memref_slice %arg2[%mul3A_25, %dma_start3A_33] : memref<10000x256xf32, #tpu.memory_space<hbm>> -> memref<80x256xf32, #tpu.memory_space<hbm>>
          tpu.enqueue_dma source(%dma_start3A_34 : memref<80x256xf32, #tpu.memory_space<hbm>>) target(%arg14 : memref<80x256xf32, #tpu.memory_space<vmem>>) target_semaphore(%run_scoped3A : memref<!tpu.dma_semaphore, #tpu.memory_space<semaphore_mem>>)
          %dma_wait3A = arith.constant 0 : i32
          %dma_wait3A_35 = tpu.memref_slice %arg2[%mul3A_25, %dma_wait3A] : memref<10000x256xf32, #tpu.memory_space<hbm>> -> memref<80x256xf32, #tpu.memory_space<hbm>>
          %dma_wait3A_36 = arith.constant 0 : i32
          %dma_wait3A_37 = tpu.memref_slice %arg2[%mul3A_25, %dma_wait3A_36] : memref<10000x256xf32, #tpu.memory_space<hbm>> -> memref<80x256xf32, #tpu.memory_space<hbm>>
          tpu.wait_dma2 semaphore(%run_scoped3A : memref<!tpu.dma_semaphore, #tpu.memory_space<semaphore_mem>>) src(%dma_wait3A_37 : memref<80x256xf32, #tpu.memory_space<hbm>>) dst(%arg14 : memref<80x256xf32, #tpu.memory_space<vmem>>)
          tpu.yield
        }) : () -> ()
        %scan3A_26 = arith.constant 0 : i32
        %scan3A_27 = arith.constant 0 : i32
        %scan3A_28 = arith.constant 5 : i32
        %scan3A_29 = arith.addi %scan3A_27, %scan3A_28 : i32
        %scan3A_30 = arith.constant 1 : i32
        scf.for %scan3A_32 = %scan3A_27 to %scan3A_29 step %scan3A_30  : i32 {
          %mul3A_33 = arith.constant 16 : i32
          %mul3A_34 = arith.muli %scan3A_32, %mul3A_33 : i32
          %add3A_35 = arith.addi %mul3A_25, %mul3A_34 : i32
          %get3A = arith.index_cast %add3A_35 : i32 to index
          %get3A_36 = tpu.vector_load %arg9[%get3A] {strides = array<i32>} : memref<10240xi32, #tpu.memory_space<vmem>>, vector<16xi32>,
          %ge3A = arith.constant 0 : i32
          %ge3A_37 = vector.broadcast %ge3A : i32 to vector<16xi32>
          %ge3A_38 = arith.cmpi sge, %get3A_36, %ge3A_37 : vector<16xi32>
          %add3A_39 = arith.constant 5000 : i32
          %add3A_40 = arith.addi %add3A_39, %add3A : i32
          %broadcast_in_dim3A_41 = vector.broadcast %add3A_40 : i32 to vector<16xi32>
          %select_n3A = arith.select %ge3A_38, %get3A_36, %broadcast_in_dim3A_41 : vector<16xi1>, vector<16xi32>
          %mul3A_42 = arith.constant 16 : i32
          %mul3A_43 = arith.muli %scan3A_32, %mul3A_42 : i32
          %swap3A_44 = arith.index_cast %mul3A_43 : i32 to index
          %swap3A_45 = tpu.vector_load %arg15[%swap3A_44] {strides = array<i32>} : memref<80xi32, #tpu.memory_space<vmem>>, vector<16xi32>,
          tpu.vector_store %arg15[%swap3A_44], %select_n3A {strides = array<i32>} : memref<80xi32, #tpu.memory_space<vmem>>, vector<16xi32>,
        }
        %scan3A_31 = arith.constant 5 : i32
        "tpu.region"() ({
          %run_scoped3A = tpu.sem_alloc : memref<!tpu.dma_semaphore, #tpu.memory_space<semaphore_mem>>
          %dma_start3A = arith.constant 0 : i32
          %dma_start3A_32 = arith.constant 0 : i32
          %dma_start3A_33 = tpu.memref_slice %arg6[%dma_start3A, %dma_start3A_32] : memref<5120x256xf32, #tpu.memory_space<hbm>> -> memref<5120x256xf32, #tpu.memory_space<hbm>>
          tpu.enqueue_indirect_dma source(%arg14 : memref<80x256xf32, #tpu.memory_space<vmem>>) target(%dma_start3A_33 : memref<5120x256xf32, #tpu.memory_space<hbm>>) offsets(%arg15 : memref<80xi32, #tpu.memory_space<vmem>>) semaphore(%run_scoped3A : memref<!tpu.dma_semaphore, #tpu.memory_space<semaphore_mem>>)
          %dma_wait3A = arith.constant 0 : i32
          %dma_wait3A_34 = arith.constant 0 : i32
          %dma_wait3A_35 = tpu.memref_slice %arg6[%dma_wait3A, %dma_wait3A_34] : memref<5120x256xf32, #tpu.memory_space<hbm>> -> memref<5120x256xf32, #tpu.memory_space<hbm>>
          tpu.wait_indirect_dma semaphore(%run_scoped3A : memref<!tpu.dma_semaphore, #tpu.memory_space<semaphore_mem>>) src(%arg14 : memref<80x256xf32, #tpu.memory_space<vmem>>) dst(%dma_wait3A_35 : memref<5120x256xf32, #tpu.memory_space<hbm>>)
          tpu.yield
        }) : () -> ()
      } else {
      }
    }
    %scan3A_5 = arith.constant 4 : i32
    %mul3A_6 = arith.constant 5008 : i32
    %mul3A_7 = arith.muli %add3A, %mul3A_6 : i32
    "tpu.region"() ({
      %run_scoped3A = tpu.sem_alloc : memref<!tpu.dma_semaphore, #tpu.memory_space<semaphore_mem>>
      %dma_start3A = tpu.memref_slice %arg4[%mul3A_7] : memref<160256xi32, #tpu.memory_space<hbm>> -> memref<5008xi32, #tpu.memory_space<hbm>>
      %dma_start3A_18 = tpu.memref_slice %arg4[%mul3A_7] : memref<160256xi32, #tpu.memory_space<hbm>> -> memref<5008xi32, #tpu.memory_space<hbm>>
      tpu.enqueue_dma source(%dma_start3A_18 : memref<5008xi32, #tpu.memory_space<hbm>>) target(%arg10 : memref<5008xi32, #tpu.memory_space<vmem>>) target_semaphore(%run_scoped3A : memref<!tpu.dma_semaphore, #tpu.memory_space<semaphore_mem>>)
      %dma_wait3A = tpu.memref_slice %arg4[%mul3A_7] : memref<160256xi32, #tpu.memory_space<hbm>> -> memref<5008xi32, #tpu.memory_space<hbm>>
      %dma_wait3A_19 = tpu.memref_slice %arg4[%mul3A_7] : memref<160256xi32, #tpu.memory_space<hbm>> -> memref<5008xi32, #tpu.memory_space<hbm>>
      tpu.wait_dma2 semaphore(%run_scoped3A : memref<!tpu.dma_semaphore, #tpu.memory_space<semaphore_mem>>) src(%dma_wait3A_19 : memref<5008xi32, #tpu.memory_space<hbm>>) dst(%arg10 : memref<5008xi32, #tpu.memory_space<vmem>>)
      tpu.yield
    }) : () -> ()
    "tpu.region"() ({
      %run_scoped3A = tpu.sem_alloc : memref<!tpu.dma_semaphore, #tpu.memory_space<semaphore_mem>>
      %dma_start3A = tpu.memref_slice %arg5[%mul3A_7] : memref<160256xi32, #tpu.memory_space<hbm>> -> memref<5008xi32, #tpu.memory_space<hbm>>
      %dma_start3A_18 = tpu.memref_slice %arg5[%mul3A_7] : memref<160256xi32, #tpu.memory_space<hbm>> -> memref<5008xi32, #tpu.memory_space<hbm>>
      tpu.enqueue_dma source(%dma_start3A_18 : memref<5008xi32, #tpu.memory_space<hbm>>) target(%arg11 : memref<5008xi32, #tpu.memory_space<vmem>>) target_semaphore(%run_scoped3A : memref<!tpu.dma_semaphore, #tpu.memory_space<semaphore_mem>>)
      %dma_wait3A = tpu.memref_slice %arg5[%mul3A_7] : memref<160256xi32, #tpu.memory_space<hbm>> -> memref<5008xi32, #tpu.memory_space<hbm>>
      %dma_wait3A_19 = tpu.memref_slice %arg5[%mul3A_7] : memref<160256xi32, #tpu.memory_space<hbm>> -> memref<5008xi32, #tpu.memory_space<hbm>>
      tpu.wait_dma2 semaphore(%run_scoped3A : memref<!tpu.dma_semaphore, #tpu.memory_space<semaphore_mem>>) src(%dma_wait3A_19 : memref<5008xi32, #tpu.memory_space<hbm>>) dst(%arg11 : memref<5008xi32, #tpu.memory_space<vmem>>)
      tpu.yield
    }) : () -> ()
    %iota3A = tpu.iota {dimensions = array<i32: 0>} : vector<16xi32>
    %broadcast_in_dim3A = arith.constant 0 : i32
    %broadcast_in_dim3A_8 = vector.broadcast %broadcast_in_dim3A : i32 to vector<16xi32>
    %scan3A_9 = arith.constant 0 : i32
    %scan3A_10 = arith.constant 313 : i32
    %scan3A_11 = arith.addi %scan3A_9, %scan3A_10 : i32
    %scan3A_12 = arith.constant 1 : i32
    %scan3A_13 = scf.for %scan3A_18 = %scan3A_9 to %scan3A_11 step %scan3A_12 iter_args(%scan3A_19 = %broadcast_in_dim3A_8) -> (vector<16xi32>)  : i32 {
      %mul3A_20 = arith.constant 16 : i32
      %mul3A_21 = arith.muli %scan3A_18, %mul3A_20 : i32
      %get3A = arith.index_cast %mul3A_21 : i32 to index
      %get3A_22 = tpu.vector_load %arg10[%get3A] {strides = array<i32>} : memref<5008xi32, #tpu.memory_space<vmem>>, vector<16xi32>,
      %mul3A_23 = arith.constant 16 : i32
      %mul3A_24 = arith.muli %scan3A_18, %mul3A_23 : i32
      %get3A_25 = arith.index_cast %mul3A_24 : i32 to index
      %get3A_26 = tpu.vector_load %arg11[%get3A_25] {strides = array<i32>} : memref<5008xi32, #tpu.memory_space<vmem>>, vector<16xi32>,
      %gather3A = tpu.vector_load_idx %arg9[%get3A_22] : memref<10240xi32, #tpu.memory_space<vmem>>[vector<16xi32>], vector<16xi32>,
      %gather3A_27 = tpu.vector_load_idx %arg9[%get3A_26] : memref<10240xi32, #tpu.memory_space<vmem>>[vector<16xi32>], vector<16xi32>,
      %ge3A = arith.constant 0 : i32
      %ge3A_28 = vector.broadcast %ge3A : i32 to vector<16xi32>
      %ge3A_29 = arith.cmpi sge, %gather3A, %ge3A_28 : vector<16xi32>
      %ge3A_30 = arith.constant 0 : i32
      %ge3A_31 = vector.broadcast %ge3A_30 : i32 to vector<16xi32>
      %ge3A_32 = arith.cmpi sge, %gather3A_27, %ge3A_31 : vector<16xi32>
      %and3A = arith.andi %ge3A_29, %ge3A_32 : vector<16xi1>
      %shift_left3A = arith.constant 13 : i32
      %shift_left3A_33 = vector.broadcast %shift_left3A : i32 to vector<16xi32>
      %shift_left3A_34 = arith.shli %gather3A_27, %shift_left3A_33 : vector<16xi32>
      %or3A = arith.ori %gather3A, %shift_left3A_34 : vector<16xi32>
      %div3A = arith.constant 320 : i32
      %div3A_35 = vector.broadcast %div3A : i32 to vector<16xi32>
      %div3A_36 = arith.divsi %gather3A_27, %div3A_35 : vector<16xi32>
      %eq3A = arith.constant 0 : i32
      %eq3A_37 = vector.broadcast %eq3A : i32 to vector<16xi32>
      %eq3A_38 = arith.cmpi eq, %div3A_36, %eq3A_37 : vector<16xi32>
      %and3A_39 = arith.andi %and3A, %eq3A_38 : vector<16xi1>
      %slice3A = vector.extract_strided_slice %scan3A_19 {offsets = [0], sizes = [1], strides = [1]} : vector<16xi32> to vector<1xi32>
      %squeeze3A = vector.extract %slice3A[0] : i32 from vector<1xi32>
      %swap3A_40 = arith.constant 0 : i32
      %swap3A_41 = arith.index_cast %swap3A_40 : i32 to index
      %swap3A_42 = arith.index_cast %squeeze3A : i32 to index
      %swap3A_43 = tpu.vector_load %arg12[%swap3A_41, %swap3A_42] masked %and3A_39 {strides = array<i32>} : memref<16x256xi32, #tpu.memory_space<vmem>>, vector<16xi32>, vector<16xi1>
      tpu.vector_store %arg12[%swap3A_41, %swap3A_42], %or3A masked %and3A_39 {strides = array<i32>} : memref<16x256xi32, #tpu.memory_space<vmem>>, vector<16xi32>, vector<16xi1>
      %eq3A_44 = arith.constant 0 : i32
      %eq3A_45 = vector.broadcast %eq3A_44 : i32 to vector<16xi32>
      %eq3A_46 = arith.cmpi eq, %iota3A, %eq3A_45 : vector<16xi32>
      %convert_element_type3A = arith.extui %eq3A_46 : vector<16xi1> to vector<16xi32>
      %convert_element_type3A_47 = arith.extui %and3A_39 : vector<16xi1> to vector<16xi32>
      %reduce_sum3A = arith.constant true
      %reduce_sum3A_48 = vector.broadcast %reduce_sum3A : i1 to vector<16xi1>
      %reduce_sum3A_49 = tpu.scan <sum>, %convert_element_type3A_47 masked %reduce_sum3A_48 : vector<16xi32>, vector<16xi1> -> vector<16xi32>
      %reduce_sum3A_50 = vector.extract %reduce_sum3A_49[15] : i32 from vector<16xi32>
      %mul3A_51 = vector.broadcast %reduce_sum3A_50 : i32 to vector<16xi32>
      %mul3A_52 = arith.muli %convert_element_type3A, %mul3A_51 : vector<16xi32>
      %add3A_53 = arith.addi %scan3A_19, %mul3A_52 : vector<16xi32>
      %eq3A_54 = arith.constant 1 : i32
      %eq3A_55 = vector.broadcast %eq3A_54 : i32 to vector<16xi32>
      %eq3A_56 = arith.cmpi eq, %div3A_36, %eq3A_55 : vector<16xi32>
      %and3A_57 = arith.andi %and3A, %eq3A_56 : vector<16xi1>
      %slice3A_58 = vector.extract_strided_slice %add3A_53 {offsets = [1], sizes = [1], strides = [1]} : vector<16xi32> to vector<1xi32>
      %squeeze3A_59 = vector.extract %slice3A_58[0] : i32 from vector<1xi32>
      %swap3A_60 = arith.constant 1 : i32
      %swap3A_61 = arith.index_cast %swap3A_60 : i32 to index
      %swap3A_62 = arith.index_cast %squeeze3A_59 : i32 to index
      %swap3A_63 = tpu.vector_load %arg12[%swap3A_61, %swap3A_62] masked %and3A_57 {strides = array<i32>} : memref<16x256xi32, #tpu.memory_space<vmem>>, vector<16xi32>, vector<16xi1>
      tpu.vector_store %arg12[%swap3A_61, %swap3A_62], %or3A masked %and3A_57 {strides = array<i32>} : memref<16x256xi32, #tpu.memory_space<vmem>>, vector<16xi32>, vector<16xi1>
      %eq3A_64 = arith.constant 1 : i32
      %eq3A_65 = vector.broadcast %eq3A_64 : i32 to vector<16xi32>
      %eq3A_66 = arith.cmpi eq, %iota3A, %eq3A_65 : vector<16xi32>
      %convert_element_type3A_67 = arith.extui %eq3A_66 : vector<16xi1> to vector<16xi32>
      %convert_element_type3A_68 = arith.extui %and3A_57 : vector<16xi1> to vector<16xi32>
      %reduce_sum3A_69 = arith.constant true
      %reduce_sum3A_70 = vector.broadcast %reduce_sum3A_69 : i1 to vector<16xi1>
      %reduce_sum3A_71 = tpu.scan <sum>, %convert_element_type3A_68 masked %reduce_sum3A_70 : vector<16xi32>, vector<16xi1> -> vector<16xi32>
      %reduce_sum3A_72 = vector.extract %reduce_sum3A_71[15] : i32 from vector<16xi32>
      %mul3A_73 = vector.broadcast %reduce_sum3A_72 : i32 to vector<16xi32>
      %mul3A_74 = arith.muli %convert_element_type3A_67, %mul3A_73 : vector<16xi32>
      %add3A_75 = arith.addi %add3A_53, %mul3A_74 : vector<16xi32>
      %eq3A_76 = arith.constant 2 : i32
      %eq3A_77 = vector.broadcast %eq3A_76 : i32 to vector<16xi32>
      %eq3A_78 = arith.cmpi eq, %div3A_36, %eq3A_77 : vector<16xi32>
      %and3A_79 = arith.andi %and3A, %eq3A_78 : vector<16xi1>
      %slice3A_80 = vector.extract_strided_slice %add3A_75 {offsets = [2], sizes = [1], strides = [1]} : vector<16xi32> to vector<1xi32>
      %squeeze3A_81 = vector.extract %slice3A_80[0] : i32 from vector<1xi32>
      %swap3A_82 = arith.constant 2 : i32
      %swap3A_83 = arith.index_cast %swap3A_82 : i32 to index
      %swap3A_84 = arith.index_cast %squeeze3A_81 : i32 to index
      %swap3A_85 = tpu.vector_load %arg12[%swap3A_83, %swap3A_84] masked %and3A_79 {strides = array<i32>} : memref<16x256xi32, #tpu.memory_space<vmem>>, vector<16xi32>, vector<16xi1>
      tpu.vector_store %arg12[%swap3A_83, %swap3A_84], %or3A masked %and3A_79 {strides = array<i32>} : memref<16x256xi32, #tpu.memory_space<vmem>>, vector<16xi32>, vector<16xi1>
      %eq3A_86 = arith.constant 2 : i32
      %eq3A_87 = vector.broadcast %eq3A_86 : i32 to vector<16xi32>
      %eq3A_88 = arith.cmpi eq, %iota3A, %eq3A_87 : vector<16xi32>
      %convert_element_type3A_89 = arith.extui %eq3A_88 : vector<16xi1> to vector<16xi32>
      %convert_element_type3A_90 = arith.extui %and3A_79 : vector<16xi1> to vector<16xi32>
      %reduce_sum3A_91 = arith.constant true
      %reduce_sum3A_92 = vector.broadcast %reduce_sum3A_91 : i1 to vector<16xi1>
      %reduce_sum3A_93 = tpu.scan <sum>, %convert_element_type3A_90 masked %reduce_sum3A_92 : vector<16xi32>, vector<16xi1> -> vector<16xi32>
      %reduce_sum3A_94 = vector.extract %reduce_sum3A_93[15] : i32 from vector<16xi32>
      %mul3A_95 = vector.broadcast %reduce_sum3A_94 : i32 to vector<16xi32>
      %mul3A_96 = arith.muli %convert_element_type3A_89, %mul3A_95 : vector<16xi32>
      %add3A_97 = arith.addi %add3A_75, %mul3A_96 : vector<16xi32>
      %eq3A_98 = arith.constant 3 : i32
      %eq3A_99 = vector.broadcast %eq3A_98 : i32 to vector<16xi32>
      %eq3A_100 = arith.cmpi eq, %div3A_36, %eq3A_99 : vector<16xi32>
      %and3A_101 = arith.andi %and3A, %eq3A_100 : vector<16xi1>
      %slice3A_102 = vector.extract_strided_slice %add3A_97 {offsets = [3], sizes = [1], strides = [1]} : vector<16xi32> to vector<1xi32>
      %squeeze3A_103 = vector.extract %slice3A_102[0] : i32 from vector<1xi32>
      %swap3A_104 = arith.constant 3 : i32
      %swap3A_105 = arith.index_cast %swap3A_104 : i32 to index
      %swap3A_106 = arith.index_cast %squeeze3A_103 : i32 to index
      %swap3A_107 = tpu.vector_load %arg12[%swap3A_105, %swap3A_106] masked %and3A_101 {strides = array<i32>} : memref<16x256xi32, #tpu.memory_space<vmem>>, vector<16xi32>, vector<16xi1>
      tpu.vector_store %arg12[%swap3A_105, %swap3A_106], %or3A masked %and3A_101 {strides = array<i32>} : memref<16x256xi32, #tpu.memory_space<vmem>>, vector<16xi32>, vector<16xi1>
      %eq3A_108 = arith.constant 3 : i32
      %eq3A_109 = vector.broadcast %eq3A_108 : i32 to vector<16xi32>
      %eq3A_110 = arith.cmpi eq, %iota3A, %eq3A_109 : vector<16xi32>
      %convert_element_type3A_111 = arith.extui %eq3A_110 : vector<16xi1> to vector<16xi32>
      %convert_element_type3A_112 = arith.extui %and3A_101 : vector<16xi1> to vector<16xi32>
      %reduce_sum3A_113 = arith.constant true
      %reduce_sum3A_114 = vector.broadcast %reduce_sum3A_113 : i1 to vector<16xi1>
      %reduce_sum3A_115 = tpu.scan <sum>, %convert_element_type3A_112 masked %reduce_sum3A_114 : vector<16xi32>, vector<16xi1> -> vector<16xi32>
      %reduce_sum3A_116 = vector.extract %reduce_sum3A_115[15] : i32 from vector<16xi32>
      %mul3A_117 = vector.broadcast %reduce_sum3A_116 : i32 to vector<16xi32>
      %mul3A_118 = arith.muli %convert_element_type3A_111, %mul3A_117 : vector<16xi32>
      %add3A_119 = arith.addi %add3A_97, %mul3A_118 : vector<16xi32>
      %eq3A_120 = arith.constant 4 : i32
      %eq3A_121 = vector.broadcast %eq3A_120 : i32 to vector<16xi32>
      %eq3A_122 = arith.cmpi eq, %div3A_36, %eq3A_121 : vector<16xi32>
      %and3A_123 = arith.andi %and3A, %eq3A_122 : vector<16xi1>
      %slice3A_124 = vector.extract_strided_slice %add3A_119 {offsets = [4], sizes = [1], strides = [1]} : vector<16xi32> to vector<1xi32>
      %squeeze3A_125 = vector.extract %slice3A_124[0] : i32 from vector<1xi32>
      %swap3A_126 = arith.constant 4 : i32
      %swap3A_127 = arith.index_cast %swap3A_126 : i32 to index
      %swap3A_128 = arith.index_cast %squeeze3A_125 : i32 to index
      %swap3A_129 = tpu.vector_load %arg12[%swap3A_127, %swap3A_128] masked %and3A_123 {strides = array<i32>} : memref<16x256xi32, #tpu.memory_space<vmem>>, vector<16xi32>, vector<16xi1>
      tpu.vector_store %arg12[%swap3A_127, %swap3A_128], %or3A masked %and3A_123 {strides = array<i32>} : memref<16x256xi32, #tpu.memory_space<vmem>>, vector<16xi32>, vector<16xi1>
      %eq3A_130 = arith.constant 4 : i32
      %eq3A_131 = vector.broadcast %eq3A_130 : i32 to vector<16xi32>
      %eq3A_132 = arith.cmpi eq, %iota3A, %eq3A_131 : vector<16xi32>
      %convert_element_type3A_133 = arith.extui %eq3A_132 : vector<16xi1> to vector<16xi32>
      %convert_element_type3A_134 = arith.extui %and3A_123 : vector<16xi1> to vector<16xi32>
      %reduce_sum3A_135 = arith.constant true
      %reduce_sum3A_136 = vector.broadcast %reduce_sum3A_135 : i1 to vector<16xi1>
      %reduce_sum3A_137 = tpu.scan <sum>, %convert_element_type3A_134 masked %reduce_sum3A_136 : vector<16xi32>, vector<16xi1> -> vector<16xi32>
      %reduce_sum3A_138 = vector.extract %reduce_sum3A_137[15] : i32 from vector<16xi32>
      %mul3A_139 = vector.broadcast %reduce_sum3A_138 : i32 to vector<16xi32>
      %mul3A_140 = arith.muli %convert_element_type3A_133, %mul3A_139 : vector<16xi32>
      %add3A_141 = arith.addi %add3A_119, %mul3A_140 : vector<16xi32>
      %eq3A_142 = arith.constant 5 : i32
      %eq3A_143 = vector.broadcast %eq3A_142 : i32 to vector<16xi32>
      %eq3A_144 = arith.cmpi eq, %div3A_36, %eq3A_143 : vector<16xi32>
      %and3A_145 = arith.andi %and3A, %eq3A_144 : vector<16xi1>
      %slice3A_146 = vector.extract_strided_slice %add3A_141 {offsets = [5], sizes = [1], strides = [1]} : vector<16xi32> to vector<1xi32>
      %squeeze3A_147 = vector.extract %slice3A_146[0] : i32 from vector<1xi32>
      %swap3A_148 = arith.constant 5 : i32
      %swap3A_149 = arith.index_cast %swap3A_148 : i32 to index
      %swap3A_150 = arith.index_cast %squeeze3A_147 : i32 to index
      %swap3A_151 = tpu.vector_load %arg12[%swap3A_149, %swap3A_150] masked %and3A_145 {strides = array<i32>} : memref<16x256xi32, #tpu.memory_space<vmem>>, vector<16xi32>, vector<16xi1>
      tpu.vector_store %arg12[%swap3A_149, %swap3A_150], %or3A masked %and3A_145 {strides = array<i32>} : memref<16x256xi32, #tpu.memory_space<vmem>>, vector<16xi32>, vector<16xi1>
      %eq3A_152 = arith.constant 5 : i32
      %eq3A_153 = vector.broadcast %eq3A_152 : i32 to vector<16xi32>
      %eq3A_154 = arith.cmpi eq, %iota3A, %eq3A_153 : vector<16xi32>
      %convert_element_type3A_155 = arith.extui %eq3A_154 : vector<16xi1> to vector<16xi32>
      %convert_element_type3A_156 = arith.extui %and3A_145 : vector<16xi1> to vector<16xi32>
      %reduce_sum3A_157 = arith.constant true
      %reduce_sum3A_158 = vector.broadcast %reduce_sum3A_157 : i1 to vector<16xi1>
      %reduce_sum3A_159 = tpu.scan <sum>, %convert_element_type3A_156 masked %reduce_sum3A_158 : vector<16xi32>, vector<16xi1> -> vector<16xi32>
      %reduce_sum3A_160 = vector.extract %reduce_sum3A_159[15] : i32 from vector<16xi32>
      %mul3A_161 = vector.broadcast %reduce_sum3A_160 : i32 to vector<16xi32>
      %mul3A_162 = arith.muli %convert_element_type3A_155, %mul3A_161 : vector<16xi32>
      %add3A_163 = arith.addi %add3A_141, %mul3A_162 : vector<16xi32>
      %eq3A_164 = arith.constant 6 : i32
      %eq3A_165 = vector.broadcast %eq3A_164 : i32 to vector<16xi32>
      %eq3A_166 = arith.cmpi eq, %div3A_36, %eq3A_165 : vector<16xi32>
      %and3A_167 = arith.andi %and3A, %eq3A_166 : vector<16xi1>
      %slice3A_168 = vector.extract_strided_slice %add3A_163 {offsets = [6], sizes = [1], strides = [1]} : vector<16xi32> to vector<1xi32>
      %squeeze3A_169 = vector.extract %slice3A_168[0] : i32 from vector<1xi32>
      %swap3A_170 = arith.constant 6 : i32
      %swap3A_171 = arith.index_cast %swap3A_170 : i32 to index
      %swap3A_172 = arith.index_cast %squeeze3A_169 : i32 to index
      %swap3A_173 = tpu.vector_load %arg12[%swap3A_171, %swap3A_172] masked %and3A_167 {strides = array<i32>} : memref<16x256xi32, #tpu.memory_space<vmem>>, vector<16xi32>, vector<16xi1>
      tpu.vector_store %arg12[%swap3A_171, %swap3A_172], %or3A masked %and3A_167 {strides = array<i32>} : memref<16x256xi32, #tpu.memory_space<vmem>>, vector<16xi32>, vector<16xi1>
      %eq3A_174 = arith.constant 6 : i32
      %eq3A_175 = vector.broadcast %eq3A_174 : i32 to vector<16xi32>
      %eq3A_176 = arith.cmpi eq, %iota3A, %eq3A_175 : vector<16xi32>
      %convert_element_type3A_177 = arith.extui %eq3A_176 : vector<16xi1> to vector<16xi32>
      %convert_element_type3A_178 = arith.extui %and3A_167 : vector<16xi1> to vector<16xi32>
      %reduce_sum3A_179 = arith.constant true
      %reduce_sum3A_180 = vector.broadcast %reduce_sum3A_179 : i1 to vector<16xi1>
      %reduce_sum3A_181 = tpu.scan <sum>, %convert_element_type3A_178 masked %reduce_sum3A_180 : vector<16xi32>, vector<16xi1> -> vector<16xi32>
      %reduce_sum3A_182 = vector.extract %reduce_sum3A_181[15] : i32 from vector<16xi32>
      %mul3A_183 = vector.broadcast %reduce_sum3A_182 : i32 to vector<16xi32>
      %mul3A_184 = arith.muli %convert_element_type3A_177, %mul3A_183 : vector<16xi32>
      %add3A_185 = arith.addi %add3A_163, %mul3A_184 : vector<16xi32>
      %eq3A_186 = arith.constant 7 : i32
      %eq3A_187 = vector.broadcast %eq3A_186 : i32 to vector<16xi32>
      %eq3A_188 = arith.cmpi eq, %div3A_36, %eq3A_187 : vector<16xi32>
      %and3A_189 = arith.andi %and3A, %eq3A_188 : vector<16xi1>
      %slice3A_190 = vector.extract_strided_slice %add3A_185 {offsets = [7], sizes = [1], strides = [1]} : vector<16xi32> to vector<1xi32>
      %squeeze3A_191 = vector.extract %slice3A_190[0] : i32 from vector<1xi32>
      %swap3A_192 = arith.constant 7 : i32
      %swap3A_193 = arith.index_cast %swap3A_192 : i32 to index
      %swap3A_194 = arith.index_cast %squeeze3A_191 : i32 to index
      %swap3A_195 = tpu.vector_load %arg12[%swap3A_193, %swap3A_194] masked %and3A_189 {strides = array<i32>} : memref<16x256xi32, #tpu.memory_space<vmem>>, vector<16xi32>, vector<16xi1>
      tpu.vector_store %arg12[%swap3A_193, %swap3A_194], %or3A masked %and3A_189 {strides = array<i32>} : memref<16x256xi32, #tpu.memory_space<vmem>>, vector<16xi32>, vector<16xi1>
      %eq3A_196 = arith.constant 7 : i32
      %eq3A_197 = vector.broadcast %eq3A_196 : i32 to vector<16xi32>
      %eq3A_198 = arith.cmpi eq, %iota3A, %eq3A_197 : vector<16xi32>
      %convert_element_type3A_199 = arith.extui %eq3A_198 : vector<16xi1> to vector<16xi32>
      %convert_element_type3A_200 = arith.extui %and3A_189 : vector<16xi1> to vector<16xi32>
      %reduce_sum3A_201 = arith.constant true
      %reduce_sum3A_202 = vector.broadcast %reduce_sum3A_201 : i1 to vector<16xi1>
      %reduce_sum3A_203 = tpu.scan <sum>, %convert_element_type3A_200 masked %reduce_sum3A_202 : vector<16xi32>, vector<16xi1> -> vector<16xi32>
      %reduce_sum3A_204 = vector.extract %reduce_sum3A_203[15] : i32 from vector<16xi32>
      %mul3A_205 = vector.broadcast %reduce_sum3A_204 : i32 to vector<16xi32>
      %mul3A_206 = arith.muli %convert_element_type3A_199, %mul3A_205 : vector<16xi32>
      %add3A_207 = arith.addi %add3A_185, %mul3A_206 : vector<16xi32>
      %eq3A_208 = arith.constant 8 : i32
      %eq3A_209 = vector.broadcast %eq3A_208 : i32 to vector<16xi32>
      %eq3A_210 = arith.cmpi eq, %div3A_36, %eq3A_209 : vector<16xi32>
      %and3A_211 = arith.andi %and3A, %eq3A_210 : vector<16xi1>
      %slice3A_212 = vector.extract_strided_slice %add3A_207 {offsets = [8], sizes = [1], strides = [1]} : vector<16xi32> to vector<1xi32>
      %squeeze3A_213 = vector.extract %slice3A_212[0] : i32 from vector<1xi32>
      %swap3A_214 = arith.constant 8 : i32
      %swap3A_215 = arith.index_cast %swap3A_214 : i32 to index
      %swap3A_216 = arith.index_cast %squeeze3A_213 : i32 to index
      %swap3A_217 = tpu.vector_load %arg12[%swap3A_215, %swap3A_216] masked %and3A_211 {strides = array<i32>} : memref<16x256xi32, #tpu.memory_space<vmem>>, vector<16xi32>, vector<16xi1>
      tpu.vector_store %arg12[%swap3A_215, %swap3A_216], %or3A masked %and3A_211 {strides = array<i32>} : memref<16x256xi32, #tpu.memory_space<vmem>>, vector<16xi32>, vector<16xi1>
      %eq3A_218 = arith.constant 8 : i32
      %eq3A_219 = vector.broadcast %eq3A_218 : i32 to vector<16xi32>
      %eq3A_220 = arith.cmpi eq, %iota3A, %eq3A_219 : vector<16xi32>
      %convert_element_type3A_221 = arith.extui %eq3A_220 : vector<16xi1> to vector<16xi32>
      %convert_element_type3A_222 = arith.extui %and3A_211 : vector<16xi1> to vector<16xi32>
      %reduce_sum3A_223 = arith.constant true
      %reduce_sum3A_224 = vector.broadcast %reduce_sum3A_223 : i1 to vector<16xi1>
      %reduce_sum3A_225 = tpu.scan <sum>, %convert_element_type3A_222 masked %reduce_sum3A_224 : vector<16xi32>, vector<16xi1> -> vector<16xi32>
      %reduce_sum3A_226 = vector.extract %reduce_sum3A_225[15] : i32 from vector<16xi32>
      %mul3A_227 = vector.broadcast %reduce_sum3A_226 : i32 to vector<16xi32>
      %mul3A_228 = arith.muli %convert_element_type3A_221, %mul3A_227 : vector<16xi32>
      %add3A_229 = arith.addi %add3A_207, %mul3A_228 : vector<16xi32>
      %eq3A_230 = arith.constant 9 : i32
      %eq3A_231 = vector.broadcast %eq3A_230 : i32 to vector<16xi32>
      %eq3A_232 = arith.cmpi eq, %div3A_36, %eq3A_231 : vector<16xi32>
      %and3A_233 = arith.andi %and3A, %eq3A_232 : vector<16xi1>
      %slice3A_234 = vector.extract_strided_slice %add3A_229 {offsets = [9], sizes = [1], strides = [1]} : vector<16xi32> to vector<1xi32>
      %squeeze3A_235 = vector.extract %slice3A_234[0] : i32 from vector<1xi32>
      %swap3A_236 = arith.constant 9 : i32
      %swap3A_237 = arith.index_cast %swap3A_236 : i32 to index
      %swap3A_238 = arith.index_cast %squeeze3A_235 : i32 to index
      %swap3A_239 = tpu.vector_load %arg12[%swap3A_237, %swap3A_238] masked %and3A_233 {strides = array<i32>} : memref<16x256xi32, #tpu.memory_space<vmem>>, vector<16xi32>, vector<16xi1>
      tpu.vector_store %arg12[%swap3A_237, %swap3A_238], %or3A masked %and3A_233 {strides = array<i32>} : memref<16x256xi32, #tpu.memory_space<vmem>>, vector<16xi32>, vector<16xi1>
      %eq3A_240 = arith.constant 9 : i32
      %eq3A_241 = vector.broadcast %eq3A_240 : i32 to vector<16xi32>
      %eq3A_242 = arith.cmpi eq, %iota3A, %eq3A_241 : vector<16xi32>
      %convert_element_type3A_243 = arith.extui %eq3A_242 : vector<16xi1> to vector<16xi32>
      %convert_element_type3A_244 = arith.extui %and3A_233 : vector<16xi1> to vector<16xi32>
      %reduce_sum3A_245 = arith.constant true
      %reduce_sum3A_246 = vector.broadcast %reduce_sum3A_245 : i1 to vector<16xi1>
      %reduce_sum3A_247 = tpu.scan <sum>, %convert_element_type3A_244 masked %reduce_sum3A_246 : vector<16xi32>, vector<16xi1> -> vector<16xi32>
      %reduce_sum3A_248 = vector.extract %reduce_sum3A_247[15] : i32 from vector<16xi32>
      %mul3A_249 = vector.broadcast %reduce_sum3A_248 : i32 to vector<16xi32>
      %mul3A_250 = arith.muli %convert_element_type3A_243, %mul3A_249 : vector<16xi32>
      %add3A_251 = arith.addi %add3A_229, %mul3A_250 : vector<16xi32>
      %eq3A_252 = arith.constant 10 : i32
      %eq3A_253 = vector.broadcast %eq3A_252 : i32 to vector<16xi32>
      %eq3A_254 = arith.cmpi eq, %div3A_36, %eq3A_253 : vector<16xi32>
      %and3A_255 = arith.andi %and3A, %eq3A_254 : vector<16xi1>
      %slice3A_256 = vector.extract_strided_slice %add3A_251 {offsets = [10], sizes = [1], strides = [1]} : vector<16xi32> to vector<1xi32>
      %squeeze3A_257 = vector.extract %slice3A_256[0] : i32 from vector<1xi32>
      %swap3A_258 = arith.constant 10 : i32
      %swap3A_259 = arith.index_cast %swap3A_258 : i32 to index
      %swap3A_260 = arith.index_cast %squeeze3A_257 : i32 to index
      %swap3A_261 = tpu.vector_load %arg12[%swap3A_259, %swap3A_260] masked %and3A_255 {strides = array<i32>} : memref<16x256xi32, #tpu.memory_space<vmem>>, vector<16xi32>, vector<16xi1>
      tpu.vector_store %arg12[%swap3A_259, %swap3A_260], %or3A masked %and3A_255 {strides = array<i32>} : memref<16x256xi32, #tpu.memory_space<vmem>>, vector<16xi32>, vector<16xi1>
      %eq3A_262 = arith.constant 10 : i32
      %eq3A_263 = vector.broadcast %eq3A_262 : i32 to vector<16xi32>
      %eq3A_264 = arith.cmpi eq, %iota3A, %eq3A_263 : vector<16xi32>
      %convert_element_type3A_265 = arith.extui %eq3A_264 : vector<16xi1> to vector<16xi32>
      %convert_element_type3A_266 = arith.extui %and3A_255 : vector<16xi1> to vector<16xi32>
      %reduce_sum3A_267 = arith.constant true
      %reduce_sum3A_268 = vector.broadcast %reduce_sum3A_267 : i1 to vector<16xi1>
      %reduce_sum3A_269 = tpu.scan <sum>, %convert_element_type3A_266 masked %reduce_sum3A_268 : vector<16xi32>, vector<16xi1> -> vector<16xi32>
      %reduce_sum3A_270 = vector.extract %reduce_sum3A_269[15] : i32 from vector<16xi32>
      %mul3A_271 = vector.broadcast %reduce_sum3A_270 : i32 to vector<16xi32>
      %mul3A_272 = arith.muli %convert_element_type3A_265, %mul3A_271 : vector<16xi32>
      %add3A_273 = arith.addi %add3A_251, %mul3A_272 : vector<16xi32>
      %eq3A_274 = arith.constant 11 : i32
      %eq3A_275 = vector.broadcast %eq3A_274 : i32 to vector<16xi32>
      %eq3A_276 = arith.cmpi eq, %div3A_36, %eq3A_275 : vector<16xi32>
      %and3A_277 = arith.andi %and3A, %eq3A_276 : vector<16xi1>
      %slice3A_278 = vector.extract_strided_slice %add3A_273 {offsets = [11], sizes = [1], strides = [1]} : vector<16xi32> to vector<1xi32>
      %squeeze3A_279 = vector.extract %slice3A_278[0] : i32 from vector<1xi32>
      %swap3A_280 = arith.constant 11 : i32
      %swap3A_281 = arith.index_cast %swap3A_280 : i32 to index
      %swap3A_282 = arith.index_cast %squeeze3A_279 : i32 to index
      %swap3A_283 = tpu.vector_load %arg12[%swap3A_281, %swap3A_282] masked %and3A_277 {strides = array<i32>} : memref<16x256xi32, #tpu.memory_space<vmem>>, vector<16xi32>, vector<16xi1>
      tpu.vector_store %arg12[%swap3A_281, %swap3A_282], %or3A masked %and3A_277 {strides = array<i32>} : memref<16x256xi32, #tpu.memory_space<vmem>>, vector<16xi32>, vector<16xi1>
      %eq3A_284 = arith.constant 11 : i32
      %eq3A_285 = vector.broadcast %eq3A_284 : i32 to vector<16xi32>
      %eq3A_286 = arith.cmpi eq, %iota3A, %eq3A_285 : vector<16xi32>
      %convert_element_type3A_287 = arith.extui %eq3A_286 : vector<16xi1> to vector<16xi32>
      %convert_element_type3A_288 = arith.extui %and3A_277 : vector<16xi1> to vector<16xi32>
      %reduce_sum3A_289 = arith.constant true
      %reduce_sum3A_290 = vector.broadcast %reduce_sum3A_289 : i1 to vector<16xi1>
      %reduce_sum3A_291 = tpu.scan <sum>, %convert_element_type3A_288 masked %reduce_sum3A_290 : vector<16xi32>, vector<16xi1> -> vector<16xi32>
      %reduce_sum3A_292 = vector.extract %reduce_sum3A_291[15] : i32 from vector<16xi32>
      %mul3A_293 = vector.broadcast %reduce_sum3A_292 : i32 to vector<16xi32>
      %mul3A_294 = arith.muli %convert_element_type3A_287, %mul3A_293 : vector<16xi32>
      %add3A_295 = arith.addi %add3A_273, %mul3A_294 : vector<16xi32>
      %eq3A_296 = arith.constant 12 : i32
      %eq3A_297 = vector.broadcast %eq3A_296 : i32 to vector<16xi32>
      %eq3A_298 = arith.cmpi eq, %div3A_36, %eq3A_297 : vector<16xi32>
      %and3A_299 = arith.andi %and3A, %eq3A_298 : vector<16xi1>
      %slice3A_300 = vector.extract_strided_slice %add3A_295 {offsets = [12], sizes = [1], strides = [1]} : vector<16xi32> to vector<1xi32>
      %squeeze3A_301 = vector.extract %slice3A_300[0] : i32 from vector<1xi32>
      %swap3A_302 = arith.constant 12 : i32
      %swap3A_303 = arith.index_cast %swap3A_302 : i32 to index
      %swap3A_304 = arith.index_cast %squeeze3A_301 : i32 to index
      %swap3A_305 = tpu.vector_load %arg12[%swap3A_303, %swap3A_304] masked %and3A_299 {strides = array<i32>} : memref<16x256xi32, #tpu.memory_space<vmem>>, vector<16xi32>, vector<16xi1>
      tpu.vector_store %arg12[%swap3A_303, %swap3A_304], %or3A masked %and3A_299 {strides = array<i32>} : memref<16x256xi32, #tpu.memory_space<vmem>>, vector<16xi32>, vector<16xi1>
      %eq3A_306 = arith.constant 12 : i32
      %eq3A_307 = vector.broadcast %eq3A_306 : i32 to vector<16xi32>
      %eq3A_308 = arith.cmpi eq, %iota3A, %eq3A_307 : vector<16xi32>
      %convert_element_type3A_309 = arith.extui %eq3A_308 : vector<16xi1> to vector<16xi32>
      %convert_element_type3A_310 = arith.extui %and3A_299 : vector<16xi1> to vector<16xi32>
      %reduce_sum3A_311 = arith.constant true
      %reduce_sum3A_312 = vector.broadcast %reduce_sum3A_311 : i1 to vector<16xi1>
      %reduce_sum3A_313 = tpu.scan <sum>, %convert_element_type3A_310 masked %reduce_sum3A_312 : vector<16xi32>, vector<16xi1> -> vector<16xi32>
      %reduce_sum3A_314 = vector.extract %reduce_sum3A_313[15] : i32 from vector<16xi32>
      %mul3A_315 = vector.broadcast %reduce_sum3A_314 : i32 to vector<16xi32>
      %mul3A_316 = arith.muli %convert_element_type3A_309, %mul3A_315 : vector<16xi32>
      %add3A_317 = arith.addi %add3A_295, %mul3A_316 : vector<16xi32>
      %eq3A_318 = arith.constant 13 : i32
      %eq3A_319 = vector.broadcast %eq3A_318 : i32 to vector<16xi32>
      %eq3A_320 = arith.cmpi eq, %div3A_36, %eq3A_319 : vector<16xi32>
      %and3A_321 = arith.andi %and3A, %eq3A_320 : vector<16xi1>
      %slice3A_322 = vector.extract_strided_slice %add3A_317 {offsets = [13], sizes = [1], strides = [1]} : vector<16xi32> to vector<1xi32>
      %squeeze3A_323 = vector.extract %slice3A_322[0] : i32 from vector<1xi32>
      %swap3A_324 = arith.constant 13 : i32
      %swap3A_325 = arith.index_cast %swap3A_324 : i32 to index
      %swap3A_326 = arith.index_cast %squeeze3A_323 : i32 to index
      %swap3A_327 = tpu.vector_load %arg12[%swap3A_325, %swap3A_326] masked %and3A_321 {strides = array<i32>} : memref<16x256xi32, #tpu.memory_space<vmem>>, vector<16xi32>, vector<16xi1>
      tpu.vector_store %arg12[%swap3A_325, %swap3A_326], %or3A masked %and3A_321 {strides = array<i32>} : memref<16x256xi32, #tpu.memory_space<vmem>>, vector<16xi32>, vector<16xi1>
      %eq3A_328 = arith.constant 13 : i32
      %eq3A_329 = vector.broadcast %eq3A_328 : i32 to vector<16xi32>
      %eq3A_330 = arith.cmpi eq, %iota3A, %eq3A_329 : vector<16xi32>
      %convert_element_type3A_331 = arith.extui %eq3A_330 : vector<16xi1> to vector<16xi32>
      %convert_element_type3A_332 = arith.extui %and3A_321 : vector<16xi1> to vector<16xi32>
      %reduce_sum3A_333 = arith.constant true
      %reduce_sum3A_334 = vector.broadcast %reduce_sum3A_333 : i1 to vector<16xi1>
      %reduce_sum3A_335 = tpu.scan <sum>, %convert_element_type3A_332 masked %reduce_sum3A_334 : vector<16xi32>, vector<16xi1> -> vector<16xi32>
      %reduce_sum3A_336 = vector.extract %reduce_sum3A_335[15] : i32 from vector<16xi32>
      %mul3A_337 = vector.broadcast %reduce_sum3A_336 : i32 to vector<16xi32>
      %mul3A_338 = arith.muli %convert_element_type3A_331, %mul3A_337 : vector<16xi32>
      %add3A_339 = arith.addi %add3A_317, %mul3A_338 : vector<16xi32>
      %eq3A_340 = arith.constant 14 : i32
      %eq3A_341 = vector.broadcast %eq3A_340 : i32 to vector<16xi32>
      %eq3A_342 = arith.cmpi eq, %div3A_36, %eq3A_341 : vector<16xi32>
      %and3A_343 = arith.andi %and3A, %eq3A_342 : vector<16xi1>
      %slice3A_344 = vector.extract_strided_slice %add3A_339 {offsets = [14], sizes = [1], strides = [1]} : vector<16xi32> to vector<1xi32>
      %squeeze3A_345 = vector.extract %slice3A_344[0] : i32 from vector<1xi32>
      %swap3A_346 = arith.constant 14 : i32
      %swap3A_347 = arith.index_cast %swap3A_346 : i32 to index
      %swap3A_348 = arith.index_cast %squeeze3A_345 : i32 to index
      %swap3A_349 = tpu.vector_load %arg12[%swap3A_347, %swap3A_348] masked %and3A_343 {strides = array<i32>} : memref<16x256xi32, #tpu.memory_space<vmem>>, vector<16xi32>, vector<16xi1>
      tpu.vector_store %arg12[%swap3A_347, %swap3A_348], %or3A masked %and3A_343 {strides = array<i32>} : memref<16x256xi32, #tpu.memory_space<vmem>>, vector<16xi32>, vector<16xi1>
      %eq3A_350 = arith.constant 14 : i32
      %eq3A_351 = vector.broadcast %eq3A_350 : i32 to vector<16xi32>
      %eq3A_352 = arith.cmpi eq, %iota3A, %eq3A_351 : vector<16xi32>
      %convert_element_type3A_353 = arith.extui %eq3A_352 : vector<16xi1> to vector<16xi32>
      %convert_element_type3A_354 = arith.extui %and3A_343 : vector<16xi1> to vector<16xi32>
      %reduce_sum3A_355 = arith.constant true
      %reduce_sum3A_356 = vector.broadcast %reduce_sum3A_355 : i1 to vector<16xi1>
      %reduce_sum3A_357 = tpu.scan <sum>, %convert_element_type3A_354 masked %reduce_sum3A_356 : vector<16xi32>, vector<16xi1> -> vector<16xi32>
      %reduce_sum3A_358 = vector.extract %reduce_sum3A_357[15] : i32 from vector<16xi32>
      %mul3A_359 = vector.broadcast %reduce_sum3A_358 : i32 to vector<16xi32>
      %mul3A_360 = arith.muli %convert_element_type3A_353, %mul3A_359 : vector<16xi32>
      %add3A_361 = arith.addi %add3A_339, %mul3A_360 : vector<16xi32>
      %eq3A_362 = arith.constant 15 : i32
      %eq3A_363 = vector.broadcast %eq3A_362 : i32 to vector<16xi32>
      %eq3A_364 = arith.cmpi eq, %div3A_36, %eq3A_363 : vector<16xi32>
      %and3A_365 = arith.andi %and3A, %eq3A_364 : vector<16xi1>
      %slice3A_366 = vector.extract_strided_slice %add3A_361 {offsets = [15], sizes = [1], strides = [1]} : vector<16xi32> to vector<1xi32>
      %squeeze3A_367 = vector.extract %slice3A_366[0] : i32 from vector<1xi32>
      %swap3A_368 = arith.constant 15 : i32
      %swap3A_369 = arith.index_cast %swap3A_368 : i32 to index
      %swap3A_370 = arith.index_cast %squeeze3A_367 : i32 to index
      %swap3A_371 = tpu.vector_load %arg12[%swap3A_369, %swap3A_370] masked %and3A_365 {strides = array<i32>} : memref<16x256xi32, #tpu.memory_space<vmem>>, vector<16xi32>, vector<16xi1>
      tpu.vector_store %arg12[%swap3A_369, %swap3A_370], %or3A masked %and3A_365 {strides = array<i32>} : memref<16x256xi32, #tpu.memory_space<vmem>>, vector<16xi32>, vector<16xi1>
      %eq3A_372 = arith.constant 15 : i32
      %eq3A_373 = vector.broadcast %eq3A_372 : i32 to vector<16xi32>
      %eq3A_374 = arith.cmpi eq, %iota3A, %eq3A_373 : vector<16xi32>
      %convert_element_type3A_375 = arith.extui %eq3A_374 : vector<16xi1> to vector<16xi32>
      %convert_element_type3A_376 = arith.extui %and3A_365 : vector<16xi1> to vector<16xi32>
      %reduce_sum3A_377 = arith.constant true
      %reduce_sum3A_378 = vector.broadcast %reduce_sum3A_377 : i1 to vector<16xi1>
      %reduce_sum3A_379 = tpu.scan <sum>, %convert_element_type3A_376 masked %reduce_sum3A_378 : vector<16xi32>, vector<16xi1> -> vector<16xi32>
      %reduce_sum3A_380 = vector.extract %reduce_sum3A_379[15] : i32 from vector<16xi32>
      %mul3A_381 = vector.broadcast %reduce_sum3A_380 : i32 to vector<16xi32>
      %mul3A_382 = arith.muli %convert_element_type3A_375, %mul3A_381 : vector<16xi32>
      %add3A_383 = arith.addi %add3A_361, %mul3A_382 : vector<16xi32>
      scf.yield %add3A_383 : vector<16xi32>
    }
    %scan3A_14 = arith.constant 313 : i32
    %swap3A = arith.constant 0 : index
    %swap3A_15 = tpu.vector_load %arg13[%swap3A] {strides = array<i32>} : memref<16xi32, #tpu.memory_space<vmem>>, vector<16xi32>,
    tpu.vector_store %arg13[%swap3A], %scan3A_13 {strides = array<i32>} : memref<16xi32, #tpu.memory_space<vmem>>, vector<16xi32>,
    "tpu.region"() ({
      %run_scoped3A = tpu.sem_alloc : memref<!tpu.dma_semaphore, #tpu.memory_space<semaphore_mem>>
      %dma_start3A = arith.constant 0 : i32
      %dma_start3A_18 = arith.constant 0 : i32
      %dma_start3A_19 = tpu.memref_slice %arg7[%add3A, %dma_start3A, %dma_start3A_18] : memref<32x16x256xi32, #tpu.memory_space<hbm>> -> memref<1x16x256xi32, #tpu.memory_space<hbm>>
      %dma_start3A_20 = tpu.memref_squeeze %dma_start3A_19 : memref<1x16x256xi32, #tpu.memory_space<hbm>> -> memref<16x256xi32, #tpu.memory_space<hbm>>
      %dma_start3A_21 = arith.constant 0 : i32
      %dma_start3A_22 = arith.constant 0 : i32
      %dma_start3A_23 = tpu.memref_slice %arg7[%add3A, %dma_start3A_21, %dma_start3A_22] : memref<32x16x256xi32, #tpu.memory_space<hbm>> -> memref<1x16x256xi32, #tpu.memory_space<hbm>>
      %dma_start3A_24 = tpu.memref_squeeze %dma_start3A_23 : memref<1x16x256xi32, #tpu.memory_space<hbm>> -> memref<16x256xi32, #tpu.memory_space<hbm>>
      tpu.enqueue_dma source(%arg12 : memref<16x256xi32, #tpu.memory_space<vmem>>) target(%dma_start3A_24 : memref<16x256xi32, #tpu.memory_space<hbm>>) target_semaphore(%run_scoped3A : memref<!tpu.dma_semaphore, #tpu.memory_space<semaphore_mem>>)
      %dma_wait3A = arith.constant 0 : i32
      %dma_wait3A_25 = arith.constant 0 : i32
      %dma_wait3A_26 = tpu.memref_slice %arg7[%add3A, %dma_wait3A, %dma_wait3A_25] : memref<32x16x256xi32, #tpu.memory_space<hbm>> -> memref<1x16x256xi32, #tpu.memory_space<hbm>>
      %dma_wait3A_27 = tpu.memref_squeeze %dma_wait3A_26 : memref<1x16x256xi32, #tpu.memory_space<hbm>> -> memref<16x256xi32, #tpu.memory_space<hbm>>
      %dma_wait3A_28 = arith.constant 0 : i32
      %dma_wait3A_29 = arith.constant 0 : i32
      %dma_wait3A_30 = tpu.memref_slice %arg7[%add3A, %dma_wait3A_28, %dma_wait3A_29] : memref<32x16x256xi32, #tpu.memory_space<hbm>> -> memref<1x16x256xi32, #tpu.memory_space<hbm>>
      %dma_wait3A_31 = tpu.memref_squeeze %dma_wait3A_30 : memref<1x16x256xi32, #tpu.memory_space<hbm>> -> memref<16x256xi32, #tpu.memory_space<hbm>>
      tpu.wait_dma2 semaphore(%run_scoped3A : memref<!tpu.dma_semaphore, #tpu.memory_space<semaphore_mem>>) src(%arg12 : memref<16x256xi32, #tpu.memory_space<vmem>>) dst(%dma_wait3A_31 : memref<16x256xi32, #tpu.memory_space<hbm>>)
      tpu.yield
    }) : () -> ()
    %mul3A_16 = arith.constant 16 : i32
    %mul3A_17 = arith.muli %add3A, %mul3A_16 : i32
    "tpu.region"() ({
      %run_scoped3A = tpu.sem_alloc : memref<!tpu.dma_semaphore, #tpu.memory_space<semaphore_mem>>
      %dma_start3A = tpu.memref_slice %arg8[%mul3A_17] : memref<512xi32, #tpu.memory_space<hbm>> -> memref<16xi32, #tpu.memory_space<hbm>>
      %dma_start3A_18 = tpu.memref_slice %arg8[%mul3A_17] : memref<512xi32, #tpu.memory_space<hbm>> -> memref<16xi32, #tpu.memory_space<hbm>>
      tpu.enqueue_dma source(%arg13 : memref<16xi32, #tpu.memory_space<vmem>>) target(%dma_start3A_18 : memref<16xi32, #tpu.memory_space<hbm>>) target_semaphore(%run_scoped3A : memref<!tpu.dma_semaphore, #tpu.memory_space<semaphore_mem>>)
      %dma_wait3A = tpu.memref_slice %arg8[%mul3A_17] : memref<512xi32, #tpu.memory_space<hbm>> -> memref<16xi32, #tpu.memory_space<hbm>>
      %dma_wait3A_19 = tpu.memref_slice %arg8[%mul3A_17] : memref<512xi32, #tpu.memory_space<hbm>> -> memref<16xi32, #tpu.memory_space<hbm>>
      tpu.wait_dma2 semaphore(%run_scoped3A : memref<!tpu.dma_semaphore, #tpu.memory_space<semaphore_mem>>) src(%arg13 : memref<16xi32, #tpu.memory_space<vmem>>) dst(%dma_wait3A_19 : memref<16xi32, #tpu.memory_space<hbm>>)
      tpu.yield
    }) : () -> ()
    return
  }
}

#map = affine_map<(d0, d1) -> (0, 0)>
#map1 = affine_map<(d0, d1) -> (0)>
module attributes {stable_mosaic.version = 14 : i64} {
  func.func @_agg_body(%arg0: i32, %arg1: i32, %arg2: memref<32x2048xi32, #tpu.memory_space<hbm>>, %arg3: memref<512xi32, #tpu.memory_space<hbm>>, %arg4: memref<81920xf32, #tpu.memory_space<hbm>>, %arg5: memref<5000x128xi32, #tpu.memory_space<hbm>>, %arg6: memref<5000x128xi32, #tpu.memory_space<hbm>>, %arg7: memref<1310720xf32, #tpu.memory_space<hbm>>, %arg8: memref<1310720xf32, #tpu.memory_space<hbm>>, %arg9: memref<4096xi32, #tpu.memory_space<vmem>>, %arg10: memref<528xi32, #tpu.memory_space<vmem>>, %arg11: memref<128xi32, #tpu.memory_space<vmem>>, %arg12: memref<128xi32, #tpu.memory_space<vmem>>, %arg13: memref<64x128xi32, #tpu.memory_space<vmem>>, %arg14: memref<64x128xi32, #tpu.memory_space<vmem>>, %arg15: memref<82176xf32, #tpu.memory_space<vmem>>, %arg16: memref<!tpu.dma_semaphore, #tpu.memory_space<semaphore_mem>>, %arg17: memref<!tpu.dma_semaphore, #tpu.memory_space<semaphore_mem>>) attributes {dimension_semantics = [#tpu.dimension_semantics<core_parallel>, #tpu.dimension_semantics<subcore_parallel>], iteration_bounds = array<i64: 2, 16>, scalar_prefetch = 0 : i64, scratch_operands = 9 : i64, tpu.core_type = #tpu.core_type<sc_vector_subcore>, window_params = [{transform_indices = #map}, {transform_indices = #map1}, {transform_indices = #map1}, {transform_indices = #map}, {transform_indices = #map}, {transform_indices = #map1}, {transform_indices = #map1}]} {
    "tpu.region"() ({
      %run_scoped3A = tpu.sem_alloc : memref<!tpu.dma_semaphore, #tpu.memory_space<semaphore_mem>>
      %dma_start3A = arith.constant 0 : i32
      %dma_start3A_20 = tpu.memref_slice %arg10[%dma_start3A] : memref<528xi32, #tpu.memory_space<vmem>> -> memref<512xi32, #tpu.memory_space<vmem>>
      %dma_start3A_21 = arith.constant 0 : i32
      %dma_start3A_22 = tpu.memref_slice %arg10[%dma_start3A_21] : memref<528xi32, #tpu.memory_space<vmem>> -> memref<512xi32, #tpu.memory_space<vmem>>
      tpu.enqueue_dma source(%arg3 : memref<512xi32, #tpu.memory_space<hbm>>) target(%dma_start3A_22 : memref<512xi32, #tpu.memory_space<vmem>>) target_semaphore(%run_scoped3A : memref<!tpu.dma_semaphore, #tpu.memory_space<semaphore_mem>>)
      %dma_wait3A = arith.constant 0 : i32
      %dma_wait3A_23 = tpu.memref_slice %arg10[%dma_wait3A] : memref<528xi32, #tpu.memory_space<vmem>> -> memref<512xi32, #tpu.memory_space<vmem>>
      %dma_wait3A_24 = arith.constant 0 : i32
      %dma_wait3A_25 = tpu.memref_slice %arg10[%dma_wait3A_24] : memref<528xi32, #tpu.memory_space<vmem>> -> memref<512xi32, #tpu.memory_space<vmem>>
      tpu.wait_dma2 semaphore(%run_scoped3A : memref<!tpu.dma_semaphore, #tpu.memory_space<semaphore_mem>>) src(%arg3 : memref<512xi32, #tpu.memory_space<hbm>>) dst(%dma_wait3A_25 : memref<512xi32, #tpu.memory_space<vmem>>)
      tpu.yield
    }) : () -> ()
    "tpu.region"() ({
      %run_scoped3A = tpu.sem_alloc : memref<!tpu.dma_semaphore, #tpu.memory_space<semaphore_mem>>
      %dma_start3A = arith.constant 0 : i32
      %dma_start3A_20 = tpu.memref_slice %arg15[%dma_start3A] : memref<82176xf32, #tpu.memory_space<vmem>> -> memref<81920xf32, #tpu.memory_space<vmem>>
      %dma_start3A_21 = arith.constant 0 : i32
      %dma_start3A_22 = tpu.memref_slice %arg15[%dma_start3A_21] : memref<82176xf32, #tpu.memory_space<vmem>> -> memref<81920xf32, #tpu.memory_space<vmem>>
      tpu.enqueue_dma source(%arg4 : memref<81920xf32, #tpu.memory_space<hbm>>) target(%dma_start3A_22 : memref<81920xf32, #tpu.memory_space<vmem>>) target_semaphore(%run_scoped3A : memref<!tpu.dma_semaphore, #tpu.memory_space<semaphore_mem>>)
      %dma_wait3A = arith.constant 0 : i32
      %dma_wait3A_23 = tpu.memref_slice %arg15[%dma_wait3A] : memref<82176xf32, #tpu.memory_space<vmem>> -> memref<81920xf32, #tpu.memory_space<vmem>>
      %dma_wait3A_24 = arith.constant 0 : i32
      %dma_wait3A_25 = tpu.memref_slice %arg15[%dma_wait3A_24] : memref<82176xf32, #tpu.memory_space<vmem>> -> memref<81920xf32, #tpu.memory_space<vmem>>
      tpu.wait_dma2 semaphore(%run_scoped3A : memref<!tpu.dma_semaphore, #tpu.memory_space<semaphore_mem>>) src(%arg4 : memref<81920xf32, #tpu.memory_space<hbm>>) dst(%dma_wait3A_25 : memref<81920xf32, #tpu.memory_space<vmem>>)
      tpu.yield
    }) : () -> ()
    %mul3A = arith.constant 2 : i32
    %mul3A_0 = arith.muli %arg1, %mul3A : i32
    "tpu.region"() ({
      %run_scoped3A = tpu.sem_alloc : memref<!tpu.dma_semaphore, #tpu.memory_space<semaphore_mem>>
      %dma_start3A = arith.constant 0 : i32
      %dma_start3A_20 = tpu.memref_slice %arg9[%dma_start3A] : memref<4096xi32, #tpu.memory_space<vmem>> -> memref<2048xi32, #tpu.memory_space<vmem>>
      %dma_start3A_21 = arith.constant 0 : i32
      %dma_start3A_22 = tpu.memref_slice %arg2[%mul3A_0, %dma_start3A_21] : memref<32x2048xi32, #tpu.memory_space<hbm>> -> memref<1x2048xi32, #tpu.memory_space<hbm>>
      %dma_start3A_23 = tpu.memref_squeeze %dma_start3A_22 : memref<1x2048xi32, #tpu.memory_space<hbm>> -> memref<2048xi32, #tpu.memory_space<hbm>>
      %dma_start3A_24 = arith.constant 0 : i32
      %dma_start3A_25 = tpu.memref_slice %arg9[%dma_start3A_24] : memref<4096xi32, #tpu.memory_space<vmem>> -> memref<2048xi32, #tpu.memory_space<vmem>>
      %dma_start3A_26 = arith.constant 0 : i32
      %dma_start3A_27 = tpu.memref_slice %arg2[%mul3A_0, %dma_start3A_26] : memref<32x2048xi32, #tpu.memory_space<hbm>> -> memref<1x2048xi32, #tpu.memory_space<hbm>>
      %dma_start3A_28 = tpu.memref_squeeze %dma_start3A_27 : memref<1x2048xi32, #tpu.memory_space<hbm>> -> memref<2048xi32, #tpu.memory_space<hbm>>
      tpu.enqueue_dma source(%dma_start3A_28 : memref<2048xi32, #tpu.memory_space<hbm>>) target(%dma_start3A_25 : memref<2048xi32, #tpu.memory_space<vmem>>) target_semaphore(%run_scoped3A : memref<!tpu.dma_semaphore, #tpu.memory_space<semaphore_mem>>)
      %dma_wait3A = arith.constant 0 : i32
      %dma_wait3A_29 = tpu.memref_slice %arg9[%dma_wait3A] : memref<4096xi32, #tpu.memory_space<vmem>> -> memref<2048xi32, #tpu.memory_space<vmem>>
      %dma_wait3A_30 = arith.constant 0 : i32
      %dma_wait3A_31 = tpu.memref_slice %arg2[%mul3A_0, %dma_wait3A_30] : memref<32x2048xi32, #tpu.memory_space<hbm>> -> memref<1x2048xi32, #tpu.memory_space<hbm>>
      %dma_wait3A_32 = tpu.memref_squeeze %dma_wait3A_31 : memref<1x2048xi32, #tpu.memory_space<hbm>> -> memref<2048xi32, #tpu.memory_space<hbm>>
      %dma_wait3A_33 = arith.constant 0 : i32
      %dma_wait3A_34 = tpu.memref_slice %arg9[%dma_wait3A_33] : memref<4096xi32, #tpu.memory_space<vmem>> -> memref<2048xi32, #tpu.memory_space<vmem>>
      %dma_wait3A_35 = arith.constant 0 : i32
      %dma_wait3A_36 = tpu.memref_slice %arg2[%mul3A_0, %dma_wait3A_35] : memref<32x2048xi32, #tpu.memory_space<hbm>> -> memref<1x2048xi32, #tpu.memory_space<hbm>>
      %dma_wait3A_37 = tpu.memref_squeeze %dma_wait3A_36 : memref<1x2048xi32, #tpu.memory_space<hbm>> -> memref<2048xi32, #tpu.memory_space<hbm>>
      tpu.wait_dma2 semaphore(%run_scoped3A : memref<!tpu.dma_semaphore, #tpu.memory_space<semaphore_mem>>) src(%dma_wait3A_37 : memref<2048xi32, #tpu.memory_space<hbm>>) dst(%dma_wait3A_34 : memref<2048xi32, #tpu.memory_space<vmem>>)
      tpu.yield
    }) : () -> ()
    %mul3A_1 = arith.constant 2 : i32
    %mul3A_2 = arith.muli %arg1, %mul3A_1 : i32
    %add3A = arith.constant 1 : i32
    %add3A_3 = arith.addi %mul3A_2, %add3A : i32
    "tpu.region"() ({
      %run_scoped3A = tpu.sem_alloc : memref<!tpu.dma_semaphore, #tpu.memory_space<semaphore_mem>>
      %dma_start3A = arith.constant 2048 : i32
      %dma_start3A_20 = tpu.memref_slice %arg9[%dma_start3A] : memref<4096xi32, #tpu.memory_space<vmem>> -> memref<2048xi32, #tpu.memory_space<vmem>>
      %dma_start3A_21 = arith.constant 0 : i32
      %dma_start3A_22 = tpu.memref_slice %arg2[%add3A_3, %dma_start3A_21] : memref<32x2048xi32, #tpu.memory_space<hbm>> -> memref<1x2048xi32, #tpu.memory_space<hbm>>
      %dma_start3A_23 = tpu.memref_squeeze %dma_start3A_22 : memref<1x2048xi32, #tpu.memory_space<hbm>> -> memref<2048xi32, #tpu.memory_space<hbm>>
      %dma_start3A_24 = arith.constant 2048 : i32
      %dma_start3A_25 = tpu.memref_slice %arg9[%dma_start3A_24] : memref<4096xi32, #tpu.memory_space<vmem>> -> memref<2048xi32, #tpu.memory_space<vmem>>
      %dma_start3A_26 = arith.constant 0 : i32
      %dma_start3A_27 = tpu.memref_slice %arg2[%add3A_3, %dma_start3A_26] : memref<32x2048xi32, #tpu.memory_space<hbm>> -> memref<1x2048xi32, #tpu.memory_space<hbm>>
      %dma_start3A_28 = tpu.memref_squeeze %dma_start3A_27 : memref<1x2048xi32, #tpu.memory_space<hbm>> -> memref<2048xi32, #tpu.memory_space<hbm>>
      tpu.enqueue_dma source(%dma_start3A_28 : memref<2048xi32, #tpu.memory_space<hbm>>) target(%dma_start3A_25 : memref<2048xi32, #tpu.memory_space<vmem>>) target_semaphore(%run_scoped3A : memref<!tpu.dma_semaphore, #tpu.memory_space<semaphore_mem>>)
      %dma_wait3A = arith.constant 2048 : i32
      %dma_wait3A_29 = tpu.memref_slice %arg9[%dma_wait3A] : memref<4096xi32, #tpu.memory_space<vmem>> -> memref<2048xi32, #tpu.memory_space<vmem>>
      %dma_wait3A_30 = arith.constant 0 : i32
      %dma_wait3A_31 = tpu.memref_slice %arg2[%add3A_3, %dma_wait3A_30] : memref<32x2048xi32, #tpu.memory_space<hbm>> -> memref<1x2048xi32, #tpu.memory_space<hbm>>
      %dma_wait3A_32 = tpu.memref_squeeze %dma_wait3A_31 : memref<1x2048xi32, #tpu.memory_space<hbm>> -> memref<2048xi32, #tpu.memory_space<hbm>>
      %dma_wait3A_33 = arith.constant 2048 : i32
      %dma_wait3A_34 = tpu.memref_slice %arg9[%dma_wait3A_33] : memref<4096xi32, #tpu.memory_space<vmem>> -> memref<2048xi32, #tpu.memory_space<vmem>>
      %dma_wait3A_35 = arith.constant 0 : i32
      %dma_wait3A_36 = tpu.memref_slice %arg2[%add3A_3, %dma_wait3A_35] : memref<32x2048xi32, #tpu.memory_space<hbm>> -> memref<1x2048xi32, #tpu.memory_space<hbm>>
      %dma_wait3A_37 = tpu.memref_squeeze %dma_wait3A_36 : memref<1x2048xi32, #tpu.memory_space<hbm>> -> memref<2048xi32, #tpu.memory_space<hbm>>
      tpu.wait_dma2 semaphore(%run_scoped3A : memref<!tpu.dma_semaphore, #tpu.memory_space<semaphore_mem>>) src(%dma_wait3A_37 : memref<2048xi32, #tpu.memory_space<hbm>>) dst(%dma_wait3A_34 : memref<2048xi32, #tpu.memory_space<vmem>>)
      tpu.yield
    }) : () -> ()
    %scan3A = arith.constant 0 : i32
    %scan3A_4 = arith.constant 0 : i32
    %scan3A_5 = arith.constant 2 : i32
    %scan3A_6 = arith.addi %scan3A_4, %scan3A_5 : i32
    %scan3A_7 = arith.constant 1 : i32
    scf.for %scan3A_20 = %scan3A_4 to %scan3A_6 step %scan3A_7  : i32 {
      %mul3A_21 = arith.constant 2048 : i32
      %mul3A_22 = arith.muli %scan3A_20, %mul3A_21 : i32
      %mul3A_23 = arith.constant 32 : i32
      %mul3A_24 = arith.muli %arg1, %mul3A_23 : i32
      %mul3A_25 = arith.constant 16 : i32
      %mul3A_26 = arith.muli %scan3A_20, %mul3A_25 : i32
      %add3A_27 = arith.addi %mul3A_24, %mul3A_26 : i32
      %get3A = arith.index_cast %add3A_27 : i32 to index
      %get3A_28 = tpu.vector_load %arg10[%get3A] {strides = array<i32>} : memref<528xi32, #tpu.memory_space<vmem>>, vector<16xi32>,
      %slice3A = vector.extract_strided_slice %get3A_28 {offsets = [0], sizes = [1], strides = [1]} : vector<16xi32> to vector<1xi32>
      %squeeze3A = vector.extract %slice3A[0] : i32 from vector<1xi32>
      %add3A_29 = arith.constant 63 : i32
      %add3A_30 = arith.addi %squeeze3A, %add3A_29 : i32
      %div3A = arith.constant 64 : i32
      %div3A_31 = arith.divsi %add3A_30, %div3A : i32
      %gt3A = arith.constant 0 : i32
      %gt3A_32 = arith.cmpi sgt, %div3A_31, %gt3A : i32
      %convert_element_type3A_33 = arith.extui %gt3A_32 : i1 to i32
      %cond3A_34 = arith.constant 0 : i32
      %cond3A_35 = arith.cmpi ne, %convert_element_type3A_33, %cond3A_34 : i32
      scf.if %cond3A_35 {
        %scan3A_36 = arith.constant 0 : i32
        %scan3A_37 = arith.constant 0 : i32
        %scan3A_38 = arith.constant 4 : i32
        %scan3A_39 = arith.addi %scan3A_37, %scan3A_38 : i32
        %scan3A_40 = arith.constant 1 : i32
        scf.for %scan3A_61 = %scan3A_37 to %scan3A_39 step %scan3A_40  : i32 {
          %mul3A_62 = arith.constant 16 : i32
          %mul3A_63 = arith.muli %scan3A_61, %mul3A_62 : i32
          %add3A_64 = arith.addi %mul3A_22, %mul3A_63 : i32
          %get3A_65 = arith.index_cast %add3A_64 : i32 to index
          %get3A_66 = tpu.vector_load %arg9[%get3A_65] {strides = array<i32>} : memref<4096xi32, #tpu.memory_space<vmem>>, vector<16xi32>,
          %and3A = arith.constant 8191 : i32
          %and3A_67 = vector.broadcast %and3A : i32 to vector<16xi32>
          %and3A_68 = arith.andi %get3A_66, %and3A_67 : vector<16xi32>
          %mul3A_69 = arith.constant 16 : i32
          %mul3A_70 = arith.muli %scan3A_61, %mul3A_69 : i32
          %add3A_71 = arith.constant 0 : i32
          %add3A_72 = arith.addi %add3A_71, %mul3A_70 : i32
          %swap3A = arith.index_cast %add3A_72 : i32 to index
          %swap3A_73 = tpu.vector_load %arg11[%swap3A] {strides = array<i32>} : memref<128xi32, #tpu.memory_space<vmem>>, vector<16xi32>,
          tpu.vector_store %arg11[%swap3A], %and3A_68 {strides = array<i32>} : memref<128xi32, #tpu.memory_space<vmem>>, vector<16xi32>,
          %shift_right_arithmetic3A = arith.constant 13 : i32
          %shift_right_arithmetic3A_74 = vector.broadcast %shift_right_arithmetic3A : i32 to vector<16xi32>
          %shift_right_arithmetic3A_75 = arith.shrsi %get3A_66, %shift_right_arithmetic3A_74 : vector<16xi32>
          %mul3A_76 = arith.constant 320 : i32
          %mul3A_77 = arith.muli %arg1, %mul3A_76 : i32
          %sub3A = vector.broadcast %mul3A_77 : i32 to vector<16xi32>
          %sub3A_78 = arith.subi %shift_right_arithmetic3A_75, %sub3A : vector<16xi32>
          %mul3A_79 = arith.constant 256 : i32
          %mul3A_80 = vector.broadcast %mul3A_79 : i32 to vector<16xi32>
          %mul3A_81 = arith.muli %sub3A_78, %mul3A_80 : vector<16xi32>
          %mul3A_82 = arith.constant 16 : i32
          %mul3A_83 = arith.muli %scan3A_61, %mul3A_82 : i32
          %add3A_84 = arith.constant 0 : i32
          %add3A_85 = arith.addi %add3A_84, %mul3A_83 : i32
          %swap3A_86 = arith.index_cast %add3A_85 : i32 to index
          %swap3A_87 = tpu.vector_load %arg12[%swap3A_86] {strides = array<i32>} : memref<128xi32, #tpu.memory_space<vmem>>, vector<16xi32>,
          tpu.vector_store %arg12[%swap3A_86], %mul3A_81 {strides = array<i32>} : memref<128xi32, #tpu.memory_space<vmem>>, vector<16xi32>,
        }
        %scan3A_41 = arith.constant 4 : i32
        %eq3A_42 = arith.constant 0 : i32
        %eq3A_43 = arith.cmpi eq, %arg0, %eq3A_42 : i32
        %convert_element_type3A_44 = arith.extui %eq3A_43 : i1 to i32
        %cond3A_45 = arith.constant 0 : i32
        %cond3A_46 = arith.cmpi ne, %convert_element_type3A_44, %cond3A_45 : i32
        scf.if %cond3A_46 {
          %dma_start3A = arith.constant 0 : i32
          %dma_start3A_61 = tpu.memref_slice %arg11[%dma_start3A] : memref<128xi32, #tpu.memory_space<vmem>> -> memref<64xi32, #tpu.memory_space<vmem>>
          %dma_start3A_62 = arith.constant 0 : i32
          %dma_start3A_63 = arith.constant 0 : i32
          %dma_start3A_64 = tpu.memref_slice %arg5[%dma_start3A_62, %dma_start3A_63] : memref<5000x128xi32, #tpu.memory_space<hbm>> -> memref<5000x128xi32, #tpu.memory_space<hbm>>
          tpu.enqueue_indirect_dma source(%dma_start3A_64 : memref<5000x128xi32, #tpu.memory_space<hbm>>) target(%arg13 : memref<64x128xi32, #tpu.memory_space<vmem>>) offsets(%dma_start3A_61 : memref<64xi32, #tpu.memory_space<vmem>>) semaphore(%arg16 : memref<!tpu.dma_semaphore, #tpu.memory_space<semaphore_mem>>)
        } else {
        }
        %eq3A_47 = arith.constant 1 : i32
        %eq3A_48 = arith.cmpi eq, %arg0, %eq3A_47 : i32
        %convert_element_type3A_49 = arith.extui %eq3A_48 : i1 to i32
        %cond3A_50 = arith.constant 0 : i32
        %cond3A_51 = arith.cmpi ne, %convert_element_type3A_49, %cond3A_50 : i32
        scf.if %cond3A_51 {
          %dma_start3A = arith.constant 0 : i32
          %dma_start3A_61 = tpu.memref_slice %arg11[%dma_start3A] : memref<128xi32, #tpu.memory_space<vmem>> -> memref<64xi32, #tpu.memory_space<vmem>>
          %dma_start3A_62 = arith.constant 0 : i32
          %dma_start3A_63 = arith.constant 0 : i32
          %dma_start3A_64 = tpu.memref_slice %arg6[%dma_start3A_62, %dma_start3A_63] : memref<5000x128xi32, #tpu.memory_space<hbm>> -> memref<5000x128xi32, #tpu.memory_space<hbm>>
          tpu.enqueue_indirect_dma source(%dma_start3A_64 : memref<5000x128xi32, #tpu.memory_space<hbm>>) target(%arg13 : memref<64x128xi32, #tpu.memory_space<vmem>>) offsets(%dma_start3A_61 : memref<64xi32, #tpu.memory_space<vmem>>) semaphore(%arg16 : memref<!tpu.dma_semaphore, #tpu.memory_space<semaphore_mem>>)
        } else {
        }
        %while3A = arith.constant 0 : i32
        %while3A_52 = arith.constant 0 : i32
        %while3A_53 = arith.subi %div3A_31, %while3A_52 : i32
        %while3A_54 = arith.addi %while3A_52, %while3A_53 : i32
        %while3A_55 = arith.constant 1 : i32
        %while3A_56 = arith.divsi %while3A_53, %while3A_55 : i32
        %while3A_57 = arith.muli %while3A_56, %while3A_55 : i32
        %while3A_58 = arith.addi %while3A_52, %while3A_57 : i32
        %while3A_59 = arith.constant 1 : i32
        scf.for %while3A_61 = %while3A_52 to %while3A_58 step %while3A_59  : i32 {
          %and3A = arith.constant 1 : i32
          %and3A_62 = arith.andi %while3A_61, %and3A : i32
          %eq3A_63 = arith.constant 0 : i32
          %eq3A_64 = arith.cmpi eq, %and3A_62, %eq3A_63 : i32
          %convert_element_type3A_65 = arith.extui %eq3A_64 : i1 to i32
          %cond3A_66 = arith.constant 0 : i32
          %cond3A_67 = arith.cmpi ne, %convert_element_type3A_65, %cond3A_66 : i32
          scf.if %cond3A_67 {
            %add3A_75 = arith.constant 1 : i32
            %add3A_76 = arith.addi %while3A_61, %add3A_75 : i32
            %lt3A = arith.cmpi slt, %add3A_76, %div3A_31 : i32
            %convert_element_type3A_77 = arith.extui %lt3A : i1 to i32
            %cond3A_78 = arith.constant 0 : i32
            %cond3A_79 = arith.cmpi ne, %convert_element_type3A_77, %cond3A_78 : i32
            scf.if %cond3A_79 {
              %add3A_84 = arith.constant 1 : i32
              %add3A_85 = arith.addi %while3A_61, %add3A_84 : i32
              %mul3A_86 = arith.constant 64 : i32
              %mul3A_87 = arith.muli %add3A_85, %mul3A_86 : i32
              %add3A_88 = arith.addi %mul3A_22, %mul3A_87 : i32
              %scan3A_89 = arith.constant 0 : i32
              %scan3A_90 = arith.constant 0 : i32
              %scan3A_91 = arith.constant 4 : i32
              %scan3A_92 = arith.addi %scan3A_90, %scan3A_91 : i32
              %scan3A_93 = arith.constant 1 : i32
              scf.for %scan3A_105 = %scan3A_90 to %scan3A_92 step %scan3A_93  : i32 {
                %mul3A_106 = arith.constant 16 : i32
                %mul3A_107 = arith.muli %scan3A_105, %mul3A_106 : i32
                %add3A_108 = arith.addi %add3A_88, %mul3A_107 : i32
                %get3A_109 = arith.index_cast %add3A_108 : i32 to index
                %get3A_110 = tpu.vector_load %arg9[%get3A_109] {strides = array<i32>} : memref<4096xi32, #tpu.memory_space<vmem>>, vector<16xi32>,
                %and3A_111 = arith.constant 8191 : i32
                %and3A_112 = vector.broadcast %and3A_111 : i32 to vector<16xi32>
                %and3A_113 = arith.andi %get3A_110, %and3A_112 : vector<16xi32>
                %mul3A_114 = arith.constant 16 : i32
                %mul3A_115 = arith.muli %scan3A_105, %mul3A_114 : i32
                %add3A_116 = arith.constant 64 : i32
                %add3A_117 = arith.addi %add3A_116, %mul3A_115 : i32
                %swap3A = arith.index_cast %add3A_117 : i32 to index
                %swap3A_118 = tpu.vector_load %arg11[%swap3A] {strides = array<i32>} : memref<128xi32, #tpu.memory_space<vmem>>, vector<16xi32>,
                tpu.vector_store %arg11[%swap3A], %and3A_113 {strides = array<i32>} : memref<128xi32, #tpu.memory_space<vmem>>, vector<16xi32>,
                %shift_right_arithmetic3A = arith.constant 13 : i32
                %shift_right_arithmetic3A_119 = vector.broadcast %shift_right_arithmetic3A : i32 to vector<16xi32>
                %shift_right_arithmetic3A_120 = arith.shrsi %get3A_110, %shift_right_arithmetic3A_119 : vector<16xi32>
                %mul3A_121 = arith.constant 320 : i32
                %mul3A_122 = arith.muli %arg1, %mul3A_121 : i32
                %sub3A = vector.broadcast %mul3A_122 : i32 to vector<16xi32>
                %sub3A_123 = arith.subi %shift_right_arithmetic3A_120, %sub3A : vector<16xi32>
                %mul3A_124 = arith.constant 256 : i32
                %mul3A_125 = vector.broadcast %mul3A_124 : i32 to vector<16xi32>
                %mul3A_126 = arith.muli %sub3A_123, %mul3A_125 : vector<16xi32>
                %mul3A_127 = arith.constant 16 : i32
                %mul3A_128 = arith.muli %scan3A_105, %mul3A_127 : i32
                %add3A_129 = arith.constant 64 : i32
                %add3A_130 = arith.addi %add3A_129, %mul3A_128 : i32
                %swap3A_131 = arith.index_cast %add3A_130 : i32 to index
                %swap3A_132 = tpu.vector_load %arg12[%swap3A_131] {strides = array<i32>} : memref<128xi32, #tpu.memory_space<vmem>>, vector<16xi32>,
                tpu.vector_store %arg12[%swap3A_131], %mul3A_126 {strides = array<i32>} : memref<128xi32, #tpu.memory_space<vmem>>, vector<16xi32>,
              }
              %scan3A_94 = arith.constant 4 : i32
              %eq3A_95 = arith.constant 0 : i32
              %eq3A_96 = arith.cmpi eq, %arg0, %eq3A_95 : i32
              %convert_element_type3A_97 = arith.extui %eq3A_96 : i1 to i32
              %cond3A_98 = arith.constant 0 : i32
              %cond3A_99 = arith.cmpi ne, %convert_element_type3A_97, %cond3A_98 : i32
              scf.if %cond3A_99 {
                %dma_start3A = arith.constant 64 : i32
                %dma_start3A_105 = tpu.memref_slice %arg11[%dma_start3A] : memref<128xi32, #tpu.memory_space<vmem>> -> memref<64xi32, #tpu.memory_space<vmem>>
                %dma_start3A_106 = arith.constant 0 : i32
                %dma_start3A_107 = arith.constant 0 : i32
                %dma_start3A_108 = tpu.memref_slice %arg5[%dma_start3A_106, %dma_start3A_107] : memref<5000x128xi32, #tpu.memory_space<hbm>> -> memref<5000x128xi32, #tpu.memory_space<hbm>>
                tpu.enqueue_indirect_dma source(%dma_start3A_108 : memref<5000x128xi32, #tpu.memory_space<hbm>>) target(%arg14 : memref<64x128xi32, #tpu.memory_space<vmem>>) offsets(%dma_start3A_105 : memref<64xi32, #tpu.memory_space<vmem>>) semaphore(%arg17 : memref<!tpu.dma_semaphore, #tpu.memory_space<semaphore_mem>>)
              } else {
              }
              %eq3A_100 = arith.constant 1 : i32
              %eq3A_101 = arith.cmpi eq, %arg0, %eq3A_100 : i32
              %convert_element_type3A_102 = arith.extui %eq3A_101 : i1 to i32
              %cond3A_103 = arith.constant 0 : i32
              %cond3A_104 = arith.cmpi ne, %convert_element_type3A_102, %cond3A_103 : i32
              scf.if %cond3A_104 {
                %dma_start3A = arith.constant 64 : i32
                %dma_start3A_105 = tpu.memref_slice %arg11[%dma_start3A] : memref<128xi32, #tpu.memory_space<vmem>> -> memref<64xi32, #tpu.memory_space<vmem>>
                %dma_start3A_106 = arith.constant 0 : i32
                %dma_start3A_107 = arith.constant 0 : i32
                %dma_start3A_108 = tpu.memref_slice %arg6[%dma_start3A_106, %dma_start3A_107] : memref<5000x128xi32, #tpu.memory_space<hbm>> -> memref<5000x128xi32, #tpu.memory_space<hbm>>
                tpu.enqueue_indirect_dma source(%dma_start3A_108 : memref<5000x128xi32, #tpu.memory_space<hbm>>) target(%arg14 : memref<64x128xi32, #tpu.memory_space<vmem>>) offsets(%dma_start3A_105 : memref<64xi32, #tpu.memory_space<vmem>>) semaphore(%arg17 : memref<!tpu.dma_semaphore, #tpu.memory_space<semaphore_mem>>)
              } else {
              }
            } else {
            }
            %dma_wait3A = arith.constant 0 : i32
            %dma_wait3A_80 = tpu.memref_slice %arg11[%dma_wait3A] : memref<128xi32, #tpu.memory_space<vmem>> -> memref<64xi32, #tpu.memory_space<vmem>>
            %dma_wait3A_81 = arith.constant 0 : i32
            %dma_wait3A_82 = arith.constant 0 : i32
            %dma_wait3A_83 = tpu.memref_slice %arg5[%dma_wait3A_81, %dma_wait3A_82] : memref<5000x128xi32, #tpu.memory_space<hbm>> -> memref<5000x128xi32, #tpu.memory_space<hbm>>
            tpu.wait_indirect_dma semaphore(%arg16 : memref<!tpu.dma_semaphore, #tpu.memory_space<semaphore_mem>>) src(%dma_wait3A_83 : memref<5000x128xi32, #tpu.memory_space<hbm>>) dst(%arg13 : memref<64x128xi32, #tpu.memory_space<vmem>>)
          } else {
          }
          %and3A_68 = arith.constant 1 : i32
          %and3A_69 = arith.andi %while3A_61, %and3A_68 : i32
          %eq3A_70 = arith.constant 1 : i32
          %eq3A_71 = arith.cmpi eq, %and3A_69, %eq3A_70 : i32
          %convert_element_type3A_72 = arith.extui %eq3A_71 : i1 to i32
          %cond3A_73 = arith.constant 0 : i32
          %cond3A_74 = arith.cmpi ne, %convert_element_type3A_72, %cond3A_73 : i32
          scf.if %cond3A_74 {
            %add3A_75 = arith.constant 1 : i32
            %add3A_76 = arith.addi %while3A_61, %add3A_75 : i32
            %lt3A = arith.cmpi slt, %add3A_76, %div3A_31 : i32
            %convert_element_type3A_77 = arith.extui %lt3A : i1 to i32
            %cond3A_78 = arith.constant 0 : i32
            %cond3A_79 = arith.cmpi ne, %convert_element_type3A_77, %cond3A_78 : i32
            scf.if %cond3A_79 {
              %add3A_84 = arith.constant 1 : i32
              %add3A_85 = arith.addi %while3A_61, %add3A_84 : i32
              %mul3A_86 = arith.constant 64 : i32
              %mul3A_87 = arith.muli %add3A_85, %mul3A_86 : i32
              %add3A_88 = arith.addi %mul3A_22, %mul3A_87 : i32
              %scan3A_89 = arith.constant 0 : i32
              %scan3A_90 = arith.constant 0 : i32
              %scan3A_91 = arith.constant 4 : i32
              %scan3A_92 = arith.addi %scan3A_90, %scan3A_91 : i32
              %scan3A_93 = arith.constant 1 : i32
              scf.for %scan3A_105 = %scan3A_90 to %scan3A_92 step %scan3A_93  : i32 {
                %mul3A_106 = arith.constant 16 : i32
                %mul3A_107 = arith.muli %scan3A_105, %mul3A_106 : i32
                %add3A_108 = arith.addi %add3A_88, %mul3A_107 : i32
                %get3A_109 = arith.index_cast %add3A_108 : i32 to index
                %get3A_110 = tpu.vector_load %arg9[%get3A_109] {strides = array<i32>} : memref<4096xi32, #tpu.memory_space<vmem>>, vector<16xi32>,
                %and3A_111 = arith.constant 8191 : i32
                %and3A_112 = vector.broadcast %and3A_111 : i32 to vector<16xi32>
                %and3A_113 = arith.andi %get3A_110, %and3A_112 : vector<16xi32>
                %mul3A_114 = arith.constant 16 : i32
                %mul3A_115 = arith.muli %scan3A_105, %mul3A_114 : i32
                %add3A_116 = arith.constant 0 : i32
                %add3A_117 = arith.addi %add3A_116, %mul3A_115 : i32
                %swap3A = arith.index_cast %add3A_117 : i32 to index
                %swap3A_118 = tpu.vector_load %arg11[%swap3A] {strides = array<i32>} : memref<128xi32, #tpu.memory_space<vmem>>, vector<16xi32>,
                tpu.vector_store %arg11[%swap3A], %and3A_113 {strides = array<i32>} : memref<128xi32, #tpu.memory_space<vmem>>, vector<16xi32>,
                %shift_right_arithmetic3A = arith.constant 13 : i32
                %shift_right_arithmetic3A_119 = vector.broadcast %shift_right_arithmetic3A : i32 to vector<16xi32>
                %shift_right_arithmetic3A_120 = arith.shrsi %get3A_110, %shift_right_arithmetic3A_119 : vector<16xi32>
                %mul3A_121 = arith.constant 320 : i32
                %mul3A_122 = arith.muli %arg1, %mul3A_121 : i32
                %sub3A = vector.broadcast %mul3A_122 : i32 to vector<16xi32>
                %sub3A_123 = arith.subi %shift_right_arithmetic3A_120, %sub3A : vector<16xi32>
                %mul3A_124 = arith.constant 256 : i32
                %mul3A_125 = vector.broadcast %mul3A_124 : i32 to vector<16xi32>
                %mul3A_126 = arith.muli %sub3A_123, %mul3A_125 : vector<16xi32>
                %mul3A_127 = arith.constant 16 : i32
                %mul3A_128 = arith.muli %scan3A_105, %mul3A_127 : i32
                %add3A_129 = arith.constant 0 : i32
                %add3A_130 = arith.addi %add3A_129, %mul3A_128 : i32
                %swap3A_131 = arith.index_cast %add3A_130 : i32 to index
                %swap3A_132 = tpu.vector_load %arg12[%swap3A_131] {strides = array<i32>} : memref<128xi32, #tpu.memory_space<vmem>>, vector<16xi32>,
                tpu.vector_store %arg12[%swap3A_131], %mul3A_126 {strides = array<i32>} : memref<128xi32, #tpu.memory_space<vmem>>, vector<16xi32>,
              }
              %scan3A_94 = arith.constant 4 : i32
              %eq3A_95 = arith.constant 0 : i32
              %eq3A_96 = arith.cmpi eq, %arg0, %eq3A_95 : i32
              %convert_element_type3A_97 = arith.extui %eq3A_96 : i1 to i32
              %cond3A_98 = arith.constant 0 : i32
              %cond3A_99 = arith.cmpi ne, %convert_element_type3A_97, %cond3A_98 : i32
              scf.if %cond3A_99 {
                %dma_start3A = arith.constant 0 : i32
                %dma_start3A_105 = tpu.memref_slice %arg11[%dma_start3A] : memref<128xi32, #tpu.memory_space<vmem>> -> memref<64xi32, #tpu.memory_space<vmem>>
                %dma_start3A_106 = arith.constant 0 : i32
                %dma_start3A_107 = arith.constant 0 : i32
                %dma_start3A_108 = tpu.memref_slice %arg5[%dma_start3A_106, %dma_start3A_107] : memref<5000x128xi32, #tpu.memory_space<hbm>> -> memref<5000x128xi32, #tpu.memory_space<hbm>>
                tpu.enqueue_indirect_dma source(%dma_start3A_108 : memref<5000x128xi32, #tpu.memory_space<hbm>>) target(%arg13 : memref<64x128xi32, #tpu.memory_space<vmem>>) offsets(%dma_start3A_105 : memref<64xi32, #tpu.memory_space<vmem>>) semaphore(%arg16 : memref<!tpu.dma_semaphore, #tpu.memory_space<semaphore_mem>>)
              } else {
              }
              %eq3A_100 = arith.constant 1 : i32
              %eq3A_101 = arith.cmpi eq, %arg0, %eq3A_100 : i32
              %convert_element_type3A_102 = arith.extui %eq3A_101 : i1 to i32
              %cond3A_103 = arith.constant 0 : i32
              %cond3A_104 = arith.cmpi ne, %convert_element_type3A_102, %cond3A_103 : i32
              scf.if %cond3A_104 {
                %dma_start3A = arith.constant 0 : i32
                %dma_start3A_105 = tpu.memref_slice %arg11[%dma_start3A] : memref<128xi32, #tpu.memory_space<vmem>> -> memref<64xi32, #tpu.memory_space<vmem>>
                %dma_start3A_106 = arith.constant 0 : i32
                %dma_start3A_107 = arith.constant 0 : i32
                %dma_start3A_108 = tpu.memref_slice %arg6[%dma_start3A_106, %dma_start3A_107] : memref<5000x128xi32, #tpu.memory_space<hbm>> -> memref<5000x128xi32, #tpu.memory_space<hbm>>
                tpu.enqueue_indirect_dma source(%dma_start3A_108 : memref<5000x128xi32, #tpu.memory_space<hbm>>) target(%arg13 : memref<64x128xi32, #tpu.memory_space<vmem>>) offsets(%dma_start3A_105 : memref<64xi32, #tpu.memory_space<vmem>>) semaphore(%arg16 : memref<!tpu.dma_semaphore, #tpu.memory_space<semaphore_mem>>)
              } else {
              }
            } else {
            }
            %dma_wait3A = arith.constant 64 : i32
            %dma_wait3A_80 = tpu.memref_slice %arg11[%dma_wait3A] : memref<128xi32, #tpu.memory_space<vmem>> -> memref<64xi32, #tpu.memory_space<vmem>>
            %dma_wait3A_81 = arith.constant 0 : i32
            %dma_wait3A_82 = arith.constant 0 : i32
            %dma_wait3A_83 = tpu.memref_slice %arg5[%dma_wait3A_81, %dma_wait3A_82] : memref<5000x128xi32, #tpu.memory_space<hbm>> -> memref<5000x128xi32, #tpu.memory_space<hbm>>
            tpu.wait_indirect_dma semaphore(%arg17 : memref<!tpu.dma_semaphore, #tpu.memory_space<semaphore_mem>>) src(%dma_wait3A_83 : memref<5000x128xi32, #tpu.memory_space<hbm>>) dst(%arg14 : memref<64x128xi32, #tpu.memory_space<vmem>>)
          } else {
          }
        }
        %while3A_60 = arith.constant 1 : i32
        scf.for %while3A_61 = %while3A_58 to %while3A_54 step %while3A_60  : i32 {
          %and3A = arith.constant 1 : i32
          %and3A_62 = arith.andi %while3A_61, %and3A : i32
          %eq3A_63 = arith.constant 0 : i32
          %eq3A_64 = arith.cmpi eq, %and3A_62, %eq3A_63 : i32
          %convert_element_type3A_65 = arith.extui %eq3A_64 : i1 to i32
          %cond3A_66 = arith.constant 0 : i32
          %cond3A_67 = arith.cmpi ne, %convert_element_type3A_65, %cond3A_66 : i32
          scf.if %cond3A_67 {
            %add3A_75 = arith.constant 1 : i32
            %add3A_76 = arith.addi %while3A_61, %add3A_75 : i32
            %lt3A = arith.cmpi slt, %add3A_76, %div3A_31 : i32
            %convert_element_type3A_77 = arith.extui %lt3A : i1 to i32
            %cond3A_78 = arith.constant 0 : i32
            %cond3A_79 = arith.cmpi ne, %convert_element_type3A_77, %cond3A_78 : i32
            scf.if %cond3A_79 {
              %add3A_84 = arith.constant 1 : i32
              %add3A_85 = arith.addi %while3A_61, %add3A_84 : i32
              %mul3A_86 = arith.constant 64 : i32
              %mul3A_87 = arith.muli %add3A_85, %mul3A_86 : i32
              %add3A_88 = arith.addi %mul3A_22, %mul3A_87 : i32
              %scan3A_89 = arith.constant 0 : i32
              %scan3A_90 = arith.constant 0 : i32
              %scan3A_91 = arith.constant 4 : i32
              %scan3A_92 = arith.addi %scan3A_90, %scan3A_91 : i32
              %scan3A_93 = arith.constant 1 : i32
              scf.for %scan3A_105 = %scan3A_90 to %scan3A_92 step %scan3A_93  : i32 {
                %mul3A_106 = arith.constant 16 : i32
                %mul3A_107 = arith.muli %scan3A_105, %mul3A_106 : i32
                %add3A_108 = arith.addi %add3A_88, %mul3A_107 : i32
                %get3A_109 = arith.index_cast %add3A_108 : i32 to index
                %get3A_110 = tpu.vector_load %arg9[%get3A_109] {strides = array<i32>} : memref<4096xi32, #tpu.memory_space<vmem>>, vector<16xi32>,
                %and3A_111 = arith.constant 8191 : i32
                %and3A_112 = vector.broadcast %and3A_111 : i32 to vector<16xi32>
                %and3A_113 = arith.andi %get3A_110, %and3A_112 : vector<16xi32>
                %mul3A_114 = arith.constant 16 : i32
                %mul3A_115 = arith.muli %scan3A_105, %mul3A_114 : i32
                %add3A_116 = arith.constant 64 : i32
                %add3A_117 = arith.addi %add3A_116, %mul3A_115 : i32
                %swap3A = arith.index_cast %add3A_117 : i32 to index
                %swap3A_118 = tpu.vector_load %arg11[%swap3A] {strides = array<i32>} : memref<128xi32, #tpu.memory_space<vmem>>, vector<16xi32>,
                tpu.vector_store %arg11[%swap3A], %and3A_113 {strides = array<i32>} : memref<128xi32, #tpu.memory_space<vmem>>, vector<16xi32>,
                %shift_right_arithmetic3A = arith.constant 13 : i32
                %shift_right_arithmetic3A_119 = vector.broadcast %shift_right_arithmetic3A : i32 to vector<16xi32>
                %shift_right_arithmetic3A_120 = arith.shrsi %get3A_110, %shift_right_arithmetic3A_119 : vector<16xi32>
                %mul3A_121 = arith.constant 320 : i32
                %mul3A_122 = arith.muli %arg1, %mul3A_121 : i32
                %sub3A = vector.broadcast %mul3A_122 : i32 to vector<16xi32>
                %sub3A_123 = arith.subi %shift_right_arithmetic3A_120, %sub3A : vector<16xi32>
                %mul3A_124 = arith.constant 256 : i32
                %mul3A_125 = vector.broadcast %mul3A_124 : i32 to vector<16xi32>
                %mul3A_126 = arith.muli %sub3A_123, %mul3A_125 : vector<16xi32>
                %mul3A_127 = arith.constant 16 : i32
                %mul3A_128 = arith.muli %scan3A_105, %mul3A_127 : i32
                %add3A_129 = arith.constant 64 : i32
                %add3A_130 = arith.addi %add3A_129, %mul3A_128 : i32
                %swap3A_131 = arith.index_cast %add3A_130 : i32 to index
                %swap3A_132 = tpu.vector_load %arg12[%swap3A_131] {strides = array<i32>} : memref<128xi32, #tpu.memory_space<vmem>>, vector<16xi32>,
                tpu.vector_store %arg12[%swap3A_131], %mul3A_126 {strides = array<i32>} : memref<128xi32, #tpu.memory_space<vmem>>, vector<16xi32>,
              }
              %scan3A_94 = arith.constant 4 : i32
              %eq3A_95 = arith.constant 0 : i32
              %eq3A_96 = arith.cmpi eq, %arg0, %eq3A_95 : i32
              %convert_element_type3A_97 = arith.extui %eq3A_96 : i1 to i32
              %cond3A_98 = arith.constant 0 : i32
              %cond3A_99 = arith.cmpi ne, %convert_element_type3A_97, %cond3A_98 : i32
              scf.if %cond3A_99 {
                %dma_start3A = arith.constant 64 : i32
                %dma_start3A_105 = tpu.memref_slice %arg11[%dma_start3A] : memref<128xi32, #tpu.memory_space<vmem>> -> memref<64xi32, #tpu.memory_space<vmem>>
                %dma_start3A_106 = arith.constant 0 : i32
                %dma_start3A_107 = arith.constant 0 : i32
                %dma_start3A_108 = tpu.memref_slice %arg5[%dma_start3A_106, %dma_start3A_107] : memref<5000x128xi32, #tpu.memory_space<hbm>> -> memref<5000x128xi32, #tpu.memory_space<hbm>>
                tpu.enqueue_indirect_dma source(%dma_start3A_108 : memref<5000x128xi32, #tpu.memory_space<hbm>>) target(%arg14 : memref<64x128xi32, #tpu.memory_space<vmem>>) offsets(%dma_start3A_105 : memref<64xi32, #tpu.memory_space<vmem>>) semaphore(%arg17 : memref<!tpu.dma_semaphore, #tpu.memory_space<semaphore_mem>>)
              } else {
              }
              %eq3A_100 = arith.constant 1 : i32
              %eq3A_101 = arith.cmpi eq, %arg0, %eq3A_100 : i32
              %convert_element_type3A_102 = arith.extui %eq3A_101 : i1 to i32
              %cond3A_103 = arith.constant 0 : i32
              %cond3A_104 = arith.cmpi ne, %convert_element_type3A_102, %cond3A_103 : i32
              scf.if %cond3A_104 {
                %dma_start3A = arith.constant 64 : i32
                %dma_start3A_105 = tpu.memref_slice %arg11[%dma_start3A] : memref<128xi32, #tpu.memory_space<vmem>> -> memref<64xi32, #tpu.memory_space<vmem>>
                %dma_start3A_106 = arith.constant 0 : i32
                %dma_start3A_107 = arith.constant 0 : i32
                %dma_start3A_108 = tpu.memref_slice %arg6[%dma_start3A_106, %dma_start3A_107] : memref<5000x128xi32, #tpu.memory_space<hbm>> -> memref<5000x128xi32, #tpu.memory_space<hbm>>
                tpu.enqueue_indirect_dma source(%dma_start3A_108 : memref<5000x128xi32, #tpu.memory_space<hbm>>) target(%arg14 : memref<64x128xi32, #tpu.memory_space<vmem>>) offsets(%dma_start3A_105 : memref<64xi32, #tpu.memory_space<vmem>>) semaphore(%arg17 : memref<!tpu.dma_semaphore, #tpu.memory_space<semaphore_mem>>)
              } else {
              }
            } else {
            }
            %dma_wait3A = arith.constant 0 : i32
            %dma_wait3A_80 = tpu.memref_slice %arg11[%dma_wait3A] : memref<128xi32, #tpu.memory_space<vmem>> -> memref<64xi32, #tpu.memory_space<vmem>>
            %dma_wait3A_81 = arith.constant 0 : i32
            %dma_wait3A_82 = arith.constant 0 : i32
            %dma_wait3A_83 = tpu.memref_slice %arg5[%dma_wait3A_81, %dma_wait3A_82] : memref<5000x128xi32, #tpu.memory_space<hbm>> -> memref<5000x128xi32, #tpu.memory_space<hbm>>
            tpu.wait_indirect_dma semaphore(%arg16 : memref<!tpu.dma_semaphore, #tpu.memory_space<semaphore_mem>>) src(%dma_wait3A_83 : memref<5000x128xi32, #tpu.memory_space<hbm>>) dst(%arg13 : memref<64x128xi32, #tpu.memory_space<vmem>>)
          } else {
          }
          %and3A_68 = arith.constant 1 : i32
          %and3A_69 = arith.andi %while3A_61, %and3A_68 : i32
          %eq3A_70 = arith.constant 1 : i32
          %eq3A_71 = arith.cmpi eq, %and3A_69, %eq3A_70 : i32
          %convert_element_type3A_72 = arith.extui %eq3A_71 : i1 to i32
          %cond3A_73 = arith.constant 0 : i32
          %cond3A_74 = arith.cmpi ne, %convert_element_type3A_72, %cond3A_73 : i32
          scf.if %cond3A_74 {
            %add3A_75 = arith.constant 1 : i32
            %add3A_76 = arith.addi %while3A_61, %add3A_75 : i32
            %lt3A = arith.cmpi slt, %add3A_76, %div3A_31 : i32
            %convert_element_type3A_77 = arith.extui %lt3A : i1 to i32
            %cond3A_78 = arith.constant 0 : i32
            %cond3A_79 = arith.cmpi ne, %convert_element_type3A_77, %cond3A_78 : i32
            scf.if %cond3A_79 {
              %add3A_84 = arith.constant 1 : i32
              %add3A_85 = arith.addi %while3A_61, %add3A_84 : i32
              %mul3A_86 = arith.constant 64 : i32
              %mul3A_87 = arith.muli %add3A_85, %mul3A_86 : i32
              %add3A_88 = arith.addi %mul3A_22, %mul3A_87 : i32
              %scan3A_89 = arith.constant 0 : i32
              %scan3A_90 = arith.constant 0 : i32
              %scan3A_91 = arith.constant 4 : i32
              %scan3A_92 = arith.addi %scan3A_90, %scan3A_91 : i32
              %scan3A_93 = arith.constant 1 : i32
              scf.for %scan3A_105 = %scan3A_90 to %scan3A_92 step %scan3A_93  : i32 {
                %mul3A_106 = arith.constant 16 : i32
                %mul3A_107 = arith.muli %scan3A_105, %mul3A_106 : i32
                %add3A_108 = arith.addi %add3A_88, %mul3A_107 : i32
                %get3A_109 = arith.index_cast %add3A_108 : i32 to index
                %get3A_110 = tpu.vector_load %arg9[%get3A_109] {strides = array<i32>} : memref<4096xi32, #tpu.memory_space<vmem>>, vector<16xi32>,
                %and3A_111 = arith.constant 8191 : i32
                %and3A_112 = vector.broadcast %and3A_111 : i32 to vector<16xi32>
                %and3A_113 = arith.andi %get3A_110, %and3A_112 : vector<16xi32>
                %mul3A_114 = arith.constant 16 : i32
                %mul3A_115 = arith.muli %scan3A_105, %mul3A_114 : i32
                %add3A_116 = arith.constant 0 : i32
                %add3A_117 = arith.addi %add3A_116, %mul3A_115 : i32
                %swap3A = arith.index_cast %add3A_117 : i32 to index
                %swap3A_118 = tpu.vector_load %arg11[%swap3A] {strides = array<i32>} : memref<128xi32, #tpu.memory_space<vmem>>, vector<16xi32>,
                tpu.vector_store %arg11[%swap3A], %and3A_113 {strides = array<i32>} : memref<128xi32, #tpu.memory_space<vmem>>, vector<16xi32>,
                %shift_right_arithmetic3A = arith.constant 13 : i32
                %shift_right_arithmetic3A_119 = vector.broadcast %shift_right_arithmetic3A : i32 to vector<16xi32>
                %shift_right_arithmetic3A_120 = arith.shrsi %get3A_110, %shift_right_arithmetic3A_119 : vector<16xi32>
                %mul3A_121 = arith.constant 320 : i32
                %mul3A_122 = arith.muli %arg1, %mul3A_121 : i32
                %sub3A = vector.broadcast %mul3A_122 : i32 to vector<16xi32>
                %sub3A_123 = arith.subi %shift_right_arithmetic3A_120, %sub3A : vector<16xi32>
                %mul3A_124 = arith.constant 256 : i32
                %mul3A_125 = vector.broadcast %mul3A_124 : i32 to vector<16xi32>
                %mul3A_126 = arith.muli %sub3A_123, %mul3A_125 : vector<16xi32>
                %mul3A_127 = arith.constant 16 : i32
                %mul3A_128 = arith.muli %scan3A_105, %mul3A_127 : i32
                %add3A_129 = arith.constant 0 : i32
                %add3A_130 = arith.addi %add3A_129, %mul3A_128 : i32
                %swap3A_131 = arith.index_cast %add3A_130 : i32 to index
                %swap3A_132 = tpu.vector_load %arg12[%swap3A_131] {strides = array<i32>} : memref<128xi32, #tpu.memory_space<vmem>>, vector<16xi32>,
                tpu.vector_store %arg12[%swap3A_131], %mul3A_126 {strides = array<i32>} : memref<128xi32, #tpu.memory_space<vmem>>, vector<16xi32>,
              }
              %scan3A_94 = arith.constant 4 : i32
              %eq3A_95 = arith.constant 0 : i32
              %eq3A_96 = arith.cmpi eq, %arg0, %eq3A_95 : i32
              %convert_element_type3A_97 = arith.extui %eq3A_96 : i1 to i32
              %cond3A_98 = arith.constant 0 : i32
              %cond3A_99 = arith.cmpi ne, %convert_element_type3A_97, %cond3A_98 : i32
              scf.if %cond3A_99 {
                %dma_start3A = arith.constant 0 : i32
                %dma_start3A_105 = tpu.memref_slice %arg11[%dma_start3A] : memref<128xi32, #tpu.memory_space<vmem>> -> memref<64xi32, #tpu.memory_space<vmem>>
                %dma_start3A_106 = arith.constant 0 : i32
                %dma_start3A_107 = arith.constant 0 : i32
                %dma_start3A_108 = tpu.memref_slice %arg5[%dma_start3A_106, %dma_start3A_107] : memref<5000x128xi32, #tpu.memory_space<hbm>> -> memref<5000x128xi32, #tpu.memory_space<hbm>>
                tpu.enqueue_indirect_dma source(%dma_start3A_108 : memref<5000x128xi32, #tpu.memory_space<hbm>>) target(%arg13 : memref<64x128xi32, #tpu.memory_space<vmem>>) offsets(%dma_start3A_105 : memref<64xi32, #tpu.memory_space<vmem>>) semaphore(%arg16 : memref<!tpu.dma_semaphore, #tpu.memory_space<semaphore_mem>>)
              } else {
              }
              %eq3A_100 = arith.constant 1 : i32
              %eq3A_101 = arith.cmpi eq, %arg0, %eq3A_100 : i32
              %convert_element_type3A_102 = arith.extui %eq3A_101 : i1 to i32
              %cond3A_103 = arith.constant 0 : i32
              %cond3A_104 = arith.cmpi ne, %convert_element_type3A_102, %cond3A_103 : i32
              scf.if %cond3A_104 {
                %dma_start3A = arith.constant 0 : i32
                %dma_start3A_105 = tpu.memref_slice %arg11[%dma_start3A] : memref<128xi32, #tpu.memory_space<vmem>> -> memref<64xi32, #tpu.memory_space<vmem>>
                %dma_start3A_106 = arith.constant 0 : i32
                %dma_start3A_107 = arith.constant 0 : i32
                %dma_start3A_108 = tpu.memref_slice %arg6[%dma_start3A_106, %dma_start3A_107] : memref<5000x128xi32, #tpu.memory_space<hbm>> -> memref<5000x128xi32, #tpu.memory_space<hbm>>
                tpu.enqueue_indirect_dma source(%dma_start3A_108 : memref<5000x128xi32, #tpu.memory_space<hbm>>) target(%arg13 : memref<64x128xi32, #tpu.memory_space<vmem>>) offsets(%dma_start3A_105 : memref<64xi32, #tpu.memory_space<vmem>>) semaphore(%arg16 : memref<!tpu.dma_semaphore, #tpu.memory_space<semaphore_mem>>)
              } else {
              }
            } else {
            }
            %dma_wait3A = arith.constant 64 : i32
            %dma_wait3A_80 = tpu.memref_slice %arg11[%dma_wait3A] : memref<128xi32, #tpu.memory_space<vmem>> -> memref<64xi32, #tpu.memory_space<vmem>>
            %dma_wait3A_81 = arith.constant 0 : i32
            %dma_wait3A_82 = arith.constant 0 : i32
            %dma_wait3A_83 = tpu.memref_slice %arg5[%dma_wait3A_81, %dma_wait3A_82] : memref<5000x128xi32, #tpu.memory_space<hbm>> -> memref<5000x128xi32, #tpu.memory_space<hbm>>
            tpu.wait_indirect_dma semaphore(%arg17 : memref<!tpu.dma_semaphore, #tpu.memory_space<semaphore_mem>>) src(%dma_wait3A_83 : memref<5000x128xi32, #tpu.memory_space<hbm>>) dst(%arg14 : memref<64x128xi32, #tpu.memory_space<vmem>>)
          } else {
          }
        }
      } else {
      }
    }
    %scan3A_8 = arith.constant 2 : i32
    %mul3A_9 = arith.constant 320 : i32
    %mul3A_10 = arith.muli %arg1, %mul3A_9 : i32
    %mul3A_11 = arith.constant 256 : i32
    %mul3A_12 = arith.muli %mul3A_10, %mul3A_11 : i32
    %eq3A = arith.constant 0 : i32
    %eq3A_13 = arith.cmpi eq, %arg0, %eq3A : i32
    %convert_element_type3A = arith.extui %eq3A_13 : i1 to i32
    %cond3A = arith.constant 0 : i32
    %cond3A_14 = arith.cmpi ne, %convert_element_type3A, %cond3A : i32
    scf.if %cond3A_14 {
      "tpu.region"() ({
        %run_scoped3A = tpu.sem_alloc : memref<!tpu.dma_semaphore, #tpu.memory_space<semaphore_mem>>
        %dma_start3A = arith.constant 0 : i32
        %dma_start3A_20 = tpu.memref_slice %arg15[%dma_start3A] : memref<82176xf32, #tpu.memory_space<vmem>> -> memref<81920xf32, #tpu.memory_space<vmem>>
        %dma_start3A_21 = tpu.memref_slice %arg7[%mul3A_12] : memref<1310720xf32, #tpu.memory_space<hbm>> -> memref<81920xf32, #tpu.memory_space<hbm>>
        %dma_start3A_22 = tpu.memref_slice %arg7[%mul3A_12] : memref<1310720xf32, #tpu.memory_space<hbm>> -> memref<81920xf32, #tpu.memory_space<hbm>>
        %dma_start3A_23 = arith.constant 0 : i32
        %dma_start3A_24 = tpu.memref_slice %arg15[%dma_start3A_23] : memref<82176xf32, #tpu.memory_space<vmem>> -> memref<81920xf32, #tpu.memory_space<vmem>>
        tpu.enqueue_dma source(%dma_start3A_24 : memref<81920xf32, #tpu.memory_space<vmem>>) target(%dma_start3A_22 : memref<81920xf32, #tpu.memory_space<hbm>>) target_semaphore(%run_scoped3A : memref<!tpu.dma_semaphore, #tpu.memory_space<semaphore_mem>>)
        %dma_wait3A = arith.constant 0 : i32
        %dma_wait3A_25 = tpu.memref_slice %arg15[%dma_wait3A] : memref<82176xf32, #tpu.memory_space<vmem>> -> memref<81920xf32, #tpu.memory_space<vmem>>
        %dma_wait3A_26 = tpu.memref_slice %arg7[%mul3A_12] : memref<1310720xf32, #tpu.memory_space<hbm>> -> memref<81920xf32, #tpu.memory_space<hbm>>
        %dma_wait3A_27 = tpu.memref_slice %arg7[%mul3A_12] : memref<1310720xf32, #tpu.memory_space<hbm>> -> memref<81920xf32, #tpu.memory_space<hbm>>
        %dma_wait3A_28 = arith.constant 0 : i32
        %dma_wait3A_29 = tpu.memref_slice %arg15[%dma_wait3A_28] : memref<82176xf32, #tpu.memory_space<vmem>> -> memref<81920xf32, #tpu.memory_space<vmem>>
        tpu.wait_dma2 semaphore(%run_scoped3A : memref<!tpu.dma_semaphore, #tpu.memory_space<semaphore_mem>>) src(%dma_wait3A_29 : memref<81920xf32, #tpu.memory_space<vmem>>) dst(%dma_wait3A_27 : memref<81920xf32, #tpu.memory_space<hbm>>)
        tpu.yield
      }) : () -> ()
    } else {
    }
    %eq3A_15 = arith.constant 1 : i32
    %eq3A_16 = arith.cmpi eq, %arg0, %eq3A_15 : i32
    %convert_element_type3A_17 = arith.extui %eq3A_16 : i1 to i32
    %cond3A_18 = arith.constant 0 : i32
    %cond3A_19 = arith.cmpi ne, %convert_element_type3A_17, %cond3A_18 : i32
    scf.if %cond3A_19 {
      "tpu.region"() ({
        %run_scoped3A = tpu.sem_alloc : memref<!tpu.dma_semaphore, #tpu.memory_space<semaphore_mem>>
        %dma_start3A = arith.constant 0 : i32
        %dma_start3A_20 = tpu.memref_slice %arg15[%dma_start3A] : memref<82176xf32, #tpu.memory_space<vmem>> -> memref<81920xf32, #tpu.memory_space<vmem>>
        %dma_start3A_21 = tpu.memref_slice %arg8[%mul3A_12] : memref<1310720xf32, #tpu.memory_space<hbm>> -> memref<81920xf32, #tpu.memory_space<hbm>>
        %dma_start3A_22 = tpu.memref_slice %arg8[%mul3A_12] : memref<1310720xf32, #tpu.memory_space<hbm>> -> memref<81920xf32, #tpu.memory_space<hbm>>
        %dma_start3A_23 = arith.constant 0 : i32
        %dma_start3A_24 = tpu.memref_slice %arg15[%dma_start3A_23] : memref<82176xf32, #tpu.memory_space<vmem>> -> memref<81920xf32, #tpu.memory_space<vmem>>
        tpu.enqueue_dma source(%dma_start3A_24 : memref<81920xf32, #tpu.memory_space<vmem>>) target(%dma_start3A_22 : memref<81920xf32, #tpu.memory_space<hbm>>) target_semaphore(%run_scoped3A : memref<!tpu.dma_semaphore, #tpu.memory_space<semaphore_mem>>)
        %dma_wait3A = arith.constant 0 : i32
        %dma_wait3A_25 = tpu.memref_slice %arg15[%dma_wait3A] : memref<82176xf32, #tpu.memory_space<vmem>> -> memref<81920xf32, #tpu.memory_space<vmem>>
        %dma_wait3A_26 = tpu.memref_slice %arg8[%mul3A_12] : memref<1310720xf32, #tpu.memory_space<hbm>> -> memref<81920xf32, #tpu.memory_space<hbm>>
        %dma_wait3A_27 = tpu.memref_slice %arg8[%mul3A_12] : memref<1310720xf32, #tpu.memory_space<hbm>> -> memref<81920xf32, #tpu.memory_space<hbm>>
        %dma_wait3A_28 = arith.constant 0 : i32
        %dma_wait3A_29 = tpu.memref_slice %arg15[%dma_wait3A_28] : memref<82176xf32, #tpu.memory_space<vmem>> -> memref<81920xf32, #tpu.memory_space<vmem>>
        tpu.wait_dma2 semaphore(%run_scoped3A : memref<!tpu.dma_semaphore, #tpu.memory_space<semaphore_mem>>) src(%dma_wait3A_29 : memref<81920xf32, #tpu.memory_space<vmem>>) dst(%dma_wait3A_27 : memref<81920xf32, #tpu.memory_space<hbm>>)
        tpu.yield
      }) : () -> ()
    } else {
    }
    return
  }
}

#map = affine_map<(d0, d1) -> (0, 0)>
#map1 = affine_map<(d0, d1) -> (0)>
module attributes {stable_mosaic.version = 14 : i64} {
  func.func @_agg_body(%arg0: i32, %arg1: i32, %arg2: memref<32x2048xi32, #tpu.memory_space<hbm>>, %arg3: memref<512xi32, #tpu.memory_space<hbm>>, %arg4: memref<81920xf32, #tpu.memory_space<hbm>>, %arg5: memref<5000x128xi32, #tpu.memory_space<hbm>>, %arg6: memref<5000x128xi32, #tpu.memory_space<hbm>>, %arg7: memref<1310720xf32, #tpu.memory_space<hbm>>, %arg8: memref<1310720xf32, #tpu.memory_space<hbm>>, %arg9: memref<4096xi32, #tpu.memory_space<vmem>>, %arg10: memref<528xi32, #tpu.memory_space<vmem>>, %arg11: memref<128xi32, #tpu.memory_space<vmem>>, %arg12: memref<128xi32, #tpu.memory_space<vmem>>, %arg13: memref<64x128xi32, #tpu.memory_space<vmem>>, %arg14: memref<64x128xi32, #tpu.memory_space<vmem>>, %arg15: memref<82176xf32, #tpu.memory_space<vmem>>, %arg16: memref<!tpu.dma_semaphore, #tpu.memory_space<semaphore_mem>>, %arg17: memref<!tpu.dma_semaphore, #tpu.memory_space<semaphore_mem>>) attributes {dimension_semantics = [#tpu.dimension_semantics<core_parallel>, #tpu.dimension_semantics<subcore_parallel>], iteration_bounds = array<i64: 2, 16>, scalar_prefetch = 0 : i64, scratch_operands = 9 : i64, tpu.core_type = #tpu.core_type<sc_vector_subcore>, window_params = [{transform_indices = #map}, {transform_indices = #map1}, {transform_indices = #map1}, {transform_indices = #map}, {transform_indices = #map}, {transform_indices = #map1}, {transform_indices = #map1}]} {
    "tpu.region"() ({
      %run_scoped3A = tpu.sem_alloc : memref<!tpu.dma_semaphore, #tpu.memory_space<semaphore_mem>>
      %dma_start3A = arith.constant 0 : i32
      %dma_start3A_20 = tpu.memref_slice %arg10[%dma_start3A] : memref<528xi32, #tpu.memory_space<vmem>> -> memref<512xi32, #tpu.memory_space<vmem>>
      %dma_start3A_21 = arith.constant 0 : i32
      %dma_start3A_22 = tpu.memref_slice %arg10[%dma_start3A_21] : memref<528xi32, #tpu.memory_space<vmem>> -> memref<512xi32, #tpu.memory_space<vmem>>
      tpu.enqueue_dma source(%arg3 : memref<512xi32, #tpu.memory_space<hbm>>) target(%dma_start3A_22 : memref<512xi32, #tpu.memory_space<vmem>>) target_semaphore(%run_scoped3A : memref<!tpu.dma_semaphore, #tpu.memory_space<semaphore_mem>>)
      %dma_wait3A = arith.constant 0 : i32
      %dma_wait3A_23 = tpu.memref_slice %arg10[%dma_wait3A] : memref<528xi32, #tpu.memory_space<vmem>> -> memref<512xi32, #tpu.memory_space<vmem>>
      %dma_wait3A_24 = arith.constant 0 : i32
      %dma_wait3A_25 = tpu.memref_slice %arg10[%dma_wait3A_24] : memref<528xi32, #tpu.memory_space<vmem>> -> memref<512xi32, #tpu.memory_space<vmem>>
      tpu.wait_dma2 semaphore(%run_scoped3A : memref<!tpu.dma_semaphore, #tpu.memory_space<semaphore_mem>>) src(%arg3 : memref<512xi32, #tpu.memory_space<hbm>>) dst(%dma_wait3A_25 : memref<512xi32, #tpu.memory_space<vmem>>)
      tpu.yield
    }) : () -> ()
    "tpu.region"() ({
      %run_scoped3A = tpu.sem_alloc : memref<!tpu.dma_semaphore, #tpu.memory_space<semaphore_mem>>
      %dma_start3A = arith.constant 0 : i32
      %dma_start3A_20 = tpu.memref_slice %arg15[%dma_start3A] : memref<82176xf32, #tpu.memory_space<vmem>> -> memref<81920xf32, #tpu.memory_space<vmem>>
      %dma_start3A_21 = arith.constant 0 : i32
      %dma_start3A_22 = tpu.memref_slice %arg15[%dma_start3A_21] : memref<82176xf32, #tpu.memory_space<vmem>> -> memref<81920xf32, #tpu.memory_space<vmem>>
      tpu.enqueue_dma source(%arg4 : memref<81920xf32, #tpu.memory_space<hbm>>) target(%dma_start3A_22 : memref<81920xf32, #tpu.memory_space<vmem>>) target_semaphore(%run_scoped3A : memref<!tpu.dma_semaphore, #tpu.memory_space<semaphore_mem>>)
      %dma_wait3A = arith.constant 0 : i32
      %dma_wait3A_23 = tpu.memref_slice %arg15[%dma_wait3A] : memref<82176xf32, #tpu.memory_space<vmem>> -> memref<81920xf32, #tpu.memory_space<vmem>>
      %dma_wait3A_24 = arith.constant 0 : i32
      %dma_wait3A_25 = tpu.memref_slice %arg15[%dma_wait3A_24] : memref<82176xf32, #tpu.memory_space<vmem>> -> memref<81920xf32, #tpu.memory_space<vmem>>
      tpu.wait_dma2 semaphore(%run_scoped3A : memref<!tpu.dma_semaphore, #tpu.memory_space<semaphore_mem>>) src(%arg4 : memref<81920xf32, #tpu.memory_space<hbm>>) dst(%dma_wait3A_25 : memref<81920xf32, #tpu.memory_space<vmem>>)
      tpu.yield
    }) : () -> ()
    %mul3A = arith.constant 2 : i32
    %mul3A_0 = arith.muli %arg1, %mul3A : i32
    "tpu.region"() ({
      %run_scoped3A = tpu.sem_alloc : memref<!tpu.dma_semaphore, #tpu.memory_space<semaphore_mem>>
      %dma_start3A = arith.constant 0 : i32
      %dma_start3A_20 = tpu.memref_slice %arg9[%dma_start3A] : memref<4096xi32, #tpu.memory_space<vmem>> -> memref<2048xi32, #tpu.memory_space<vmem>>
      %dma_start3A_21 = arith.constant 0 : i32
      %dma_start3A_22 = tpu.memref_slice %arg2[%mul3A_0, %dma_start3A_21] : memref<32x2048xi32, #tpu.memory_space<hbm>> -> memref<1x2048xi32, #tpu.memory_space<hbm>>
      %dma_start3A_23 = tpu.memref_squeeze %dma_start3A_22 : memref<1x2048xi32, #tpu.memory_space<hbm>> -> memref<2048xi32, #tpu.memory_space<hbm>>
      %dma_start3A_24 = arith.constant 0 : i32
      %dma_start3A_25 = tpu.memref_slice %arg9[%dma_start3A_24] : memref<4096xi32, #tpu.memory_space<vmem>> -> memref<2048xi32, #tpu.memory_space<vmem>>
      %dma_start3A_26 = arith.constant 0 : i32
      %dma_start3A_27 = tpu.memref_slice %arg2[%mul3A_0, %dma_start3A_26] : memref<32x2048xi32, #tpu.memory_space<hbm>> -> memref<1x2048xi32, #tpu.memory_space<hbm>>
      %dma_start3A_28 = tpu.memref_squeeze %dma_start3A_27 : memref<1x2048xi32, #tpu.memory_space<hbm>> -> memref<2048xi32, #tpu.memory_space<hbm>>
      tpu.enqueue_dma source(%dma_start3A_28 : memref<2048xi32, #tpu.memory_space<hbm>>) target(%dma_start3A_25 : memref<2048xi32, #tpu.memory_space<vmem>>) target_semaphore(%run_scoped3A : memref<!tpu.dma_semaphore, #tpu.memory_space<semaphore_mem>>)
      %dma_wait3A = arith.constant 0 : i32
      %dma_wait3A_29 = tpu.memref_slice %arg9[%dma_wait3A] : memref<4096xi32, #tpu.memory_space<vmem>> -> memref<2048xi32, #tpu.memory_space<vmem>>
      %dma_wait3A_30 = arith.constant 0 : i32
      %dma_wait3A_31 = tpu.memref_slice %arg2[%mul3A_0, %dma_wait3A_30] : memref<32x2048xi32, #tpu.memory_space<hbm>> -> memref<1x2048xi32, #tpu.memory_space<hbm>>
      %dma_wait3A_32 = tpu.memref_squeeze %dma_wait3A_31 : memref<1x2048xi32, #tpu.memory_space<hbm>> -> memref<2048xi32, #tpu.memory_space<hbm>>
      %dma_wait3A_33 = arith.constant 0 : i32
      %dma_wait3A_34 = tpu.memref_slice %arg9[%dma_wait3A_33] : memref<4096xi32, #tpu.memory_space<vmem>> -> memref<2048xi32, #tpu.memory_space<vmem>>
      %dma_wait3A_35 = arith.constant 0 : i32
      %dma_wait3A_36 = tpu.memref_slice %arg2[%mul3A_0, %dma_wait3A_35] : memref<32x2048xi32, #tpu.memory_space<hbm>> -> memref<1x2048xi32, #tpu.memory_space<hbm>>
      %dma_wait3A_37 = tpu.memref_squeeze %dma_wait3A_36 : memref<1x2048xi32, #tpu.memory_space<hbm>> -> memref<2048xi32, #tpu.memory_space<hbm>>
      tpu.wait_dma2 semaphore(%run_scoped3A : memref<!tpu.dma_semaphore, #tpu.memory_space<semaphore_mem>>) src(%dma_wait3A_37 : memref<2048xi32, #tpu.memory_space<hbm>>) dst(%dma_wait3A_34 : memref<2048xi32, #tpu.memory_space<vmem>>)
      tpu.yield
    }) : () -> ()
    %mul3A_1 = arith.constant 2 : i32
    %mul3A_2 = arith.muli %arg1, %mul3A_1 : i32
    %add3A = arith.constant 1 : i32
    %add3A_3 = arith.addi %mul3A_2, %add3A : i32
    "tpu.region"() ({
      %run_scoped3A = tpu.sem_alloc : memref<!tpu.dma_semaphore, #tpu.memory_space<semaphore_mem>>
      %dma_start3A = arith.constant 2048 : i32
      %dma_start3A_20 = tpu.memref_slice %arg9[%dma_start3A] : memref<4096xi32, #tpu.memory_space<vmem>> -> memref<2048xi32, #tpu.memory_space<vmem>>
      %dma_start3A_21 = arith.constant 0 : i32
      %dma_start3A_22 = tpu.memref_slice %arg2[%add3A_3, %dma_start3A_21] : memref<32x2048xi32, #tpu.memory_space<hbm>> -> memref<1x2048xi32, #tpu.memory_space<hbm>>
      %dma_start3A_23 = tpu.memref_squeeze %dma_start3A_22 : memref<1x2048xi32, #tpu.memory_space<hbm>> -> memref<2048xi32, #tpu.memory_space<hbm>>
      %dma_start3A_24 = arith.constant 2048 : i32
      %dma_start3A_25 = tpu.memref_slice %arg9[%dma_start3A_24] : memref<4096xi32, #tpu.memory_space<vmem>> -> memref<2048xi32, #tpu.memory_space<vmem>>
      %dma_start3A_26 = arith.constant 0 : i32
      %dma_start3A_27 = tpu.memref_slice %arg2[%add3A_3, %dma_start3A_26] : memref<32x2048xi32, #tpu.memory_space<hbm>> -> memref<1x2048xi32, #tpu.memory_space<hbm>>
      %dma_start3A_28 = tpu.memref_squeeze %dma_start3A_27 : memref<1x2048xi32, #tpu.memory_space<hbm>> -> memref<2048xi32, #tpu.memory_space<hbm>>
      tpu.enqueue_dma source(%dma_start3A_28 : memref<2048xi32, #tpu.memory_space<hbm>>) target(%dma_start3A_25 : memref<2048xi32, #tpu.memory_space<vmem>>) target_semaphore(%run_scoped3A : memref<!tpu.dma_semaphore, #tpu.memory_space<semaphore_mem>>)
      %dma_wait3A = arith.constant 2048 : i32
      %dma_wait3A_29 = tpu.memref_slice %arg9[%dma_wait3A] : memref<4096xi32, #tpu.memory_space<vmem>> -> memref<2048xi32, #tpu.memory_space<vmem>>
      %dma_wait3A_30 = arith.constant 0 : i32
      %dma_wait3A_31 = tpu.memref_slice %arg2[%add3A_3, %dma_wait3A_30] : memref<32x2048xi32, #tpu.memory_space<hbm>> -> memref<1x2048xi32, #tpu.memory_space<hbm>>
      %dma_wait3A_32 = tpu.memref_squeeze %dma_wait3A_31 : memref<1x2048xi32, #tpu.memory_space<hbm>> -> memref<2048xi32, #tpu.memory_space<hbm>>
      %dma_wait3A_33 = arith.constant 2048 : i32
      %dma_wait3A_34 = tpu.memref_slice %arg9[%dma_wait3A_33] : memref<4096xi32, #tpu.memory_space<vmem>> -> memref<2048xi32, #tpu.memory_space<vmem>>
      %dma_wait3A_35 = arith.constant 0 : i32
      %dma_wait3A_36 = tpu.memref_slice %arg2[%add3A_3, %dma_wait3A_35] : memref<32x2048xi32, #tpu.memory_space<hbm>> -> memref<1x2048xi32, #tpu.memory_space<hbm>>
      %dma_wait3A_37 = tpu.memref_squeeze %dma_wait3A_36 : memref<1x2048xi32, #tpu.memory_space<hbm>> -> memref<2048xi32, #tpu.memory_space<hbm>>
      tpu.wait_dma2 semaphore(%run_scoped3A : memref<!tpu.dma_semaphore, #tpu.memory_space<semaphore_mem>>) src(%dma_wait3A_37 : memref<2048xi32, #tpu.memory_space<hbm>>) dst(%dma_wait3A_34 : memref<2048xi32, #tpu.memory_space<vmem>>)
      tpu.yield
    }) : () -> ()
    %scan3A = arith.constant 0 : i32
    %scan3A_4 = arith.constant 0 : i32
    %scan3A_5 = arith.constant 2 : i32
    %scan3A_6 = arith.addi %scan3A_4, %scan3A_5 : i32
    %scan3A_7 = arith.constant 1 : i32
    scf.for %scan3A_20 = %scan3A_4 to %scan3A_6 step %scan3A_7  : i32 {
      %mul3A_21 = arith.constant 2048 : i32
      %mul3A_22 = arith.muli %scan3A_20, %mul3A_21 : i32
      %mul3A_23 = arith.constant 32 : i32
      %mul3A_24 = arith.muli %arg1, %mul3A_23 : i32
      %mul3A_25 = arith.constant 16 : i32
      %mul3A_26 = arith.muli %scan3A_20, %mul3A_25 : i32
      %add3A_27 = arith.addi %mul3A_24, %mul3A_26 : i32
      %get3A = arith.index_cast %add3A_27 : i32 to index
      %get3A_28 = tpu.vector_load %arg10[%get3A] {strides = array<i32>} : memref<528xi32, #tpu.memory_space<vmem>>, vector<16xi32>,
      %slice3A = vector.extract_strided_slice %get3A_28 {offsets = [0], sizes = [1], strides = [1]} : vector<16xi32> to vector<1xi32>
      %squeeze3A = vector.extract %slice3A[0] : i32 from vector<1xi32>
      %add3A_29 = arith.constant 63 : i32
      %add3A_30 = arith.addi %squeeze3A, %add3A_29 : i32
      %div3A = arith.constant 64 : i32
      %div3A_31 = arith.divsi %add3A_30, %div3A : i32
      %gt3A = arith.constant 0 : i32
      %gt3A_32 = arith.cmpi sgt, %div3A_31, %gt3A : i32
      %convert_element_type3A_33 = arith.extui %gt3A_32 : i1 to i32
      %cond3A_34 = arith.constant 0 : i32
      %cond3A_35 = arith.cmpi ne, %convert_element_type3A_33, %cond3A_34 : i32
      scf.if %cond3A_35 {
        %scan3A_36 = arith.constant 0 : i32
        %scan3A_37 = arith.constant 0 : i32
        %scan3A_38 = arith.constant 4 : i32
        %scan3A_39 = arith.addi %scan3A_37, %scan3A_38 : i32
        %scan3A_40 = arith.constant 1 : i32
        scf.for %scan3A_61 = %scan3A_37 to %scan3A_39 step %scan3A_40  : i32 {
          %mul3A_62 = arith.constant 16 : i32
          %mul3A_63 = arith.muli %scan3A_61, %mul3A_62 : i32
          %add3A_64 = arith.addi %mul3A_22, %mul3A_63 : i32
          %get3A_65 = arith.index_cast %add3A_64 : i32 to index
          %get3A_66 = tpu.vector_load %arg9[%get3A_65] {strides = array<i32>} : memref<4096xi32, #tpu.memory_space<vmem>>, vector<16xi32>,
          %and3A = arith.constant 8191 : i32
          %and3A_67 = vector.broadcast %and3A : i32 to vector<16xi32>
          %and3A_68 = arith.andi %get3A_66, %and3A_67 : vector<16xi32>
          %mul3A_69 = arith.constant 16 : i32
          %mul3A_70 = arith.muli %scan3A_61, %mul3A_69 : i32
          %add3A_71 = arith.constant 0 : i32
          %add3A_72 = arith.addi %add3A_71, %mul3A_70 : i32
          %swap3A = arith.index_cast %add3A_72 : i32 to index
          %swap3A_73 = tpu.vector_load %arg11[%swap3A] {strides = array<i32>} : memref<128xi32, #tpu.memory_space<vmem>>, vector<16xi32>,
          tpu.vector_store %arg11[%swap3A], %and3A_68 {strides = array<i32>} : memref<128xi32, #tpu.memory_space<vmem>>, vector<16xi32>,
          %shift_right_arithmetic3A = arith.constant 13 : i32
          %shift_right_arithmetic3A_74 = vector.broadcast %shift_right_arithmetic3A : i32 to vector<16xi32>
          %shift_right_arithmetic3A_75 = arith.shrsi %get3A_66, %shift_right_arithmetic3A_74 : vector<16xi32>
          %mul3A_76 = arith.constant 320 : i32
          %mul3A_77 = arith.muli %arg1, %mul3A_76 : i32
          %sub3A = vector.broadcast %mul3A_77 : i32 to vector<16xi32>
          %sub3A_78 = arith.subi %shift_right_arithmetic3A_75, %sub3A : vector<16xi32>
          %mul3A_79 = arith.constant 256 : i32
          %mul3A_80 = vector.broadcast %mul3A_79 : i32 to vector<16xi32>
          %mul3A_81 = arith.muli %sub3A_78, %mul3A_80 : vector<16xi32>
          %mul3A_82 = arith.constant 16 : i32
          %mul3A_83 = arith.muli %scan3A_61, %mul3A_82 : i32
          %add3A_84 = arith.constant 0 : i32
          %add3A_85 = arith.addi %add3A_84, %mul3A_83 : i32
          %swap3A_86 = arith.index_cast %add3A_85 : i32 to index
          %swap3A_87 = tpu.vector_load %arg12[%swap3A_86] {strides = array<i32>} : memref<128xi32, #tpu.memory_space<vmem>>, vector<16xi32>,
          tpu.vector_store %arg12[%swap3A_86], %mul3A_81 {strides = array<i32>} : memref<128xi32, #tpu.memory_space<vmem>>, vector<16xi32>,
        }
        %scan3A_41 = arith.constant 4 : i32
        %eq3A_42 = arith.constant 0 : i32
        %eq3A_43 = arith.cmpi eq, %arg0, %eq3A_42 : i32
        %convert_element_type3A_44 = arith.extui %eq3A_43 : i1 to i32
        %cond3A_45 = arith.constant 0 : i32
        %cond3A_46 = arith.cmpi ne, %convert_element_type3A_44, %cond3A_45 : i32
        scf.if %cond3A_46 {
          %dma_start3A = arith.constant 0 : i32
          %dma_start3A_61 = tpu.memref_slice %arg11[%dma_start3A] : memref<128xi32, #tpu.memory_space<vmem>> -> memref<64xi32, #tpu.memory_space<vmem>>
          %dma_start3A_62 = arith.constant 0 : i32
          %dma_start3A_63 = arith.constant 0 : i32
          %dma_start3A_64 = tpu.memref_slice %arg5[%dma_start3A_62, %dma_start3A_63] : memref<5000x128xi32, #tpu.memory_space<hbm>> -> memref<5000x128xi32, #tpu.memory_space<hbm>>
          tpu.enqueue_indirect_dma source(%dma_start3A_64 : memref<5000x128xi32, #tpu.memory_space<hbm>>) target(%arg13 : memref<64x128xi32, #tpu.memory_space<vmem>>) offsets(%dma_start3A_61 : memref<64xi32, #tpu.memory_space<vmem>>) semaphore(%arg16 : memref<!tpu.dma_semaphore, #tpu.memory_space<semaphore_mem>>)
        } else {
        }
        %eq3A_47 = arith.constant 1 : i32
        %eq3A_48 = arith.cmpi eq, %arg0, %eq3A_47 : i32
        %convert_element_type3A_49 = arith.extui %eq3A_48 : i1 to i32
        %cond3A_50 = arith.constant 0 : i32
        %cond3A_51 = arith.cmpi ne, %convert_element_type3A_49, %cond3A_50 : i32
        scf.if %cond3A_51 {
          %dma_start3A = arith.constant 0 : i32
          %dma_start3A_61 = tpu.memref_slice %arg11[%dma_start3A] : memref<128xi32, #tpu.memory_space<vmem>> -> memref<64xi32, #tpu.memory_space<vmem>>
          %dma_start3A_62 = arith.constant 0 : i32
          %dma_start3A_63 = arith.constant 0 : i32
          %dma_start3A_64 = tpu.memref_slice %arg6[%dma_start3A_62, %dma_start3A_63] : memref<5000x128xi32, #tpu.memory_space<hbm>> -> memref<5000x128xi32, #tpu.memory_space<hbm>>
          tpu.enqueue_indirect_dma source(%dma_start3A_64 : memref<5000x128xi32, #tpu.memory_space<hbm>>) target(%arg13 : memref<64x128xi32, #tpu.memory_space<vmem>>) offsets(%dma_start3A_61 : memref<64xi32, #tpu.memory_space<vmem>>) semaphore(%arg16 : memref<!tpu.dma_semaphore, #tpu.memory_space<semaphore_mem>>)
        } else {
        }
        %while3A = arith.constant 0 : i32
        %while3A_52 = arith.constant 0 : i32
        %while3A_53 = arith.subi %div3A_31, %while3A_52 : i32
        %while3A_54 = arith.addi %while3A_52, %while3A_53 : i32
        %while3A_55 = arith.constant 1 : i32
        %while3A_56 = arith.divsi %while3A_53, %while3A_55 : i32
        %while3A_57 = arith.muli %while3A_56, %while3A_55 : i32
        %while3A_58 = arith.addi %while3A_52, %while3A_57 : i32
        %while3A_59 = arith.constant 1 : i32
        scf.for %while3A_61 = %while3A_52 to %while3A_58 step %while3A_59  : i32 {
          %and3A = arith.constant 1 : i32
          %and3A_62 = arith.andi %while3A_61, %and3A : i32
          %eq3A_63 = arith.constant 0 : i32
          %eq3A_64 = arith.cmpi eq, %and3A_62, %eq3A_63 : i32
          %convert_element_type3A_65 = arith.extui %eq3A_64 : i1 to i32
          %cond3A_66 = arith.constant 0 : i32
          %cond3A_67 = arith.cmpi ne, %convert_element_type3A_65, %cond3A_66 : i32
          scf.if %cond3A_67 {
            %add3A_75 = arith.constant 1 : i32
            %add3A_76 = arith.addi %while3A_61, %add3A_75 : i32
            %lt3A = arith.cmpi slt, %add3A_76, %div3A_31 : i32
            %convert_element_type3A_77 = arith.extui %lt3A : i1 to i32
            %cond3A_78 = arith.constant 0 : i32
            %cond3A_79 = arith.cmpi ne, %convert_element_type3A_77, %cond3A_78 : i32
            scf.if %cond3A_79 {
              %add3A_84 = arith.constant 1 : i32
              %add3A_85 = arith.addi %while3A_61, %add3A_84 : i32
              %mul3A_86 = arith.constant 64 : i32
              %mul3A_87 = arith.muli %add3A_85, %mul3A_86 : i32
              %add3A_88 = arith.addi %mul3A_22, %mul3A_87 : i32
              %scan3A_89 = arith.constant 0 : i32
              %scan3A_90 = arith.constant 0 : i32
              %scan3A_91 = arith.constant 4 : i32
              %scan3A_92 = arith.addi %scan3A_90, %scan3A_91 : i32
              %scan3A_93 = arith.constant 1 : i32
              scf.for %scan3A_105 = %scan3A_90 to %scan3A_92 step %scan3A_93  : i32 {
                %mul3A_106 = arith.constant 16 : i32
                %mul3A_107 = arith.muli %scan3A_105, %mul3A_106 : i32
                %add3A_108 = arith.addi %add3A_88, %mul3A_107 : i32
                %get3A_109 = arith.index_cast %add3A_108 : i32 to index
                %get3A_110 = tpu.vector_load %arg9[%get3A_109] {strides = array<i32>} : memref<4096xi32, #tpu.memory_space<vmem>>, vector<16xi32>,
                %and3A_111 = arith.constant 8191 : i32
                %and3A_112 = vector.broadcast %and3A_111 : i32 to vector<16xi32>
                %and3A_113 = arith.andi %get3A_110, %and3A_112 : vector<16xi32>
                %mul3A_114 = arith.constant 16 : i32
                %mul3A_115 = arith.muli %scan3A_105, %mul3A_114 : i32
                %add3A_116 = arith.constant 64 : i32
                %add3A_117 = arith.addi %add3A_116, %mul3A_115 : i32
                %swap3A = arith.index_cast %add3A_117 : i32 to index
                %swap3A_118 = tpu.vector_load %arg11[%swap3A] {strides = array<i32>} : memref<128xi32, #tpu.memory_space<vmem>>, vector<16xi32>,
                tpu.vector_store %arg11[%swap3A], %and3A_113 {strides = array<i32>} : memref<128xi32, #tpu.memory_space<vmem>>, vector<16xi32>,
                %shift_right_arithmetic3A = arith.constant 13 : i32
                %shift_right_arithmetic3A_119 = vector.broadcast %shift_right_arithmetic3A : i32 to vector<16xi32>
                %shift_right_arithmetic3A_120 = arith.shrsi %get3A_110, %shift_right_arithmetic3A_119 : vector<16xi32>
                %mul3A_121 = arith.constant 320 : i32
                %mul3A_122 = arith.muli %arg1, %mul3A_121 : i32
                %sub3A = vector.broadcast %mul3A_122 : i32 to vector<16xi32>
                %sub3A_123 = arith.subi %shift_right_arithmetic3A_120, %sub3A : vector<16xi32>
                %mul3A_124 = arith.constant 256 : i32
                %mul3A_125 = vector.broadcast %mul3A_124 : i32 to vector<16xi32>
                %mul3A_126 = arith.muli %sub3A_123, %mul3A_125 : vector<16xi32>
                %mul3A_127 = arith.constant 16 : i32
                %mul3A_128 = arith.muli %scan3A_105, %mul3A_127 : i32
                %add3A_129 = arith.constant 64 : i32
                %add3A_130 = arith.addi %add3A_129, %mul3A_128 : i32
                %swap3A_131 = arith.index_cast %add3A_130 : i32 to index
                %swap3A_132 = tpu.vector_load %arg12[%swap3A_131] {strides = array<i32>} : memref<128xi32, #tpu.memory_space<vmem>>, vector<16xi32>,
                tpu.vector_store %arg12[%swap3A_131], %mul3A_126 {strides = array<i32>} : memref<128xi32, #tpu.memory_space<vmem>>, vector<16xi32>,
              }
              %scan3A_94 = arith.constant 4 : i32
              %eq3A_95 = arith.constant 0 : i32
              %eq3A_96 = arith.cmpi eq, %arg0, %eq3A_95 : i32
              %convert_element_type3A_97 = arith.extui %eq3A_96 : i1 to i32
              %cond3A_98 = arith.constant 0 : i32
              %cond3A_99 = arith.cmpi ne, %convert_element_type3A_97, %cond3A_98 : i32
              scf.if %cond3A_99 {
                %dma_start3A = arith.constant 64 : i32
                %dma_start3A_105 = tpu.memref_slice %arg11[%dma_start3A] : memref<128xi32, #tpu.memory_space<vmem>> -> memref<64xi32, #tpu.memory_space<vmem>>
                %dma_start3A_106 = arith.constant 0 : i32
                %dma_start3A_107 = arith.constant 0 : i32
                %dma_start3A_108 = tpu.memref_slice %arg5[%dma_start3A_106, %dma_start3A_107] : memref<5000x128xi32, #tpu.memory_space<hbm>> -> memref<5000x128xi32, #tpu.memory_space<hbm>>
                tpu.enqueue_indirect_dma source(%dma_start3A_108 : memref<5000x128xi32, #tpu.memory_space<hbm>>) target(%arg14 : memref<64x128xi32, #tpu.memory_space<vmem>>) offsets(%dma_start3A_105 : memref<64xi32, #tpu.memory_space<vmem>>) semaphore(%arg17 : memref<!tpu.dma_semaphore, #tpu.memory_space<semaphore_mem>>)
              } else {
              }
              %eq3A_100 = arith.constant 1 : i32
              %eq3A_101 = arith.cmpi eq, %arg0, %eq3A_100 : i32
              %convert_element_type3A_102 = arith.extui %eq3A_101 : i1 to i32
              %cond3A_103 = arith.constant 0 : i32
              %cond3A_104 = arith.cmpi ne, %convert_element_type3A_102, %cond3A_103 : i32
              scf.if %cond3A_104 {
                %dma_start3A = arith.constant 64 : i32
                %dma_start3A_105 = tpu.memref_slice %arg11[%dma_start3A] : memref<128xi32, #tpu.memory_space<vmem>> -> memref<64xi32, #tpu.memory_space<vmem>>
                %dma_start3A_106 = arith.constant 0 : i32
                %dma_start3A_107 = arith.constant 0 : i32
                %dma_start3A_108 = tpu.memref_slice %arg6[%dma_start3A_106, %dma_start3A_107] : memref<5000x128xi32, #tpu.memory_space<hbm>> -> memref<5000x128xi32, #tpu.memory_space<hbm>>
                tpu.enqueue_indirect_dma source(%dma_start3A_108 : memref<5000x128xi32, #tpu.memory_space<hbm>>) target(%arg14 : memref<64x128xi32, #tpu.memory_space<vmem>>) offsets(%dma_start3A_105 : memref<64xi32, #tpu.memory_space<vmem>>) semaphore(%arg17 : memref<!tpu.dma_semaphore, #tpu.memory_space<semaphore_mem>>)
              } else {
              }
            } else {
            }
            %dma_wait3A = arith.constant 0 : i32
            %dma_wait3A_80 = tpu.memref_slice %arg11[%dma_wait3A] : memref<128xi32, #tpu.memory_space<vmem>> -> memref<64xi32, #tpu.memory_space<vmem>>
            %dma_wait3A_81 = arith.constant 0 : i32
            %dma_wait3A_82 = arith.constant 0 : i32
            %dma_wait3A_83 = tpu.memref_slice %arg5[%dma_wait3A_81, %dma_wait3A_82] : memref<5000x128xi32, #tpu.memory_space<hbm>> -> memref<5000x128xi32, #tpu.memory_space<hbm>>
            tpu.wait_indirect_dma semaphore(%arg16 : memref<!tpu.dma_semaphore, #tpu.memory_space<semaphore_mem>>) src(%dma_wait3A_83 : memref<5000x128xi32, #tpu.memory_space<hbm>>) dst(%arg13 : memref<64x128xi32, #tpu.memory_space<vmem>>)
          } else {
          }
          %and3A_68 = arith.constant 1 : i32
          %and3A_69 = arith.andi %while3A_61, %and3A_68 : i32
          %eq3A_70 = arith.constant 1 : i32
          %eq3A_71 = arith.cmpi eq, %and3A_69, %eq3A_70 : i32
          %convert_element_type3A_72 = arith.extui %eq3A_71 : i1 to i32
          %cond3A_73 = arith.constant 0 : i32
          %cond3A_74 = arith.cmpi ne, %convert_element_type3A_72, %cond3A_73 : i32
          scf.if %cond3A_74 {
            %add3A_75 = arith.constant 1 : i32
            %add3A_76 = arith.addi %while3A_61, %add3A_75 : i32
            %lt3A = arith.cmpi slt, %add3A_76, %div3A_31 : i32
            %convert_element_type3A_77 = arith.extui %lt3A : i1 to i32
            %cond3A_78 = arith.constant 0 : i32
            %cond3A_79 = arith.cmpi ne, %convert_element_type3A_77, %cond3A_78 : i32
            scf.if %cond3A_79 {
              %add3A_84 = arith.constant 1 : i32
              %add3A_85 = arith.addi %while3A_61, %add3A_84 : i32
              %mul3A_86 = arith.constant 64 : i32
              %mul3A_87 = arith.muli %add3A_85, %mul3A_86 : i32
              %add3A_88 = arith.addi %mul3A_22, %mul3A_87 : i32
              %scan3A_89 = arith.constant 0 : i32
              %scan3A_90 = arith.constant 0 : i32
              %scan3A_91 = arith.constant 4 : i32
              %scan3A_92 = arith.addi %scan3A_90, %scan3A_91 : i32
              %scan3A_93 = arith.constant 1 : i32
              scf.for %scan3A_105 = %scan3A_90 to %scan3A_92 step %scan3A_93  : i32 {
                %mul3A_106 = arith.constant 16 : i32
                %mul3A_107 = arith.muli %scan3A_105, %mul3A_106 : i32
                %add3A_108 = arith.addi %add3A_88, %mul3A_107 : i32
                %get3A_109 = arith.index_cast %add3A_108 : i32 to index
                %get3A_110 = tpu.vector_load %arg9[%get3A_109] {strides = array<i32>} : memref<4096xi32, #tpu.memory_space<vmem>>, vector<16xi32>,
                %and3A_111 = arith.constant 8191 : i32
                %and3A_112 = vector.broadcast %and3A_111 : i32 to vector<16xi32>
                %and3A_113 = arith.andi %get3A_110, %and3A_112 : vector<16xi32>
                %mul3A_114 = arith.constant 16 : i32
                %mul3A_115 = arith.muli %scan3A_105, %mul3A_114 : i32
                %add3A_116 = arith.constant 0 : i32
                %add3A_117 = arith.addi %add3A_116, %mul3A_115 : i32
                %swap3A = arith.index_cast %add3A_117 : i32 to index
                %swap3A_118 = tpu.vector_load %arg11[%swap3A] {strides = array<i32>} : memref<128xi32, #tpu.memory_space<vmem>>, vector<16xi32>,
                tpu.vector_store %arg11[%swap3A], %and3A_113 {strides = array<i32>} : memref<128xi32, #tpu.memory_space<vmem>>, vector<16xi32>,
                %shift_right_arithmetic3A = arith.constant 13 : i32
                %shift_right_arithmetic3A_119 = vector.broadcast %shift_right_arithmetic3A : i32 to vector<16xi32>
                %shift_right_arithmetic3A_120 = arith.shrsi %get3A_110, %shift_right_arithmetic3A_119 : vector<16xi32>
                %mul3A_121 = arith.constant 320 : i32
                %mul3A_122 = arith.muli %arg1, %mul3A_121 : i32
                %sub3A = vector.broadcast %mul3A_122 : i32 to vector<16xi32>
                %sub3A_123 = arith.subi %shift_right_arithmetic3A_120, %sub3A : vector<16xi32>
                %mul3A_124 = arith.constant 256 : i32
                %mul3A_125 = vector.broadcast %mul3A_124 : i32 to vector<16xi32>
                %mul3A_126 = arith.muli %sub3A_123, %mul3A_125 : vector<16xi32>
                %mul3A_127 = arith.constant 16 : i32
                %mul3A_128 = arith.muli %scan3A_105, %mul3A_127 : i32
                %add3A_129 = arith.constant 0 : i32
                %add3A_130 = arith.addi %add3A_129, %mul3A_128 : i32
                %swap3A_131 = arith.index_cast %add3A_130 : i32 to index
                %swap3A_132 = tpu.vector_load %arg12[%swap3A_131] {strides = array<i32>} : memref<128xi32, #tpu.memory_space<vmem>>, vector<16xi32>,
                tpu.vector_store %arg12[%swap3A_131], %mul3A_126 {strides = array<i32>} : memref<128xi32, #tpu.memory_space<vmem>>, vector<16xi32>,
              }
              %scan3A_94 = arith.constant 4 : i32
              %eq3A_95 = arith.constant 0 : i32
              %eq3A_96 = arith.cmpi eq, %arg0, %eq3A_95 : i32
              %convert_element_type3A_97 = arith.extui %eq3A_96 : i1 to i32
              %cond3A_98 = arith.constant 0 : i32
              %cond3A_99 = arith.cmpi ne, %convert_element_type3A_97, %cond3A_98 : i32
              scf.if %cond3A_99 {
                %dma_start3A = arith.constant 0 : i32
                %dma_start3A_105 = tpu.memref_slice %arg11[%dma_start3A] : memref<128xi32, #tpu.memory_space<vmem>> -> memref<64xi32, #tpu.memory_space<vmem>>
                %dma_start3A_106 = arith.constant 0 : i32
                %dma_start3A_107 = arith.constant 0 : i32
                %dma_start3A_108 = tpu.memref_slice %arg5[%dma_start3A_106, %dma_start3A_107] : memref<5000x128xi32, #tpu.memory_space<hbm>> -> memref<5000x128xi32, #tpu.memory_space<hbm>>
                tpu.enqueue_indirect_dma source(%dma_start3A_108 : memref<5000x128xi32, #tpu.memory_space<hbm>>) target(%arg13 : memref<64x128xi32, #tpu.memory_space<vmem>>) offsets(%dma_start3A_105 : memref<64xi32, #tpu.memory_space<vmem>>) semaphore(%arg16 : memref<!tpu.dma_semaphore, #tpu.memory_space<semaphore_mem>>)
              } else {
              }
              %eq3A_100 = arith.constant 1 : i32
              %eq3A_101 = arith.cmpi eq, %arg0, %eq3A_100 : i32
              %convert_element_type3A_102 = arith.extui %eq3A_101 : i1 to i32
              %cond3A_103 = arith.constant 0 : i32
              %cond3A_104 = arith.cmpi ne, %convert_element_type3A_102, %cond3A_103 : i32
              scf.if %cond3A_104 {
                %dma_start3A = arith.constant 0 : i32
                %dma_start3A_105 = tpu.memref_slice %arg11[%dma_start3A] : memref<128xi32, #tpu.memory_space<vmem>> -> memref<64xi32, #tpu.memory_space<vmem>>
                %dma_start3A_106 = arith.constant 0 : i32
                %dma_start3A_107 = arith.constant 0 : i32
                %dma_start3A_108 = tpu.memref_slice %arg6[%dma_start3A_106, %dma_start3A_107] : memref<5000x128xi32, #tpu.memory_space<hbm>> -> memref<5000x128xi32, #tpu.memory_space<hbm>>
                tpu.enqueue_indirect_dma source(%dma_start3A_108 : memref<5000x128xi32, #tpu.memory_space<hbm>>) target(%arg13 : memref<64x128xi32, #tpu.memory_space<vmem>>) offsets(%dma_start3A_105 : memref<64xi32, #tpu.memory_space<vmem>>) semaphore(%arg16 : memref<!tpu.dma_semaphore, #tpu.memory_space<semaphore_mem>>)
              } else {
              }
            } else {
            }
            %dma_wait3A = arith.constant 64 : i32
            %dma_wait3A_80 = tpu.memref_slice %arg11[%dma_wait3A] : memref<128xi32, #tpu.memory_space<vmem>> -> memref<64xi32, #tpu.memory_space<vmem>>
            %dma_wait3A_81 = arith.constant 0 : i32
            %dma_wait3A_82 = arith.constant 0 : i32
            %dma_wait3A_83 = tpu.memref_slice %arg5[%dma_wait3A_81, %dma_wait3A_82] : memref<5000x128xi32, #tpu.memory_space<hbm>> -> memref<5000x128xi32, #tpu.memory_space<hbm>>
            tpu.wait_indirect_dma semaphore(%arg17 : memref<!tpu.dma_semaphore, #tpu.memory_space<semaphore_mem>>) src(%dma_wait3A_83 : memref<5000x128xi32, #tpu.memory_space<hbm>>) dst(%arg14 : memref<64x128xi32, #tpu.memory_space<vmem>>)
          } else {
          }
        }
        %while3A_60 = arith.constant 1 : i32
        scf.for %while3A_61 = %while3A_58 to %while3A_54 step %while3A_60  : i32 {
          %and3A = arith.constant 1 : i32
          %and3A_62 = arith.andi %while3A_61, %and3A : i32
          %eq3A_63 = arith.constant 0 : i32
          %eq3A_64 = arith.cmpi eq, %and3A_62, %eq3A_63 : i32
          %convert_element_type3A_65 = arith.extui %eq3A_64 : i1 to i32
          %cond3A_66 = arith.constant 0 : i32
          %cond3A_67 = arith.cmpi ne, %convert_element_type3A_65, %cond3A_66 : i32
          scf.if %cond3A_67 {
            %add3A_75 = arith.constant 1 : i32
            %add3A_76 = arith.addi %while3A_61, %add3A_75 : i32
            %lt3A = arith.cmpi slt, %add3A_76, %div3A_31 : i32
            %convert_element_type3A_77 = arith.extui %lt3A : i1 to i32
            %cond3A_78 = arith.constant 0 : i32
            %cond3A_79 = arith.cmpi ne, %convert_element_type3A_77, %cond3A_78 : i32
            scf.if %cond3A_79 {
              %add3A_84 = arith.constant 1 : i32
              %add3A_85 = arith.addi %while3A_61, %add3A_84 : i32
              %mul3A_86 = arith.constant 64 : i32
              %mul3A_87 = arith.muli %add3A_85, %mul3A_86 : i32
              %add3A_88 = arith.addi %mul3A_22, %mul3A_87 : i32
              %scan3A_89 = arith.constant 0 : i32
              %scan3A_90 = arith.constant 0 : i32
              %scan3A_91 = arith.constant 4 : i32
              %scan3A_92 = arith.addi %scan3A_90, %scan3A_91 : i32
              %scan3A_93 = arith.constant 1 : i32
              scf.for %scan3A_105 = %scan3A_90 to %scan3A_92 step %scan3A_93  : i32 {
                %mul3A_106 = arith.constant 16 : i32
                %mul3A_107 = arith.muli %scan3A_105, %mul3A_106 : i32
                %add3A_108 = arith.addi %add3A_88, %mul3A_107 : i32
                %get3A_109 = arith.index_cast %add3A_108 : i32 to index
                %get3A_110 = tpu.vector_load %arg9[%get3A_109] {strides = array<i32>} : memref<4096xi32, #tpu.memory_space<vmem>>, vector<16xi32>,
                %and3A_111 = arith.constant 8191 : i32
                %and3A_112 = vector.broadcast %and3A_111 : i32 to vector<16xi32>
                %and3A_113 = arith.andi %get3A_110, %and3A_112 : vector<16xi32>
                %mul3A_114 = arith.constant 16 : i32
                %mul3A_115 = arith.muli %scan3A_105, %mul3A_114 : i32
                %add3A_116 = arith.constant 64 : i32
                %add3A_117 = arith.addi %add3A_116, %mul3A_115 : i32
                %swap3A = arith.index_cast %add3A_117 : i32 to index
                %swap3A_118 = tpu.vector_load %arg11[%swap3A] {strides = array<i32>} : memref<128xi32, #tpu.memory_space<vmem>>, vector<16xi32>,
                tpu.vector_store %arg11[%swap3A], %and3A_113 {strides = array<i32>} : memref<128xi32, #tpu.memory_space<vmem>>, vector<16xi32>,
                %shift_right_arithmetic3A = arith.constant 13 : i32
                %shift_right_arithmetic3A_119 = vector.broadcast %shift_right_arithmetic3A : i32 to vector<16xi32>
                %shift_right_arithmetic3A_120 = arith.shrsi %get3A_110, %shift_right_arithmetic3A_119 : vector<16xi32>
                %mul3A_121 = arith.constant 320 : i32
                %mul3A_122 = arith.muli %arg1, %mul3A_121 : i32
                %sub3A = vector.broadcast %mul3A_122 : i32 to vector<16xi32>
                %sub3A_123 = arith.subi %shift_right_arithmetic3A_120, %sub3A : vector<16xi32>
                %mul3A_124 = arith.constant 256 : i32
                %mul3A_125 = vector.broadcast %mul3A_124 : i32 to vector<16xi32>
                %mul3A_126 = arith.muli %sub3A_123, %mul3A_125 : vector<16xi32>
                %mul3A_127 = arith.constant 16 : i32
                %mul3A_128 = arith.muli %scan3A_105, %mul3A_127 : i32
                %add3A_129 = arith.constant 64 : i32
                %add3A_130 = arith.addi %add3A_129, %mul3A_128 : i32
                %swap3A_131 = arith.index_cast %add3A_130 : i32 to index
                %swap3A_132 = tpu.vector_load %arg12[%swap3A_131] {strides = array<i32>} : memref<128xi32, #tpu.memory_space<vmem>>, vector<16xi32>,
                tpu.vector_store %arg12[%swap3A_131], %mul3A_126 {strides = array<i32>} : memref<128xi32, #tpu.memory_space<vmem>>, vector<16xi32>,
              }
              %scan3A_94 = arith.constant 4 : i32
              %eq3A_95 = arith.constant 0 : i32
              %eq3A_96 = arith.cmpi eq, %arg0, %eq3A_95 : i32
              %convert_element_type3A_97 = arith.extui %eq3A_96 : i1 to i32
              %cond3A_98 = arith.constant 0 : i32
              %cond3A_99 = arith.cmpi ne, %convert_element_type3A_97, %cond3A_98 : i32
              scf.if %cond3A_99 {
                %dma_start3A = arith.constant 64 : i32
                %dma_start3A_105 = tpu.memref_slice %arg11[%dma_start3A] : memref<128xi32, #tpu.memory_space<vmem>> -> memref<64xi32, #tpu.memory_space<vmem>>
                %dma_start3A_106 = arith.constant 0 : i32
                %dma_start3A_107 = arith.constant 0 : i32
                %dma_start3A_108 = tpu.memref_slice %arg5[%dma_start3A_106, %dma_start3A_107] : memref<5000x128xi32, #tpu.memory_space<hbm>> -> memref<5000x128xi32, #tpu.memory_space<hbm>>
                tpu.enqueue_indirect_dma source(%dma_start3A_108 : memref<5000x128xi32, #tpu.memory_space<hbm>>) target(%arg14 : memref<64x128xi32, #tpu.memory_space<vmem>>) offsets(%dma_start3A_105 : memref<64xi32, #tpu.memory_space<vmem>>) semaphore(%arg17 : memref<!tpu.dma_semaphore, #tpu.memory_space<semaphore_mem>>)
              } else {
              }
              %eq3A_100 = arith.constant 1 : i32
              %eq3A_101 = arith.cmpi eq, %arg0, %eq3A_100 : i32
              %convert_element_type3A_102 = arith.extui %eq3A_101 : i1 to i32
              %cond3A_103 = arith.constant 0 : i32
              %cond3A_104 = arith.cmpi ne, %convert_element_type3A_102, %cond3A_103 : i32
              scf.if %cond3A_104 {
                %dma_start3A = arith.constant 64 : i32
                %dma_start3A_105 = tpu.memref_slice %arg11[%dma_start3A] : memref<128xi32, #tpu.memory_space<vmem>> -> memref<64xi32, #tpu.memory_space<vmem>>
                %dma_start3A_106 = arith.constant 0 : i32
                %dma_start3A_107 = arith.constant 0 : i32
                %dma_start3A_108 = tpu.memref_slice %arg6[%dma_start3A_106, %dma_start3A_107] : memref<5000x128xi32, #tpu.memory_space<hbm>> -> memref<5000x128xi32, #tpu.memory_space<hbm>>
                tpu.enqueue_indirect_dma source(%dma_start3A_108 : memref<5000x128xi32, #tpu.memory_space<hbm>>) target(%arg14 : memref<64x128xi32, #tpu.memory_space<vmem>>) offsets(%dma_start3A_105 : memref<64xi32, #tpu.memory_space<vmem>>) semaphore(%arg17 : memref<!tpu.dma_semaphore, #tpu.memory_space<semaphore_mem>>)
              } else {
              }
            } else {
            }
            %dma_wait3A = arith.constant 0 : i32
            %dma_wait3A_80 = tpu.memref_slice %arg11[%dma_wait3A] : memref<128xi32, #tpu.memory_space<vmem>> -> memref<64xi32, #tpu.memory_space<vmem>>
            %dma_wait3A_81 = arith.constant 0 : i32
            %dma_wait3A_82 = arith.constant 0 : i32
            %dma_wait3A_83 = tpu.memref_slice %arg5[%dma_wait3A_81, %dma_wait3A_82] : memref<5000x128xi32, #tpu.memory_space<hbm>> -> memref<5000x128xi32, #tpu.memory_space<hbm>>
            tpu.wait_indirect_dma semaphore(%arg16 : memref<!tpu.dma_semaphore, #tpu.memory_space<semaphore_mem>>) src(%dma_wait3A_83 : memref<5000x128xi32, #tpu.memory_space<hbm>>) dst(%arg13 : memref<64x128xi32, #tpu.memory_space<vmem>>)
          } else {
          }
          %and3A_68 = arith.constant 1 : i32
          %and3A_69 = arith.andi %while3A_61, %and3A_68 : i32
          %eq3A_70 = arith.constant 1 : i32
          %eq3A_71 = arith.cmpi eq, %and3A_69, %eq3A_70 : i32
          %convert_element_type3A_72 = arith.extui %eq3A_71 : i1 to i32
          %cond3A_73 = arith.constant 0 : i32
          %cond3A_74 = arith.cmpi ne, %convert_element_type3A_72, %cond3A_73 : i32
          scf.if %cond3A_74 {
            %add3A_75 = arith.constant 1 : i32
            %add3A_76 = arith.addi %while3A_61, %add3A_75 : i32
            %lt3A = arith.cmpi slt, %add3A_76, %div3A_31 : i32
            %convert_element_type3A_77 = arith.extui %lt3A : i1 to i32
            %cond3A_78 = arith.constant 0 : i32
            %cond3A_79 = arith.cmpi ne, %convert_element_type3A_77, %cond3A_78 : i32
            scf.if %cond3A_79 {
              %add3A_84 = arith.constant 1 : i32
              %add3A_85 = arith.addi %while3A_61, %add3A_84 : i32
              %mul3A_86 = arith.constant 64 : i32
              %mul3A_87 = arith.muli %add3A_85, %mul3A_86 : i32
              %add3A_88 = arith.addi %mul3A_22, %mul3A_87 : i32
              %scan3A_89 = arith.constant 0 : i32
              %scan3A_90 = arith.constant 0 : i32
              %scan3A_91 = arith.constant 4 : i32
              %scan3A_92 = arith.addi %scan3A_90, %scan3A_91 : i32
              %scan3A_93 = arith.constant 1 : i32
              scf.for %scan3A_105 = %scan3A_90 to %scan3A_92 step %scan3A_93  : i32 {
                %mul3A_106 = arith.constant 16 : i32
                %mul3A_107 = arith.muli %scan3A_105, %mul3A_106 : i32
                %add3A_108 = arith.addi %add3A_88, %mul3A_107 : i32
                %get3A_109 = arith.index_cast %add3A_108 : i32 to index
                %get3A_110 = tpu.vector_load %arg9[%get3A_109] {strides = array<i32>} : memref<4096xi32, #tpu.memory_space<vmem>>, vector<16xi32>,
                %and3A_111 = arith.constant 8191 : i32
                %and3A_112 = vector.broadcast %and3A_111 : i32 to vector<16xi32>
                %and3A_113 = arith.andi %get3A_110, %and3A_112 : vector<16xi32>
                %mul3A_114 = arith.constant 16 : i32
                %mul3A_115 = arith.muli %scan3A_105, %mul3A_114 : i32
                %add3A_116 = arith.constant 0 : i32
                %add3A_117 = arith.addi %add3A_116, %mul3A_115 : i32
                %swap3A = arith.index_cast %add3A_117 : i32 to index
                %swap3A_118 = tpu.vector_load %arg11[%swap3A] {strides = array<i32>} : memref<128xi32, #tpu.memory_space<vmem>>, vector<16xi32>,
                tpu.vector_store %arg11[%swap3A], %and3A_113 {strides = array<i32>} : memref<128xi32, #tpu.memory_space<vmem>>, vector<16xi32>,
                %shift_right_arithmetic3A = arith.constant 13 : i32
                %shift_right_arithmetic3A_119 = vector.broadcast %shift_right_arithmetic3A : i32 to vector<16xi32>
                %shift_right_arithmetic3A_120 = arith.shrsi %get3A_110, %shift_right_arithmetic3A_119 : vector<16xi32>
                %mul3A_121 = arith.constant 320 : i32
                %mul3A_122 = arith.muli %arg1, %mul3A_121 : i32
                %sub3A = vector.broadcast %mul3A_122 : i32 to vector<16xi32>
                %sub3A_123 = arith.subi %shift_right_arithmetic3A_120, %sub3A : vector<16xi32>
                %mul3A_124 = arith.constant 256 : i32
                %mul3A_125 = vector.broadcast %mul3A_124 : i32 to vector<16xi32>
                %mul3A_126 = arith.muli %sub3A_123, %mul3A_125 : vector<16xi32>
                %mul3A_127 = arith.constant 16 : i32
                %mul3A_128 = arith.muli %scan3A_105, %mul3A_127 : i32
                %add3A_129 = arith.constant 0 : i32
                %add3A_130 = arith.addi %add3A_129, %mul3A_128 : i32
                %swap3A_131 = arith.index_cast %add3A_130 : i32 to index
                %swap3A_132 = tpu.vector_load %arg12[%swap3A_131] {strides = array<i32>} : memref<128xi32, #tpu.memory_space<vmem>>, vector<16xi32>,
                tpu.vector_store %arg12[%swap3A_131], %mul3A_126 {strides = array<i32>} : memref<128xi32, #tpu.memory_space<vmem>>, vector<16xi32>,
              }
              %scan3A_94 = arith.constant 4 : i32
              %eq3A_95 = arith.constant 0 : i32
              %eq3A_96 = arith.cmpi eq, %arg0, %eq3A_95 : i32
              %convert_element_type3A_97 = arith.extui %eq3A_96 : i1 to i32
              %cond3A_98 = arith.constant 0 : i32
              %cond3A_99 = arith.cmpi ne, %convert_element_type3A_97, %cond3A_98 : i32
              scf.if %cond3A_99 {
                %dma_start3A = arith.constant 0 : i32
                %dma_start3A_105 = tpu.memref_slice %arg11[%dma_start3A] : memref<128xi32, #tpu.memory_space<vmem>> -> memref<64xi32, #tpu.memory_space<vmem>>
                %dma_start3A_106 = arith.constant 0 : i32
                %dma_start3A_107 = arith.constant 0 : i32
                %dma_start3A_108 = tpu.memref_slice %arg5[%dma_start3A_106, %dma_start3A_107] : memref<5000x128xi32, #tpu.memory_space<hbm>> -> memref<5000x128xi32, #tpu.memory_space<hbm>>
                tpu.enqueue_indirect_dma source(%dma_start3A_108 : memref<5000x128xi32, #tpu.memory_space<hbm>>) target(%arg13 : memref<64x128xi32, #tpu.memory_space<vmem>>) offsets(%dma_start3A_105 : memref<64xi32, #tpu.memory_space<vmem>>) semaphore(%arg16 : memref<!tpu.dma_semaphore, #tpu.memory_space<semaphore_mem>>)
              } else {
              }
              %eq3A_100 = arith.constant 1 : i32
              %eq3A_101 = arith.cmpi eq, %arg0, %eq3A_100 : i32
              %convert_element_type3A_102 = arith.extui %eq3A_101 : i1 to i32
              %cond3A_103 = arith.constant 0 : i32
              %cond3A_104 = arith.cmpi ne, %convert_element_type3A_102, %cond3A_103 : i32
              scf.if %cond3A_104 {
                %dma_start3A = arith.constant 0 : i32
                %dma_start3A_105 = tpu.memref_slice %arg11[%dma_start3A] : memref<128xi32, #tpu.memory_space<vmem>> -> memref<64xi32, #tpu.memory_space<vmem>>
                %dma_start3A_106 = arith.constant 0 : i32
                %dma_start3A_107 = arith.constant 0 : i32
                %dma_start3A_108 = tpu.memref_slice %arg6[%dma_start3A_106, %dma_start3A_107] : memref<5000x128xi32, #tpu.memory_space<hbm>> -> memref<5000x128xi32, #tpu.memory_space<hbm>>
                tpu.enqueue_indirect_dma source(%dma_start3A_108 : memref<5000x128xi32, #tpu.memory_space<hbm>>) target(%arg13 : memref<64x128xi32, #tpu.memory_space<vmem>>) offsets(%dma_start3A_105 : memref<64xi32, #tpu.memory_space<vmem>>) semaphore(%arg16 : memref<!tpu.dma_semaphore, #tpu.memory_space<semaphore_mem>>)
              } else {
              }
            } else {
            }
            %dma_wait3A = arith.constant 64 : i32
            %dma_wait3A_80 = tpu.memref_slice %arg11[%dma_wait3A] : memref<128xi32, #tpu.memory_space<vmem>> -> memref<64xi32, #tpu.memory_space<vmem>>
            %dma_wait3A_81 = arith.constant 0 : i32
            %dma_wait3A_82 = arith.constant 0 : i32
            %dma_wait3A_83 = tpu.memref_slice %arg5[%dma_wait3A_81, %dma_wait3A_82] : memref<5000x128xi32, #tpu.memory_space<hbm>> -> memref<5000x128xi32, #tpu.memory_space<hbm>>
            tpu.wait_indirect_dma semaphore(%arg17 : memref<!tpu.dma_semaphore, #tpu.memory_space<semaphore_mem>>) src(%dma_wait3A_83 : memref<5000x128xi32, #tpu.memory_space<hbm>>) dst(%arg14 : memref<64x128xi32, #tpu.memory_space<vmem>>)
          } else {
          }
        }
      } else {
      }
    }
    %scan3A_8 = arith.constant 2 : i32
    %mul3A_9 = arith.constant 320 : i32
    %mul3A_10 = arith.muli %arg1, %mul3A_9 : i32
    %mul3A_11 = arith.constant 256 : i32
    %mul3A_12 = arith.muli %mul3A_10, %mul3A_11 : i32
    %eq3A = arith.constant 0 : i32
    %eq3A_13 = arith.cmpi eq, %arg0, %eq3A : i32
    %convert_element_type3A = arith.extui %eq3A_13 : i1 to i32
    %cond3A = arith.constant 0 : i32
    %cond3A_14 = arith.cmpi ne, %convert_element_type3A, %cond3A : i32
    scf.if %cond3A_14 {
      "tpu.region"() ({
        %run_scoped3A = tpu.sem_alloc : memref<!tpu.dma_semaphore, #tpu.memory_space<semaphore_mem>>
        %dma_start3A = arith.constant 0 : i32
        %dma_start3A_20 = tpu.memref_slice %arg15[%dma_start3A] : memref<82176xf32, #tpu.memory_space<vmem>> -> memref<81920xf32, #tpu.memory_space<vmem>>
        %dma_start3A_21 = tpu.memref_slice %arg7[%mul3A_12] : memref<1310720xf32, #tpu.memory_space<hbm>> -> memref<81920xf32, #tpu.memory_space<hbm>>
        %dma_start3A_22 = tpu.memref_slice %arg7[%mul3A_12] : memref<1310720xf32, #tpu.memory_space<hbm>> -> memref<81920xf32, #tpu.memory_space<hbm>>
        %dma_start3A_23 = arith.constant 0 : i32
        %dma_start3A_24 = tpu.memref_slice %arg15[%dma_start3A_23] : memref<82176xf32, #tpu.memory_space<vmem>> -> memref<81920xf32, #tpu.memory_space<vmem>>
        tpu.enqueue_dma source(%dma_start3A_24 : memref<81920xf32, #tpu.memory_space<vmem>>) target(%dma_start3A_22 : memref<81920xf32, #tpu.memory_space<hbm>>) target_semaphore(%run_scoped3A : memref<!tpu.dma_semaphore, #tpu.memory_space<semaphore_mem>>)
        %dma_wait3A = arith.constant 0 : i32
        %dma_wait3A_25 = tpu.memref_slice %arg15[%dma_wait3A] : memref<82176xf32, #tpu.memory_space<vmem>> -> memref<81920xf32, #tpu.memory_space<vmem>>
        %dma_wait3A_26 = tpu.memref_slice %arg7[%mul3A_12] : memref<1310720xf32, #tpu.memory_space<hbm>> -> memref<81920xf32, #tpu.memory_space<hbm>>
        %dma_wait3A_27 = tpu.memref_slice %arg7[%mul3A_12] : memref<1310720xf32, #tpu.memory_space<hbm>> -> memref<81920xf32, #tpu.memory_space<hbm>>
        %dma_wait3A_28 = arith.constant 0 : i32
        %dma_wait3A_29 = tpu.memref_slice %arg15[%dma_wait3A_28] : memref<82176xf32, #tpu.memory_space<vmem>> -> memref<81920xf32, #tpu.memory_space<vmem>>
        tpu.wait_dma2 semaphore(%run_scoped3A : memref<!tpu.dma_semaphore, #tpu.memory_space<semaphore_mem>>) src(%dma_wait3A_29 : memref<81920xf32, #tpu.memory_space<vmem>>) dst(%dma_wait3A_27 : memref<81920xf32, #tpu.memory_space<hbm>>)
        tpu.yield
      }) : () -> ()
    } else {
    }
    %eq3A_15 = arith.constant 1 : i32
    %eq3A_16 = arith.cmpi eq, %arg0, %eq3A_15 : i32
    %convert_element_type3A_17 = arith.extui %eq3A_16 : i1 to i32
    %cond3A_18 = arith.constant 0 : i32
    %cond3A_19 = arith.cmpi ne, %convert_element_type3A_17, %cond3A_18 : i32
    scf.if %cond3A_19 {
      "tpu.region"() ({
        %run_scoped3A = tpu.sem_alloc : memref<!tpu.dma_semaphore, #tpu.memory_space<semaphore_mem>>
        %dma_start3A = arith.constant 0 : i32
        %dma_start3A_20 = tpu.memref_slice %arg15[%dma_start3A] : memref<82176xf32, #tpu.memory_space<vmem>> -> memref<81920xf32, #tpu.memory_space<vmem>>
        %dma_start3A_21 = tpu.memref_slice %arg8[%mul3A_12] : memref<1310720xf32, #tpu.memory_space<hbm>> -> memref<81920xf32, #tpu.memory_space<hbm>>
        %dma_start3A_22 = tpu.memref_slice %arg8[%mul3A_12] : memref<1310720xf32, #tpu.memory_space<hbm>> -> memref<81920xf32, #tpu.memory_space<hbm>>
        %dma_start3A_23 = arith.constant 0 : i32
        %dma_start3A_24 = tpu.memref_slice %arg15[%dma_start3A_23] : memref<82176xf32, #tpu.memory_space<vmem>> -> memref<81920xf32, #tpu.memory_space<vmem>>
        tpu.enqueue_dma source(%dma_start3A_24 : memref<81920xf32, #tpu.memory_space<vmem>>) target(%dma_start3A_22 : memref<81920xf32, #tpu.memory_space<hbm>>) target_semaphore(%run_scoped3A : memref<!tpu.dma_semaphore, #tpu.memory_space<semaphore_mem>>)
        %dma_wait3A = arith.constant 0 : i32
        %dma_wait3A_25 = tpu.memref_slice %arg15[%dma_wait3A] : memref<82176xf32, #tpu.memory_space<vmem>> -> memref<81920xf32, #tpu.memory_space<vmem>>
        %dma_wait3A_26 = tpu.memref_slice %arg8[%mul3A_12] : memref<1310720xf32, #tpu.memory_space<hbm>> -> memref<81920xf32, #tpu.memory_space<hbm>>
        %dma_wait3A_27 = tpu.memref_slice %arg8[%mul3A_12] : memref<1310720xf32, #tpu.memory_space<hbm>> -> memref<81920xf32, #tpu.memory_space<hbm>>
        %dma_wait3A_28 = arith.constant 0 : i32
        %dma_wait3A_29 = tpu.memref_slice %arg15[%dma_wait3A_28] : memref<82176xf32, #tpu.memory_space<vmem>> -> memref<81920xf32, #tpu.memory_space<vmem>>
        tpu.wait_dma2 semaphore(%run_scoped3A : memref<!tpu.dma_semaphore, #tpu.memory_space<semaphore_mem>>) src(%dma_wait3A_29 : memref<81920xf32, #tpu.memory_space<vmem>>) dst(%dma_wait3A_27 : memref<81920xf32, #tpu.memory_space<hbm>>)
        tpu.yield
      }) : () -> ()
    } else {
    }
    return
  }
}

module attributes {stable_mosaic.version = 14 : i64} {
  func.func @_select_body(%arg0: memref<80x128xf32, #tpu.memory_space<vmem>>, %arg1: memref<80x128xf32, #tpu.memory_space<vmem>>, %arg2: memref<80x128xi32, #tpu.memory_space<vmem>>) attributes {dimension_semantics = [], scalar_prefetch = 0 : i64, scratch_operands = 0 : i64, tpu.core_type = #tpu.core_type<tc>} {
    %get3A = arith.constant 0 : index
    %get3A_0 = arith.constant 0 : index
    %get3A_1 = vector.load %arg0[%get3A, %get3A_0] : memref<80x128xf32, #tpu.memory_space<vmem>>, vector<80x128xf32>
    %bitcast_convert_type3A = tpu.bitcast %get3A_1 : vector<80x128xf32> -> vector<80x128xi32>
    %shift_right_arithmetic3A = arith.constant 31 : i32
    %shift_right_arithmetic3A_2 = vector.broadcast %shift_right_arithmetic3A : i32 to vector<80x128xi32>
    %shift_right_arithmetic3A_3 = arith.shrsi %bitcast_convert_type3A, %shift_right_arithmetic3A_2 : vector<80x128xi32>
    %and3A = arith.constant 2147483647 : i32
    %and3A_4 = vector.broadcast %and3A : i32 to vector<80x128xi32>
    %and3A_5 = arith.andi %shift_right_arithmetic3A_3, %and3A_4 : vector<80x128xi32>
    %xor3A = arith.xori %bitcast_convert_type3A, %and3A_5 : vector<80x128xi32>
    %scan3A = arith.constant 5.000000e+03 : f32
    %scan3A_6 = arith.constant 0 : i32
    %scan3A_7 = arith.constant 0 : i32
    %scan3A_8 = arith.constant 32 : i32
    %scan3A_9 = arith.addi %scan3A_7, %scan3A_8 : i32
    %scan3A_10 = arith.constant 1 : i32
    %scan3A_11 = scf.for %scan3A_64 = %scan3A_7 to %scan3A_9 step %scan3A_10 iter_args(%scan3A_65 = %scan3A_6) -> (i32)  : i32 {
      %sub3A_66 = arith.constant 31 : i32
      %sub3A_67 = arith.subi %sub3A_66, %scan3A_64 : i32
      %shift_left3A = arith.constant 1 : i32
      %shift_left3A_68 = arith.shli %shift_left3A, %sub3A_67 : i32
      %or3A_69 = arith.ori %scan3A_65, %shift_left3A_68 : i32
      %xor3A_70 = arith.constant -2147483648 : i32
      %xor3A_71 = arith.xori %or3A_69, %xor3A_70 : i32
      %ge3A = vector.broadcast %xor3A_71 : i32 to vector<80x128xi32>
      %ge3A_72 = arith.cmpi sge, %xor3A, %ge3A : vector<80x128xi32>
      %convert_element_type3A_73 = arith.extui %ge3A_72 : vector<80x128xi1> to vector<80x128xi32>
      %convert_element_type3A_74 = arith.sitofp %convert_element_type3A_73 : vector<80x128xi32> to vector<80x128xf32>
      %reduce_sum3A_75 = vector.shape_cast %convert_element_type3A_74 : vector<80x128xf32> to vector<1x80x128xf32>
      %reduce_sum3A_76 = arith.constant dense<0.000000e+00> : vector<1xf32>
      %reduce_sum3A_77 = vector.multi_reduction <add>, %reduce_sum3A_75, %reduce_sum3A_76 [1, 2] : vector<1x80x128xf32> to vector<1xf32>
      %reduce_sum3A_78 = vector.shape_cast %reduce_sum3A_77 : vector<1xf32> to vector<1x1x1xf32>
      %reduce_sum3A_79 = vector.extract %reduce_sum3A_78[0, 0, 0] : f32 from vector<1x1x1xf32>
      %ge3A_80 = arith.cmpf oge, %reduce_sum3A_79, %scan3A : f32
      %select_n3A_81 = arith.select %ge3A_80, %or3A_69, %scan3A_65 : i32
      scf.yield %select_n3A_81 : i32
    }
    %scan3A_12 = arith.constant 32 : i32
    %xor3A_13 = arith.constant -2147483648 : i32
    %xor3A_14 = arith.xori %scan3A_11, %xor3A_13 : i32
    %gt3A = vector.broadcast %xor3A_14 : i32 to vector<80x128xi32>
    %gt3A_15 = arith.cmpi sgt, %xor3A, %gt3A : vector<80x128xi32>
    %convert_element_type3A = arith.extui %gt3A_15 : vector<80x128xi1> to vector<80x128xi32>
    %convert_element_type3A_16 = arith.sitofp %convert_element_type3A : vector<80x128xi32> to vector<80x128xf32>
    %reduce_sum3A = vector.shape_cast %convert_element_type3A_16 : vector<80x128xf32> to vector<1x80x128xf32>
    %reduce_sum3A_17 = arith.constant dense<0.000000e+00> : vector<1xf32>
    %reduce_sum3A_18 = vector.multi_reduction <add>, %reduce_sum3A, %reduce_sum3A_17 [1, 2] : vector<1x80x128xf32> to vector<1xf32>
    %reduce_sum3A_19 = vector.shape_cast %reduce_sum3A_18 : vector<1xf32> to vector<1x1x1xf32>
    %reduce_sum3A_20 = vector.extract %reduce_sum3A_19[0, 0, 0] : f32 from vector<1x1x1xf32>
    %sub3A = arith.constant 5.000000e+03 : f32
    %sub3A_21 = arith.subf %sub3A, %reduce_sum3A_20 : f32
    %iota3A = tpu.iota {dimensions = array<i32: 0>} : vector<80x128xi32>
    %iota3A_22 = tpu.iota {dimensions = array<i32: 1>} : vector<80x128xi32>
    %mul3A = arith.constant 128 : i32
    %mul3A_23 = vector.broadcast %mul3A : i32 to vector<80x128xi32>
    %mul3A_24 = arith.muli %iota3A, %mul3A_23 : vector<80x128xi32>
    %add3A = arith.addi %mul3A_24, %iota3A_22 : vector<80x128xi32>
    %eq3A = vector.broadcast %xor3A_14 : i32 to vector<80x128xi32>
    %eq3A_25 = arith.cmpi eq, %xor3A, %eq3A : vector<80x128xi32>
    %scan3A_26 = arith.constant 0 : i32
    %scan3A_27 = arith.constant 0 : i32
    %scan3A_28 = arith.constant 15 : i32
    %scan3A_29 = arith.addi %scan3A_27, %scan3A_28 : i32
    %scan3A_30 = arith.constant 1 : i32
    %scan3A_31 = scf.for %scan3A_64 = %scan3A_27 to %scan3A_29 step %scan3A_30 iter_args(%scan3A_65 = %scan3A_26) -> (i32)  : i32 {
      %sub3A_66 = arith.constant 14 : i32
      %sub3A_67 = arith.subi %sub3A_66, %scan3A_64 : i32
      %shift_left3A = arith.constant 1 : i32
      %shift_left3A_68 = arith.shli %shift_left3A, %sub3A_67 : i32
      %or3A_69 = arith.ori %scan3A_65, %shift_left3A_68 : i32
      %lt3A_70 = vector.broadcast %or3A_69 : i32 to vector<80x128xi32>
      %lt3A_71 = arith.cmpi slt, %add3A, %lt3A_70 : vector<80x128xi32>
      %and3A_72 = arith.andi %eq3A_25, %lt3A_71 : vector<80x128xi1>
      %convert_element_type3A_73 = arith.extui %and3A_72 : vector<80x128xi1> to vector<80x128xi32>
      %convert_element_type3A_74 = arith.sitofp %convert_element_type3A_73 : vector<80x128xi32> to vector<80x128xf32>
      %reduce_sum3A_75 = vector.shape_cast %convert_element_type3A_74 : vector<80x128xf32> to vector<1x80x128xf32>
      %reduce_sum3A_76 = arith.constant dense<0.000000e+00> : vector<1xf32>
      %reduce_sum3A_77 = vector.multi_reduction <add>, %reduce_sum3A_75, %reduce_sum3A_76 [1, 2] : vector<1x80x128xf32> to vector<1xf32>
      %reduce_sum3A_78 = vector.shape_cast %reduce_sum3A_77 : vector<1xf32> to vector<1x1x1xf32>
      %reduce_sum3A_79 = vector.extract %reduce_sum3A_78[0, 0, 0] : f32 from vector<1x1x1xf32>
      %le3A = arith.cmpf ole, %reduce_sum3A_79, %sub3A_21 : f32
      %select_n3A_80 = arith.select %le3A, %or3A_69, %scan3A_65 : i32
      scf.yield %select_n3A_80 : i32
    }
    %scan3A_32 = arith.constant 15 : i32
    %gt3A_33 = vector.broadcast %xor3A_14 : i32 to vector<80x128xi32>
    %gt3A_34 = arith.cmpi sgt, %xor3A, %gt3A_33 : vector<80x128xi32>
    %lt3A = vector.broadcast %scan3A_31 : i32 to vector<80x128xi32>
    %lt3A_35 = arith.cmpi slt, %add3A, %lt3A : vector<80x128xi32>
    %and3A_36 = arith.andi %eq3A_25, %lt3A_35 : vector<80x128xi1>
    %or3A = arith.ori %gt3A_34, %and3A_36 : vector<80x128xi1>
    %convert_element_type3A_37 = arith.extui %or3A : vector<80x128xi1> to vector<80x128xi32>
    %convert_element_type3A_38 = arith.sitofp %convert_element_type3A_37 : vector<80x128xi32> to vector<80x128xf32>
    %mul3A_39 = arith.mulf %convert_element_type3A_38, %get3A_1 : vector<80x128xf32>
    %swap3A = arith.constant 0 : index
    %swap3A_40 = arith.constant 0 : index
    %swap3A_41 = vector.load %arg1[%swap3A, %swap3A_40] : memref<80x128xf32, #tpu.memory_space<vmem>>, vector<80x128xf32>
    tpu.vector_store %arg1[%swap3A, %swap3A_40], %mul3A_39 {strides = array<i32>} : memref<80x128xf32, #tpu.memory_space<vmem>>, vector<80x128xf32>,
    %iota3A_42 = tpu.iota {dimensions = array<i32: 0>} : vector<128x128xi32>
    %iota3A_43 = tpu.iota {dimensions = array<i32: 1>} : vector<128x128xi32>
    %lt3A_44 = arith.cmpi slt, %iota3A_42, %iota3A_43 : vector<128x128xi32>
    %convert_element_type3A_45 = arith.extui %lt3A_44 : vector<128x128xi1> to vector<128x128xi32>
    %convert_element_type3A_46 = arith.sitofp %convert_element_type3A_45 : vector<128x128xi32> to vector<128x128xf32>
    %dot_general3A = arith.constant dense<0.000000e+00> : vector<80x128xf32>
    %dot_general3A_47 = tpu.matmul %convert_element_type3A_38, %convert_element_type3A_46, %dot_general3A {dimension_numbers = #tpu.dot_dimension_numbers<[1], [0], [0], [1], [0, 0, 1, 1], [], []>, transpose_lhs_hint = false} : vector<80x128xf32>, vector<128x128xf32>, vector<80x128xf32> -> vector<80x128xf32>
    %reduce_sum3A_48 = arith.constant dense<0.000000e+00> : vector<80xf32>
    %reduce_sum3A_49 = vector.multi_reduction <add>, %convert_element_type3A_38, %reduce_sum3A_48 [1] : vector<80x128xf32> to vector<80xf32>
    %broadcast_in_dim3A = vector.shape_cast %reduce_sum3A_49 : vector<80xf32> to vector<80x1xf32>
    %iota3A_50 = tpu.iota {dimensions = array<i32: 1>} : vector<80x80xi32>
    %iota3A_51 = tpu.iota {dimensions = array<i32: 0>} : vector<80x80xi32>
    %lt3A_52 = arith.cmpi slt, %iota3A_50, %iota3A_51 : vector<80x80xi32>
    %convert_element_type3A_53 = arith.extui %lt3A_52 : vector<80x80xi1> to vector<80x80xi32>
    %convert_element_type3A_54 = arith.sitofp %convert_element_type3A_53 : vector<80x80xi32> to vector<80x80xf32>
    %dot_general3A_55 = arith.constant dense<0.000000e+00> : vector<80x1xf32>
    %dot_general3A_56 = tpu.matmul %convert_element_type3A_54, %broadcast_in_dim3A, %dot_general3A_55 {dimension_numbers = #tpu.dot_dimension_numbers<[1], [0], [0], [1], [0, 0, 1, 1], [], []>, transpose_lhs_hint = false} : vector<80x80xf32>, vector<80x1xf32>, vector<80x1xf32> -> vector<80x1xf32>
    %add3A_57 = vector.broadcast %dot_general3A_56 : vector<80x1xf32> to vector<80x128xf32>
    %add3A_58 = arith.addf %add3A_57, %dot_general3A_47 : vector<80x128xf32>
    %convert_element_type3A_59 = arith.fptosi %add3A_58 : vector<80x128xf32> to vector<80x128xi32>
    %jit3A = arith.constant -1 : i32
    %broadcast_in_dim3A_60 = vector.broadcast %jit3A : i32 to vector<80x128xi32>
    %select_n3A = arith.select %or3A, %convert_element_type3A_59, %broadcast_in_dim3A_60 : vector<80x128xi1>, vector<80x128xi32>
    %swap3A_61 = arith.constant 0 : index
    %swap3A_62 = arith.constant 0 : index
    %swap3A_63 = vector.load %arg2[%swap3A_61, %swap3A_62] : memref<80x128xi32, #tpu.memory_space<vmem>>, vector<80x128xi32>
    tpu.vector_store %arg2[%swap3A_61, %swap3A_62], %select_n3A {strides = array<i32>} : memref<80x128xi32, #tpu.memory_space<vmem>>, vector<80x128xi32>,
    return
  }
}

module attributes {stable_mosaic.version = 14 : i64} {
  func.func @_score_body(%arg0: memref<10000x256xf32, #tpu.memory_space<vmem>>, %arg1: memref<1x256xf32, #tpu.memory_space<vmem>>, %arg2: memref<10000x1xf32, #tpu.memory_space<vmem>>) attributes {dimension_semantics = [], scalar_prefetch = 0 : i64, scratch_operands = 0 : i64, tpu.core_type = #tpu.core_type<tc>} {
    %get3A = arith.constant 0 : index
    %get3A_0 = arith.constant 0 : index
    %get3A_1 = vector.load %arg0[%get3A, %get3A_0] : memref<10000x256xf32, #tpu.memory_space<vmem>>, vector<10000x256xf32>
    %get3A_2 = arith.constant 0 : index
    %get3A_3 = arith.constant 0 : index
    %get3A_4 = vector.load %arg1[%get3A_2, %get3A_3] : memref<1x256xf32, #tpu.memory_space<vmem>>, vector<1x256xf32>
    %mul3A = vector.broadcast %get3A_4 : vector<1x256xf32> to vector<10000x256xf32>
    %mul3A_5 = arith.mulf %get3A_1, %mul3A : vector<10000x256xf32>
    %reduce_sum3A = arith.constant dense<0.000000e+00> : vector<10000xf32>
    %reduce_sum3A_6 = vector.multi_reduction <add>, %mul3A_5, %reduce_sum3A [1] : vector<10000x256xf32> to vector<10000xf32>
    %broadcast_in_dim3A = vector.shape_cast %reduce_sum3A_6 : vector<10000xf32> to vector<10000x1xf32>
    %tanh3A = math.tanh %broadcast_in_dim3A : vector<10000x1xf32>
    %swap3A = arith.constant 0 : index
    %swap3A_7 = arith.constant 0 : index
    %swap3A_8 = vector.load %arg2[%swap3A, %swap3A_7] : memref<10000x1xf32, #tpu.memory_space<vmem>>, vector<10000x1xf32>
    tpu.vector_store %arg2[%swap3A, %swap3A_7], %tanh3A {strides = array<i32>} : memref<10000x1xf32, #tpu.memory_space<vmem>>, vector<10000x1xf32>,
    return
  }
}

module attributes {stable_mosaic.version = 14 : i64} {
  func.func @_prescale_body(%arg0: i32, %arg1: memref<2000x256xf32, #tpu.memory_space<vmem>>, %arg2: memref<2000x1xf32, #tpu.memory_space<vmem>>, %arg3: memref<2000x256xf32, #tpu.memory_space<vmem>>) attributes {dimension_semantics = [#tpu.dimension_semantics<arbitrary>], iteration_bounds = array<i64: 5>, scalar_prefetch = 0 : i64, scratch_operands = 0 : i64, tpu.core_type = #tpu.core_type<tc>, window_params = [{transform_indices = @transform_0, window_bounds = array<i64: 2000, 256>}, {transform_indices = @transform_1, window_bounds = array<i64: 2000, 1>}, {transform_indices = @transform_2, window_bounds = array<i64: 2000, 256>}]} {
    %get3A = arith.constant 0 : index
    %get3A_0 = arith.constant 0 : index
    %get3A_1 = vector.load %arg1[%get3A, %get3A_0] : memref<2000x256xf32, #tpu.memory_space<vmem>>, vector<2000x256xf32>
    %get3A_2 = arith.constant 0 : index
    %get3A_3 = arith.constant 0 : index
    %get3A_4 = vector.load %arg2[%get3A_2, %get3A_3] : memref<2000x1xf32, #tpu.memory_space<vmem>>, vector<2000x1xf32>
    %mul3A = vector.broadcast %get3A_4 : vector<2000x1xf32> to vector<2000x256xf32>
    %mul3A_5 = arith.mulf %get3A_1, %mul3A : vector<2000x256xf32>
    %swap3A = arith.constant 0 : index
    %swap3A_6 = arith.constant 0 : index
    %swap3A_7 = vector.load %arg3[%swap3A, %swap3A_6] : memref<2000x256xf32, #tpu.memory_space<vmem>>, vector<2000x256xf32>
    tpu.vector_store %arg3[%swap3A, %swap3A_6], %mul3A_5 {strides = array<i32>} : memref<2000x256xf32, #tpu.memory_space<vmem>>, vector<2000x256xf32>,
    return
  }
  func.func @transform_0(%arg0: i32) -> (i32, i32) {
    %c0_i32 = arith.constant 0 : i32
    %c0_i32_0 = arith.constant 0 : i32
    return %arg0, %c0_i32 : i32, i32
  }
  func.func @transform_1(%arg0: i32) -> (i32, i32) {
    %c0_i32 = arith.constant 0 : i32
    %c0_i32_0 = arith.constant 0 : i32
    return %arg0, %c0_i32 : i32, i32
  }
  func.func @transform_2(%arg0: i32) -> (i32, i32) {
    %c0_i32 = arith.constant 0 : i32
    %c0_i32_0 = arith.constant 0 : i32
    return %arg0, %c0_i32 : i32, i32
  }
}

module attributes {stable_mosaic.version = 14 : i64} {
  func.func @_fc_body(%arg0: i32, %arg1: memref<1000x256xf32, #tpu.memory_space<vmem>>, %arg2: memref<256x512xf32, #tpu.memory_space<vmem>>, %arg3: memref<1000x256xf32, #tpu.memory_space<vmem>>, %arg4: memref<1000x256xf32, #tpu.memory_space<vmem>>, %arg5: memref<1000x128xi32, #tpu.memory_space<vmem>>, %arg6: memref<1000x128xi32, #tpu.memory_space<vmem>>) attributes {dimension_semantics = [#tpu.dimension_semantics<arbitrary>], iteration_bounds = array<i64: 5>, scalar_prefetch = 0 : i64, scratch_operands = 0 : i64, tpu.core_type = #tpu.core_type<tc>, window_params = [{transform_indices = @transform_0, window_bounds = array<i64: 1000, 256>}, {pipeline_mode = #tpu.pipeline_mode<synchronous>, transform_indices = @transform_1, window_bounds = array<i64: 256, 512>}, {transform_indices = @transform_2, window_bounds = array<i64: 1000, 256>}, {transform_indices = @transform_3, window_bounds = array<i64: 1000, 256>}, {transform_indices = @transform_4, window_bounds = array<i64: 1000, 128>}, {transform_indices = @transform_5, window_bounds = array<i64: 1000, 128>}]} {
    %get3A = arith.constant 0 : index
    %get3A_0 = arith.constant 0 : index
    %get3A_1 = vector.load %arg1[%get3A, %get3A_0] : memref<1000x256xf32, #tpu.memory_space<vmem>>, vector<1000x256xf32>
    %get3A_2 = arith.constant 0 : index
    %get3A_3 = arith.constant 0 : index
    %get3A_4 = vector.load %arg2[%get3A_2, %get3A_3] : memref<256x512xf32, #tpu.memory_space<vmem>>, vector<256x512xf32>
    %dot_general3A = arith.constant dense<0.000000e+00> : vector<1000x512xf32>
    %dot_general3A_5 = tpu.matmul %get3A_1, %get3A_4, %dot_general3A {dimension_numbers = #tpu.dot_dimension_numbers<[1], [0], [0], [1], [0, 0, 1, 1], [], []>, transpose_lhs_hint = false} : vector<1000x256xf32>, vector<256x512xf32>, vector<1000x512xf32> -> vector<1000x512xf32>
    %max3A = arith.constant 0.000000e+00 : f32
    %max3A_6 = vector.broadcast %max3A : f32 to vector<1000x512xf32>
    %max3A_7 = arith.maximumf %dot_general3A_5, %max3A_6 : vector<1000x512xf32>
    %slice3A = vector.extract_strided_slice %dot_general3A_5 {offsets = [0, 0], sizes = [1000, 256], strides = [1, 1]} : vector<1000x512xf32> to vector<1000x256xf32>
    %swap3A = arith.constant 0 : index
    %swap3A_8 = arith.constant 0 : index
    %swap3A_9 = vector.load %arg3[%swap3A, %swap3A_8] : memref<1000x256xf32, #tpu.memory_space<vmem>>, vector<1000x256xf32>
    tpu.vector_store %arg3[%swap3A, %swap3A_8], %slice3A {strides = array<i32>} : memref<1000x256xf32, #tpu.memory_space<vmem>>, vector<1000x256xf32>,
    %slice3A_10 = vector.extract_strided_slice %dot_general3A_5 {offsets = [0, 256], sizes = [1000, 256], strides = [1, 1]} : vector<1000x512xf32> to vector<1000x256xf32>
    %swap3A_11 = arith.constant 0 : index
    %swap3A_12 = arith.constant 0 : index
    %swap3A_13 = vector.load %arg4[%swap3A_11, %swap3A_12] : memref<1000x256xf32, #tpu.memory_space<vmem>>, vector<1000x256xf32>
    tpu.vector_store %arg4[%swap3A_11, %swap3A_12], %slice3A_10 {strides = array<i32>} : memref<1000x256xf32, #tpu.memory_space<vmem>>, vector<1000x256xf32>,
    %slice3A_14 = vector.extract_strided_slice %max3A_7 {offsets = [0, 0], sizes = [1000, 256], strides = [1, 1]} : vector<1000x512xf32> to vector<1000x256xf32>
    %bitcast_convert_type3A = tpu.bitcast %slice3A_14 : vector<1000x256xf32> -> vector<1000x256xi32>
    %add3A = arith.constant 32767 : i32
    %add3A_15 = vector.broadcast %add3A : i32 to vector<1000x256xi32>
    %add3A_16 = arith.addi %bitcast_convert_type3A, %add3A_15 : vector<1000x256xi32>
    %shift_right_arithmetic3A = arith.constant 16 : i32
    %shift_right_arithmetic3A_17 = vector.broadcast %shift_right_arithmetic3A : i32 to vector<1000x256xi32>
    %shift_right_arithmetic3A_18 = arith.shrsi %bitcast_convert_type3A, %shift_right_arithmetic3A_17 : vector<1000x256xi32>
    %and3A = arith.constant 1 : i32
    %and3A_19 = vector.broadcast %and3A : i32 to vector<1000x256xi32>
    %and3A_20 = arith.andi %shift_right_arithmetic3A_18, %and3A_19 : vector<1000x256xi32>
    %add3A_21 = arith.addi %add3A_16, %and3A_20 : vector<1000x256xi32>
    %reshape3A = vector.shape_cast %add3A_21 : vector<1000x256xi32> to vector<1000x8x2x16xi32>
    %slice3A_22 = vector.extract_strided_slice %reshape3A {offsets = [0, 0, 0, 0], sizes = [1000, 8, 1, 16], strides = [1, 1, 1, 1]} : vector<1000x8x2x16xi32> to vector<1000x8x1x16xi32>
    %squeeze3A = vector.shape_cast %slice3A_22 : vector<1000x8x1x16xi32> to vector<1000x8x16xi32>
    %shift_right_arithmetic3A_23 = arith.constant 16 : i32
    %shift_right_arithmetic3A_24 = vector.broadcast %shift_right_arithmetic3A_23 : i32 to vector<1000x8x16xi32>
    %shift_right_arithmetic3A_25 = arith.shrsi %squeeze3A, %shift_right_arithmetic3A_24 : vector<1000x8x16xi32>
    %and3A_26 = arith.constant 65535 : i32
    %and3A_27 = vector.broadcast %and3A_26 : i32 to vector<1000x8x16xi32>
    %and3A_28 = arith.andi %shift_right_arithmetic3A_25, %and3A_27 : vector<1000x8x16xi32>
    %slice3A_29 = vector.extract_strided_slice %reshape3A {offsets = [0, 0, 1, 0], sizes = [1000, 8, 1, 16], strides = [1, 1, 1, 1]} : vector<1000x8x2x16xi32> to vector<1000x8x1x16xi32>
    %squeeze3A_30 = vector.shape_cast %slice3A_29 : vector<1000x8x1x16xi32> to vector<1000x8x16xi32>
    %and3A_31 = arith.constant -65536 : i32
    %and3A_32 = vector.broadcast %and3A_31 : i32 to vector<1000x8x16xi32>
    %and3A_33 = arith.andi %squeeze3A_30, %and3A_32 : vector<1000x8x16xi32>
    %or3A = arith.ori %and3A_28, %and3A_33 : vector<1000x8x16xi32>
    %reshape3A_34 = vector.shape_cast %or3A : vector<1000x8x16xi32> to vector<1000x128xi32>
    %swap3A_35 = arith.constant 0 : index
    %swap3A_36 = arith.constant 0 : index
    %swap3A_37 = vector.load %arg5[%swap3A_35, %swap3A_36] : memref<1000x128xi32, #tpu.memory_space<vmem>>, vector<1000x128xi32>
    tpu.vector_store %arg5[%swap3A_35, %swap3A_36], %reshape3A_34 {strides = array<i32>} : memref<1000x128xi32, #tpu.memory_space<vmem>>, vector<1000x128xi32>,
    %slice3A_38 = vector.extract_strided_slice %max3A_7 {offsets = [0, 256], sizes = [1000, 256], strides = [1, 1]} : vector<1000x512xf32> to vector<1000x256xf32>
    %bitcast_convert_type3A_39 = tpu.bitcast %slice3A_38 : vector<1000x256xf32> -> vector<1000x256xi32>
    %add3A_40 = arith.constant 32767 : i32
    %add3A_41 = vector.broadcast %add3A_40 : i32 to vector<1000x256xi32>
    %add3A_42 = arith.addi %bitcast_convert_type3A_39, %add3A_41 : vector<1000x256xi32>
    %shift_right_arithmetic3A_43 = arith.constant 16 : i32
    %shift_right_arithmetic3A_44 = vector.broadcast %shift_right_arithmetic3A_43 : i32 to vector<1000x256xi32>
    %shift_right_arithmetic3A_45 = arith.shrsi %bitcast_convert_type3A_39, %shift_right_arithmetic3A_44 : vector<1000x256xi32>
    %and3A_46 = arith.constant 1 : i32
    %and3A_47 = vector.broadcast %and3A_46 : i32 to vector<1000x256xi32>
    %and3A_48 = arith.andi %shift_right_arithmetic3A_45, %and3A_47 : vector<1000x256xi32>
    %add3A_49 = arith.addi %add3A_42, %and3A_48 : vector<1000x256xi32>
    %reshape3A_50 = vector.shape_cast %add3A_49 : vector<1000x256xi32> to vector<1000x8x2x16xi32>
    %slice3A_51 = vector.extract_strided_slice %reshape3A_50 {offsets = [0, 0, 0, 0], sizes = [1000, 8, 1, 16], strides = [1, 1, 1, 1]} : vector<1000x8x2x16xi32> to vector<1000x8x1x16xi32>
    %squeeze3A_52 = vector.shape_cast %slice3A_51 : vector<1000x8x1x16xi32> to vector<1000x8x16xi32>
    %shift_right_arithmetic3A_53 = arith.constant 16 : i32
    %shift_right_arithmetic3A_54 = vector.broadcast %shift_right_arithmetic3A_53 : i32 to vector<1000x8x16xi32>
    %shift_right_arithmetic3A_55 = arith.shrsi %squeeze3A_52, %shift_right_arithmetic3A_54 : vector<1000x8x16xi32>
    %and3A_56 = arith.constant 65535 : i32
    %and3A_57 = vector.broadcast %and3A_56 : i32 to vector<1000x8x16xi32>
    %and3A_58 = arith.andi %shift_right_arithmetic3A_55, %and3A_57 : vector<1000x8x16xi32>
    %slice3A_59 = vector.extract_strided_slice %reshape3A_50 {offsets = [0, 0, 1, 0], sizes = [1000, 8, 1, 16], strides = [1, 1, 1, 1]} : vector<1000x8x2x16xi32> to vector<1000x8x1x16xi32>
    %squeeze3A_60 = vector.shape_cast %slice3A_59 : vector<1000x8x1x16xi32> to vector<1000x8x16xi32>
    %and3A_61 = arith.constant -65536 : i32
    %and3A_62 = vector.broadcast %and3A_61 : i32 to vector<1000x8x16xi32>
    %and3A_63 = arith.andi %squeeze3A_60, %and3A_62 : vector<1000x8x16xi32>
    %or3A_64 = arith.ori %and3A_58, %and3A_63 : vector<1000x8x16xi32>
    %reshape3A_65 = vector.shape_cast %or3A_64 : vector<1000x8x16xi32> to vector<1000x128xi32>
    %swap3A_66 = arith.constant 0 : index
    %swap3A_67 = arith.constant 0 : index
    %swap3A_68 = vector.load %arg6[%swap3A_66, %swap3A_67] : memref<1000x128xi32, #tpu.memory_space<vmem>>, vector<1000x128xi32>
    tpu.vector_store %arg6[%swap3A_66, %swap3A_67], %reshape3A_65 {strides = array<i32>} : memref<1000x128xi32, #tpu.memory_space<vmem>>, vector<1000x128xi32>,
    return
  }
  func.func @transform_0(%arg0: i32) -> (i32, i32) {
    %c0_i32 = arith.constant 0 : i32
    %c0_i32_0 = arith.constant 0 : i32
    return %arg0, %c0_i32 : i32, i32
  }
  func.func @transform_1(%arg0: i32) -> (i32, i32) {
    %c0_i32 = arith.constant 0 : i32
    %c0_i32_0 = arith.constant 0 : i32
    %c0_i32_1 = arith.constant 0 : i32
    return %c0_i32, %c0_i32_0 : i32, i32
  }
  func.func @transform_2(%arg0: i32) -> (i32, i32) {
    %c0_i32 = arith.constant 0 : i32
    %c0_i32_0 = arith.constant 0 : i32
    return %arg0, %c0_i32 : i32, i32
  }
  func.func @transform_3(%arg0: i32) -> (i32, i32) {
    %c0_i32 = arith.constant 0 : i32
    %c0_i32_0 = arith.constant 0 : i32
    return %arg0, %c0_i32 : i32, i32
  }
  func.func @transform_4(%arg0: i32) -> (i32, i32) {
    %c0_i32 = arith.constant 0 : i32
    %c0_i32_0 = arith.constant 0 : i32
    return %arg0, %c0_i32 : i32, i32
  }
  func.func @transform_5(%arg0: i32) -> (i32, i32) {
    %c0_i32 = arith.constant 0 : i32
    %c0_i32_0 = arith.constant 0 : i32
    return %arg0, %c0_i32 : i32, i32
  }
}

module attributes {stable_mosaic.version = 14 : i64} {
  func.func @_layer_fused_body(%arg0: i32, %arg1: i32, %arg2: memref<1000x256xf32, #tpu.memory_space<vmem>>, %arg3: memref<1000x256xf32, #tpu.memory_space<vmem>>, %arg4: memref<1000x256xf32, #tpu.memory_space<vmem>>, %arg5: memref<1000x256xf32, #tpu.memory_space<vmem>>, %arg6: memref<512x1024xf32, #tpu.memory_space<vmem>>, %arg7: memref<1x1024xf32, #tpu.memory_space<vmem>>, %arg8: memref<1x1024xf32, #tpu.memory_space<vmem>>, %arg9: memref<1x1024xf32, #tpu.memory_space<vmem>>, %arg10: memref<1024x512xf32, #tpu.memory_space<vmem>>, %arg11: memref<1x512xf32, #tpu.memory_space<vmem>>, %arg12: memref<1x512xf32, #tpu.memory_space<vmem>>, %arg13: memref<1x512xf32, #tpu.memory_space<vmem>>, %arg14: memref<1xf32, #tpu.memory_space<smem>>, %arg15: memref<1000x256xf32, #tpu.memory_space<vmem>>, %arg16: memref<1000x256xf32, #tpu.memory_space<vmem>>, %arg17: memref<1000x128xi32, #tpu.memory_space<vmem>>, %arg18: memref<1000x128xi32, #tpu.memory_space<vmem>>, %arg19: memref<5000x1024xf32, #tpu.memory_space<vmem>>, %arg20: memref<5000x512xf32, #tpu.memory_space<vmem>>, %arg21: memref<8x1024xf32, #tpu.memory_space<vmem>>, %arg22: memref<8x512xf32, #tpu.memory_space<vmem>>) attributes {dimension_semantics = [#tpu.dimension_semantics<arbitrary>, #tpu.dimension_semantics<arbitrary>], iteration_bounds = array<i64: 3, 5>, scalar_prefetch = 0 : i64, scratch_operands = 4 : i64, tpu.core_type = #tpu.core_type<tc>, window_params = [{transform_indices = @transform_0, window_bounds = array<i64: 1000, 256>}, {transform_indices = @transform_1, window_bounds = array<i64: 1000, 256>}, {transform_indices = @transform_2, window_bounds = array<i64: 1000, 256>}, {transform_indices = @transform_3, window_bounds = array<i64: 1000, 256>}, {pipeline_mode = #tpu.pipeline_mode<synchronous>, transform_indices = @transform_4, window_bounds = array<i64: 512, 1024>}, {pipeline_mode = #tpu.pipeline_mode<synchronous>, transform_indices = @transform_5, window_bounds = array<i64: 1, 1024>}, {pipeline_mode = #tpu.pipeline_mode<synchronous>, transform_indices = @transform_6, window_bounds = array<i64: 1, 1024>}, {pipeline_mode = #tpu.pipeline_mode<synchronous>, transform_indices = @transform_7, window_bounds = array<i64: 1, 1024>}, {pipeline_mode = #tpu.pipeline_mode<synchronous>, transform_indices = @transform_8, window_bounds = array<i64: 1024, 512>}, {pipeline_mode = #tpu.pipeline_mode<synchronous>, transform_indices = @transform_9, window_bounds = array<i64: 1, 512>}, {pipeline_mode = #tpu.pipeline_mode<synchronous>, transform_indices = @transform_10, window_bounds = array<i64: 1, 512>}, {pipeline_mode = #tpu.pipeline_mode<synchronous>, transform_indices = @transform_11, window_bounds = array<i64: 1, 512>}, {transform_indices = @transform_12, window_bounds = array<i64: 1>}, {transform_indices = @transform_13, window_bounds = array<i64: 1000, 256>}, {transform_indices = @transform_14, window_bounds = array<i64: 1000, 256>}, {transform_indices = @transform_15, window_bounds = array<i64: 1000, 128>}, {transform_indices = @transform_16, window_bounds = array<i64: 1000, 128>}]} {
    %eq3A = arith.constant 0 : i32
    %eq3A_0 = arith.cmpi eq, %arg0, %eq3A : i32
    %eq3A_1 = arith.constant 0 : i32
    %eq3A_2 = arith.cmpi eq, %arg1, %eq3A_1 : i32
    %and3A = arith.andi %eq3A_0, %eq3A_2 : i1
    %convert_element_type3A = arith.extui %and3A : i1 to i32
    %cond3A = arith.constant 0 : i32
    %cond3A_3 = arith.cmpi ne, %convert_element_type3A, %cond3A : i32
    scf.if %cond3A_3 {
      %broadcast_in_dim3A = arith.constant 0.000000e+00 : f32
      %broadcast_in_dim3A_21 = vector.broadcast %broadcast_in_dim3A : f32 to vector<8x1024xf32>
      %swap3A = arith.constant 0 : index
      %swap3A_22 = arith.constant 0 : index
      %swap3A_23 = vector.load %arg21[%swap3A, %swap3A_22] : memref<8x1024xf32, #tpu.memory_space<vmem>>, vector<8x1024xf32>
      tpu.vector_store %arg21[%swap3A, %swap3A_22], %broadcast_in_dim3A_21 {strides = array<i32>} : memref<8x1024xf32, #tpu.memory_space<vmem>>, vector<8x1024xf32>,
      %broadcast_in_dim3A_24 = arith.constant 0.000000e+00 : f32
      %broadcast_in_dim3A_25 = vector.broadcast %broadcast_in_dim3A_24 : f32 to vector<8x512xf32>
      %swap3A_26 = arith.constant 0 : index
      %swap3A_27 = arith.constant 0 : index
      %swap3A_28 = vector.load %arg22[%swap3A_26, %swap3A_27] : memref<8x512xf32, #tpu.memory_space<vmem>>, vector<8x512xf32>
      tpu.vector_store %arg22[%swap3A_26, %swap3A_27], %broadcast_in_dim3A_25 {strides = array<i32>} : memref<8x512xf32, #tpu.memory_space<vmem>>, vector<8x512xf32>,
    } else {
    }
    %eq3A_4 = arith.constant 0 : i32
    %eq3A_5 = arith.cmpi eq, %arg0, %eq3A_4 : i32
    %convert_element_type3A_6 = arith.extui %eq3A_5 : i1 to i32
    %cond3A_7 = arith.constant 0 : i32
    %cond3A_8 = arith.cmpi ne, %convert_element_type3A_6, %cond3A_7 : i32
    scf.if %cond3A_8 {
      %get3A = arith.constant 0 : index
      %get3A_21 = arith.constant 0 : index
      %get3A_22 = vector.load %arg2[%get3A, %get3A_21] : memref<1000x256xf32, #tpu.memory_space<vmem>>, vector<1000x256xf32>
      %get3A_23 = arith.constant 0 : index
      %get3A_24 = arith.constant 0 : index
      %get3A_25 = vector.load %arg3[%get3A_23, %get3A_24] : memref<1000x256xf32, #tpu.memory_space<vmem>>, vector<1000x256xf32>
      %concatenate3A = tpu.concatenate %get3A_22, %get3A_25 in 1 : vector<1000x256xf32>, vector<1000x256xf32> -> vector<1000x512xf32>
      %get3A_26 = arith.constant 0 : index
      %get3A_27 = arith.constant 0 : index
      %get3A_28 = vector.load %arg4[%get3A_26, %get3A_27] : memref<1000x256xf32, #tpu.memory_space<vmem>>, vector<1000x256xf32>
      %get3A_29 = arith.constant 0 : index
      %get3A_30 = arith.constant 0 : index
      %get3A_31 = vector.load %arg5[%get3A_29, %get3A_30] : memref<1000x256xf32, #tpu.memory_space<vmem>>, vector<1000x256xf32>
      %concatenate3A_32 = tpu.concatenate %get3A_28, %get3A_31 in 1 : vector<1000x256xf32>, vector<1000x256xf32> -> vector<1000x512xf32>
      %get3A_33 = arith.constant 0 : index
      %get3A_34 = memref.load %arg14[%get3A_33] : memref<1xf32, #tpu.memory_space<smem>>
      %add3A = arith.constant 1.000000e+00 : f32
      %add3A_35 = arith.addf %add3A, %get3A_34 : f32
      %mul3A = vector.broadcast %add3A_35 : f32 to vector<1000x512xf32>
      %mul3A_36 = arith.mulf %concatenate3A, %mul3A : vector<1000x512xf32>
      %add3A_37 = arith.addf %mul3A_36, %concatenate3A_32 : vector<1000x512xf32>
      %get3A_38 = arith.constant 0 : index
      %get3A_39 = arith.constant 0 : index
      %get3A_40 = vector.load %arg6[%get3A_38, %get3A_39] : memref<512x1024xf32, #tpu.memory_space<vmem>>, vector<512x1024xf32>
      %dot_general3A = arith.constant dense<0.000000e+00> : vector<1000x1024xf32>
      %dot_general3A_41 = tpu.matmul %add3A_37, %get3A_40, %dot_general3A {dimension_numbers = #tpu.dot_dimension_numbers<[1], [0], [0], [1], [0, 0, 1, 1], [], []>, transpose_lhs_hint = false} : vector<1000x512xf32>, vector<512x1024xf32>, vector<1000x1024xf32> -> vector<1000x1024xf32>
      %get3A_42 = arith.constant 0 : index
      %get3A_43 = arith.constant 0 : index
      %get3A_44 = vector.load %arg7[%get3A_42, %get3A_43] : memref<1x1024xf32, #tpu.memory_space<vmem>>, vector<1x1024xf32>
      %add3A_45 = vector.broadcast %get3A_44 : vector<1x1024xf32> to vector<1000x1024xf32>
      %add3A_46 = arith.addf %dot_general3A_41, %add3A_45 : vector<1000x1024xf32>
      %mul3A_47 = arith.constant 1000 : i32
      %mul3A_48 = arith.muli %arg1, %mul3A_47 : i32
      %swap3A = arith.index_cast %mul3A_48 : i32 to index
      %swap3A_49 = arith.constant 0 : index
      %swap3A_50 = vector.load %arg19[%swap3A, %swap3A_49] : memref<5000x1024xf32, #tpu.memory_space<vmem>>, vector<1000x1024xf32>
      tpu.vector_store %arg19[%swap3A, %swap3A_49], %add3A_46 {strides = array<i32>} : memref<5000x1024xf32, #tpu.memory_space<vmem>>, vector<1000x1024xf32>,
      %get3A_51 = arith.constant 0 : index
      %get3A_52 = arith.constant 0 : index
      %get3A_53 = vector.load %arg21[%get3A_51, %get3A_52] : memref<8x1024xf32, #tpu.memory_space<vmem>>, vector<1x1024xf32>
      %reduce_sum3A = arith.constant dense<0.000000e+00> : vector<1024xf32>
      %reduce_sum3A_54 = vector.multi_reduction <add>, %add3A_46, %reduce_sum3A [0] : vector<1000x1024xf32> to vector<1024xf32>
      %broadcast_in_dim3A = vector.shape_cast %reduce_sum3A_54 : vector<1024xf32> to vector<1x1024xf32>
      %add3A_55 = arith.addf %get3A_53, %broadcast_in_dim3A : vector<1x1024xf32>
      %swap3A_56 = arith.constant 0 : index
      %swap3A_57 = arith.constant 0 : index
      %swap3A_58 = vector.load %arg21[%swap3A_56, %swap3A_57] : memref<8x1024xf32, #tpu.memory_space<vmem>>, vector<1x1024xf32>
      tpu.vector_store %arg21[%swap3A_56, %swap3A_57], %add3A_55 {strides = array<i32>} : memref<8x1024xf32, #tpu.memory_space<vmem>>, vector<1x1024xf32>,
      %get3A_59 = arith.constant 1 : index
      %get3A_60 = arith.constant 0 : index
      %get3A_61 = vector.load %arg21[%get3A_59, %get3A_60] : memref<8x1024xf32, #tpu.memory_space<vmem>>, vector<1x1024xf32>
      %mul3A_62 = arith.mulf %add3A_46, %add3A_46 : vector<1000x1024xf32>
      %reduce_sum3A_63 = arith.constant dense<0.000000e+00> : vector<1024xf32>
      %reduce_sum3A_64 = vector.multi_reduction <add>, %mul3A_62, %reduce_sum3A_63 [0] : vector<1000x1024xf32> to vector<1024xf32>
      %broadcast_in_dim3A_65 = vector.shape_cast %reduce_sum3A_64 : vector<1024xf32> to vector<1x1024xf32>
      %add3A_66 = arith.addf %get3A_61, %broadcast_in_dim3A_65 : vector<1x1024xf32>
      %swap3A_67 = arith.constant 1 : index
      %swap3A_68 = arith.constant 0 : index
      %swap3A_69 = vector.load %arg21[%swap3A_67, %swap3A_68] : memref<8x1024xf32, #tpu.memory_space<vmem>>, vector<1x1024xf32>
      tpu.vector_store %arg21[%swap3A_67, %swap3A_68], %add3A_66 {strides = array<i32>} : memref<8x1024xf32, #tpu.memory_space<vmem>>, vector<1x1024xf32>,
    } else {
    }
    %eq3A_9 = arith.constant 1 : i32
    %eq3A_10 = arith.cmpi eq, %arg0, %eq3A_9 : i32
    %convert_element_type3A_11 = arith.extui %eq3A_10 : i1 to i32
    %cond3A_12 = arith.constant 5.000000e+03 : f32
    %cond3A_13 = arith.constant 0 : i32
    %cond3A_14 = arith.cmpi ne, %convert_element_type3A_11, %cond3A_13 : i32
    scf.if %cond3A_14 {
      %get3A = arith.constant 0 : index
      %get3A_21 = arith.constant 0 : index
      %get3A_22 = vector.load %arg21[%get3A, %get3A_21] : memref<8x1024xf32, #tpu.memory_space<vmem>>, vector<1x1024xf32>
      %div3A = vector.broadcast %cond3A_12 : f32 to vector<1x1024xf32>
      %div3A_23 = arith.divf %get3A_22, %div3A : vector<1x1024xf32>
      %get3A_24 = arith.constant 1 : index
      %get3A_25 = arith.constant 0 : index
      %get3A_26 = vector.load %arg21[%get3A_24, %get3A_25] : memref<8x1024xf32, #tpu.memory_space<vmem>>, vector<1x1024xf32>
      %div3A_27 = vector.broadcast %cond3A_12 : f32 to vector<1x1024xf32>
      %div3A_28 = arith.divf %get3A_26, %div3A_27 : vector<1x1024xf32>
      %mul3A = arith.mulf %div3A_23, %div3A_23 : vector<1x1024xf32>
      %sub3A = arith.subf %div3A_28, %mul3A : vector<1x1024xf32>
      %mul3A_29 = arith.constant 1000 : i32
      %mul3A_30 = arith.muli %arg1, %mul3A_29 : i32
      %get3A_31 = arith.index_cast %mul3A_30 : i32 to index
      %get3A_32 = arith.constant 0 : index
      %get3A_33 = vector.load %arg19[%get3A_31, %get3A_32] : memref<5000x1024xf32, #tpu.memory_space<vmem>>, vector<1000x1024xf32>
      %get3A_34 = arith.constant 0 : index
      %get3A_35 = arith.constant 0 : index
      %get3A_36 = vector.load %arg8[%get3A_34, %get3A_35] : memref<1x1024xf32, #tpu.memory_space<vmem>>, vector<1x1024xf32>
      %sub3A_37 = vector.broadcast %div3A_23 : vector<1x1024xf32> to vector<1000x1024xf32>
      %sub3A_38 = arith.subf %get3A_33, %sub3A_37 : vector<1000x1024xf32>
      %mul3A_39 = vector.broadcast %get3A_36 : vector<1x1024xf32> to vector<1000x1024xf32>
      %mul3A_40 = arith.mulf %mul3A_39, %sub3A_38 : vector<1000x1024xf32>
      %add3A = arith.constant 9.99999974E-6 : f32
      %add3A_41 = vector.broadcast %add3A : f32 to vector<1x1024xf32>
      %add3A_42 = arith.addf %sub3A, %add3A_41 : vector<1x1024xf32>
      %sqrt3A = math.sqrt %add3A_42 : vector<1x1024xf32>
      %div3A_43 = vector.broadcast %sqrt3A : vector<1x1024xf32> to vector<1000x1024xf32>
      %div3A_44 = arith.divf %mul3A_40, %div3A_43 : vector<1000x1024xf32>
      %get3A_45 = arith.constant 0 : index
      %get3A_46 = arith.constant 0 : index
      %get3A_47 = vector.load %arg9[%get3A_45, %get3A_46] : memref<1x1024xf32, #tpu.memory_space<vmem>>, vector<1x1024xf32>
      %add3A_48 = vector.broadcast %get3A_47 : vector<1x1024xf32> to vector<1000x1024xf32>
      %add3A_49 = arith.addf %div3A_44, %add3A_48 : vector<1000x1024xf32>
      %max3A = arith.constant 0.000000e+00 : f32
      %max3A_50 = vector.broadcast %max3A : f32 to vector<1000x1024xf32>
      %max3A_51 = arith.maximumf %add3A_49, %max3A_50 : vector<1000x1024xf32>
      %get3A_52 = arith.constant 0 : index
      %get3A_53 = arith.constant 0 : index
      %get3A_54 = vector.load %arg10[%get3A_52, %get3A_53] : memref<1024x512xf32, #tpu.memory_space<vmem>>, vector<1024x512xf32>
      %dot_general3A = arith.constant dense<0.000000e+00> : vector<1000x512xf32>
      %dot_general3A_55 = tpu.matmul %max3A_51, %get3A_54, %dot_general3A {dimension_numbers = #tpu.dot_dimension_numbers<[1], [0], [0], [1], [0, 0, 1, 1], [], []>, transpose_lhs_hint = false} : vector<1000x1024xf32>, vector<1024x512xf32>, vector<1000x512xf32> -> vector<1000x512xf32>
      %get3A_56 = arith.constant 0 : index
      %get3A_57 = arith.constant 0 : index
      %get3A_58 = vector.load %arg11[%get3A_56, %get3A_57] : memref<1x512xf32, #tpu.memory_space<vmem>>, vector<1x512xf32>
      %add3A_59 = vector.broadcast %get3A_58 : vector<1x512xf32> to vector<1000x512xf32>
      %add3A_60 = arith.addf %dot_general3A_55, %add3A_59 : vector<1000x512xf32>
      %mul3A_61 = arith.constant 1000 : i32
      %mul3A_62 = arith.muli %arg1, %mul3A_61 : i32
      %swap3A = arith.index_cast %mul3A_62 : i32 to index
      %swap3A_63 = arith.constant 0 : index
      %swap3A_64 = vector.load %arg20[%swap3A, %swap3A_63] : memref<5000x512xf32, #tpu.memory_space<vmem>>, vector<1000x512xf32>
      tpu.vector_store %arg20[%swap3A, %swap3A_63], %add3A_60 {strides = array<i32>} : memref<5000x512xf32, #tpu.memory_space<vmem>>, vector<1000x512xf32>,
      %get3A_65 = arith.constant 0 : index
      %get3A_66 = arith.constant 0 : index
      %get3A_67 = vector.load %arg22[%get3A_65, %get3A_66] : memref<8x512xf32, #tpu.memory_space<vmem>>, vector<1x512xf32>
      %reduce_sum3A = arith.constant dense<0.000000e+00> : vector<512xf32>
      %reduce_sum3A_68 = vector.multi_reduction <add>, %add3A_60, %reduce_sum3A [0] : vector<1000x512xf32> to vector<512xf32>
      %broadcast_in_dim3A = vector.shape_cast %reduce_sum3A_68 : vector<512xf32> to vector<1x512xf32>
      %add3A_69 = arith.addf %get3A_67, %broadcast_in_dim3A : vector<1x512xf32>
      %swap3A_70 = arith.constant 0 : index
      %swap3A_71 = arith.constant 0 : index
      %swap3A_72 = vector.load %arg22[%swap3A_70, %swap3A_71] : memref<8x512xf32, #tpu.memory_space<vmem>>, vector<1x512xf32>
      tpu.vector_store %arg22[%swap3A_70, %swap3A_71], %add3A_69 {strides = array<i32>} : memref<8x512xf32, #tpu.memory_space<vmem>>, vector<1x512xf32>,
      %get3A_73 = arith.constant 1 : index
      %get3A_74 = arith.constant 0 : index
      %get3A_75 = vector.load %arg22[%get3A_73, %get3A_74] : memref<8x512xf32, #tpu.memory_space<vmem>>, vector<1x512xf32>
      %mul3A_76 = arith.mulf %add3A_60, %add3A_60 : vector<1000x512xf32>
      %reduce_sum3A_77 = arith.constant dense<0.000000e+00> : vector<512xf32>
      %reduce_sum3A_78 = vector.multi_reduction <add>, %mul3A_76, %reduce_sum3A_77 [0] : vector<1000x512xf32> to vector<512xf32>
      %broadcast_in_dim3A_79 = vector.shape_cast %reduce_sum3A_78 : vector<512xf32> to vector<1x512xf32>
      %add3A_80 = arith.addf %get3A_75, %broadcast_in_dim3A_79 : vector<1x512xf32>
      %swap3A_81 = arith.constant 1 : index
      %swap3A_82 = arith.constant 0 : index
      %swap3A_83 = vector.load %arg22[%swap3A_81, %swap3A_82] : memref<8x512xf32, #tpu.memory_space<vmem>>, vector<1x512xf32>
      tpu.vector_store %arg22[%swap3A_81, %swap3A_82], %add3A_80 {strides = array<i32>} : memref<8x512xf32, #tpu.memory_space<vmem>>, vector<1x512xf32>,
    } else {
    }
    %eq3A_15 = arith.constant 2 : i32
    %eq3A_16 = arith.cmpi eq, %arg0, %eq3A_15 : i32
    %convert_element_type3A_17 = arith.extui %eq3A_16 : i1 to i32
    %cond3A_18 = arith.constant 5.000000e+03 : f32
    %cond3A_19 = arith.constant 0 : i32
    %cond3A_20 = arith.cmpi ne, %convert_element_type3A_17, %cond3A_19 : i32
    scf.if %cond3A_20 {
      %get3A = arith.constant 0 : index
      %get3A_21 = arith.constant 0 : index
      %get3A_22 = vector.load %arg22[%get3A, %get3A_21] : memref<8x512xf32, #tpu.memory_space<vmem>>, vector<1x512xf32>
      %div3A = vector.broadcast %cond3A_18 : f32 to vector<1x512xf32>
      %div3A_23 = arith.divf %get3A_22, %div3A : vector<1x512xf32>
      %get3A_24 = arith.constant 1 : index
      %get3A_25 = arith.constant 0 : index
      %get3A_26 = vector.load %arg22[%get3A_24, %get3A_25] : memref<8x512xf32, #tpu.memory_space<vmem>>, vector<1x512xf32>
      %div3A_27 = vector.broadcast %cond3A_18 : f32 to vector<1x512xf32>
      %div3A_28 = arith.divf %get3A_26, %div3A_27 : vector<1x512xf32>
      %mul3A = arith.mulf %div3A_23, %div3A_23 : vector<1x512xf32>
      %sub3A = arith.subf %div3A_28, %mul3A : vector<1x512xf32>
      %mul3A_29 = arith.constant 1000 : i32
      %mul3A_30 = arith.muli %arg1, %mul3A_29 : i32
      %get3A_31 = arith.index_cast %mul3A_30 : i32 to index
      %get3A_32 = arith.constant 0 : index
      %get3A_33 = vector.load %arg20[%get3A_31, %get3A_32] : memref<5000x512xf32, #tpu.memory_space<vmem>>, vector<1000x512xf32>
      %get3A_34 = arith.constant 0 : index
      %get3A_35 = arith.constant 0 : index
      %get3A_36 = vector.load %arg12[%get3A_34, %get3A_35] : memref<1x512xf32, #tpu.memory_space<vmem>>, vector<1x512xf32>
      %sub3A_37 = vector.broadcast %div3A_23 : vector<1x512xf32> to vector<1000x512xf32>
      %sub3A_38 = arith.subf %get3A_33, %sub3A_37 : vector<1000x512xf32>
      %mul3A_39 = vector.broadcast %get3A_36 : vector<1x512xf32> to vector<1000x512xf32>
      %mul3A_40 = arith.mulf %mul3A_39, %sub3A_38 : vector<1000x512xf32>
      %add3A = arith.constant 9.99999974E-6 : f32
      %add3A_41 = vector.broadcast %add3A : f32 to vector<1x512xf32>
      %add3A_42 = arith.addf %sub3A, %add3A_41 : vector<1x512xf32>
      %sqrt3A = math.sqrt %add3A_42 : vector<1x512xf32>
      %div3A_43 = vector.broadcast %sqrt3A : vector<1x512xf32> to vector<1000x512xf32>
      %div3A_44 = arith.divf %mul3A_40, %div3A_43 : vector<1000x512xf32>
      %get3A_45 = arith.constant 0 : index
      %get3A_46 = arith.constant 0 : index
      %get3A_47 = vector.load %arg13[%get3A_45, %get3A_46] : memref<1x512xf32, #tpu.memory_space<vmem>>, vector<1x512xf32>
      %add3A_48 = vector.broadcast %get3A_47 : vector<1x512xf32> to vector<1000x512xf32>
      %add3A_49 = arith.addf %div3A_44, %add3A_48 : vector<1000x512xf32>
      %max3A = arith.constant 0.000000e+00 : f32
      %max3A_50 = vector.broadcast %max3A : f32 to vector<1000x512xf32>
      %max3A_51 = arith.maximumf %add3A_49, %max3A_50 : vector<1000x512xf32>
      %slice3A = vector.extract_strided_slice %max3A_51 {offsets = [0, 0], sizes = [1000, 256], strides = [1, 1]} : vector<1000x512xf32> to vector<1000x256xf32>
      %swap3A = arith.constant 0 : index
      %swap3A_52 = arith.constant 0 : index
      %swap3A_53 = vector.load %arg15[%swap3A, %swap3A_52] : memref<1000x256xf32, #tpu.memory_space<vmem>>, vector<1000x256xf32>
      tpu.vector_store %arg15[%swap3A, %swap3A_52], %slice3A {strides = array<i32>} : memref<1000x256xf32, #tpu.memory_space<vmem>>, vector<1000x256xf32>,
      %slice3A_54 = vector.extract_strided_slice %max3A_51 {offsets = [0, 256], sizes = [1000, 256], strides = [1, 1]} : vector<1000x512xf32> to vector<1000x256xf32>
      %swap3A_55 = arith.constant 0 : index
      %swap3A_56 = arith.constant 0 : index
      %swap3A_57 = vector.load %arg16[%swap3A_55, %swap3A_56] : memref<1000x256xf32, #tpu.memory_space<vmem>>, vector<1000x256xf32>
      tpu.vector_store %arg16[%swap3A_55, %swap3A_56], %slice3A_54 {strides = array<i32>} : memref<1000x256xf32, #tpu.memory_space<vmem>>, vector<1000x256xf32>,
      %slice3A_58 = vector.extract_strided_slice %max3A_51 {offsets = [0, 0], sizes = [1000, 256], strides = [1, 1]} : vector<1000x512xf32> to vector<1000x256xf32>
      %bitcast_convert_type3A = tpu.bitcast %slice3A_58 : vector<1000x256xf32> -> vector<1000x256xi32>
      %add3A_59 = arith.constant 32767 : i32
      %add3A_60 = vector.broadcast %add3A_59 : i32 to vector<1000x256xi32>
      %add3A_61 = arith.addi %bitcast_convert_type3A, %add3A_60 : vector<1000x256xi32>
      %shift_right_arithmetic3A = arith.constant 16 : i32
      %shift_right_arithmetic3A_62 = vector.broadcast %shift_right_arithmetic3A : i32 to vector<1000x256xi32>
      %shift_right_arithmetic3A_63 = arith.shrsi %bitcast_convert_type3A, %shift_right_arithmetic3A_62 : vector<1000x256xi32>
      %and3A_64 = arith.constant 1 : i32
      %and3A_65 = vector.broadcast %and3A_64 : i32 to vector<1000x256xi32>
      %and3A_66 = arith.andi %shift_right_arithmetic3A_63, %and3A_65 : vector<1000x256xi32>
      %add3A_67 = arith.addi %add3A_61, %and3A_66 : vector<1000x256xi32>
      %reshape3A = vector.shape_cast %add3A_67 : vector<1000x256xi32> to vector<1000x8x2x16xi32>
      %slice3A_68 = vector.extract_strided_slice %reshape3A {offsets = [0, 0, 0, 0], sizes = [1000, 8, 1, 16], strides = [1, 1, 1, 1]} : vector<1000x8x2x16xi32> to vector<1000x8x1x16xi32>
      %squeeze3A = vector.shape_cast %slice3A_68 : vector<1000x8x1x16xi32> to vector<1000x8x16xi32>
      %shift_right_arithmetic3A_69 = arith.constant 16 : i32
      %shift_right_arithmetic3A_70 = vector.broadcast %shift_right_arithmetic3A_69 : i32 to vector<1000x8x16xi32>
      %shift_right_arithmetic3A_71 = arith.shrsi %squeeze3A, %shift_right_arithmetic3A_70 : vector<1000x8x16xi32>
      %and3A_72 = arith.constant 65535 : i32
      %and3A_73 = vector.broadcast %and3A_72 : i32 to vector<1000x8x16xi32>
      %and3A_74 = arith.andi %shift_right_arithmetic3A_71, %and3A_73 : vector<1000x8x16xi32>
      %slice3A_75 = vector.extract_strided_slice %reshape3A {offsets = [0, 0, 1, 0], sizes = [1000, 8, 1, 16], strides = [1, 1, 1, 1]} : vector<1000x8x2x16xi32> to vector<1000x8x1x16xi32>
      %squeeze3A_76 = vector.shape_cast %slice3A_75 : vector<1000x8x1x16xi32> to vector<1000x8x16xi32>
      %and3A_77 = arith.constant -65536 : i32
      %and3A_78 = vector.broadcast %and3A_77 : i32 to vector<1000x8x16xi32>
      %and3A_79 = arith.andi %squeeze3A_76, %and3A_78 : vector<1000x8x16xi32>
      %or3A = arith.ori %and3A_74, %and3A_79 : vector<1000x8x16xi32>
      %reshape3A_80 = vector.shape_cast %or3A : vector<1000x8x16xi32> to vector<1000x128xi32>
      %swap3A_81 = arith.constant 0 : index
      %swap3A_82 = arith.constant 0 : index
      %swap3A_83 = vector.load %arg17[%swap3A_81, %swap3A_82] : memref<1000x128xi32, #tpu.memory_space<vmem>>, vector<1000x128xi32>
      tpu.vector_store %arg17[%swap3A_81, %swap3A_82], %reshape3A_80 {strides = array<i32>} : memref<1000x128xi32, #tpu.memory_space<vmem>>, vector<1000x128xi32>,
      %slice3A_84 = vector.extract_strided_slice %max3A_51 {offsets = [0, 256], sizes = [1000, 256], strides = [1, 1]} : vector<1000x512xf32> to vector<1000x256xf32>
      %bitcast_convert_type3A_85 = tpu.bitcast %slice3A_84 : vector<1000x256xf32> -> vector<1000x256xi32>
      %add3A_86 = arith.constant 32767 : i32
      %add3A_87 = vector.broadcast %add3A_86 : i32 to vector<1000x256xi32>
      %add3A_88 = arith.addi %bitcast_convert_type3A_85, %add3A_87 : vector<1000x256xi32>
      %shift_right_arithmetic3A_89 = arith.constant 16 : i32
      %shift_right_arithmetic3A_90 = vector.broadcast %shift_right_arithmetic3A_89 : i32 to vector<1000x256xi32>
      %shift_right_arithmetic3A_91 = arith.shrsi %bitcast_convert_type3A_85, %shift_right_arithmetic3A_90 : vector<1000x256xi32>
      %and3A_92 = arith.constant 1 : i32
      %and3A_93 = vector.broadcast %and3A_92 : i32 to vector<1000x256xi32>
      %and3A_94 = arith.andi %shift_right_arithmetic3A_91, %and3A_93 : vector<1000x256xi32>
      %add3A_95 = arith.addi %add3A_88, %and3A_94 : vector<1000x256xi32>
      %reshape3A_96 = vector.shape_cast %add3A_95 : vector<1000x256xi32> to vector<1000x8x2x16xi32>
      %slice3A_97 = vector.extract_strided_slice %reshape3A_96 {offsets = [0, 0, 0, 0], sizes = [1000, 8, 1, 16], strides = [1, 1, 1, 1]} : vector<1000x8x2x16xi32> to vector<1000x8x1x16xi32>
      %squeeze3A_98 = vector.shape_cast %slice3A_97 : vector<1000x8x1x16xi32> to vector<1000x8x16xi32>
      %shift_right_arithmetic3A_99 = arith.constant 16 : i32
      %shift_right_arithmetic3A_100 = vector.broadcast %shift_right_arithmetic3A_99 : i32 to vector<1000x8x16xi32>
      %shift_right_arithmetic3A_101 = arith.shrsi %squeeze3A_98, %shift_right_arithmetic3A_100 : vector<1000x8x16xi32>
      %and3A_102 = arith.constant 65535 : i32
      %and3A_103 = vector.broadcast %and3A_102 : i32 to vector<1000x8x16xi32>
      %and3A_104 = arith.andi %shift_right_arithmetic3A_101, %and3A_103 : vector<1000x8x16xi32>
      %slice3A_105 = vector.extract_strided_slice %reshape3A_96 {offsets = [0, 0, 1, 0], sizes = [1000, 8, 1, 16], strides = [1, 1, 1, 1]} : vector<1000x8x2x16xi32> to vector<1000x8x1x16xi32>
      %squeeze3A_106 = vector.shape_cast %slice3A_105 : vector<1000x8x1x16xi32> to vector<1000x8x16xi32>
      %and3A_107 = arith.constant -65536 : i32
      %and3A_108 = vector.broadcast %and3A_107 : i32 to vector<1000x8x16xi32>
      %and3A_109 = arith.andi %squeeze3A_106, %and3A_108 : vector<1000x8x16xi32>
      %or3A_110 = arith.ori %and3A_104, %and3A_109 : vector<1000x8x16xi32>
      %reshape3A_111 = vector.shape_cast %or3A_110 : vector<1000x8x16xi32> to vector<1000x128xi32>
      %swap3A_112 = arith.constant 0 : index
      %swap3A_113 = arith.constant 0 : index
      %swap3A_114 = vector.load %arg18[%swap3A_112, %swap3A_113] : memref<1000x128xi32, #tpu.memory_space<vmem>>, vector<1000x128xi32>
      tpu.vector_store %arg18[%swap3A_112, %swap3A_113], %reshape3A_111 {strides = array<i32>} : memref<1000x128xi32, #tpu.memory_space<vmem>>, vector<1000x128xi32>,
    } else {
    }
    return
  }
  func.func @transform_0(%arg0: i32, %arg1: i32) -> (i32, i32) {
    %eq3A = arith.constant 0 : i32
    %eq3A_0 = arith.cmpi eq, %arg0, %eq3A : i32
    %jit3A = arith.constant 0 : i32
    %select_n3A = arith.select %eq3A_0, %arg1, %jit3A : i32
    %c0_i32 = arith.constant 0 : i32
    %c0_i32_1 = arith.constant 0 : i32
    return %select_n3A, %c0_i32 : i32, i32
  }
  func.func @transform_1(%arg0: i32, %arg1: i32) -> (i32, i32) {
    %eq3A = arith.constant 0 : i32
    %eq3A_0 = arith.cmpi eq, %arg0, %eq3A : i32
    %jit3A = arith.constant 0 : i32
    %select_n3A = arith.select %eq3A_0, %arg1, %jit3A : i32
    %c0_i32 = arith.constant 0 : i32
    %c0_i32_1 = arith.constant 0 : i32
    return %select_n3A, %c0_i32 : i32, i32
  }
  func.func @transform_2(%arg0: i32, %arg1: i32) -> (i32, i32) {
    %eq3A = arith.constant 0 : i32
    %eq3A_0 = arith.cmpi eq, %arg0, %eq3A : i32
    %jit3A = arith.constant 0 : i32
    %select_n3A = arith.select %eq3A_0, %arg1, %jit3A : i32
    %c0_i32 = arith.constant 0 : i32
    %c0_i32_1 = arith.constant 0 : i32
    return %select_n3A, %c0_i32 : i32, i32
  }
  func.func @transform_3(%arg0: i32, %arg1: i32) -> (i32, i32) {
    %eq3A = arith.constant 0 : i32
    %eq3A_0 = arith.cmpi eq, %arg0, %eq3A : i32
    %jit3A = arith.constant 0 : i32
    %select_n3A = arith.select %eq3A_0, %arg1, %jit3A : i32
    %c0_i32 = arith.constant 0 : i32
    %c0_i32_1 = arith.constant 0 : i32
    return %select_n3A, %c0_i32 : i32, i32
  }
  func.func @transform_4(%arg0: i32, %arg1: i32) -> (i32, i32) {
    %c0_i32 = arith.constant 0 : i32
    %c0_i32_0 = arith.constant 0 : i32
    %c0_i32_1 = arith.constant 0 : i32
    return %c0_i32, %c0_i32_0 : i32, i32
  }
  func.func @transform_5(%arg0: i32, %arg1: i32) -> (i32, i32) {
    %c0_i32 = arith.constant 0 : i32
    %c0_i32_0 = arith.constant 0 : i32
    %c0_i32_1 = arith.constant 0 : i32
    return %c0_i32, %c0_i32_0 : i32, i32
  }
  func.func @transform_6(%arg0: i32, %arg1: i32) -> (i32, i32) {
    %c0_i32 = arith.constant 0 : i32
    %c0_i32_0 = arith.constant 0 : i32
    %c0_i32_1 = arith.constant 0 : i32
    return %c0_i32, %c0_i32_0 : i32, i32
  }
  func.func @transform_7(%arg0: i32, %arg1: i32) -> (i32, i32) {
    %c0_i32 = arith.constant 0 : i32
    %c0_i32_0 = arith.constant 0 : i32
    %c0_i32_1 = arith.constant 0 : i32
    return %c0_i32, %c0_i32_0 : i32, i32
  }
  func.func @transform_8(%arg0: i32, %arg1: i32) -> (i32, i32) {
    %c0_i32 = arith.constant 0 : i32
    %c0_i32_0 = arith.constant 0 : i32
    %c0_i32_1 = arith.constant 0 : i32
    return %c0_i32, %c0_i32_0 : i32, i32
  }
  func.func @transform_9(%arg0: i32, %arg1: i32) -> (i32, i32) {
    %c0_i32 = arith.constant 0 : i32
    %c0_i32_0 = arith.constant 0 : i32
    %c0_i32_1 = arith.constant 0 : i32
    return %c0_i32, %c0_i32_0 : i32, i32
  }
  func.func @transform_10(%arg0: i32, %arg1: i32) -> (i32, i32) {
    %c0_i32 = arith.constant 0 : i32
    %c0_i32_0 = arith.constant 0 : i32
    %c0_i32_1 = arith.constant 0 : i32
    return %c0_i32, %c0_i32_0 : i32, i32
  }
  func.func @transform_11(%arg0: i32, %arg1: i32) -> (i32, i32) {
    %c0_i32 = arith.constant 0 : i32
    %c0_i32_0 = arith.constant 0 : i32
    %c0_i32_1 = arith.constant 0 : i32
    return %c0_i32, %c0_i32_0 : i32, i32
  }
  func.func @transform_12(%arg0: i32, %arg1: i32) -> i32 {
    %c0_i32 = arith.constant 0 : i32
    %c0_i32_0 = arith.constant 0 : i32
    return %c0_i32 : i32
  }
  func.func @transform_13(%arg0: i32, %arg1: i32) -> (i32, i32) {
    %eq3A = arith.constant 2 : i32
    %eq3A_0 = arith.cmpi eq, %arg0, %eq3A : i32
    %jit3A = arith.constant 0 : i32
    %select_n3A = arith.select %eq3A_0, %arg1, %jit3A : i32
    %c0_i32 = arith.constant 0 : i32
    %c0_i32_1 = arith.constant 0 : i32
    return %select_n3A, %c0_i32 : i32, i32
  }
  func.func @transform_14(%arg0: i32, %arg1: i32) -> (i32, i32) {
    %eq3A = arith.constant 2 : i32
    %eq3A_0 = arith.cmpi eq, %arg0, %eq3A : i32
    %jit3A = arith.constant 0 : i32
    %select_n3A = arith.select %eq3A_0, %arg1, %jit3A : i32
    %c0_i32 = arith.constant 0 : i32
    %c0_i32_1 = arith.constant 0 : i32
    return %select_n3A, %c0_i32 : i32, i32
  }
  func.func @transform_15(%arg0: i32, %arg1: i32) -> (i32, i32) {
    %eq3A = arith.constant 2 : i32
    %eq3A_0 = arith.cmpi eq, %arg0, %eq3A : i32
    %jit3A = arith.constant 0 : i32
    %select_n3A = arith.select %eq3A_0, %arg1, %jit3A : i32
    %c0_i32 = arith.constant 0 : i32
    %c0_i32_1 = arith.constant 0 : i32
    return %select_n3A, %c0_i32 : i32, i32
  }
  func.func @transform_16(%arg0: i32, %arg1: i32) -> (i32, i32) {
    %eq3A = arith.constant 2 : i32
    %eq3A_0 = arith.cmpi eq, %arg0, %eq3A : i32
    %jit3A = arith.constant 0 : i32
    %select_n3A = arith.select %eq3A_0, %arg1, %jit3A : i32
    %c0_i32 = arith.constant 0 : i32
    %c0_i32_1 = arith.constant 0 : i32
    return %select_n3A, %c0_i32 : i32, i32
  }
}

module attributes {stable_mosaic.version = 14 : i64} {
  func.func @_layer_fused_body(%arg0: i32, %arg1: i32, %arg2: memref<1000x256xf32, #tpu.memory_space<vmem>>, %arg3: memref<1000x256xf32, #tpu.memory_space<vmem>>, %arg4: memref<1000x256xf32, #tpu.memory_space<vmem>>, %arg5: memref<1000x256xf32, #tpu.memory_space<vmem>>, %arg6: memref<512x1024xf32, #tpu.memory_space<vmem>>, %arg7: memref<1x1024xf32, #tpu.memory_space<vmem>>, %arg8: memref<1x1024xf32, #tpu.memory_space<vmem>>, %arg9: memref<1x1024xf32, #tpu.memory_space<vmem>>, %arg10: memref<1024x512xf32, #tpu.memory_space<vmem>>, %arg11: memref<1x512xf32, #tpu.memory_space<vmem>>, %arg12: memref<1x512xf32, #tpu.memory_space<vmem>>, %arg13: memref<1x512xf32, #tpu.memory_space<vmem>>, %arg14: memref<1xf32, #tpu.memory_space<smem>>, %arg15: memref<8x512xf32, #tpu.memory_space<vmem>>, %arg16: memref<8x512xf32, #tpu.memory_space<vmem>>, %arg17: memref<8x256xi32, #tpu.memory_space<vmem>>, %arg18: memref<8x256xi32, #tpu.memory_space<vmem>>, %arg19: memref<5000x1024xf32, #tpu.memory_space<vmem>>, %arg20: memref<5000x512xf32, #tpu.memory_space<vmem>>, %arg21: memref<8x1024xf32, #tpu.memory_space<vmem>>, %arg22: memref<8x512xf32, #tpu.memory_space<vmem>>) attributes {dimension_semantics = [#tpu.dimension_semantics<arbitrary>, #tpu.dimension_semantics<arbitrary>], iteration_bounds = array<i64: 3, 5>, scalar_prefetch = 0 : i64, scratch_operands = 4 : i64, tpu.core_type = #tpu.core_type<tc>, window_params = [{transform_indices = @transform_0, window_bounds = array<i64: 1000, 256>}, {transform_indices = @transform_1, window_bounds = array<i64: 1000, 256>}, {transform_indices = @transform_2, window_bounds = array<i64: 1000, 256>}, {transform_indices = @transform_3, window_bounds = array<i64: 1000, 256>}, {pipeline_mode = #tpu.pipeline_mode<synchronous>, transform_indices = @transform_4, window_bounds = array<i64: 512, 1024>}, {pipeline_mode = #tpu.pipeline_mode<synchronous>, transform_indices = @transform_5, window_bounds = array<i64: 1, 1024>}, {pipeline_mode = #tpu.pipeline_mode<synchronous>, transform_indices = @transform_6, window_bounds = array<i64: 1, 1024>}, {pipeline_mode = #tpu.pipeline_mode<synchronous>, transform_indices = @transform_7, window_bounds = array<i64: 1, 1024>}, {pipeline_mode = #tpu.pipeline_mode<synchronous>, transform_indices = @transform_8, window_bounds = array<i64: 1024, 512>}, {pipeline_mode = #tpu.pipeline_mode<synchronous>, transform_indices = @transform_9, window_bounds = array<i64: 1, 512>}, {pipeline_mode = #tpu.pipeline_mode<synchronous>, transform_indices = @transform_10, window_bounds = array<i64: 1, 512>}, {pipeline_mode = #tpu.pipeline_mode<synchronous>, transform_indices = @transform_11, window_bounds = array<i64: 1, 512>}, {transform_indices = @transform_12, window_bounds = array<i64: 1>}, {pipeline_mode = #tpu.pipeline_mode<synchronous>, transform_indices = @transform_13, window_bounds = array<i64: 8, 512>}, {pipeline_mode = #tpu.pipeline_mode<synchronous>, transform_indices = @transform_14, window_bounds = array<i64: 8, 512>}, {pipeline_mode = #tpu.pipeline_mode<synchronous>, transform_indices = @transform_15, window_bounds = array<i64: 8, 256>}, {pipeline_mode = #tpu.pipeline_mode<synchronous>, transform_indices = @transform_16, window_bounds = array<i64: 8, 256>}]} {
    %eq3A = arith.constant 0 : i32
    %eq3A_0 = arith.cmpi eq, %arg0, %eq3A : i32
    %eq3A_1 = arith.constant 0 : i32
    %eq3A_2 = arith.cmpi eq, %arg1, %eq3A_1 : i32
    %and3A = arith.andi %eq3A_0, %eq3A_2 : i1
    %convert_element_type3A = arith.extui %and3A : i1 to i32
    %cond3A = arith.constant 0 : i32
    %cond3A_3 = arith.cmpi ne, %convert_element_type3A, %cond3A : i32
    scf.if %cond3A_3 {
      %broadcast_in_dim3A = arith.constant 0.000000e+00 : f32
      %broadcast_in_dim3A_21 = vector.broadcast %broadcast_in_dim3A : f32 to vector<8x1024xf32>
      %swap3A = arith.constant 0 : index
      %swap3A_22 = arith.constant 0 : index
      %swap3A_23 = vector.load %arg21[%swap3A, %swap3A_22] : memref<8x1024xf32, #tpu.memory_space<vmem>>, vector<8x1024xf32>
      tpu.vector_store %arg21[%swap3A, %swap3A_22], %broadcast_in_dim3A_21 {strides = array<i32>} : memref<8x1024xf32, #tpu.memory_space<vmem>>, vector<8x1024xf32>,
      %broadcast_in_dim3A_24 = arith.constant 0.000000e+00 : f32
      %broadcast_in_dim3A_25 = vector.broadcast %broadcast_in_dim3A_24 : f32 to vector<8x512xf32>
      %swap3A_26 = arith.constant 0 : index
      %swap3A_27 = arith.constant 0 : index
      %swap3A_28 = vector.load %arg22[%swap3A_26, %swap3A_27] : memref<8x512xf32, #tpu.memory_space<vmem>>, vector<8x512xf32>
      tpu.vector_store %arg22[%swap3A_26, %swap3A_27], %broadcast_in_dim3A_25 {strides = array<i32>} : memref<8x512xf32, #tpu.memory_space<vmem>>, vector<8x512xf32>,
    } else {
    }
    %eq3A_4 = arith.constant 0 : i32
    %eq3A_5 = arith.cmpi eq, %arg0, %eq3A_4 : i32
    %convert_element_type3A_6 = arith.extui %eq3A_5 : i1 to i32
    %cond3A_7 = arith.constant 0 : i32
    %cond3A_8 = arith.cmpi ne, %convert_element_type3A_6, %cond3A_7 : i32
    scf.if %cond3A_8 {
      %get3A = arith.constant 0 : index
      %get3A_21 = arith.constant 0 : index
      %get3A_22 = vector.load %arg2[%get3A, %get3A_21] : memref<1000x256xf32, #tpu.memory_space<vmem>>, vector<1000x256xf32>
      %get3A_23 = arith.constant 0 : index
      %get3A_24 = arith.constant 0 : index
      %get3A_25 = vector.load %arg3[%get3A_23, %get3A_24] : memref<1000x256xf32, #tpu.memory_space<vmem>>, vector<1000x256xf32>
      %concatenate3A = tpu.concatenate %get3A_22, %get3A_25 in 1 : vector<1000x256xf32>, vector<1000x256xf32> -> vector<1000x512xf32>
      %get3A_26 = arith.constant 0 : index
      %get3A_27 = arith.constant 0 : index
      %get3A_28 = vector.load %arg4[%get3A_26, %get3A_27] : memref<1000x256xf32, #tpu.memory_space<vmem>>, vector<1000x256xf32>
      %get3A_29 = arith.constant 0 : index
      %get3A_30 = arith.constant 0 : index
      %get3A_31 = vector.load %arg5[%get3A_29, %get3A_30] : memref<1000x256xf32, #tpu.memory_space<vmem>>, vector<1000x256xf32>
      %concatenate3A_32 = tpu.concatenate %get3A_28, %get3A_31 in 1 : vector<1000x256xf32>, vector<1000x256xf32> -> vector<1000x512xf32>
      %get3A_33 = arith.constant 0 : index
      %get3A_34 = memref.load %arg14[%get3A_33] : memref<1xf32, #tpu.memory_space<smem>>
      %add3A = arith.constant 1.000000e+00 : f32
      %add3A_35 = arith.addf %add3A, %get3A_34 : f32
      %mul3A = vector.broadcast %add3A_35 : f32 to vector<1000x512xf32>
      %mul3A_36 = arith.mulf %concatenate3A, %mul3A : vector<1000x512xf32>
      %add3A_37 = arith.addf %mul3A_36, %concatenate3A_32 : vector<1000x512xf32>
      %get3A_38 = arith.constant 0 : index
      %get3A_39 = arith.constant 0 : index
      %get3A_40 = vector.load %arg6[%get3A_38, %get3A_39] : memref<512x1024xf32, #tpu.memory_space<vmem>>, vector<512x1024xf32>
      %dot_general3A = arith.constant dense<0.000000e+00> : vector<1000x1024xf32>
      %dot_general3A_41 = tpu.matmul %add3A_37, %get3A_40, %dot_general3A {dimension_numbers = #tpu.dot_dimension_numbers<[1], [0], [0], [1], [0, 0, 1, 1], [], []>, transpose_lhs_hint = false} : vector<1000x512xf32>, vector<512x1024xf32>, vector<1000x1024xf32> -> vector<1000x1024xf32>
      %get3A_42 = arith.constant 0 : index
      %get3A_43 = arith.constant 0 : index
      %get3A_44 = vector.load %arg7[%get3A_42, %get3A_43] : memref<1x1024xf32, #tpu.memory_space<vmem>>, vector<1x1024xf32>
      %add3A_45 = vector.broadcast %get3A_44 : vector<1x1024xf32> to vector<1000x1024xf32>
      %add3A_46 = arith.addf %dot_general3A_41, %add3A_45 : vector<1000x1024xf32>
      %mul3A_47 = arith.constant 1000 : i32
      %mul3A_48 = arith.muli %arg1, %mul3A_47 : i32
      %swap3A = arith.index_cast %mul3A_48 : i32 to index
      %swap3A_49 = arith.constant 0 : index
      %swap3A_50 = vector.load %arg19[%swap3A, %swap3A_49] : memref<5000x1024xf32, #tpu.memory_space<vmem>>, vector<1000x1024xf32>
      tpu.vector_store %arg19[%swap3A, %swap3A_49], %add3A_46 {strides = array<i32>} : memref<5000x1024xf32, #tpu.memory_space<vmem>>, vector<1000x1024xf32>,
      %get3A_51 = arith.constant 0 : index
      %get3A_52 = arith.constant 0 : index
      %get3A_53 = vector.load %arg21[%get3A_51, %get3A_52] : memref<8x1024xf32, #tpu.memory_space<vmem>>, vector<1x1024xf32>
      %reduce_sum3A = arith.constant dense<0.000000e+00> : vector<1024xf32>
      %reduce_sum3A_54 = vector.multi_reduction <add>, %add3A_46, %reduce_sum3A [0] : vector<1000x1024xf32> to vector<1024xf32>
      %broadcast_in_dim3A = vector.shape_cast %reduce_sum3A_54 : vector<1024xf32> to vector<1x1024xf32>
      %add3A_55 = arith.addf %get3A_53, %broadcast_in_dim3A : vector<1x1024xf32>
      %swap3A_56 = arith.constant 0 : index
      %swap3A_57 = arith.constant 0 : index
      %swap3A_58 = vector.load %arg21[%swap3A_56, %swap3A_57] : memref<8x1024xf32, #tpu.memory_space<vmem>>, vector<1x1024xf32>
      tpu.vector_store %arg21[%swap3A_56, %swap3A_57], %add3A_55 {strides = array<i32>} : memref<8x1024xf32, #tpu.memory_space<vmem>>, vector<1x1024xf32>,
      %get3A_59 = arith.constant 1 : index
      %get3A_60 = arith.constant 0 : index
      %get3A_61 = vector.load %arg21[%get3A_59, %get3A_60] : memref<8x1024xf32, #tpu.memory_space<vmem>>, vector<1x1024xf32>
      %mul3A_62 = arith.mulf %add3A_46, %add3A_46 : vector<1000x1024xf32>
      %reduce_sum3A_63 = arith.constant dense<0.000000e+00> : vector<1024xf32>
      %reduce_sum3A_64 = vector.multi_reduction <add>, %mul3A_62, %reduce_sum3A_63 [0] : vector<1000x1024xf32> to vector<1024xf32>
      %broadcast_in_dim3A_65 = vector.shape_cast %reduce_sum3A_64 : vector<1024xf32> to vector<1x1024xf32>
      %add3A_66 = arith.addf %get3A_61, %broadcast_in_dim3A_65 : vector<1x1024xf32>
      %swap3A_67 = arith.constant 1 : index
      %swap3A_68 = arith.constant 0 : index
      %swap3A_69 = vector.load %arg21[%swap3A_67, %swap3A_68] : memref<8x1024xf32, #tpu.memory_space<vmem>>, vector<1x1024xf32>
      tpu.vector_store %arg21[%swap3A_67, %swap3A_68], %add3A_66 {strides = array<i32>} : memref<8x1024xf32, #tpu.memory_space<vmem>>, vector<1x1024xf32>,
    } else {
    }
    %eq3A_9 = arith.constant 1 : i32
    %eq3A_10 = arith.cmpi eq, %arg0, %eq3A_9 : i32
    %convert_element_type3A_11 = arith.extui %eq3A_10 : i1 to i32
    %cond3A_12 = arith.constant 5.000000e+03 : f32
    %cond3A_13 = arith.constant 0 : i32
    %cond3A_14 = arith.cmpi ne, %convert_element_type3A_11, %cond3A_13 : i32
    scf.if %cond3A_14 {
      %get3A = arith.constant 0 : index
      %get3A_21 = arith.constant 0 : index
      %get3A_22 = vector.load %arg21[%get3A, %get3A_21] : memref<8x1024xf32, #tpu.memory_space<vmem>>, vector<1x1024xf32>
      %div3A = vector.broadcast %cond3A_12 : f32 to vector<1x1024xf32>
      %div3A_23 = arith.divf %get3A_22, %div3A : vector<1x1024xf32>
      %get3A_24 = arith.constant 1 : index
      %get3A_25 = arith.constant 0 : index
      %get3A_26 = vector.load %arg21[%get3A_24, %get3A_25] : memref<8x1024xf32, #tpu.memory_space<vmem>>, vector<1x1024xf32>
      %div3A_27 = vector.broadcast %cond3A_12 : f32 to vector<1x1024xf32>
      %div3A_28 = arith.divf %get3A_26, %div3A_27 : vector<1x1024xf32>
      %mul3A = arith.mulf %div3A_23, %div3A_23 : vector<1x1024xf32>
      %sub3A = arith.subf %div3A_28, %mul3A : vector<1x1024xf32>
      %mul3A_29 = arith.constant 1000 : i32
      %mul3A_30 = arith.muli %arg1, %mul3A_29 : i32
      %get3A_31 = arith.index_cast %mul3A_30 : i32 to index
      %get3A_32 = arith.constant 0 : index
      %get3A_33 = vector.load %arg19[%get3A_31, %get3A_32] : memref<5000x1024xf32, #tpu.memory_space<vmem>>, vector<1000x1024xf32>
      %get3A_34 = arith.constant 0 : index
      %get3A_35 = arith.constant 0 : index
      %get3A_36 = vector.load %arg8[%get3A_34, %get3A_35] : memref<1x1024xf32, #tpu.memory_space<vmem>>, vector<1x1024xf32>
      %sub3A_37 = vector.broadcast %div3A_23 : vector<1x1024xf32> to vector<1000x1024xf32>
      %sub3A_38 = arith.subf %get3A_33, %sub3A_37 : vector<1000x1024xf32>
      %mul3A_39 = vector.broadcast %get3A_36 : vector<1x1024xf32> to vector<1000x1024xf32>
      %mul3A_40 = arith.mulf %mul3A_39, %sub3A_38 : vector<1000x1024xf32>
      %add3A = arith.constant 9.99999974E-6 : f32
      %add3A_41 = vector.broadcast %add3A : f32 to vector<1x1024xf32>
      %add3A_42 = arith.addf %sub3A, %add3A_41 : vector<1x1024xf32>
      %sqrt3A = math.sqrt %add3A_42 : vector<1x1024xf32>
      %div3A_43 = vector.broadcast %sqrt3A : vector<1x1024xf32> to vector<1000x1024xf32>
      %div3A_44 = arith.divf %mul3A_40, %div3A_43 : vector<1000x1024xf32>
      %get3A_45 = arith.constant 0 : index
      %get3A_46 = arith.constant 0 : index
      %get3A_47 = vector.load %arg9[%get3A_45, %get3A_46] : memref<1x1024xf32, #tpu.memory_space<vmem>>, vector<1x1024xf32>
      %add3A_48 = vector.broadcast %get3A_47 : vector<1x1024xf32> to vector<1000x1024xf32>
      %add3A_49 = arith.addf %div3A_44, %add3A_48 : vector<1000x1024xf32>
      %max3A = arith.constant 0.000000e+00 : f32
      %max3A_50 = vector.broadcast %max3A : f32 to vector<1000x1024xf32>
      %max3A_51 = arith.maximumf %add3A_49, %max3A_50 : vector<1000x1024xf32>
      %get3A_52 = arith.constant 0 : index
      %get3A_53 = arith.constant 0 : index
      %get3A_54 = vector.load %arg10[%get3A_52, %get3A_53] : memref<1024x512xf32, #tpu.memory_space<vmem>>, vector<1024x512xf32>
      %dot_general3A = arith.constant dense<0.000000e+00> : vector<1000x512xf32>
      %dot_general3A_55 = tpu.matmul %max3A_51, %get3A_54, %dot_general3A {dimension_numbers = #tpu.dot_dimension_numbers<[1], [0], [0], [1], [0, 0, 1, 1], [], []>, transpose_lhs_hint = false} : vector<1000x1024xf32>, vector<1024x512xf32>, vector<1000x512xf32> -> vector<1000x512xf32>
      %get3A_56 = arith.constant 0 : index
      %get3A_57 = arith.constant 0 : index
      %get3A_58 = vector.load %arg11[%get3A_56, %get3A_57] : memref<1x512xf32, #tpu.memory_space<vmem>>, vector<1x512xf32>
      %add3A_59 = vector.broadcast %get3A_58 : vector<1x512xf32> to vector<1000x512xf32>
      %add3A_60 = arith.addf %dot_general3A_55, %add3A_59 : vector<1000x512xf32>
      %mul3A_61 = arith.constant 1000 : i32
      %mul3A_62 = arith.muli %arg1, %mul3A_61 : i32
      %swap3A = arith.index_cast %mul3A_62 : i32 to index
      %swap3A_63 = arith.constant 0 : index
      %swap3A_64 = vector.load %arg20[%swap3A, %swap3A_63] : memref<5000x512xf32, #tpu.memory_space<vmem>>, vector<1000x512xf32>
      tpu.vector_store %arg20[%swap3A, %swap3A_63], %add3A_60 {strides = array<i32>} : memref<5000x512xf32, #tpu.memory_space<vmem>>, vector<1000x512xf32>,
      %get3A_65 = arith.constant 0 : index
      %get3A_66 = arith.constant 0 : index
      %get3A_67 = vector.load %arg22[%get3A_65, %get3A_66] : memref<8x512xf32, #tpu.memory_space<vmem>>, vector<1x512xf32>
      %reduce_sum3A = arith.constant dense<0.000000e+00> : vector<512xf32>
      %reduce_sum3A_68 = vector.multi_reduction <add>, %add3A_60, %reduce_sum3A [0] : vector<1000x512xf32> to vector<512xf32>
      %broadcast_in_dim3A = vector.shape_cast %reduce_sum3A_68 : vector<512xf32> to vector<1x512xf32>
      %add3A_69 = arith.addf %get3A_67, %broadcast_in_dim3A : vector<1x512xf32>
      %swap3A_70 = arith.constant 0 : index
      %swap3A_71 = arith.constant 0 : index
      %swap3A_72 = vector.load %arg22[%swap3A_70, %swap3A_71] : memref<8x512xf32, #tpu.memory_space<vmem>>, vector<1x512xf32>
      tpu.vector_store %arg22[%swap3A_70, %swap3A_71], %add3A_69 {strides = array<i32>} : memref<8x512xf32, #tpu.memory_space<vmem>>, vector<1x512xf32>,
      %get3A_73 = arith.constant 1 : index
      %get3A_74 = arith.constant 0 : index
      %get3A_75 = vector.load %arg22[%get3A_73, %get3A_74] : memref<8x512xf32, #tpu.memory_space<vmem>>, vector<1x512xf32>
      %mul3A_76 = arith.mulf %add3A_60, %add3A_60 : vector<1000x512xf32>
      %reduce_sum3A_77 = arith.constant dense<0.000000e+00> : vector<512xf32>
      %reduce_sum3A_78 = vector.multi_reduction <add>, %mul3A_76, %reduce_sum3A_77 [0] : vector<1000x512xf32> to vector<512xf32>
      %broadcast_in_dim3A_79 = vector.shape_cast %reduce_sum3A_78 : vector<512xf32> to vector<1x512xf32>
      %add3A_80 = arith.addf %get3A_75, %broadcast_in_dim3A_79 : vector<1x512xf32>
      %swap3A_81 = arith.constant 1 : index
      %swap3A_82 = arith.constant 0 : index
      %swap3A_83 = vector.load %arg22[%swap3A_81, %swap3A_82] : memref<8x512xf32, #tpu.memory_space<vmem>>, vector<1x512xf32>
      tpu.vector_store %arg22[%swap3A_81, %swap3A_82], %add3A_80 {strides = array<i32>} : memref<8x512xf32, #tpu.memory_space<vmem>>, vector<1x512xf32>,
    } else {
    }
    %eq3A_15 = arith.constant 2 : i32
    %eq3A_16 = arith.cmpi eq, %arg0, %eq3A_15 : i32
    %convert_element_type3A_17 = arith.extui %eq3A_16 : i1 to i32
    %cond3A_18 = arith.constant 5.000000e+03 : f32
    %cond3A_19 = arith.constant 0 : i32
    %cond3A_20 = arith.cmpi ne, %convert_element_type3A_17, %cond3A_19 : i32
    scf.if %cond3A_20 {
      %get3A = arith.constant 0 : index
      %get3A_21 = arith.constant 0 : index
      %get3A_22 = vector.load %arg22[%get3A, %get3A_21] : memref<8x512xf32, #tpu.memory_space<vmem>>, vector<1x512xf32>
      %div3A = vector.broadcast %cond3A_18 : f32 to vector<1x512xf32>
      %div3A_23 = arith.divf %get3A_22, %div3A : vector<1x512xf32>
      %get3A_24 = arith.constant 1 : index
      %get3A_25 = arith.constant 0 : index
      %get3A_26 = vector.load %arg22[%get3A_24, %get3A_25] : memref<8x512xf32, #tpu.memory_space<vmem>>, vector<1x512xf32>
      %div3A_27 = vector.broadcast %cond3A_18 : f32 to vector<1x512xf32>
      %div3A_28 = arith.divf %get3A_26, %div3A_27 : vector<1x512xf32>
      %mul3A = arith.mulf %div3A_23, %div3A_23 : vector<1x512xf32>
      %sub3A = arith.subf %div3A_28, %mul3A : vector<1x512xf32>
      %mul3A_29 = arith.constant 1000 : i32
      %mul3A_30 = arith.muli %arg1, %mul3A_29 : i32
      %get3A_31 = arith.index_cast %mul3A_30 : i32 to index
      %get3A_32 = arith.constant 0 : index
      %get3A_33 = vector.load %arg20[%get3A_31, %get3A_32] : memref<5000x512xf32, #tpu.memory_space<vmem>>, vector<1000x512xf32>
      %get3A_34 = arith.constant 0 : index
      %get3A_35 = arith.constant 0 : index
      %get3A_36 = vector.load %arg12[%get3A_34, %get3A_35] : memref<1x512xf32, #tpu.memory_space<vmem>>, vector<1x512xf32>
      %sub3A_37 = vector.broadcast %div3A_23 : vector<1x512xf32> to vector<1000x512xf32>
      %sub3A_38 = arith.subf %get3A_33, %sub3A_37 : vector<1000x512xf32>
      %mul3A_39 = vector.broadcast %get3A_36 : vector<1x512xf32> to vector<1000x512xf32>
      %mul3A_40 = arith.mulf %mul3A_39, %sub3A_38 : vector<1000x512xf32>
      %add3A = arith.constant 9.99999974E-6 : f32
      %add3A_41 = vector.broadcast %add3A : f32 to vector<1x512xf32>
      %add3A_42 = arith.addf %sub3A, %add3A_41 : vector<1x512xf32>
      %sqrt3A = math.sqrt %add3A_42 : vector<1x512xf32>
      %div3A_43 = vector.broadcast %sqrt3A : vector<1x512xf32> to vector<1000x512xf32>
      %div3A_44 = arith.divf %mul3A_40, %div3A_43 : vector<1000x512xf32>
      %get3A_45 = arith.constant 0 : index
      %get3A_46 = arith.constant 0 : index
      %get3A_47 = vector.load %arg13[%get3A_45, %get3A_46] : memref<1x512xf32, #tpu.memory_space<vmem>>, vector<1x512xf32>
      %add3A_48 = vector.broadcast %get3A_47 : vector<1x512xf32> to vector<1000x512xf32>
      %add3A_49 = arith.addf %div3A_44, %add3A_48 : vector<1000x512xf32>
      %eq3A_50 = arith.constant 0 : i32
      %eq3A_51 = arith.cmpi eq, %arg1, %eq3A_50 : i32
      %convert_element_type3A_52 = arith.extui %eq3A_51 : i1 to i32
      %cond3A_53 = arith.constant 0 : i32
      %cond3A_54 = arith.cmpi ne, %convert_element_type3A_52, %cond3A_53 : i32
      scf.if %cond3A_54 {
        %broadcast_in_dim3A_62 = arith.constant 0.000000e+00 : f32
        %broadcast_in_dim3A_63 = vector.broadcast %broadcast_in_dim3A_62 : f32 to vector<8x512xf32>
        %swap3A_64 = arith.constant 0 : index
        %swap3A_65 = arith.constant 0 : index
        %swap3A_66 = vector.load %arg15[%swap3A_64, %swap3A_65] : memref<8x512xf32, #tpu.memory_space<vmem>>, vector<8x512xf32>
        tpu.vector_store %arg15[%swap3A_64, %swap3A_65], %broadcast_in_dim3A_63 {strides = array<i32>} : memref<8x512xf32, #tpu.memory_space<vmem>>, vector<8x512xf32>,
      } else {
      }
      %get3A_55 = arith.constant 0 : index
      %get3A_56 = arith.constant 0 : index
      %get3A_57 = vector.load %arg15[%get3A_55, %get3A_56] : memref<8x512xf32, #tpu.memory_space<vmem>>, vector<1x512xf32>
      %reduce_sum3A = arith.constant dense<0.000000e+00> : vector<512xf32>
      %reduce_sum3A_58 = vector.multi_reduction <add>, %add3A_49, %reduce_sum3A [0] : vector<1000x512xf32> to vector<512xf32>
      %broadcast_in_dim3A = vector.shape_cast %reduce_sum3A_58 : vector<512xf32> to vector<1x512xf32>
      %add3A_59 = arith.addf %get3A_57, %broadcast_in_dim3A : vector<1x512xf32>
      %swap3A = arith.constant 0 : index
      %swap3A_60 = arith.constant 0 : index
      %swap3A_61 = vector.load %arg15[%swap3A, %swap3A_60] : memref<8x512xf32, #tpu.memory_space<vmem>>, vector<1x512xf32>
      tpu.vector_store %arg15[%swap3A, %swap3A_60], %add3A_59 {strides = array<i32>} : memref<8x512xf32, #tpu.memory_space<vmem>>, vector<1x512xf32>,
    } else {
    }
    return
  }
  func.func @transform_0(%arg0: i32, %arg1: i32) -> (i32, i32) {
    %eq3A = arith.constant 0 : i32
    %eq3A_0 = arith.cmpi eq, %arg0, %eq3A : i32
    %jit3A = arith.constant 0 : i32
    %select_n3A = arith.select %eq3A_0, %arg1, %jit3A : i32
    %c0_i32 = arith.constant 0 : i32
    %c0_i32_1 = arith.constant 0 : i32
    return %select_n3A, %c0_i32 : i32, i32
  }
  func.func @transform_1(%arg0: i32, %arg1: i32) -> (i32, i32) {
    %eq3A = arith.constant 0 : i32
    %eq3A_0 = arith.cmpi eq, %arg0, %eq3A : i32
    %jit3A = arith.constant 0 : i32
    %select_n3A = arith.select %eq3A_0, %arg1, %jit3A : i32
    %c0_i32 = arith.constant 0 : i32
    %c0_i32_1 = arith.constant 0 : i32
    return %select_n3A, %c0_i32 : i32, i32
  }
  func.func @transform_2(%arg0: i32, %arg1: i32) -> (i32, i32) {
    %eq3A = arith.constant 0 : i32
    %eq3A_0 = arith.cmpi eq, %arg0, %eq3A : i32
    %jit3A = arith.constant 0 : i32
    %select_n3A = arith.select %eq3A_0, %arg1, %jit3A : i32
    %c0_i32 = arith.constant 0 : i32
    %c0_i32_1 = arith.constant 0 : i32
    return %select_n3A, %c0_i32 : i32, i32
  }
  func.func @transform_3(%arg0: i32, %arg1: i32) -> (i32, i32) {
    %eq3A = arith.constant 0 : i32
    %eq3A_0 = arith.cmpi eq, %arg0, %eq3A : i32
    %jit3A = arith.constant 0 : i32
    %select_n3A = arith.select %eq3A_0, %arg1, %jit3A : i32
    %c0_i32 = arith.constant 0 : i32
    %c0_i32_1 = arith.constant 0 : i32
    return %select_n3A, %c0_i32 : i32, i32
  }
  func.func @transform_4(%arg0: i32, %arg1: i32) -> (i32, i32) {
    %c0_i32 = arith.constant 0 : i32
    %c0_i32_0 = arith.constant 0 : i32
    %c0_i32_1 = arith.constant 0 : i32
    return %c0_i32, %c0_i32_0 : i32, i32
  }
  func.func @transform_5(%arg0: i32, %arg1: i32) -> (i32, i32) {
    %c0_i32 = arith.constant 0 : i32
    %c0_i32_0 = arith.constant 0 : i32
    %c0_i32_1 = arith.constant 0 : i32
    return %c0_i32, %c0_i32_0 : i32, i32
  }
  func.func @transform_6(%arg0: i32, %arg1: i32) -> (i32, i32) {
    %c0_i32 = arith.constant 0 : i32
    %c0_i32_0 = arith.constant 0 : i32
    %c0_i32_1 = arith.constant 0 : i32
    return %c0_i32, %c0_i32_0 : i32, i32
  }
  func.func @transform_7(%arg0: i32, %arg1: i32) -> (i32, i32) {
    %c0_i32 = arith.constant 0 : i32
    %c0_i32_0 = arith.constant 0 : i32
    %c0_i32_1 = arith.constant 0 : i32
    return %c0_i32, %c0_i32_0 : i32, i32
  }
  func.func @transform_8(%arg0: i32, %arg1: i32) -> (i32, i32) {
    %c0_i32 = arith.constant 0 : i32
    %c0_i32_0 = arith.constant 0 : i32
    %c0_i32_1 = arith.constant 0 : i32
    return %c0_i32, %c0_i32_0 : i32, i32
  }
  func.func @transform_9(%arg0: i32, %arg1: i32) -> (i32, i32) {
    %c0_i32 = arith.constant 0 : i32
    %c0_i32_0 = arith.constant 0 : i32
    %c0_i32_1 = arith.constant 0 : i32
    return %c0_i32, %c0_i32_0 : i32, i32
  }
  func.func @transform_10(%arg0: i32, %arg1: i32) -> (i32, i32) {
    %c0_i32 = arith.constant 0 : i32
    %c0_i32_0 = arith.constant 0 : i32
    %c0_i32_1 = arith.constant 0 : i32
    return %c0_i32, %c0_i32_0 : i32, i32
  }
  func.func @transform_11(%arg0: i32, %arg1: i32) -> (i32, i32) {
    %c0_i32 = arith.constant 0 : i32
    %c0_i32_0 = arith.constant 0 : i32
    %c0_i32_1 = arith.constant 0 : i32
    return %c0_i32, %c0_i32_0 : i32, i32
  }
  func.func @transform_12(%arg0: i32, %arg1: i32) -> i32 {
    %c0_i32 = arith.constant 0 : i32
    %c0_i32_0 = arith.constant 0 : i32
    return %c0_i32 : i32
  }
  func.func @transform_13(%arg0: i32, %arg1: i32) -> (i32, i32) {
    %c0_i32 = arith.constant 0 : i32
    %c0_i32_0 = arith.constant 0 : i32
    %c0_i32_1 = arith.constant 0 : i32
    return %c0_i32, %c0_i32_0 : i32, i32
  }
  func.func @transform_14(%arg0: i32, %arg1: i32) -> (i32, i32) {
    %c0_i32 = arith.constant 0 : i32
    %c0_i32_0 = arith.constant 0 : i32
    %c0_i32_1 = arith.constant 0 : i32
    return %c0_i32, %c0_i32_0 : i32, i32
  }
  func.func @transform_15(%arg0: i32, %arg1: i32) -> (i32, i32) {
    %c0_i32 = arith.constant 0 : i32
    %c0_i32_0 = arith.constant 0 : i32
    %c0_i32_1 = arith.constant 0 : i32
    return %c0_i32, %c0_i32_0 : i32, i32
  }
  func.func @transform_16(%arg0: i32, %arg1: i32) -> (i32, i32) {
    %c0_i32 = arith.constant 0 : i32
    %c0_i32_0 = arith.constant 0 : i32
    %c0_i32_1 = arith.constant 0 : i32
    return %c0_i32, %c0_i32_0 : i32, i32
  }
}

module attributes {stable_mosaic.version = 14 : i64} {
  func.func @_head_body(%arg0: memref<8x512xf32, #tpu.memory_space<vmem>>, %arg1: memref<1x256xf32, #tpu.memory_space<vmem>>, %arg2: memref<768x512xf32, #tpu.memory_space<vmem>>, %arg3: memref<1x512xf32, #tpu.memory_space<vmem>>, %arg4: memref<512x2xf32, #tpu.memory_space<vmem>>, %arg5: memref<1x2xf32, #tpu.memory_space<vmem>>, %arg6: memref<1x2xf32, #tpu.memory_space<vmem>>) attributes {dimension_semantics = [], scalar_prefetch = 0 : i64, scratch_operands = 0 : i64, tpu.core_type = #tpu.core_type<tc>} {
    %get3A = arith.constant 0 : index
    %get3A_0 = arith.constant 0 : index
    %get3A_1 = vector.load %arg0[%get3A, %get3A_0] : memref<8x512xf32, #tpu.memory_space<vmem>>, vector<1x512xf32>
    %div3A = arith.constant 1.000000e+00 : f32
    %div3A_2 = arith.constant 5.000000e+03 : f32
    %div3A_3 = arith.divf %div3A, %div3A_2 : f32
    %mul3A = vector.broadcast %div3A_3 : f32 to vector<1x512xf32>
    %mul3A_4 = arith.mulf %get3A_1, %mul3A : vector<1x512xf32>
    %get3A_5 = arith.constant 0 : index
    %get3A_6 = arith.constant 0 : index
    %get3A_7 = vector.load %arg2[%get3A_5, %get3A_6] : memref<768x512xf32, #tpu.memory_space<vmem>>, vector<512x512xf32>
    %get3A_8 = arith.constant 512 : index
    %get3A_9 = arith.constant 0 : index
    %get3A_10 = vector.load %arg2[%get3A_8, %get3A_9] : memref<768x512xf32, #tpu.memory_space<vmem>>, vector<256x512xf32>
    %dot_general3A = arith.constant dense<0.000000e+00> : vector<1x512xf32>
    %dot_general3A_11 = tpu.matmul %mul3A_4, %get3A_7, %dot_general3A {dimension_numbers = #tpu.dot_dimension_numbers<[1], [0], [0], [1], [0, 0, 1, 1], [], []>, transpose_lhs_hint = false} : vector<1x512xf32>, vector<512x512xf32>, vector<1x512xf32> -> vector<1x512xf32>
    %get3A_12 = arith.constant 0 : index
    %get3A_13 = arith.constant 0 : index
    %get3A_14 = vector.load %arg1[%get3A_12, %get3A_13] : memref<1x256xf32, #tpu.memory_space<vmem>>, vector<1x256xf32>
    %dot_general3A_15 = arith.constant dense<0.000000e+00> : vector<1x512xf32>
    %dot_general3A_16 = tpu.matmul %get3A_14, %get3A_10, %dot_general3A_15 {dimension_numbers = #tpu.dot_dimension_numbers<[1], [0], [0], [1], [0, 0, 1, 1], [], []>, transpose_lhs_hint = false} : vector<1x256xf32>, vector<256x512xf32>, vector<1x512xf32> -> vector<1x512xf32>
    %add3A = arith.addf %dot_general3A_11, %dot_general3A_16 : vector<1x512xf32>
    %get3A_17 = arith.constant 0 : index
    %get3A_18 = arith.constant 0 : index
    %get3A_19 = vector.load %arg3[%get3A_17, %get3A_18] : memref<1x512xf32, #tpu.memory_space<vmem>>, vector<1x512xf32>
    %add3A_20 = arith.addf %add3A, %get3A_19 : vector<1x512xf32>
    %max3A = arith.constant 0.000000e+00 : f32
    %max3A_21 = vector.broadcast %max3A : f32 to vector<1x512xf32>
    %max3A_22 = arith.maximumf %add3A_20, %max3A_21 : vector<1x512xf32>
    %get3A_23 = arith.constant 0 : index
    %get3A_24 = arith.constant 0 : index
    %get3A_25 = vector.load %arg4[%get3A_23, %get3A_24] : memref<512x2xf32, #tpu.memory_space<vmem>>, vector<512x2xf32>
    %dot_general3A_26 = arith.constant dense<0.000000e+00> : vector<1x2xf32>
    %dot_general3A_27 = tpu.matmul %max3A_22, %get3A_25, %dot_general3A_26 {dimension_numbers = #tpu.dot_dimension_numbers<[1], [0], [0], [1], [0, 0, 1, 1], [], []>, transpose_lhs_hint = false} : vector<1x512xf32>, vector<512x2xf32>, vector<1x2xf32> -> vector<1x2xf32>
    %get3A_28 = arith.constant 0 : index
    %get3A_29 = arith.constant 0 : index
    %get3A_30 = vector.load %arg5[%get3A_28, %get3A_29] : memref<1x2xf32, #tpu.memory_space<vmem>>, vector<1x2xf32>
    %add3A_31 = arith.addf %dot_general3A_27, %get3A_30 : vector<1x2xf32>
    %swap3A = arith.constant 0 : index
    %swap3A_32 = arith.constant 0 : index
    %swap3A_33 = vector.load %arg6[%swap3A, %swap3A_32] : memref<1x2xf32, #tpu.memory_space<vmem>>, vector<1x2xf32>
    tpu.vector_store %arg6[%swap3A, %swap3A_32], %add3A_31 {strides = array<i32>} : memref<1x2xf32, #tpu.memory_space<vmem>>, vector<1x2xf32>,
    return
  }
}

</mosaic_0001>

<sc_bundles>
// kernel: kernel.15.cloned.1.call-start
scs
__scs_entry_jumppad:
0x0: {  	(pc) =	sbr.rel $0x88, $3  }
0x1: {  	(tag) =	ssettag $0x0;
	lr =	simm.s32 $0x1  }
0x2: {  	[smem:$0x3F8F] =	sst lr;
	_ =	strace $0xD0000000  }
0x3: {  	_ = 	snop  }
0x4: {  	_ = 	snop  }
0x5: {  	_ = 	snop  }
0x6: {  	_ = 	snop  }
0x7: {  	_ = 	snop  }
__scs_overlays_trampoline_lowered:
0x8: {  	[smem:$0x3F9E] =	sst s0  }
0x9: {  	[smem:$0x3F9F] =	sst s1  }
0xa: {  	[smem:$0x3FA0] =	sst s2  }
0xb: {  	[smem:$0x3FA1] =	sst s3  }
0xc: {  	[smem:$0x3FA2] =	sst s4  }
0xd: {  	[smem:$0x3FA3] =	sst s5  }
0xe: {  	[smem:$0x3FA4] =	sst s6  }
0xf: {  	[smem:$0x3FA5] =	sst s7  }
0x10: {  	[smem:$0x3FA6] =	sst s8  }
0x11: {  	[smem:$0x3FA7] =	sst s9;
	s0 =	simm.s32 @!p0 $0x0  }
0x12: {  	s1 =	sld [smem:$0x3F8D];
	s0 =	simm.s32 @p0 $0x1  }
0x13: {  	[smem:$0x3FA8] =	sst s0;
	s0 =	simm.s32 @!p1 $0x0  }
0x14: {  	s2 =	sld [smem:$0x3F8C];
	s0 =	simm.s32 @p1 $0x1  }
0x15: {  	[smem:$0x3FA9] =	sst s0;
	s0 =	simm.s32 @!p2 $0x0  }
0x16: {  	s3 =	sld [smem:$0x3FDB];
	s0 =	simm.s32 @p2 $0x1  }
0x17: {  	s4 =	simm.s32 $0x1BF5;
	[smem:$0x3FAB] =	sst s0  }
0x18: {  	s0 =	sld [smem:$0x3F8E];
	_ =	swait.ge [sflag:s4], $0x0  }
0x19: {  	s7 =	sld [smem:$0x3F8F]  }
0x1a: {  	s8 =	sadd.s32 $0xFFFFE003, lr  }
0x1b: {  	s9 =	sadd.s32 $0xFFFFFEF7, lr;
	s5 =	simm.s32 $0xFFFFFFFF;
	p2 =	slt.u32 s8, $0xFFFFF086  }
0x1c: {  	p1 =	slt.u32 s9, $0xF7A;
	s5 =	simm.s32 @!p2 $0x0  }
0x1d: {  	s5 =	simm.s32 @p1 $0x1;
	p0 =	seq.s32 s7, s2  }
0x1e: {  	s7 =	smul.u32 @!p0 $0xF7A, s2;
	p2 =	seq.s32 @!p0 s5, $0x0  }
0x1f: {  	s9 =	smul.u32 $0xF7A, s1;
	s8 =	simm.s32 @!p0 $0x1BF5;
	p2 =	por !p2, p0  }
0x20: {  	[sflag:s8] =	ssyncset.s32 @!p0 $0xFFFFF086;
	s6 =	sadd.s32 @!p0 s3, s7;
	s7 =	simm.s32 @!p0 $0x108  }
0x21: {  	s3 =	sadd.s32 s3, s9;
	s6 =	sadd.s32 @!p0 $0x88, s6;
	s7 =	simm.s32 @p2 $0x1082  }
0x22: {  	[simem:s7], [sflag:s8] =	dma.local @!p0 [hbm:s6], $0xF7A  }
0x23: {  	s9 =	sor.u32 $0xD0000000, s2;
	s6 =	simm.s32 $0x108;
	_ =	swait.ge @!p0 [sflag:s8], $0x0  }
0x24: {  	s3 =	sadd.s32 $0x88, s3;
	s6 =	simm.s32 @!p1 $0x1082;
	[sflag:s4] =	ssyncset.s32 $0xFFFFF086  }
0x25: {  	[simem:s6], [sflag:s4] =	dma.local [hbm:s3], $0xF7A  }
0x26: {  	[smem:$0x3F8F] =	sst s1;
	(tag) =	ssettag s2;
	_ =	strace s9  }
0x27: {  	s1 =	sld [smem:$0x3F9F]  }
0x28: {  	s2 =	sld [smem:$0x3FA0]  }
0x29: {  	s4 =	sld [smem:$0x3FA2]  }
0x2a: {  	p0 =	seq.s32 s5, $0x0;
	s5 =	sld [smem:$0x3FA3]  }
0x2b: {  	s6 =	sld [smem:$0x3FA4]  }
0x2c: {  	s7 =	sld [smem:$0x3FA5]  }
0x2d: {  	s3 =	simm.s32 $0x108;
	s8 =	sld [smem:$0x3FA6]  }
0x2e: {  	s3 =	simm.s32 @!p0 $0x1082;
	s9 =	sld [smem:$0x3FA7]  }
0x2f: {  	lr =	sadd.s32 s0, s3;
	s0 =	sld [smem:$0x3F9E]  }
0x30: {  	s3 =	sld [smem:$0x3FA1]  }
0x31: {  	[smem:$0x3FAA] =	sst s10  }
0x32: {  	s10 =	sld [smem:$0x3FA8];
	_ =	sdelay $0x3  }
0x33: {  	p0 =	seq.s32 s10, $0x1;
	s10 =	sld [smem:$0x3FAA];
	_ =	sdelay $0x3  }
0x34: {  	[smem:$0x3FAA] =	sst s10  }
0x35: {  	s10 =	sld [smem:$0x3FA9];
	_ =	sdelay $0x3  }
0x36: {  	p1 =	seq.s32 s10, $0x1;
	s10 =	sld [smem:$0x3FAA];
	_ =	sdelay $0x3  }
0x37: {  	[smem:$0x3FAA] =	sst s10  }
0x38: {  	s10 =	sld [smem:$0x3FAB]  }
0x39: {  	_ = 	snop;
	(pc) =	sbr.ind lr, $3  }
0x3a: {  	_ = 	snop  }
0x3b: {  	_ = 	snop  }
0x3c: {  	p2 =	seq.s32 s10, $0x1;
	s10 =	sld [smem:$0x3FAA]  }
0x3d: {  	_ =	shalt  }
0x3e: {  	_ =	shalt  }
0x3f: {  	_ =	shalt  }
0x40: {  	_ =	shalt  }
0x41: {  	_ =	shalt  }
0x42: {  	_ =	shalt  }
0x43: {  	_ =	shalt  }
0x44: {  	_ =	shalt  }
0x45: {  	_ =	shalt  }
0x46: {  	_ =	shalt  }
0x47: {  	_ =	shalt  }
0x48: {  	_ =	shalt  }
0x49: {  	_ =	shalt  }
0x4a: {  	_ =	shalt  }
0x4b: {  	_ =	shalt  }
0x4c: {  	_ =	shalt  }
0x4d: {  	_ =	shalt  }
0x4e: {  	_ =	shalt  }
0x4f: {  	_ =	shalt  }
0x50: {  	_ =	shalt  }
0x51: {  	_ =	shalt  }
0x52: {  	_ =	shalt  }
0x53: {  	_ =	shalt  }
0x54: {  	_ =	shalt  }
0x55: {  	_ =	shalt  }
0x56: {  	_ =	shalt  }
0x57: {  	_ =	shalt  }
0x58: {  	_ =	shalt  }
0x59: {  	_ =	shalt  }
0x5a: {  	_ =	shalt  }
0x5b: {  	_ =	shalt  }
0x5c: {  	_ =	shalt  }
0x5d: {  	_ =	shalt  }
0x5e: {  	_ =	shalt  }
0x5f: {  	_ =	shalt  }
0x60: {  	_ =	shalt  }
0x61: {  	_ =	shalt  }
0x62: {  	_ =	shalt  }
0x63: {  	_ =	shalt  }
0x64: {  	_ =	shalt  }
0x65: {  	_ =	shalt  }
0x66: {  	_ =	shalt  }
0x67: {  	_ =	shalt  }
0x68: {  	_ =	shalt  }
0x69: {  	_ =	shalt  }
0x6a: {  	_ =	shalt  }
0x6b: {  	_ =	shalt  }
0x6c: {  	_ =	shalt  }
0x6d: {  	_ =	shalt  }
0x6e: {  	_ =	shalt  }
0x6f: {  	_ =	shalt  }
0x70: {  	_ =	shalt  }
0x71: {  	_ =	shalt  }
0x72: {  	_ =	shalt  }
0x73: {  	_ =	shalt  }
0x74: {  	_ =	shalt  }
0x75: {  	_ =	shalt  }
0x76: {  	_ =	shalt  }
0x77: {  	_ =	shalt  }
0x78: {  	_ =	shalt  }
0x79: {  	_ =	shalt  }
0x7a: {  	_ =	shalt  }
0x7b: {  	_ =	shalt  }
0x7c: {  	_ =	shalt  }
0x7d: {  	_ =	shalt  }
0x7e: {  	_ =	shalt  }
0x7f: {  	_ =	shalt  }
0x80: {  	_ =	shalt  }
0x81: {  	_ =	shalt  }
0x82: {  	_ =	shalt  }
0x83: {  	_ =	shalt  }
0x84: {  	_ =	shalt  }
0x85: {  	_ =	shalt  }
0x86: {  	_ =	shalt  }
0x87: {  	_ =	shalt  }
.Lfunc_end0:
.L_simem_size_0:
called_computation_lowered:
.L_overlay_start_0:
0x88: {  	s2 =	sld [smem:$0x3FD9]  }
0x89: {  	s3 =	sld [smem:$0x3FFE];
	_ =	sdelay $0x1  }
0x8a: {  	s1 =	srdreg.scid  }
0x8b: {  	s0 =	sand.u32 $0x1, s1  }
0x8c: {  	s16 =	sshll.u32 s0, $0xA;
	s2 =	sadd.s32 s3, s2  }
0x8d: {  	s2 =	sadd.s32 s2, s16  }
0x8e: {  	[smem:$0x3FB6] =	sst s2  }
0x8f: {  	_ = 	snop  }
0x90: {  	(tm) =	ssettm $0x1  }
0x91: {  	s17 =	sld [smem:$0x3FFB];
	_ =	sdelay $0x3  }
0x92: {  	_ =	strace s17  }
0x93: {  	s2 =	sld [smem:$0x3FFC];
	_ =	sdelay $0x3  }
0x94: {  	_ =	strace s2  }
0x95: {  	s2 =	sld [smem:$0x3FFD];
	_ =	sdelay $0x3  }
0x96: {  	_ =	strace s2  }
0x97: {  	_ =	strace $0x8FFFFFFF  }
0x98: {  	s18 =	sld [smem:$0x3FDB];
	_ =	sdelay $0x1  }
0x99: {  	s19 =	simm.s32 $_scs_section_size  }
0x9a: {  	s4 =	simm.s32 $_size__tile_overlayer_lowered;
	s5 =	simm.s32 $_tile_overlayer_lowered  }
0x9b: {  	s22 =	simm.s32 $0x1BFF;
	s21 =	sshll.u32 s5, $0x1;
	s2 =	sadd.s32 s19, s18  }
0x9c: {  	s6 =	simm.s32 $0x0;
	s20 =	sshll.u32 s4, $0x1;
	s4 =	sadd.s32 s21, s2  }
0x9d: {  	[timem:s6], [sflag:s22] =	dma.local [hbm:s4], s20  }
0x9e: {  	_ =	swait.ge [sflag:s22], s20  }
0x9f: {  	s3 =	ssub.s32 $0x0, s20;
	[sflag:s22] =	ssyncset.done $0x0  }
0xa0: {  	[sflag:s22] =	ssyncadd.s32 s3;
	_ =	sdelay $0x1  }
0xa1: {  	s23 =	simm.s32 $0x1B8B  }
0xa2: {  	_ =	swait.ge [sflag:s23], $0x1  }
0xa3: {  	[sflag:s23] =	ssyncset.done $0x0  }
0xa4: {  	s25 =	simm.s32 $0x1B8E;
	s24 =	sld [smem:$0x3FFE];
	[sflag:s23] =	ssyncadd.s32 $0xFFFFFFFF  }
0xa5: {  	s26 =	simm.s32 $execute0_lowered;
	[smem:$0x3FD2] =	sst s25  }
0xa6: {  	s4 =	sshll.u32 s26, $0x1;
	_ =	strace $0x80000046;
	[dreg:$0x1] =	wrdreg $0xFFFFFFFF  }
0xa7: {  	s28 =	simm.s32 $_size_execute0_lowered;
	s2 =	sadd.s32 s2, s4;
	[dreg:$0x0] =	wrdreg $0x0  }
0xa8: {  	s4 =	sshll.u32 s28, $0x1;
	[dreg:$0x2] =	wrdreg s2  }
0xa9: {  	[dreg:$0x3] =	wrdreg s4  }
0xaa: {  	[dreg:$0x4] =	wrdreg $0xC0  }
0xab: {  	_ =	task [dreg:s6], $0x5FFFF  }
0xac: {  	[dreg:$0x1] =	wrdreg $0xFFFFFFFF  }
0xad: {  	[dreg:$0x0] =	wrdreg $0x60  }
0xae: {  	[dreg:$0x2] =	wrdreg s24  }
0xaf: {  	[dreg:$0x3] =	wrdreg $0x9  }
0xb0: {  	_ =	task.clear_ibuf [dreg:s6], $0x4FFFF;
	_ =	strace $0x90000046  }
0xb1: {  	s29 =	simm.s32 $0x9;
	_ =	strace $0x80000048  }
0xb2: {  	_ =	swait.ge [sflag:s29], $0x1  }
0xb3: {  	[sflag:s29] =	ssyncadd.s32 $0xFFFFFFFF  }
0xb4: {  	_ =	strace $0x90000048  }
0xb5: {  	_ =	sfence  }
0xb6: {  	s30 =	sld [smem:$0x0];
	_ =	sdelay $0x2  }
0xb7: {  	s31 =	sshll.u32 s1, $0xD;
	s1 =	sshrl.u32 s1, $0x2  }
0xb8: {  	s3 =	sand.u32 $0x4000, s31;
	s1 =	sadd.s32 s1, s30  }
0xb9: {  	s0 =	sor.u32 s3, s0;
	s1 =	sshll.u32 s1, $0x11  }
0xba: {  	s0 =	sor.u32 s1, s0  }
0xbb: {  	s0 =	sadd.s32 $0x8F2B, s0  }
0xbc: {  	[sflag:s0] =	ssyncadd.remote.s32 $0x1  }
0xbd: {  	_ =	sfence.sel $0xFFFF  }
0xbe: {  	[dreg:$0x0] =	wrdreg $0xFFFFFFFF;
	(pc) =	sbr.abs _section_cstart, $3  }
0xbf: {  	[dreg:$0x1] =	wrdreg $0xFFFFFFFF  }
0xc0: {  	_ =	task.clear_ibuf [dreg:s6], $0x2FFFF;
	_ =	strace $0x9FFFFFFF  }
0xc1: {  	(tm) =	ssettm $0x7FFFFFFF  }
tec
execute0_lowered:
.L_overlay_start_1:
0x0: {  	(tag) =	ssettag $0x1  }
0x1: {  	s0 =	rddreg [dreg:$0x0];
	s2 =	stileid.u32  }
0x2: {  	s1 =	srdreg.scid;
	s13 =	simm.s32 $0x0;
	s14 =	simm.s32 $0x8880  }
0x3: {  	s15 =	simm.s32 $0x9080;
	s16 =	simm.s32 $0x9880;
	s17 =	simm.s32 $0xA080  }
0x4: {  	s18 =	simm.s32 $0xA880;
	s1 =	sand.u32 $0x1, s1;
	s4 =	smul.u32 $0x1400, s2  }
0x5: {  	s3 =	sshll.u32 s2, $0x1;
	[smem:$0x7FF] =	sst s13;
	s12 =	smul.u32 $0x280, s2  }
0x6: {  	v19 =	vlaneseq.u32;
	s6 =	sadd.s32 $0x7A00, s0;
	s2 =	simm.s32 $0x1;
	s9 =	smul.u32 $0xA00, s1  }
0x7: {  	v3 =	vimm.s32 $0x0;
	vm0 =	vcmask $0x300;
	vm1 =	vcmask $0x704;
	s3 =	sor.u32 s1, s3;
	s24 =	ssub.s32 $0x2, s1;
	s1 =	smul.u32 $0x140, s1  }
0x8: {  	v20 =	vimm.s32 $0xFFFFFFFF;
	v21 =	vimm.s32 $0x0;
	v2 =	vshrl.u32 v19, $0x3;
	_ =	strace $0x80000047;
	[dreg:$0x3] =	wrdreg s6;
	s5 =	smul.u32 $0x272, s3  }
0x9: {  	v1 =	vand.u32 $0x7, v19;
	v4 =	vsel vm0, $0xFFFFFFFF, v3;
	v5 =	vsel vm1, $0xFFFFFFFF, v3;
	s4 =	sadd.s32 s4, s0;
	s22 =	sadd.s32 $0x1388, s3;
	s8 =	sshll.u32 s3, $0x9  }
0xa: {  	vm0 =	vcmask $0xB08;
	vm1 =	vcmask $0x1310;
	v19 =	vor.u32 $0x8, v19;
	s10 =	sshll.u32 s3, $0x1;
	s11 =	sshrl.u32 s24, $0x1;
	[dreg:$0x2] =	wrdreg s3  }
0xb: {  	v6 =	vsel vm0, $0xFFFFFFFF, v3;
	vm0 =	vcmask $0xF0C;
	v8 =	vsel vm1, $0xFFFFFFFF, v3;
	s23 =	sadd.s32 s8, s0;
	s8 =	ssub.s32 s24, s11;
	s29 =	sadd.s32 s9, s4  }
0xc: {  	vm1 =	vcmask $0x1F1C;
	v7 =	vsel vm0, $0xFFFFFFFF, v3;
	vm0 =	vcmask $0x1714;
	s1 =	sadd.s32 s1, s12;
	s9 =	simm.s32 $0x6880;
	s28 =	sadd.s32 $0x88200, s23  }
0xd: {  	v11 =	vsel vm1, $0xFFFFFFFF, v3;
	v9 =	vsel vm0, $0xFFFFFFFF, v3;
	vm0 =	vcmask $0x1B18;
	s11 =	simm.s32 $0x7880;
	s30 =	smax.u32 s8, $0x1;
	[dreg:$0x7] =	wrdreg s28  }
0xe: {  	vm1 =	vcmask $0x2B28;
	s7 =	sadd.s32 s5, s0;
	s5 =	sadd.s32 $0x60200, s0;
	v10 =	vsel vm0, $0xFFFFFFFF, v3;
	vm0 =	vcmask $0x2320;
	[dreg:$0x9] =	wrdreg s30  }
0xf: {  	v14 =	vsel vm1, $0xFFFFFFFF, v3;
	s12 =	simm.s32 $0x8080;
	s25 =	sadd.s32 $0x56200, s7;
	v12 =	vsel vm0, $0xFFFFFFFF, v3;
	vm0 =	vcmask $0x2724;
	[dreg:$0x4] =	wrdreg s5  }
0x10: {  	vm1 =	vcmask $0x3734;
	s0 =	sadd.s32 s10, s0;
	s26 =	sadd.s32 $0x5B200, s7;
	[dreg:$0x5] =	wrdreg s25;
	v13 =	vsel vm0, $0xFFFFFFFF, v3;
	vm0 =	vcmask $0x2F2C  }
0x11: {  	s31 =	sadd.s32 $0x80, s1;
	v17 =	vsel vm1, $0xFFFFFFFF, v3;
	s0 =	sadd.s32 $0x8C200, s0;
	[dreg:$0x6] =	wrdreg s26;
	v15 =	vsel vm0, $0xFFFFFFFF, v3;
	vm0 =	vcmask $0x3330  }
0x12: {  	s8 =	simm.s32 $0x2;
	vm1 =	vmmov $0xffff;
	[dreg:$0x8] =	wrdreg s0;
	s0 =	sadd.s32 $0x8000, s29;
	v16 =	vsel vm0, $0xFFFFFFFF, v3;
	vm0 =	vcmask $0x3B38  }
0x13: {  	s10 =	simm.s32 $0x7080;
	v21 =	vsel vm1, $0xFFFFFFFF, v21;
	[dreg:$0xa] =	wrdreg s0;
	s0 =	sshrl.u32 s31, $0x2;
	v18 =	vsel vm0, $0xFFFFFFFF, v3;
	vm0 =	vcmask $0x3B00  }
0x14: {  	v2 =	vmul.u32 $0x8, v2;
	v0 =	vmov s22;
	s1 =	simm.s32 $0x0;
	s7 =	simm.s32 $0x6080;
	[tilespmem:$0x1FFF0] =	vst v21;
	[dreg:$0xb] =	wrdreg s0;
	v20 =	vsel vm0, $0x0, v20  }
.LBB2_1:
0x15: {  	[dreg:$0xc] =	wrdreg s1  }
.Ltmp0:
0x16: {  	s0 =	rddreg [dreg:$0x3];
	(pc) =	sbr.rel .LBB2_2-.Ltmp0, $4  }
0x17: {  	[tilespmem:s13], [sflag:$0x1] =	stream.linear.gather [hbm4b:s0+s13], $0x2800, $0x38;
	[tilespmem:$0xB100] =	vst v63  }
0x18: {  	_ =	swait.ge [sflag:s2], $0x2800  }
0x19: {  	[sflag:s2] =	ssyncset.done $0x0;
	s0 =	rddreg [dreg:$0xb]  }
0x1a: {  	s4 =	simm.s32 $0x0;
	s1 =	rddreg [dreg:$0xa];
	[sflag:s2] =	ssyncadd.s32 $0xFFFFD800  }
.LBB2_4:
0x1b: {  	s4 =	sadd.s32 $0x20, s4  }
0x1c: {  	p0 =	sne.s32 s4, $0x80  }
.Ltmp1:
0x1d: {  	_ = 	snop;
	(pc) =	sbr.rel @!p0 .LBB2_5-.Ltmp1, $2  }
0x1e: {  	_ =	sdelay $0x2  }
0x1f: {  	s1 =	sadd.s32 $0x14000, s1;
	s0 =	sadd.s32 $0xA00, s0  }
.LBB2_2:
0x20: {  	s6 =	sadd.s32 s4, s3  }
0x21: {  	p0 =	sgt.u32 s6, $0x7C  }
.Ltmp2:
0x22: {  	_ = 	snop;
	(pc) =	sbr.rel @p0 .LBB2_4-.Ltmp2, $1  }
0x23: {  	_ =	sdelay $0x3  }
0x24: {  	[tilespmem:s7], [sflag:$0x2] =	stream.linear.gather [hbm4b:s1+s13], $0x5000, $0x38;
	[tilespmem:$0xB100] =	vst v63  }
0x25: {  	_ =	swait.ge [sflag:s8], $0x5000  }
0x26: {  	[sflag:s8] =	ssyncset.done $0x0  }
0x27: {  	[sflag:s8] =	ssyncadd.s32 $0xFFFFB000  }
0x28: {  	v21 =	vld [tilespmem:s0+$0xFFFFFFE0];
	_ =	sdelay $0x4  }
0x29: {  	vm0 =	vlt.s32 v21, $0x0  }
0x2a: {  	v21 =	vsel vm0, v0, v21  }
0x2b: {  	[tilespmem:$0xB080] =	vst v21  }
0x2c: {  	v22 =	vld [tilespmem:s0+$0xFFFFFFF0];
	_ =	sdelay $0x4  }
0x2d: {  	vm0 =	vlt.s32 v22, $0x0  }
0x2e: {  	v22 =	vsel vm0, v0, v22  }
0x2f: {  	[tilespmem:$0xB090] =	vst v22  }
0x30: {  	v22 =	vld [tilespmem:s0+$0x0];
	_ =	sdelay $0x4  }
0x31: {  	vm0 =	vlt.s32 v22, $0x0  }
0x32: {  	v22 =	vsel vm0, v0, v22  }
0x33: {  	[tilespmem:$0xB0A0] =	vst v22  }
0x34: {  	v22 =	vld [tilespmem:s0+$0x10];
	_ =	sdelay $0x4  }
0x35: {  	vm0 =	vlt.s32 v22, $0x0  }
0x36: {  	v23 =	vshll.u32 v21, $0x1;
	v22 =	vsel vm0, v0, v22  }
0x37: {  	v21 =	vand.u32 $0x7, v21;
	[tilespmem:$0xB0B0] =	vst v22;
	v22 =	vand.u32 $0xFFFFFFF0, v23  }
0x38: {  	v23 =	vld [tilespmem:s0+$0x20];
	v21 =	vor.u32 v21, v22  }
0x39: {  	v22 =	vperm.xlane v21, v1;
	_ =	sdelay $0x1  }
0x3a: {  	v21 =	vperm.xlane v21, v19;
	v22 =	vadd.s32 v2, v22;
	_ =	sdelay $0x1  }
0x3b: {  	v21 =	vadd.s32 v2, v21;
	vm0 =	vlt.s32 v23, $0x0  }
0x3c: {  	v23 =	vsel vm0, v0, v23  }
0x3d: {  	[tilespmem:$0xB0C0] =	vst v23  }
0x3e: {  	[hbm4b:s5+s13] =	stream.indirect_vreg.scatter [tilespmem:s7], [sflag:$0x1], $0x80, v22, vm1, $0xb8;
	[tilespmem:$0xB100] =	vst v63  }
0x3f: {  	_ = 	snop  }
0x40: {  	[hbm4b:s5+s13] =	stream.indirect_vreg.scatter [tilespmem:s9], [sflag:$0x1], $0x80, v21, vm1, $0xb8;
	[tilespmem:$0xB100] =	vst v63  }
0x41: {  	v21 =	vld [tilespmem:$0xB090];
	_ =	sdelay $0x4  }
0x42: {  	v22 =	vshll.u32 v21, $0x1  }
0x43: {  	v21 =	vand.u32 $0x7, v21;
	v22 =	vand.u32 $0xFFFFFFF0, v22  }
0x44: {  	v21 =	vor.u32 v21, v22  }
0x45: {  	v22 =	vperm.xlane v21, v1;
	_ =	sdelay $0x1  }
0x46: {  	v21 =	vperm.xlane v21, v19;
	v22 =	vadd.s32 v2, v22;
	_ =	sdelay $0x1  }
0x47: {  	v21 =	vadd.s32 v2, v21;
	_ =	sdelay $0x2  }
0x48: {  	[hbm4b:s5+s13] =	stream.indirect_vreg.scatter [tilespmem:s10], [sflag:$0x1], $0x80, v22, vm1, $0xb8;
	[tilespmem:$0xB100] =	vst v63  }
0x49: {  	_ = 	snop  }
0x4a: {  	[hbm4b:s5+s13] =	stream.indirect_vreg.scatter [tilespmem:s11], [sflag:$0x1], $0x80, v21, vm1, $0xb8;
	[tilespmem:$0xB100] =	vst v63  }
0x4b: {  	v21 =	vld [tilespmem:$0xB0A0];
	_ =	sdelay $0x4  }
0x4c: {  	v22 =	vshll.u32 v21, $0x1  }
0x4d: {  	v21 =	vand.u32 $0x7, v21;
	v22 =	vand.u32 $0xFFFFFFF0, v22  }
0x4e: {  	v21 =	vor.u32 v21, v22  }
0x4f: {  	v22 =	vperm.xlane v21, v1;
	_ =	sdelay $0x1  }
0x50: {  	v21 =	vperm.xlane v21, v19;
	v22 =	vadd.s32 v2, v22;
	_ =	sdelay $0x1  }
0x51: {  	v21 =	vadd.s32 v2, v21;
	_ =	sdelay $0x2  }
0x52: {  	[hbm4b:s5+s13] =	stream.indirect_vreg.scatter [tilespmem:s12], [sflag:$0x1], $0x80, v22, vm1, $0xb8;
	[tilespmem:$0xB100] =	vst v63  }
0x53: {  	_ = 	snop  }
0x54: {  	[hbm4b:s5+s13] =	stream.indirect_vreg.scatter [tilespmem:s14], [sflag:$0x1], $0x80, v21, vm1, $0xb8;
	[tilespmem:$0xB100] =	vst v63  }
0x55: {  	v21 =	vld [tilespmem:$0xB0B0];
	_ =	sdelay $0x4  }
0x56: {  	v22 =	vshll.u32 v21, $0x1  }
0x57: {  	v21 =	vand.u32 $0x7, v21;
	v22 =	vand.u32 $0xFFFFFFF0, v22  }
0x58: {  	v21 =	vor.u32 v21, v22  }
0x59: {  	v22 =	vperm.xlane v21, v1;
	_ =	sdelay $0x1  }
0x5a: {  	v21 =	vperm.xlane v21, v19;
	v22 =	vadd.s32 v2, v22;
	_ =	sdelay $0x1  }
0x5b: {  	v21 =	vadd.s32 v2, v21;
	_ =	sdelay $0x2  }
0x5c: {  	[hbm4b:s5+s13] =	stream.indirect_vreg.scatter [tilespmem:s15], [sflag:$0x1], $0x80, v22, vm1, $0xb8;
	[tilespmem:$0xB100] =	vst v63  }
0x5d: {  	_ = 	snop  }
0x5e: {  	[hbm4b:s5+s13] =	stream.indirect_vreg.scatter [tilespmem:s16], [sflag:$0x1], $0x80, v21, vm1, $0xb8;
	[tilespmem:$0xB100] =	vst v63  }
0x5f: {  	v21 =	vld [tilespmem:$0xB0C0];
	_ =	sdelay $0x4  }
0x60: {  	v22 =	vshll.u32 v21, $0x1  }
0x61: {  	v21 =	vand.u32 $0x7, v21;
	v22 =	vand.u32 $0xFFFFFFF0, v22  }
0x62: {  	v21 =	vor.u32 v21, v22  }
0x63: {  	v22 =	vperm.xlane v21, v1;
	_ =	sdelay $0x1  }
0x64: {  	v21 =	vperm.xlane v21, v19;
	v22 =	vadd.s32 v2, v22;
	_ =	sdelay $0x1  }
0x65: {  	v21 =	vadd.s32 v2, v21;
	_ =	sdelay $0x2  }
0x66: {  	[hbm4b:s5+s13] =	stream.indirect_vreg.scatter [tilespmem:s17], [sflag:$0x1], $0x80, v22, vm1, $0xb8;
	[tilespmem:$0xB100] =	vst v63  }
.Ltmp3:
0x67: {  	_ = 	snop;
	(pc) =	sbr.rel .LBB2_4-.Ltmp3, $4  }
0x68: {  	[hbm4b:s5+s13] =	stream.indirect_vreg.scatter [tilespmem:s18], [sflag:$0x1], $0x80, v21, vm1, $0xb8;
	[tilespmem:$0xB100] =	vst v63  }
0x69: {  	_ =	swait.ge [sflag:s2], $0x5000  }
0x6a: {  	[sflag:s2] =	ssyncset.done $0x0  }
0x6b: {  	[sflag:s2] =	ssyncadd.s32 $0xFFFFB000  }
.LBB2_5:
0x6c: {  	s0 =	simm.s32 $0x0;
	s1 =	rddreg [dreg:$0x5];
	s3 =	simm.s32 $0x2800  }
0x6d: {  	[tilespmem:s3], [sflag:$0x1] =	stream.linear.gather [hbm4b:s1+s0], $0x1390, $0x38;
	[tilespmem:$0xB100] =	vst v63  }
0x6e: {  	_ =	swait.ge [sflag:s2], $0x1390  }
0x6f: {  	[sflag:s2] =	ssyncset.done $0x0  }
0x70: {  	s26 =	simm.s32 $0x3C00;
	s25 =	rddreg [dreg:$0x6];
	[sflag:s2] =	ssyncadd.s32 $0xFFFFEC70  }
0x71: {  	[tilespmem:s26], [sflag:$0x1] =	stream.linear.gather [hbm4b:s25+s0], $0x1390, $0x38;
	[tilespmem:$0xB100] =	vst v63  }
0x72: {  	_ =	swait.ge [sflag:s2], $0x1390  }
0x73: {  	v25 =	vimm.s32 $0x0;
	[sflag:s2] =	ssyncset.done $0x0  }
0x74: {  	(v2sf) =	vpush v25, $0x1;
	[sflag:s2] =	ssyncadd.s32 $0xFFFFEC70;
	s2 =	simm.s32 $0x0  }
0x75: {  	(v2sf) =	vpush v25, $0xC;
	v21 =	vld [tilespmem:s2+$0x2800]  }
0x76: {  	v22 =	vld [tilespmem:s2+$0x3C00];
	(v2sf) =	vpush v25, $0x0  }
0x77: {  	(v2sf) =	vpush v25, $0xF  }
0x78: {  	(v2sf) =	vpush v25, $0xE  }
0x79: {  	(v2sf) =	vpush v25, $0xD  }
0x7a: {  	(v2sf) =	vpush v25, $0x3  }
0x7b: {  	(v2sf) =	vpush v25, $0xA  }
0x7c: {  	(v2sf) =	vpush v25, $0xB  }
0x7d: {  	(v2sf) =	vpush v25, $0x9;
	v21 =	vld.idx.msk [tilespmem:v21+s13+$0x0], $0xffff  }
0x7e: {  	v24 =	vld.idx.msk [tilespmem:v22+s13+$0x0], $0xffff;
	(v2sf) =	vpush v25, $0x6  }
0x7f: {  	(v2sf) =	vpush v25, $0x5  }
0x80: {  	(v2sf) =	vpush v25, $0x8  }
0x81: {  	(v2sf) =	vpush v25, $0x7  }
0x82: {  	(v2sf) =	vpush v25, $0x4  }
0x83: {  	v22 =	vor.u32 v21, v24;
	v23 =	vadd.s32 $0x13F, v24;
	v26 =	vadd.s32 $0xFFFFFD80, v24  }
0x84: {  	(v2sf) =	vpush v25, $0x2;
	v27 =	vadd.s32 $0xFFFFFEC0, v24;
	v28 =	vadd.s32 $0xFFFFFB00, v24  }
0x85: {  	v29 =	vadd.s32 $0xFFFFF240, v24;
	v32 =	vadd.s32 $0xFFFFED40, v24;
	vm13 =	vgt.s32 v22, $0xFFFFFFFF  }
0x86: {  	vm0 =	vlt.u32 v23, $0x27F;
	v22 =	vadd.s32 $0xFFFFFC40, v24;
	vm1 =	vlt.u32 v26, $0x140  }
0x87: {  	v26 =	vadd.s32 $0xFFFFF9C0, v24;
	vm6 =	vlt.u32 v27, $0x140;
	vm12 =	vlt.u32 v29, $0x140  }
0x88: {  	s11 =	spop (v2sf);
	vm9 =	vmand vm13, vm0;
	vm0 =	vlt.u32 v22, $0x140;
	v22 =	vadd.s32 $0xFFFFF100, v24  }
0x89: {  	s1 =	spop (v2sf);
	vm11 =	vmand vm13, vm1;
	vm2 =	vmand vm13, vm0;
	vm0 =	vlt.u32 v22, $0x140  }
0x8a: {  	s19 =	spop (v2sf);
	v23 =	vsel vm9, $0x1, v3;
	vm1 =	vmand vm13, vm0;
	vm0 =	vlt.u32 v26, $0x140  }
0x8b: {  	s31 =	simm.s32 $0x40;
	s14 =	sand.u32 $0x7F, s11;
	s0 =	spop (v2sf);
	v22 =	vsel vm2, $0x1, v3;
	v26 =	vadd.s32 $0xFFFFF880, v24;
	(xrf0) =	vadd.scan.msk.s32 $0xffff, v23;
	vm3 =	vmand vm13, vm0  }
0x8c: {  	s11 =	sshll.u32 s11, $0x3;
	s4 =	sshll.u32 s1, $0x3;
	s25 =	spop (v2sf);
	vm0 =	vlt.u32 v26, $0x140;
	(xrf0) =	vadd.scan.msk.s32 $0xffff, v22;
	v22 =	vadd.s32 $0xFFFFF600, v24;
	v26 =	vadd.s32 $0xFFFFF740, v24  }
0x8d: {  	s15 =	sand.u32 $0xFFFFFC00, s11;
	s20 =	sshll.u32 s19, $0x3;
	s26 =	spop (v2sf);
	v23 =	vsel vm3, $0x1, v3;
	vm4 =	vmand vm13, vm0;
	vm0 =	vlt.u32 v28, $0x140  }
0x8e: {  	s4 =	sand.u32 $0xFFFFFC00, s4;
	s14 =	sor.u32 s14, s15;
	s12 =	spop (v2sf);
	vm5 =	vlt.u32 v22, $0x140;
	v22 =	vsel vm11, $0x1, v3;
	v28 =	vsel vm4, $0x1, v3;
	(xrf0) =	vadd.scan.msk.s32 $0xffff, v23  }
0x8f: {  	s19 =	sand.u32 $0x7F, s19;
	s7 =	sshll.u32 s25, $0x3;
	vm7 =	vlt.u32 v26, $0x140;
	v26 =	vshll.u32 v24, $0xD;
	s6 =	spop (v2sf);
	vm5 =	vmand vm13, vm5;
	(xrf0) =	vadd.scan.msk.s32 $0xffff, v28  }
0x90: {  	s20 =	sand.u32 $0xFFFFFC00, s20;
	s28 =	sand.u32 $0xFFFFFC00, s7;
	vm8 =	vmand vm13, vm0;
	v23 =	vadd.s32 $0xFFFFF4C0, v24;
	s7 =	spop (v2sf);
	v27 =	vsel vm5, $0x1, v3;
	(xrf0) =	vadd.scan.msk.s32 $0xffff, v22  }
0x91: {  	s30 =	sshll.u32 s0, $0x3;
	s19 =	sor.u32 s19, s20;
	vm0 =	vmand vm13, vm6;
	v28 =	vsel vm8, $0x1, v3;
	vm6 =	vlt.u32 v23, $0x140;
	s9 =	spop (v2sf);
	v22, _, _ =	vpop (xrf0)  }
0x92: {  	s30 =	sand.u32 $0xFFFFFC00, s30;
	s8 =	sshll.u32 s26, $0x3;
	vm6 =	vmand vm13, vm6;
	(xrf0) =	vadd.scan.msk.s32 $0xffff, v27;
	s10 =	spop (v2sf);
	v30 =	vbroadcast v22, $0xF;
	v22 =	vadd.s32 $0xFFFFF380, v24  }
0x93: {  	s29 =	sand.u32 $0xFFFFFC00, s8;
	s16 =	sshll.u32 s12, $0x3;
	vm10 =	vmand vm13, vm7;
	v27, _, _ =	vpop (xrf0);
	(xrf0) =	vadd.scan.msk.s32 $0xffff, v28;
	s21 =	spop (v2sf);
	vm7 =	vlt.u32 v22, $0x140;
	v22 =	vsel vm6, $0x1, v3  }
0x94: {  	s17 =	sand.u32 $0x7F, s12;
	v21 =	vor.u32 v21, v26;
	s16 =	sand.u32 $0xFFFFFC00, s16;
	v28 =	vsel vm0, $0x1, v3;
	s12 =	spop (v2sf);
	v23, _, _ =	vpop (xrf0);
	vm7 =	vmand vm13, vm7;
	(xrf0) =	vadd.scan.msk.s32 $0xffff, v22  }
0x95: {  	vm14 =	vlt.u32 v32, $0x140;
	[tilespmem:s19+$0x5000] =	vst.msk vm9, v21;
	s18 =	sor.u32 s17, s16;
	s22 =	sshll.u32 s9, $0x3;
	s17 =	spop (v2sf);
	v26, _, _ =	vpop (xrf0);
	v31 =	vsel vm7, $0x1, v3;
	(xrf0) =	vadd.scan.msk.s32 $0xffff, v28  }
0x96: {  	s3 =	sshll.u32 s6, $0x3;
	s11 =	sand.u32 $0xFFFFFC00, s22;
	v30 =	vand.u32 v4, v30;
	s22 =	spop (v2sf);
	v28 =	vsel vm10, $0x1, v3;
	v22 =	vbroadcast v26, $0xF;
	v33, _, _ =	vpop (xrf0);
	(xrf0) =	vadd.scan.msk.s32 $0xffff, v31  }
0x97: {  	s8 =	sand.u32 $0xFFFFFC00, s3;
	s24 =	sshll.u32 s10, $0x3;
	s5 =	spop (v2sf);
	v26 =	vbroadcast v27, $0xF;
	v27 =	vadd.s32 v25, v30;
	v30 =	vadd.s32 $0xFFFFEFC0, v24;
	(xrf0) =	vadd.scan.msk.s32 $0xffff, v28  }
0x98: {  	vm12 =	vmand vm13, vm12;
	s23 =	sshll.u32 s7, $0x3;
	[tilespmem:s14+$0x5080] =	vst.msk vm0, v21;
	s16 =	sand.u32 $0xFFFFFC00, s24;
	v25, _, _ =	vpop (xrf0);
	s2 =	sshll.u32 s5, $0x3;
	vm0 =	vlt.u32 v30, $0x140;
	v30 =	vadd.s32 $0xFFFFEE80, v24  }
0x99: {  	v36 =	vsel vm12, $0x1, v3;
	vm9 =	vmand vm13, vm14;
	s24 =	sand.u32 $0x7F, s21;
	v23 =	vbroadcast v23, $0xF;
	s15 =	sand.u32 $0x7F, s5;
	v29, _, _ =	vpop (xrf0);
	s3 =	sand.u32 $0xFFFFFC00, s2  }
0x9a: {  	s20 =	sshll.u32 s22, $0x3;
	v31 =	vsel vm1, $0x1, v3;
	v28 =	vbroadcast v33, $0xF;
	s5 =	sshll.u32 s17, $0x3;
	v25 =	vbroadcast v25, $0xF;
	s15 =	sor.u32 s15, s3;
	v24, _, _ =	vpop (xrf0)  }
0x9b: {  	s2 =	sand.u32 $0xFFFFFC00, s20;
	s20 =	sand.u32 $0xFFFFFC00, s5;
	s5 =	sand.u32 $0x7F, s22;
	(xrf0) =	vadd.scan.msk.s32 $0xffff, v31;
	[tilespmem:s15+$0x5100] =	vst.msk vm11, v21;
	vm11 =	vmand vm13, vm0;
	vm0 =	vlt.u32 v30, $0x140;
	v30, _, _ =	vpop (xrf0)  }
0x9c: {  	s19 =	sshll.u32 s12, $0x3;
	v29 =	vbroadcast v29, $0xF;
	s3 =	sshll.u32 s21, $0x3;
	s14 =	sor.u32 s5, s2;
	vm13 =	vmand vm13, vm0;
	v34 =	vbroadcast v30, $0xF;
	v32, _, _ =	vpop (xrf0)  }
0x9d: {  	s21 =	sand.u32 $0xFFFFFC00, s19;
	s19 =	sand.u32 $0xFFFFFC00, s23;
	s22 =	sand.u32 $0xFFFFFC00, s3;
	v35 =	vsel vm11, $0x1, v3;
	(xrf0) =	vadd.scan.msk.s32 $0xffff, v36;
	v30 =	vsel vm9, $0x1, v3;
	v33 =	vsel vm13, $0x1, v3;
	v31, _, _ =	vpop (xrf0)  }
.LBB2_6:
0x9e: {  	p0 =	sne.s32 s31, $0x4E00;
	v34 =	vand.u32 v5, v34;
	[tilespmem:s18+$0x5180] =	vst.msk vm2, v21;
	v32 =	vbroadcast v32, $0xF;
	(xrf0) =	vadd.scan.msk.s32 $0xffff, v35;
	s18 =	smov.u32 s31;
	s31 =	sadd.s32 $0x40, s31  }
0x9f: {  	s10 =	sand.u32 $0x7F, s10;
	s15 =	sand.u32 $0x7F, s17;
	v27 =	vadd.s32 v34, v27;
	v34 =	vand.u32 v6, v28;
	[tilespmem:s14+$0x5200] =	vst.msk vm8, v21;
	s14 =	sor.u32 s24, s22;
	(xrf0) =	vadd.scan.msk.s32 $0xffff, v33  }
0xa0: {  	v26 =	vand.u32 v7, v26;
	s12 =	sand.u32 $0x7F, s12;
	s10 =	sor.u32 s10, s16;
	v27 =	vadd.s32 v34, v27;
	[tilespmem:s14+$0x5280] =	vst.msk vm3, v21;
	s14 =	sor.u32 s15, s20;
	(xrf0) =	vadd.scan.msk.s32 $0xffff, v30  }
0xa1: {  	v24 =	vbroadcast v24, $0xF;
	v26 =	vadd.s32 v26, v27;
	v27 =	vand.u32 v8, v29;
	[tilespmem:s10+$0x5300] =	vst.msk vm4, v21;
	s10 =	sor.u32 s12, s21;
	v28, _, _ =	vpop (xrf0)  }
0xa2: {  	v23 =	vand.u32 v9, v23;
	s9 =	sand.u32 $0x7F, s9;
	v26 =	vadd.s32 v27, v26;
	[tilespmem:s14+$0x5380] =	vst.msk vm10, v21;
	v27 =	vbroadcast v31, $0xF  }
0xa3: {  	v22 =	vand.u32 v10, v22;
	s6 =	sand.u32 $0x7F, s6;
	s9 =	sor.u32 s9, s11;
	v23 =	vadd.s32 v23, v26;
	[tilespmem:s10+$0x5800] =	vst.msk vm5, v21;
	v26 =	vbroadcast v28, $0xF;
	v28, _, _ =	vpop (xrf0)  }
0xa4: {  	s7 =	sand.u32 $0x7F, s7;
	s6 =	sor.u32 s6, s8;
	v22 =	vadd.s32 v22, v23;
	v23 =	vand.u32 v11, v27;
	[tilespmem:s9+$0x5880] =	vst.msk vm6, v21;
	v27 =	vbroadcast v28, $0xF;
	v28, _, _ =	vpop (xrf0)  }
0xa5: {  	s1 =	sand.u32 $0x7F, s1;
	v22 =	vadd.s32 v23, v22;
	v23 =	vand.u32 v12, v25;
	[tilespmem:s6+$0x5900] =	vst.msk vm7, v21;
	s6 =	sor.u32 s7, s19;
	v25 =	vbroadcast v28, $0xF;
	v28, _, _ =	vpop (xrf0)  }
0xa6: {  	s1 =	sor.u32 s1, s4;
	s4 =	sand.u32 $0x7F, s26;
	v22 =	vadd.s32 v23, v22;
	v23 =	vand.u32 v13, v24;
	[tilespmem:s6+$0x5980] =	vst.msk vm12, v21;
	v24 =	vbroadcast v28, $0xF;
	v28, _, _ =	vpop (xrf0)  }
0xa7: {  	v22 =	vadd.s32 v23, v22;
	v23 =	vand.u32 v14, v32;
	[tilespmem:s1+$0x5A00] =	vst.msk vm1, v21;
	s1 =	sor.u32 s4, s29;
	s4 =	sand.u32 $0x7F, s25;
	v28 =	vbroadcast v28, $0xF  }
0xa8: {  	s0 =	sand.u32 $0x7F, s0;
	v22 =	vadd.s32 v23, v22;
	v23 =	vand.u32 v15, v27;
	[tilespmem:s1+$0x5A80] =	vst.msk vm11, v21;
	s1 =	sor.u32 s4, s28  }
0xa9: {  	s0 =	sor.u32 s0, s30;
	v22 =	vadd.s32 v23, v22;
	v23 =	vand.u32 v16, v26;
	[tilespmem:s1+$0x5B00] =	vst.msk vm13, v21  }
0xaa: {  	s1 =	sshra.s32 s18, $0x2;
	v22 =	vadd.s32 v23, v22;
	v23 =	vand.u32 v17, v25;
	[tilespmem:s0+$0x5B80] =	vst.msk vm9, v21  }
0xab: {  	v21 =	vld [tilespmem:s1+$0x2800];
	v22 =	vadd.s32 v23, v22;
	v23 =	vand.u32 v18, v24  }
0xac: {  	v24 =	vld [tilespmem:s1+$0x3C00];
	v22 =	vadd.s32 v23, v22;
	v23 =	vand.u32 v20, v28  }
0xad: {  	v25 =	vadd.s32 v23, v22  }
0xae: {  	(v2sf) =	vpush v25, $0x1  }
0xaf: {  	(v2sf) =	vpush v25, $0xC  }
0xb0: {  	(v2sf) =	vpush v25, $0x0  }
0xb1: {  	(v2sf) =	vpush v25, $0xF  }
0xb2: {  	(v2sf) =	vpush v25, $0xE  }
0xb3: {  	v21 =	vld.idx.msk [tilespmem:v21+s13+$0x0], $0xffff;
	(v2sf) =	vpush v25, $0xD  }
0xb4: {  	v24 =	vld.idx.msk [tilespmem:v24+s13+$0x0], $0xffff;
	(v2sf) =	vpush v25, $0x3  }
0xb5: {  	(v2sf) =	vpush v25, $0xA  }
0xb6: {  	(v2sf) =	vpush v25, $0xB  }
0xb7: {  	(v2sf) =	vpush v25, $0x9  }
0xb8: {  	(v2sf) =	vpush v25, $0x6  }
0xb9: {  	(v2sf) =	vpush v25, $0x5  }
0xba: {  	v22 =	vor.u32 v21, v24;
	v23 =	vadd.s32 $0x13F, v24;
	(v2sf) =	vpush v25, $0x8  }
0xbb: {  	vm13 =	vgt.s32 v22, $0xFFFFFFFF;
	vm0 =	vlt.u32 v23, $0x27F;
	(v2sf) =	vpush v25, $0x7  }
0xbc: {  	v22 =	vadd.s32 $0xFFFFFC40, v24;
	vm14 =	vmand vm13, vm0;
	(v2sf) =	vpush v25, $0x4  }
0xbd: {  	v26 =	vadd.s32 $0xFFFFFD80, v24;
	v23 =	vsel vm14, $0x1, v3;
	s11 =	spop (v2sf);
	(v2sf) =	vpush v25, $0x2  }
0xbe: {  	v27 =	vadd.s32 $0xFFFFFEC0, v24;
	vm0 =	vlt.u32 v22, $0x140;
	v22 =	vadd.s32 $0xFFFFF100, v24;
	(xrf0) =	vadd.scan.msk.s32 $0xffff, v23;
	s1 =	spop (v2sf)  }
0xbf: {  	vm1 =	vlt.u32 v26, $0x140;
	vm2 =	vmand vm13, vm0;
	vm0 =	vlt.u32 v22, $0x140;
	s19 =	spop (v2sf)  }
0xc0: {  	vm15 =	vmand vm13, vm1;
	v22 =	vsel vm2, $0x1, v3;
	vm1 =	vmand vm13, vm0;
	s21 =	sshll.u32 s19, $0x3;
	s0 =	spop (v2sf)  }
0xc1: {  	v28 =	vadd.s32 $0xFFFFF240, v24;
	v26 =	vadd.s32 $0xFFFFF9C0, v24;
	v23 =	vadd.s32 $0xFFFFFB00, v24;
	s14 =	sand.u32 $0x7F, s11;
	s30 =	sshll.u32 s0, $0x3;
	(xrf0) =	vadd.scan.msk.s32 $0xffff, v22;
	s25 =	spop (v2sf)  }
0xc2: {  	vm0 =	vlt.u32 v26, $0x140;
	v26 =	vadd.s32 $0xFFFFF600, v24;
	s4 =	sshll.u32 s1, $0x3;
	v22 =	vadd.s32 $0xFFFFF880, v24;
	s6 =	sshll.u32 s25, $0x3;
	s26 =	spop (v2sf)  }
0xc3: {  	vm3 =	vmand vm13, vm0;
	s4 =	sand.u32 $0xFFFFFC00, s4;
	vm0 =	vlt.u32 v22, $0x140;
	v22 =	vadd.s32 $0xFFFFF740, v24;
	s7 =	sshll.u32 s26, $0x3;
	s12 =	spop (v2sf)  }
0xc4: {  	vm5 =	vlt.u32 v23, $0x140;
	v23 =	vsel vm3, $0x1, v3;
	vm4 =	vmand vm13, vm0;
	s28 =	sand.u32 $0xFFFFFC00, s6;
	s29 =	sand.u32 $0xFFFFFC00, s7;
	v29, _, _ =	vpop (xrf0);
	s6 =	spop (v2sf)  }
0xc5: {  	s11 =	sshll.u32 s11, $0x3;
	vm0 =	vlt.u32 v27, $0x140;
	vm6 =	vlt.u32 v22, $0x140;
	v30 =	vsel vm4, $0x1, v3;
	s8 =	sshll.u32 s6, $0x3;
	(xrf0) =	vadd.scan.msk.s32 $0xffff, v23;
	s7 =	spop (v2sf)  }
0xc6: {  	vm8 =	vmand vm13, vm5;
	vm5 =	vlt.u32 v26, $0x140;
	v22 =	vadd.s32 $0xFFFFF4C0, v24;
	s8 =	sand.u32 $0xFFFFFC00, s8;
	s23 =	sshll.u32 s7, $0x3;
	(xrf0) =	vadd.scan.msk.s32 $0xffff, v30;
	s9 =	spop (v2sf)  }
0xc7: {  	v26 =	vsel vm15, $0x1, v3;
	vm5 =	vmand vm13, vm5;
	s15 =	sshll.u32 s12, $0x3;
	v23 =	vshll.u32 v24, $0xD;
	s20 =	sshll.u32 s9, $0x3;
	v27, _, _ =	vpop (xrf0);
	s10 =	spop (v2sf)  }
0xc8: {  	s22 =	sand.u32 $0xFFFFFC00, s11;
	v31 =	vsel vm5, $0x1, v3;
	vm0 =	vmand vm13, vm0;
	v30 =	vsel vm8, $0x1, v3;
	s16 =	sshll.u32 s10, $0x3;
	(xrf0) =	vadd.scan.msk.s32 $0xffff, v26;
	s24 =	spop (v2sf)  }
0xc9: {  	s17 =	sand.u32 $0x7F, s12;
	vm7 =	vlt.u32 v22, $0x140;
	v22 =	vadd.s32 $0xFFFFF380, v24;
	s15 =	sand.u32 $0xFFFFFC00, s15;
	v26 =	vbroadcast v29, $0xF;
	s12 =	spop (v2sf);
	(xrf0) =	vadd.scan.msk.s32 $0xffff, v31  }
0xca: {  	s5 =	sor.u32 s14, s22;
	vm10 =	vmand vm13, vm6;
	vm6 =	vmand vm13, vm7;
	vm7 =	vlt.u32 v22, $0x140;
	s18 =	sor.u32 s17, s15;
	(xrf0) =	vadd.scan.msk.s32 $0xffff, v30;
	s17 =	spop (v2sf)  }
0xcb: {  	v22 =	vsel vm6, $0x1, v3;
	vm7 =	vmand vm13, vm7;
	v29 =	vsel vm0, $0x1, v3;
	s11 =	sand.u32 $0xFFFFFC00, s20;
	s16 =	sand.u32 $0xFFFFFC00, s16;
	s15 =	spop (v2sf);
	v30, _, _ =	vpop (xrf0)  }
0xcc: {  	v21 =	vor.u32 v21, v23;
	s3 =	sshll.u32 s17, $0x3;
	s20 =	sshll.u32 s15, $0x3;
	v23 =	vbroadcast v30, $0xF;
	v30 =	vsel vm7, $0x1, v3;
	s13 =	spop (v2sf);
	v31, _, _ =	vpop (xrf0);
	(xrf0) =	vadd.scan.msk.s32 $0xffff, v22  }
0xcd: {  	v32 =	vadd.s32 $0xFFFFED40, v24;
	s2 =	sand.u32 $0x7F, s19;
	s14 =	sand.u32 $0xFFFFFC00, s20;
	v22 =	vbroadcast v31, $0xF;
	s20 =	sand.u32 $0xFFFFFC00, s3;
	v31 =	vsel vm10, $0x1, v3;
	(xrf0) =	vadd.scan.msk.s32 $0xffff, v29  }
0xce: {  	vm11 =	vlt.u32 v28, $0x140;
	v33 =	vand.u32 v4, v26;
	v26 =	vbroadcast v27, $0xF;
	s15 =	sand.u32 $0x7F, s15;
	s3 =	sand.u32 $0xFFFFFC00, s21;
	s21 =	sshll.u32 s24, $0x3;
	v28, _, _ =	vpop (xrf0);
	(xrf0) =	vadd.scan.msk.s32 $0xffff, v30  }
0xcf: {  	vm9 =	vlt.u32 v32, $0x140;
	s30 =	sand.u32 $0xFFFFFC00, s30;
	s19 =	sshll.u32 s12, $0x3;
	v27 =	vadd.s32 v25, v33;
	s22 =	sand.u32 $0xFFFFFC00, s21;
	v28 =	vbroadcast v28, $0xF;
	(xrf0) =	vadd.scan.msk.s32 $0xffff, v31;
	v25, _, _ =	vpop (xrf0)  }
0xd0: {  	vm9 =	vmand vm13, vm9;
	s24 =	sand.u32 $0x7F, s24;
	s14 =	sor.u32 s15, s14;
	s21 =	sand.u32 $0xFFFFFC00, s19;
	v30 =	vadd.s32 $0xFFFFEFC0, v24;
	v25 =	vbroadcast v25, $0xF;
	v29, _, _ =	vpop (xrf0)  }
.Ltmp4:
0xd1: {  	vm12 =	vmand vm13, vm11;
	s15 =	sshll.u32 s13, $0x3;
	s19 =	sand.u32 $0xFFFFFC00, s23;
	vm11 =	vlt.u32 v30, $0x140;
	v29 =	vbroadcast v29, $0xF;
	(pc) =	sbr.rel @p0 .LBB2_6-.Ltmp4, $4  }
0xd2: {  	v33 =	vadd.s32 $0xFFFFEE80, v24;
	s2 =	sor.u32 s2, s3;
	s3 =	sand.u32 $0xFFFFFC00, s15;
	v30 =	vsel vm1, $0x1, v3;
	vm11 =	vmand vm13, vm11;
	v24, _, _ =	vpop (xrf0)  }
0xd3: {  	v36 =	vsel vm12, $0x1, v3;
	[tilespmem:s2+$0x5000] =	vst.msk vm14, v21;
	s2 =	sand.u32 $0x7F, s13;
	s13 =	simm.s32 $0x0;
	vm14 =	vlt.u32 v33, $0x140;
	v31, _, _ =	vpop (xrf0);
	(xrf0) =	vadd.scan.msk.s32 $0xffff, v30  }
0xd4: {  	v30 =	vsel vm9, $0x1, v3;
	[tilespmem:s5+$0x5080] =	vst.msk vm0, v21;
	v34 =	vbroadcast v31, $0xF;
	s2 =	sor.u32 s2, s3;
	vm13 =	vmand vm13, vm14;
	v32, _, _ =	vpop (xrf0)  }
0xd5: {  	v35 =	vsel vm11, $0x1, v3;
	[tilespmem:s2+$0x5100] =	vst.msk vm15, v21;
	v33 =	vsel vm13, $0x1, v3;
	v31, _, _ =	vpop (xrf0);
	(xrf0) =	vadd.scan.msk.s32 $0xffff, v36  }
0xd6: {  	v34 =	vand.u32 v5, v34  }
0xd7: {  	v28 =	vand.u32 v6, v28;
	v27 =	vadd.s32 v34, v27  }
0xd8: {  	[tilespmem:s18+$0x5180] =	vst.msk vm2, v21;
	v26 =	vand.u32 v7, v26;
	v27 =	vadd.s32 v28, v27  }
0xd9: {  	(xrf0) =	vadd.scan.msk.s32 $0xffff, v35;
	v52 =	vand.u32 v8, v29;
	v23 =	vand.u32 v9, v23;
	v26 =	vadd.s32 v26, v27  }
0xda: {  	s2 =	sor.u32 s24, s22;
	s3 =	sand.u32 $0x7F, s10;
	v53 =	vbroadcast v31, $0xF;
	[tilespmem:s14+$0x5200] =	vst.msk vm8, v21;
	(xrf0) =	vadd.scan.msk.s32 $0xffff, v33;
	v26 =	vadd.s32 v52, v26  }
0xdb: {  	s10 =	sand.u32 $0x7F, s17;
	v22 =	vand.u32 v10, v22;
	s5 =	sor.u32 s3, s16;
	[tilespmem:s2+$0x5280] =	vst.msk vm3, v21;
	(xrf0) =	vadd.scan.msk.s32 $0xffff, v30;
	v23 =	vadd.s32 v23, v26  }
0xdc: {  	s12 =	sand.u32 $0x7F, s12;
	v24 =	vbroadcast v24, $0xF;
	s3 =	sor.u32 s10, s20;
	[tilespmem:s5+$0x5300] =	vst.msk vm4, v21;
	v54, _, _ =	vpop (xrf0);
	v22 =	vadd.s32 v22, v23;
	v23 =	vand.u32 v11, v53  }
0xdd: {  	v55 =	vbroadcast v32, $0xF;
	s14 =	sand.u32 $0x7F, s9;
	s2 =	sor.u32 s12, s21;
	[tilespmem:s3+$0x5380] =	vst.msk vm10, v21;
	v56, _, _ =	vpop (xrf0);
	v22 =	vadd.s32 v23, v22;
	v23 =	vand.u32 v12, v25  }
0xde: {  	s16 =	sand.u32 $0x7F, s6;
	s15 =	sor.u32 s14, s11;
	[tilespmem:s2+$0x5800] =	vst.msk vm5, v21;
	v57 =	vbroadcast v56, $0xF;
	v22 =	vadd.s32 v23, v22;
	v23 =	vand.u32 v13, v24  }
0xdf: {  	s18 =	sand.u32 $0x7F, s7;
	s17 =	sor.u32 s16, s8;
	v58 =	vbroadcast v54, $0xF;
	[tilespmem:s15+$0x5880] =	vst.msk vm6, v21;
	v59, _, _ =	vpop (xrf0);
	v22 =	vadd.s32 v23, v22;
	v23 =	vand.u32 v14, v55  }
0xe0: {  	s1 =	sand.u32 $0x7F, s1;
	s20 =	sor.u32 s18, s19;
	[tilespmem:s17+$0x5900] =	vst.msk vm7, v21;
	v26 =	vbroadcast v59, $0xF;
	v60, _, _ =	vpop (xrf0);
	v22 =	vadd.s32 v23, v22;
	v23 =	vand.u32 v15, v57  }
0xe1: {  	s1 =	sor.u32 s1, s4;
	s21 =	sand.u32 $0x7F, s26;
	[tilespmem:s20+$0x5980] =	vst.msk vm12, v21;
	v61 =	vbroadcast v60, $0xF;
	v62, _, _ =	vpop (xrf0);
	v22 =	vadd.s32 v23, v22;
	v23 =	vand.u32 v16, v58  }
0xe2: {  	s23 =	sand.u32 $0x7F, s25;
	s22 =	sor.u32 s21, s29;
	[tilespmem:s1+$0x5A00] =	vst.msk vm1, v21;
	v63 =	vbroadcast v62, $0xF;
	v22 =	vadd.s32 v23, v22;
	v23 =	vand.u32 v17, v26  }
0xe3: {  	s0 =	sand.u32 $0x7F, s0;
	s24 =	sor.u32 s23, s28;
	[tilespmem:s22+$0x5A80] =	vst.msk vm11, v21;
	v22 =	vadd.s32 v23, v22;
	v23 =	vand.u32 v18, v61  }
0xe4: {  	s0 =	sor.u32 s0, s30;
	[tilespmem:s24+$0x5B00] =	vst.msk vm13, v21;
	v22 =	vadd.s32 v23, v22;
	v23 =	vand.u32 v20, v63  }
0xe5: {  	[tilespmem:s0+$0x5B80] =	vst.msk vm9, v21;
	v21 =	vadd.s32 v23, v22  }
0xe6: {  	s25 =	rddreg [dreg:$0x7];
	s26 =	simm.s32 $0x5000;
	s2 =	simm.s32 $0x1;
	[tilespmem:$0x6000] =	vst v21  }
0xe7: {  	[hbm4b:s25+s13] =	stream.linear.scatter [tilespmem:s26], [sflag:$0x1], $0x1000, $0x38;
	[tilespmem:$0xB100] =	vst v63  }
0xe8: {  	_ =	swait.ge [sflag:s2], $0x1000  }
0xe9: {  	[sflag:s2] =	ssyncset.done $0x0  }
0xea: {  	s29 =	simm.s32 $0x6000;
	s28 =	rddreg [dreg:$0x8];
	[sflag:s2] =	ssyncadd.s32 $0xFFFFF000  }
0xeb: {  	[hbm4b:s28+s13] =	stream.linear.scatter [tilespmem:s29], [sflag:$0x1], $0x10, $0x38;
	[tilespmem:$0xB100] =	vst v63  }
0xec: {  	_ =	swait.ge [sflag:s2], $0x10  }
0xed: {  	s30 =	rddreg [dreg:$0xc]  }
0xee: {  	s31 =	rddreg [dreg:$0x9];
	s1 =	sadd.s32 $0x1, s30  }
0xef: {  	s7 =	simm.s32 $0x6080;
	v21 =	vld [tilespmem:$0x1FFF0];
	p0 =	sne.s32 s1, s31  }
.Ltmp5:
0xf0: {  	s9 =	simm.s32 $0x6880;
	s10 =	simm.s32 $0x7080;
	(pc) =	sbr.rel @p0 .LBB2_1-.Ltmp5, $4  }
0xf1: {  	s18 =	simm.s32 $0xA880;
	s8 =	simm.s32 $0x2;
	s11 =	simm.s32 $0x7880  }
0xf2: {  	s12 =	simm.s32 $0x8080;
	s14 =	simm.s32 $0x8880;
	s16 =	simm.s32 $0x9880  }
0xf3: {  	s15 =	simm.s32 $0x9080;
	[sflag:s2] =	ssyncset.done $0x0;
	s3 =	rddreg [dreg:$0x2]  }
0xf4: {  	s17 =	simm.s32 $0xA080;
	s5 =	rddreg [dreg:$0x4];
	[sflag:s2] =	ssyncadd.s32 $0xFFFFFFF0;
	vm1 =	vnez.u8 v21  }
0xf5: {  	_ =	sfence.sel $0x180000  }
0xf6: {  	[bflag:$0x0] =	sbarrier.arrive $0xFFFF  }
0xf7: {  	_ =	strace $0x90000047  }
0xf8: {  	s0 =	stileid.u32;
	[bflag:$0x2] =	sbarrier.arrive $0xFFFF  }
0xf9: {  	p0 =	sne.s32 s0, $0x0;
	s0 =	rddreg [dreg:$0x1]  }
0xfa: {  	s0 =	sadd.s32 @!p0 $0x100000, s0  }
0xfb: {  	[sflag:s0] =	ssyncadd.tile.s32 @!p0 $0x1;
	_ =	shalt  }
.Lfunc_end2:
_tile_overlayer_lowered:
.L_overlay_start_2:
0xfc: {  	(tag) =	ssettag $0x2  }
0xfd: {  	s0 =	rddreg [dreg:$0x0];
	s2 =	stileid.u32  }
0xfe: {  	s1 =	rddreg [dreg:$0x1];
	p0 =	sne.s32 s2, $0x0  }
0xff: {  	s3 =	rddreg [dreg:$0x2];
	[bflag:$0x3] =	sbarrier.arrive $0xFFFF;
	s2 =	simm.s32 @!p0 $0x1C01  }
0x100: {  	[timem:s3], [sflag:s2] =	dma.local @!p0 [hbm:s0], s1  }
0x101: {  	s0 =	simm.s32 @!p0 $0x1  }
0x102: {  	_ =	swait.ge @!p0 [sflag:s0], s1  }
0x103: {  	s1 =	ssub.s32 @!p0 $0x0, s1;
	[sflag:s0] =	ssyncset.done @!p0 $0x0  }
0x104: {  	[sflag:s0] =	ssyncadd.s32 @!p0 s1  }
0x105: {  	[bflag:$0x3] =	sbarrier.arrive $0xFFFF  }
0x106: {  	_ =	shalt  }

// kernel: kernel.18.cloned.1.call-start
scs
__scs_entry_jumppad:
0x0: {  	(pc) =	sbr.rel $0x88, $3  }
0x1: {  	(tag) =	ssettag $0x0;
	lr =	simm.s32 $0x1  }
0x2: {  	[smem:$0x3F8F] =	sst lr;
	_ =	strace $0xD0000000  }
0x3: {  	_ = 	snop  }
0x4: {  	_ = 	snop  }
0x5: {  	_ = 	snop  }
0x6: {  	_ = 	snop  }
0x7: {  	_ = 	snop  }
__scs_overlays_trampoline_lowered:
0x8: {  	[smem:$0x3F9E] =	sst s0  }
0x9: {  	[smem:$0x3F9F] =	sst s1  }
0xa: {  	[smem:$0x3FA0] =	sst s2  }
0xb: {  	[smem:$0x3FA1] =	sst s3  }
0xc: {  	[smem:$0x3FA2] =	sst s4  }
0xd: {  	[smem:$0x3FA3] =	sst s5  }
0xe: {  	[smem:$0x3FA4] =	sst s6  }
0xf: {  	[smem:$0x3FA5] =	sst s7  }
0x10: {  	[smem:$0x3FA6] =	sst s8  }
0x11: {  	[smem:$0x3FA7] =	sst s9;
	s0 =	simm.s32 @!p0 $0x0  }
0x12: {  	s1 =	sld [smem:$0x3F8D];
	s0 =	simm.s32 @p0 $0x1  }
0x13: {  	[smem:$0x3FA8] =	sst s0;
	s0 =	simm.s32 @!p1 $0x0  }
0x14: {  	s2 =	sld [smem:$0x3F8C];
	s0 =	simm.s32 @p1 $0x1  }
0x15: {  	[smem:$0x3FA9] =	sst s0;
	s0 =	simm.s32 @!p2 $0x0  }
0x16: {  	s3 =	sld [smem:$0x3FDB];
	s0 =	simm.s32 @p2 $0x1  }
0x17: {  	s4 =	simm.s32 $0x1BF5;
	[smem:$0x3FAB] =	sst s0  }
0x18: {  	s0 =	sld [smem:$0x3F8E];
	_ =	swait.ge [sflag:s4], $0x0  }
0x19: {  	s7 =	sld [smem:$0x3F8F]  }
0x1a: {  	s8 =	sadd.s32 $0xFFFFE003, lr  }
0x1b: {  	s9 =	sadd.s32 $0xFFFFFEF7, lr;
	s5 =	simm.s32 $0xFFFFFFFF;
	p2 =	slt.u32 s8, $0xFFFFF086  }
0x1c: {  	p1 =	slt.u32 s9, $0xF7A;
	s5 =	simm.s32 @!p2 $0x0  }
0x1d: {  	s5 =	simm.s32 @p1 $0x1;
	p0 =	seq.s32 s7, s2  }
0x1e: {  	s7 =	smul.u32 @!p0 $0xF7A, s2;
	p2 =	seq.s32 @!p0 s5, $0x0  }
0x1f: {  	s9 =	smul.u32 $0xF7A, s1;
	s8 =	simm.s32 @!p0 $0x1BF5;
	p2 =	por !p2, p0  }
0x20: {  	[sflag:s8] =	ssyncset.s32 @!p0 $0xFFFFF086;
	s6 =	sadd.s32 @!p0 s3, s7;
	s7 =	simm.s32 @!p0 $0x108  }
0x21: {  	s3 =	sadd.s32 s3, s9;
	s6 =	sadd.s32 @!p0 $0x88, s6;
	s7 =	simm.s32 @p2 $0x1082  }
0x22: {  	[simem:s7], [sflag:s8] =	dma.local @!p0 [hbm:s6], $0xF7A  }
0x23: {  	s9 =	sor.u32 $0xD0000000, s2;
	s6 =	simm.s32 $0x108;
	_ =	swait.ge @!p0 [sflag:s8], $0x0  }
0x24: {  	s3 =	sadd.s32 $0x88, s3;
	s6 =	simm.s32 @!p1 $0x1082;
	[sflag:s4] =	ssyncset.s32 $0xFFFFF086  }
0x25: {  	[simem:s6], [sflag:s4] =	dma.local [hbm:s3], $0xF7A  }
0x26: {  	[smem:$0x3F8F] =	sst s1;
	(tag) =	ssettag s2;
	_ =	strace s9  }
0x27: {  	s1 =	sld [smem:$0x3F9F]  }
0x28: {  	s2 =	sld [smem:$0x3FA0]  }
0x29: {  	s4 =	sld [smem:$0x3FA2]  }
0x2a: {  	p0 =	seq.s32 s5, $0x0;
	s5 =	sld [smem:$0x3FA3]  }
0x2b: {  	s6 =	sld [smem:$0x3FA4]  }
0x2c: {  	s7 =	sld [smem:$0x3FA5]  }
0x2d: {  	s3 =	simm.s32 $0x108;
	s8 =	sld [smem:$0x3FA6]  }
0x2e: {  	s3 =	simm.s32 @!p0 $0x1082;
	s9 =	sld [smem:$0x3FA7]  }
0x2f: {  	lr =	sadd.s32 s0, s3;
	s0 =	sld [smem:$0x3F9E]  }
0x30: {  	s3 =	sld [smem:$0x3FA1]  }
0x31: {  	[smem:$0x3FAA] =	sst s10  }
0x32: {  	s10 =	sld [smem:$0x3FA8];
	_ =	sdelay $0x3  }
0x33: {  	p0 =	seq.s32 s10, $0x1;
	s10 =	sld [smem:$0x3FAA];
	_ =	sdelay $0x3  }
0x34: {  	[smem:$0x3FAA] =	sst s10  }
0x35: {  	s10 =	sld [smem:$0x3FA9];
	_ =	sdelay $0x3  }
0x36: {  	p1 =	seq.s32 s10, $0x1;
	s10 =	sld [smem:$0x3FAA];
	_ =	sdelay $0x3  }
0x37: {  	[smem:$0x3FAA] =	sst s10  }
0x38: {  	s10 =	sld [smem:$0x3FAB]  }
0x39: {  	_ = 	snop;
	(pc) =	sbr.ind lr, $3  }
0x3a: {  	_ = 	snop  }
0x3b: {  	_ = 	snop  }
0x3c: {  	p2 =	seq.s32 s10, $0x1;
	s10 =	sld [smem:$0x3FAA]  }
0x3d: {  	_ =	shalt  }
0x3e: {  	_ =	shalt  }
0x3f: {  	_ =	shalt  }
0x40: {  	_ =	shalt  }
0x41: {  	_ =	shalt  }
0x42: {  	_ =	shalt  }
0x43: {  	_ =	shalt  }
0x44: {  	_ =	shalt  }
0x45: {  	_ =	shalt  }
0x46: {  	_ =	shalt  }
0x47: {  	_ =	shalt  }
0x48: {  	_ =	shalt  }
0x49: {  	_ =	shalt  }
0x4a: {  	_ =	shalt  }
0x4b: {  	_ =	shalt  }
0x4c: {  	_ =	shalt  }
0x4d: {  	_ =	shalt  }
0x4e: {  	_ =	shalt  }
0x4f: {  	_ =	shalt  }
0x50: {  	_ =	shalt  }
0x51: {  	_ =	shalt  }
0x52: {  	_ =	shalt  }
0x53: {  	_ =	shalt  }
0x54: {  	_ =	shalt  }
0x55: {  	_ =	shalt  }
0x56: {  	_ =	shalt  }
0x57: {  	_ =	shalt  }
0x58: {  	_ =	shalt  }
0x59: {  	_ =	shalt  }
0x5a: {  	_ =	shalt  }
0x5b: {  	_ =	shalt  }
0x5c: {  	_ =	shalt  }
0x5d: {  	_ =	shalt  }
0x5e: {  	_ =	shalt  }
0x5f: {  	_ =	shalt  }
0x60: {  	_ =	shalt  }
0x61: {  	_ =	shalt  }
0x62: {  	_ =	shalt  }
0x63: {  	_ =	shalt  }
0x64: {  	_ =	shalt  }
0x65: {  	_ =	shalt  }
0x66: {  	_ =	shalt  }
0x67: {  	_ =	shalt  }
0x68: {  	_ =	shalt  }
0x69: {  	_ =	shalt  }
0x6a: {  	_ =	shalt  }
0x6b: {  	_ =	shalt  }
0x6c: {  	_ =	shalt  }
0x6d: {  	_ =	shalt  }
0x6e: {  	_ =	shalt  }
0x6f: {  	_ =	shalt  }
0x70: {  	_ =	shalt  }
0x71: {  	_ =	shalt  }
0x72: {  	_ =	shalt  }
0x73: {  	_ =	shalt  }
0x74: {  	_ =	shalt  }
0x75: {  	_ =	shalt  }
0x76: {  	_ =	shalt  }
0x77: {  	_ =	shalt  }
0x78: {  	_ =	shalt  }
0x79: {  	_ =	shalt  }
0x7a: {  	_ =	shalt  }
0x7b: {  	_ =	shalt  }
0x7c: {  	_ =	shalt  }
0x7d: {  	_ =	shalt  }
0x7e: {  	_ =	shalt  }
0x7f: {  	_ =	shalt  }
0x80: {  	_ =	shalt  }
0x81: {  	_ =	shalt  }
0x82: {  	_ =	shalt  }
0x83: {  	_ =	shalt  }
0x84: {  	_ =	shalt  }
0x85: {  	_ =	shalt  }
0x86: {  	_ =	shalt  }
0x87: {  	_ =	shalt  }
.Lfunc_end0:
.L_simem_size_0:
called_computation.1_lowered:
.L_overlay_start_0:
0x88: {  	s2 =	sld [smem:$0x3FD9]  }
0x89: {  	s3 =	sld [smem:$0x3FFE];
	_ =	sdelay $0x1  }
0x8a: {  	s1 =	srdreg.scid  }
0x8b: {  	s0 =	sand.u32 $0x1, s1  }
0x8c: {  	s16 =	sshll.u32 s0, $0xA;
	s2 =	sadd.s32 s3, s2  }
0x8d: {  	s2 =	sadd.s32 s2, s16  }
0x8e: {  	[smem:$0x3FB6] =	sst s2  }
0x8f: {  	_ = 	snop  }
0x90: {  	(tm) =	ssettm $0x1  }
0x91: {  	s17 =	sld [smem:$0x3FFB];
	_ =	sdelay $0x3  }
0x92: {  	_ =	strace s17  }
0x93: {  	s2 =	sld [smem:$0x3FFC];
	_ =	sdelay $0x3  }
0x94: {  	_ =	strace s2  }
0x95: {  	s2 =	sld [smem:$0x3FFD];
	_ =	sdelay $0x3  }
0x96: {  	_ =	strace s2  }
0x97: {  	_ =	strace $0x8FFFFFFF  }
0x98: {  	s18 =	sld [smem:$0x3FDB];
	_ =	sdelay $0x1  }
0x99: {  	s19 =	simm.s32 $_scs_section_size  }
0x9a: {  	s4 =	simm.s32 $_size__tile_overlayer_lowered;
	s5 =	simm.s32 $_tile_overlayer_lowered  }
0x9b: {  	s22 =	simm.s32 $0x1BFF;
	s21 =	sshll.u32 s5, $0x1;
	s2 =	sadd.s32 s19, s18  }
0x9c: {  	s6 =	simm.s32 $0x0;
	s20 =	sshll.u32 s4, $0x1;
	s4 =	sadd.s32 s21, s2  }
0x9d: {  	[timem:s6], [sflag:s22] =	dma.local [hbm:s4], s20  }
0x9e: {  	_ =	swait.ge [sflag:s22], s20  }
0x9f: {  	s3 =	ssub.s32 $0x0, s20;
	[sflag:s22] =	ssyncset.done $0x0  }
0xa0: {  	[sflag:s22] =	ssyncadd.s32 s3;
	_ =	sdelay $0x1  }
0xa1: {  	s23 =	simm.s32 $0x1B8B  }
0xa2: {  	_ =	swait.ge [sflag:s23], $0x1  }
0xa3: {  	[sflag:s23] =	ssyncset.done $0x0  }
0xa4: {  	s25 =	simm.s32 $0x1B8E;
	s24 =	sld [smem:$0x3FFE];
	[sflag:s23] =	ssyncadd.s32 $0xFFFFFFFF  }
0xa5: {  	s26 =	simm.s32 $execute0_lowered;
	[smem:$0x3FD2] =	sst s25  }
0xa6: {  	s4 =	sshll.u32 s26, $0x1;
	_ =	strace $0x80000049;
	[dreg:$0x1] =	wrdreg $0xFFFFFFFF  }
0xa7: {  	s28 =	simm.s32 $_size_execute0_lowered;
	s2 =	sadd.s32 s2, s4;
	[dreg:$0x0] =	wrdreg $0x0  }
0xa8: {  	s4 =	sshll.u32 s28, $0x1;
	[dreg:$0x2] =	wrdreg s2  }
0xa9: {  	[dreg:$0x3] =	wrdreg s4  }
0xaa: {  	[dreg:$0x4] =	wrdreg $0xC0  }
0xab: {  	_ =	task [dreg:s6], $0x5FFFF  }
0xac: {  	[dreg:$0x1] =	wrdreg $0xFFFFFFFF  }
0xad: {  	[dreg:$0x0] =	wrdreg $0x60  }
0xae: {  	[dreg:$0x2] =	wrdreg s24  }
0xaf: {  	[dreg:$0x3] =	wrdreg $0x9  }
0xb0: {  	_ =	task.clear_ibuf [dreg:s6], $0x4FFFF;
	_ =	strace $0x90000049  }
0xb1: {  	s29 =	simm.s32 $0x9;
	_ =	strace $0x8000004B  }
0xb2: {  	_ =	swait.ge [sflag:s29], $0x1  }
0xb3: {  	[sflag:s29] =	ssyncadd.s32 $0xFFFFFFFF  }
0xb4: {  	_ =	strace $0x9000004B  }
0xb5: {  	_ =	sfence  }
0xb6: {  	s30 =	sld [smem:$0x0];
	_ =	sdelay $0x2  }
0xb7: {  	s31 =	sshll.u32 s1, $0xD;
	s1 =	sshrl.u32 s1, $0x2  }
0xb8: {  	s3 =	sand.u32 $0x4000, s31;
	s1 =	sadd.s32 s1, s30  }
0xb9: {  	s0 =	sor.u32 s3, s0;
	s1 =	sshll.u32 s1, $0x11  }
0xba: {  	s0 =	sor.u32 s1, s0  }
0xbb: {  	s0 =	sadd.s32 $0x8F2B, s0  }
0xbc: {  	[sflag:s0] =	ssyncadd.remote.s32 $0x1  }
0xbd: {  	_ =	sfence.sel $0xFFFF  }
0xbe: {  	[dreg:$0x0] =	wrdreg $0xFFFFFFFF;
	(pc) =	sbr.abs _section_cstart, $3  }
0xbf: {  	[dreg:$0x1] =	wrdreg $0xFFFFFFFF  }
0xc0: {  	_ =	task.clear_ibuf [dreg:s6], $0x2FFFF;
	_ =	strace $0x9FFFFFFF  }
0xc1: {  	(tm) =	ssettm $0x7FFFFFFF  }
tec
execute0_lowered:
.L_overlay_start_1:
0x0: {  	(tag) =	ssettag $0x1  }
0x1: {  	s4 =	rddreg [dreg:$0x0];
	s1 =	stileid.u32  }
0x2: {  	s0 =	rddreg [dreg:$0x1];
	s2 =	simm.s32 $0x0;
	s26 =	srdreg.scid  }
0x3: {  	s12 =	simm.s32 $0x400;
	s13 =	simm.s32 $0x380;
	s14 =	simm.s32 $0xB80  }
0x4: {  	s3 =	sshll.u32 s1, $0x5;
	[smem:$0x7FF] =	sst s2;
	s6 =	sshll.u32 s1, $0x9  }
0x5: {  	s7 =	sand.u32 $0x1, s26;
	s8 =	sshll.u32 s1, $0x1;
	s11 =	sshll.u32 s1, $0x4  }
0x6: {  	s30 =	smul.u32 $0x140, s1;
	s15 =	sor.u32 $0x100, s1;
	s3 =	sand.u32 $0x100, s3  }
0x7: {  	_ =	strace $0x8000004A;
	s6 =	sand.u32 $0x1800, s6;
	s8 =	sor.u32 s7, s8  }
0x8: {  	s10 =	ssub.s32 $0x2, s7;
	s29 =	sand.u32 $0x70, s11;
	s11 =	simm.s32 $0x80  }
0x9: {  	v1 =	vmov s15;
	s15 =	simm.s32 $0x0;
	s5 =	sadd.s32 s3, s4;
	s3 =	sadd.s32 $0x8C200, s4  }
0xa: {  	s6 =	sadd.s32 s6, s4;
	s9 =	sshll.u32 s8, $0x1;
	s28 =	sshrl.u32 s10, $0x1  }
.Ltmp0:
0xb: {  	s8 =	sshll.u32 s8, $0x4;
	s31 =	sadd.s32 $0x140, s30;
	(pc) =	sbr.rel .LBB2_1-.Ltmp0, $4  }
0xc: {  	s9 =	sadd.s32 s9, s4;
	s10 =	ssub.s32 s10, s28;
	s5 =	sadd.s32 s29, s5  }
0xd: {  	s8 =	sand.u32 $0x70, s8;
	s4 =	sshll.u32 s7, $0x4;
	v0 =	vmov s31;
	s5 =	sadd.s32 $0x88200, s5  }
0xe: {  	s6 =	sadd.s32 s8, s6;
	s7 =	sadd.s32 $0x9A00, s9;
	s8 =	smax.u32 s10, $0x1;
	v0 =	vshll.u32 v0, $0xD  }
0xf: {  	s9 =	simm.s32 $0x100;
	s10 =	simm.s32 $0x1;
	s6 =	sadd.s32 $0x7A00, s6;
	v0 =	vbroadcast v0, $0x0  }
.LBB2_6:
0x10: {  	_ = 	snop  }
0x11: {  	[tilespmem:s16+$0x380] =	vst v0  }
0x12: {  	[tilespmem:s16+$0x390] =	vst v0  }
0x13: {  	[tilespmem:s16+$0x3A0] =	vst v0  }
0x14: {  	v2 =	vmov s16;
	[tilespmem:s16+$0x3B0] =	vst v0  }
0x15: {  	[tilespmem:$0xB80] =	vst v2  }
0x16: {  	[hbm4b:s6+s11] =	stream.strided.scatter [tilespmem:s13], [sflag:$0x1], $0x800, s12, s11, $0x38;
	[tilespmem:$0xC00] =	vst v63  }
0x17: {  	s15 =	sadd.s32 $0x1, s15;
	_ =	swait.ge [sflag:s10], $0x800  }
0x18: {  	p0 =	sne.s32 s15, s8;
	[sflag:s10] =	ssyncset.done $0x0  }
.Ltmp1:
0x19: {  	[sflag:s10] =	ssyncadd.s32 $0xFFFFF800;
	(pc) =	sbr.rel @!p0 .LBB2_7-.Ltmp1, $4  }
0x1a: {  	[hbm4b:s7+s2] =	stream.linear.scatter [tilespmem:s14], [sflag:$0x1], $0x10, $0x38;
	[tilespmem:$0xC00] =	vst v63  }
0x1b: {  	_ =	swait.ge [sflag:s10], $0x10  }
0x1c: {  	[sflag:s10] =	ssyncset.done $0x0  }
0x1d: {  	[sflag:s10] =	ssyncadd.s32 $0xFFFFFFF0  }
.LBB2_1:
.Ltmp2:
0x1e: {  	(pc) =	sbr.rel .LBB2_2-.Ltmp2, $4  }
0x1f: {  	[tilespmem:s9], [sflag:$0x1] =	stream.linear.gather [hbm4b:s3+s2], $0x200, $0x38;
	[tilespmem:$0xC00] =	vst v63  }
0x20: {  	_ =	swait.ge [sflag:s10], $0x200  }
0x21: {  	[sflag:s10] =	ssyncset.done $0x0  }
0x22: {  	s16 =	simm.s32 $0x0;
	s17 =	simm.s32 $0x0;
	[sflag:s10] =	ssyncadd.s32 $0xFFFFFE00  }
.LBB2_5:
0x23: {  	s17 =	sadd.s32 $0x1, s17  }
0x24: {  	p0 =	sne.s32 s17, $0x10  }
.Ltmp3:
0x25: {  	_ = 	snop;
	(pc) =	sbr.rel @!p0 .LBB2_6-.Ltmp3, $2  }
0x26: {  	_ =	sdelay $0x2  }
0x27: {  	s16 =	sadd.s32 s16, s18  }
.LBB2_2:
0x28: {  	s18 =	sadd.s32 s4, s17  }
0x29: {  	s19 =	sshll.u32 s18, $0x9  }
0x2a: {  	s19 =	sadd.s32 s19, s5  }
0x2b: {  	[tilespmem:s2], [sflag:$0x1] =	stream.strided.gather [hbm4b:s19+s11], $0x100, s12, s11, $0x38;
	[tilespmem:$0xC00] =	vst v63  }
0x2c: {  	_ =	swait.ge [sflag:s10], $0x100  }
0x2d: {  	s18 =	sshll.u32 s18, $0x4;
	[sflag:s10] =	ssyncset.done $0x0  }
0x2e: {  	s18 =	sand.u32 $0x3FFFFFF0, s18;
	[sflag:s10] =	ssyncadd.s32 $0xFFFFFF00  }
0x2f: {  	v2 =	vld.idx.msk [tilespmem:v1+s18+$0x0 ss:$0x1], $0xffff;
	_ =	sdelay $0x4  }
0x30: {  	(v2sf) =	vpush v2, $0x0;
	_ =	sdelay $0xe  }
0x31: {  	s18 =	spop (v2sf)  }
0x32: {  	s19 =	sadd.s32 $0xF, s18  }
0x33: {  	p0 =	slt.s32 s19, $0x10  }
.Ltmp4:
0x34: {  	_ = 	snop;
	(pc) =	sbr.rel @p0 .LBB2_5-.Ltmp4, $1  }
0x35: {  	_ =	sdelay $0x3  }
0x36: {  	s21 =	sshra.s32 s19, $0x1F  }
0x37: {  	s30 =	sshrl.u32 s21, $0x1C  }
0x38: {  	s20 =	simm.s32 $0x0;
	s31 =	sadd.s32 s30, s19  }
0x39: {  	v2 =	vld [tilespmem:s20+$0x0];
	s20 =	sshra.s32 s31, $0x4  }
0x3a: {  	p0 =	sne.s32 s20, $0x1  }
.Ltmp5:
0x3b: {  	_ = 	snop;
	(pc) =	sbr.rel @!p0 .LBB2_5-.Ltmp5, $3  }
0x3c: {  	_ =	sdelay $0x1  }
0x3d: {  	s19 =	sadd.s32 $0x380, s16  }
0x3e: {  	s21 =	simm.s32 $0x10;
	s20 =	sadd.s32 $0xFFFFFFFF, s20;
	[tilespmem:s19+$0x0] =	vst v2  }
.LBB2_4:
0x3f: {  	v2 =	vld [tilespmem:s21+$0x0];
	p0 =	sne.s32 s20, $0x1;
	s20 =	sadd.s32 $0xFFFFFFFF, s20  }
.Ltmp6:
0x40: {  	(pc) =	sbr.rel @p0 .LBB2_4-.Ltmp6, $3  }
0x41: {  	_ =	sdelay $0x1  }
0x42: {  	s19 =	sadd.s32 $0x10, s19  }
0x43: {  	s21 =	sadd.s32 $0x10, s21;
	[tilespmem:s19+$0x0] =	vst v2  }
.Ltmp7:
0x44: {  	_ = 	snop;
	(pc) =	sbr.rel .LBB2_5-.Ltmp7, $1  }
0x45: {  	_ =	sdelay $0x3  }
.LBB2_7:
0x46: {  	_ =	sfence.sel $0x180000  }
0x47: {  	[bflag:$0x0] =	sbarrier.arrive $0xFFFF  }
0x48: {  	p0 =	sne.s32 s1, $0x0;
	_ =	strace $0x9000004A  }
0x49: {  	s0 =	sadd.s32 @!p0 $0x100000, s0;
	[bflag:$0x2] =	sbarrier.arrive $0xFFFF  }
0x4a: {  	[sflag:s0] =	ssyncadd.tile.s32 @!p0 $0x1;
	_ =	shalt  }
.Lfunc_end2:
_tile_overlayer_lowered:
.L_overlay_start_2:
0x4b: {  	(tag) =	ssettag $0x2  }
0x4c: {  	s0 =	rddreg [dreg:$0x0];
	s2 =	stileid.u32  }
0x4d: {  	s1 =	rddreg [dreg:$0x1];
	p0 =	sne.s32 s2, $0x0  }
0x4e: {  	s3 =	rddreg [dreg:$0x2];
	[bflag:$0x3] =	sbarrier.arrive $0xFFFF;
	s2 =	simm.s32 @!p0 $0x1C01  }
0x4f: {  	[timem:s3], [sflag:s2] =	dma.local @!p0 [hbm:s0], s1  }
0x50: {  	s0 =	simm.s32 @!p0 $0x1  }
0x51: {  	_ =	swait.ge @!p0 [sflag:s0], s1  }
0x52: {  	s1 =	ssub.s32 @!p0 $0x0, s1;
	[sflag:s0] =	ssyncset.done @!p0 $0x0  }
0x53: {  	[sflag:s0] =	ssyncadd.s32 @!p0 s1  }
0x54: {  	[bflag:$0x3] =	sbarrier.arrive $0xFFFF  }
0x55: {  	_ =	shalt  }

// kernel: kernel.21.cloned.1.call-start
scs
__scs_entry_jumppad:
0x0: {  	(pc) =	sbr.rel $0x88, $3  }
0x1: {  	(tag) =	ssettag $0x0;
	lr =	simm.s32 $0x1  }
0x2: {  	[smem:$0x3F8F] =	sst lr;
	_ =	strace $0xD0000000  }
0x3: {  	_ = 	snop  }
0x4: {  	_ = 	snop  }
0x5: {  	_ = 	snop  }
0x6: {  	_ = 	snop  }
0x7: {  	_ = 	snop  }
__scs_overlays_trampoline_lowered:
0x8: {  	[smem:$0x3F9E] =	sst s0  }
0x9: {  	[smem:$0x3F9F] =	sst s1  }
0xa: {  	[smem:$0x3FA0] =	sst s2  }
0xb: {  	[smem:$0x3FA1] =	sst s3  }
0xc: {  	[smem:$0x3FA2] =	sst s4  }
0xd: {  	[smem:$0x3FA3] =	sst s5  }
0xe: {  	[smem:$0x3FA4] =	sst s6  }
0xf: {  	[smem:$0x3FA5] =	sst s7  }
0x10: {  	[smem:$0x3FA6] =	sst s8  }
0x11: {  	[smem:$0x3FA7] =	sst s9;
	s0 =	simm.s32 @!p0 $0x0  }
0x12: {  	s1 =	sld [smem:$0x3F8D];
	s0 =	simm.s32 @p0 $0x1  }
0x13: {  	[smem:$0x3FA8] =	sst s0;
	s0 =	simm.s32 @!p1 $0x0  }
0x14: {  	s2 =	sld [smem:$0x3F8C];
	s0 =	simm.s32 @p1 $0x1  }
0x15: {  	[smem:$0x3FA9] =	sst s0;
	s0 =	simm.s32 @!p2 $0x0  }
0x16: {  	s3 =	sld [smem:$0x3FDB];
	s0 =	simm.s32 @p2 $0x1  }
0x17: {  	s4 =	simm.s32 $0x1BF5;
	[smem:$0x3FAB] =	sst s0  }
0x18: {  	s0 =	sld [smem:$0x3F8E];
	_ =	swait.ge [sflag:s4], $0x0  }
0x19: {  	s7 =	sld [smem:$0x3F8F]  }
0x1a: {  	s8 =	sadd.s32 $0xFFFFE003, lr  }
0x1b: {  	s9 =	sadd.s32 $0xFFFFFEF7, lr;
	s5 =	simm.s32 $0xFFFFFFFF;
	p2 =	slt.u32 s8, $0xFFFFF086  }
0x1c: {  	p1 =	slt.u32 s9, $0xF7A;
	s5 =	simm.s32 @!p2 $0x0  }
0x1d: {  	s5 =	simm.s32 @p1 $0x1;
	p0 =	seq.s32 s7, s2  }
0x1e: {  	s7 =	smul.u32 @!p0 $0xF7A, s2;
	p2 =	seq.s32 @!p0 s5, $0x0  }
0x1f: {  	s9 =	smul.u32 $0xF7A, s1;
	s8 =	simm.s32 @!p0 $0x1BF5;
	p2 =	por !p2, p0  }
0x20: {  	[sflag:s8] =	ssyncset.s32 @!p0 $0xFFFFF086;
	s6 =	sadd.s32 @!p0 s3, s7;
	s7 =	simm.s32 @!p0 $0x108  }
0x21: {  	s3 =	sadd.s32 s3, s9;
	s6 =	sadd.s32 @!p0 $0x88, s6;
	s7 =	simm.s32 @p2 $0x1082  }
0x22: {  	[simem:s7], [sflag:s8] =	dma.local @!p0 [hbm:s6], $0xF7A  }
0x23: {  	s9 =	sor.u32 $0xD0000000, s2;
	s6 =	simm.s32 $0x108;
	_ =	swait.ge @!p0 [sflag:s8], $0x0  }
0x24: {  	s3 =	sadd.s32 $0x88, s3;
	s6 =	simm.s32 @!p1 $0x1082;
	[sflag:s4] =	ssyncset.s32 $0xFFFFF086  }
0x25: {  	[simem:s6], [sflag:s4] =	dma.local [hbm:s3], $0xF7A  }
0x26: {  	[smem:$0x3F8F] =	sst s1;
	(tag) =	ssettag s2;
	_ =	strace s9  }
0x27: {  	s1 =	sld [smem:$0x3F9F]  }
0x28: {  	s2 =	sld [smem:$0x3FA0]  }
0x29: {  	s4 =	sld [smem:$0x3FA2]  }
0x2a: {  	p0 =	seq.s32 s5, $0x0;
	s5 =	sld [smem:$0x3FA3]  }
0x2b: {  	s6 =	sld [smem:$0x3FA4]  }
0x2c: {  	s7 =	sld [smem:$0x3FA5]  }
0x2d: {  	s3 =	simm.s32 $0x108;
	s8 =	sld [smem:$0x3FA6]  }
0x2e: {  	s3 =	simm.s32 @!p0 $0x1082;
	s9 =	sld [smem:$0x3FA7]  }
0x2f: {  	lr =	sadd.s32 s0, s3;
	s0 =	sld [smem:$0x3F9E]  }
0x30: {  	s3 =	sld [smem:$0x3FA1]  }
0x31: {  	[smem:$0x3FAA] =	sst s10  }
0x32: {  	s10 =	sld [smem:$0x3FA8];
	_ =	sdelay $0x3  }
0x33: {  	p0 =	seq.s32 s10, $0x1;
	s10 =	sld [smem:$0x3FAA];
	_ =	sdelay $0x3  }
0x34: {  	[smem:$0x3FAA] =	sst s10  }
0x35: {  	s10 =	sld [smem:$0x3FA9];
	_ =	sdelay $0x3  }
0x36: {  	p1 =	seq.s32 s10, $0x1;
	s10 =	sld [smem:$0x3FAA];
	_ =	sdelay $0x3  }
0x37: {  	[smem:$0x3FAA] =	sst s10  }
0x38: {  	s10 =	sld [smem:$0x3FAB]  }
0x39: {  	_ = 	snop;
	(pc) =	sbr.ind lr, $3  }
0x3a: {  	_ = 	snop  }
0x3b: {  	_ = 	snop  }
0x3c: {  	p2 =	seq.s32 s10, $0x1;
	s10 =	sld [smem:$0x3FAA]  }
0x3d: {  	_ =	shalt  }
0x3e: {  	_ =	shalt  }
0x3f: {  	_ =	shalt  }
0x40: {  	_ =	shalt  }
0x41: {  	_ =	shalt  }
0x42: {  	_ =	shalt  }
0x43: {  	_ =	shalt  }
0x44: {  	_ =	shalt  }
0x45: {  	_ =	shalt  }
0x46: {  	_ =	shalt  }
0x47: {  	_ =	shalt  }
0x48: {  	_ =	shalt  }
0x49: {  	_ =	shalt  }
0x4a: {  	_ =	shalt  }
0x4b: {  	_ =	shalt  }
0x4c: {  	_ =	shalt  }
0x4d: {  	_ =	shalt  }
0x4e: {  	_ =	shalt  }
0x4f: {  	_ =	shalt  }
0x50: {  	_ =	shalt  }
0x51: {  	_ =	shalt  }
0x52: {  	_ =	shalt  }
0x53: {  	_ =	shalt  }
0x54: {  	_ =	shalt  }
0x55: {  	_ =	shalt  }
0x56: {  	_ =	shalt  }
0x57: {  	_ =	shalt  }
0x58: {  	_ =	shalt  }
0x59: {  	_ =	shalt  }
0x5a: {  	_ =	shalt  }
0x5b: {  	_ =	shalt  }
0x5c: {  	_ =	shalt  }
0x5d: {  	_ =	shalt  }
0x5e: {  	_ =	shalt  }
0x5f: {  	_ =	shalt  }
0x60: {  	_ =	shalt  }
0x61: {  	_ =	shalt  }
0x62: {  	_ =	shalt  }
0x63: {  	_ =	shalt  }
0x64: {  	_ =	shalt  }
0x65: {  	_ =	shalt  }
0x66: {  	_ =	shalt  }
0x67: {  	_ =	shalt  }
0x68: {  	_ =	shalt  }
0x69: {  	_ =	shalt  }
0x6a: {  	_ =	shalt  }
0x6b: {  	_ =	shalt  }
0x6c: {  	_ =	shalt  }
0x6d: {  	_ =	shalt  }
0x6e: {  	_ =	shalt  }
0x6f: {  	_ =	shalt  }
0x70: {  	_ =	shalt  }
0x71: {  	_ =	shalt  }
0x72: {  	_ =	shalt  }
0x73: {  	_ =	shalt  }
0x74: {  	_ =	shalt  }
0x75: {  	_ =	shalt  }
0x76: {  	_ =	shalt  }
0x77: {  	_ =	shalt  }
0x78: {  	_ =	shalt  }
0x79: {  	_ =	shalt  }
0x7a: {  	_ =	shalt  }
0x7b: {  	_ =	shalt  }
0x7c: {  	_ =	shalt  }
0x7d: {  	_ =	shalt  }
0x7e: {  	_ =	shalt  }
0x7f: {  	_ =	shalt  }
0x80: {  	_ =	shalt  }
0x81: {  	_ =	shalt  }
0x82: {  	_ =	shalt  }
0x83: {  	_ =	shalt  }
0x84: {  	_ =	shalt  }
0x85: {  	_ =	shalt  }
0x86: {  	_ =	shalt  }
0x87: {  	_ =	shalt  }
.Lfunc_end0:
.L_simem_size_0:
called_computation.2_lowered:
.L_overlay_start_0:
0x88: {  	s2 =	sld [smem:$0x3FD9]  }
0x89: {  	s3 =	sld [smem:$0x3FFE];
	_ =	sdelay $0x1  }
0x8a: {  	s1 =	srdreg.scid  }
0x8b: {  	s0 =	sand.u32 $0x1, s1  }
0x8c: {  	s16 =	sshll.u32 s0, $0xA;
	s2 =	sadd.s32 s3, s2  }
0x8d: {  	s2 =	sadd.s32 s2, s16  }
0x8e: {  	[smem:$0x3FB6] =	sst s2  }
0x8f: {  	_ = 	snop  }
0x90: {  	(tm) =	ssettm $0x1  }
0x91: {  	s17 =	sld [smem:$0x3FFB];
	_ =	sdelay $0x3  }
0x92: {  	_ =	strace s17  }
0x93: {  	s2 =	sld [smem:$0x3FFC];
	_ =	sdelay $0x3  }
0x94: {  	_ =	strace s2  }
0x95: {  	s2 =	sld [smem:$0x3FFD];
	_ =	sdelay $0x3  }
0x96: {  	_ =	strace s2  }
0x97: {  	_ =	strace $0x8FFFFFFF  }
0x98: {  	s18 =	sld [smem:$0x3FDB];
	_ =	sdelay $0x1  }
0x99: {  	s19 =	simm.s32 $_scs_section_size  }
0x9a: {  	s4 =	simm.s32 $_size__tile_overlayer_lowered;
	s5 =	simm.s32 $_tile_overlayer_lowered  }
0x9b: {  	s22 =	simm.s32 $0x1BFF;
	s21 =	sshll.u32 s5, $0x1;
	s2 =	sadd.s32 s19, s18  }
0x9c: {  	s6 =	simm.s32 $0x0;
	s20 =	sshll.u32 s4, $0x1;
	s4 =	sadd.s32 s21, s2  }
0x9d: {  	[timem:s6], [sflag:s22] =	dma.local [hbm:s4], s20  }
0x9e: {  	_ =	swait.ge [sflag:s22], s20  }
0x9f: {  	s3 =	ssub.s32 $0x0, s20;
	[sflag:s22] =	ssyncset.done $0x0  }
0xa0: {  	[sflag:s22] =	ssyncadd.s32 s3;
	_ =	sdelay $0x1  }
0xa1: {  	s23 =	simm.s32 $0x1B8B  }
0xa2: {  	_ =	swait.ge [sflag:s23], $0x1  }
0xa3: {  	[sflag:s23] =	ssyncset.done $0x0  }
0xa4: {  	s25 =	simm.s32 $0x1B8E;
	s24 =	sld [smem:$0x3FFE];
	[sflag:s23] =	ssyncadd.s32 $0xFFFFFFFF  }
0xa5: {  	s26 =	simm.s32 $execute0_lowered;
	[smem:$0x3FD2] =	sst s25  }
0xa6: {  	s4 =	sshll.u32 s26, $0x1;
	_ =	strace $0x8000004C;
	[dreg:$0x1] =	wrdreg $0xFFFFFFFF  }
0xa7: {  	s28 =	simm.s32 $_size_execute0_lowered;
	s2 =	sadd.s32 s2, s4;
	[dreg:$0x0] =	wrdreg $0x0  }
0xa8: {  	s4 =	sshll.u32 s28, $0x1;
	[dreg:$0x2] =	wrdreg s2  }
0xa9: {  	[dreg:$0x3] =	wrdreg s4  }
0xaa: {  	[dreg:$0x4] =	wrdreg $0xC0  }
0xab: {  	_ =	task [dreg:s6], $0x5FFFF  }
0xac: {  	[dreg:$0x1] =	wrdreg $0xFFFFFFFF  }
0xad: {  	[dreg:$0x0] =	wrdreg $0x60  }
0xae: {  	[dreg:$0x2] =	wrdreg s24  }
0xaf: {  	[dreg:$0x3] =	wrdreg $0x9  }
0xb0: {  	_ =	task.clear_ibuf [dreg:s6], $0x4FFFF;
	_ =	strace $0x9000004C  }
0xb1: {  	s29 =	simm.s32 $0x9;
	_ =	strace $0x8000004E  }
0xb2: {  	_ =	swait.ge [sflag:s29], $0x1  }
0xb3: {  	[sflag:s29] =	ssyncadd.s32 $0xFFFFFFFF  }
0xb4: {  	_ =	strace $0x9000004E  }
0xb5: {  	_ =	sfence  }
0xb6: {  	s30 =	sld [smem:$0x0];
	_ =	sdelay $0x2  }
0xb7: {  	s31 =	sshll.u32 s1, $0xD;
	s1 =	sshrl.u32 s1, $0x2  }
0xb8: {  	s3 =	sand.u32 $0x4000, s31;
	s1 =	sadd.s32 s1, s30  }
0xb9: {  	s0 =	sor.u32 s3, s0;
	s1 =	sshll.u32 s1, $0x11  }
0xba: {  	s0 =	sor.u32 s1, s0  }
0xbb: {  	s0 =	sadd.s32 $0x8F2B, s0  }
0xbc: {  	[sflag:s0] =	ssyncadd.remote.s32 $0x1  }
0xbd: {  	_ =	sfence.sel $0xFFFF  }
0xbe: {  	[dreg:$0x0] =	wrdreg $0xFFFFFFFF;
	(pc) =	sbr.abs _section_cstart, $3  }
0xbf: {  	[dreg:$0x1] =	wrdreg $0xFFFFFFFF  }
0xc0: {  	_ =	task.clear_ibuf [dreg:s6], $0x2FFFF;
	_ =	strace $0x9FFFFFFF  }
0xc1: {  	(tm) =	ssettm $0x7FFFFFFF  }
tec
execute0_lowered:
.L_overlay_start_1:
0x0: {  	(tag) =	ssettag $0x1  }
0x1: {  	s9 =	rddreg [dreg:$0x0]  }
0x2: {  	s1 =	stileid.u32;
	s0 =	rddreg [dreg:$0x1]  }
0x3: {  	s2 =	simm.s32 $0x0;
	s4 =	srdreg.scid;
	s11 =	simm.s32 $0xA9C00  }
0x4: {  	s13 =	simm.s32 $0x80;
	s14 =	simm.s32 $0x400;
	s15 =	simm.s32 $0x800  }
0x5: {  	s16 =	simm.s32 $0x40;
	s17 =	simm.s32 $0x1280;
	s19 =	simm.s32 $0x2  }
0x6: {  	s3 =	sshll.u32 s1, $0x9;
	s7 =	sshll.u32 s1, $0x5;
	[smem:$0x7FF] =	sst s2  }
0x7: {  	s8 =	sand.u32 $0x1, s4;
	s4 =	sadd.s32 $0x7F400, s9;
	s18 =	smul.u32 $0xFFFFFEC0, s1  }
0x8: {  	s12 =	smul.u32 $0x2800, s1;
	s3 =	sor.u32 s7, s3;
	_ =	strace $0x8000004D  }
0x9: {  	s5 =	ssub.s32 $0x2, s8;
	p0 =	seq.s32 s8, $0x1;
	s20 =	sor.u32 $0x1000, s7  }
0xa: {  	s3 =	sand.u32 $0x1860, s3;
	s10 =	sshrl.u32 s5, $0x1;
	s11 =	simm.s32 @!p0 $0x81C00  }
0xb: {  	p0 =	seq.s32 s8, $0x0;
	v0 =	vmov s18;
	s18 =	simm.s32 $0x1380;
	v1 =	vmov s20;
	s20 =	simm.s32 $0x0  }
.Ltmp0:
0xc: {  	s6 =	sadd.s32 s3, s9;
	s3 =	sadd.s32 $0x9A00, s9;
	(pc) =	sbr.rel .LBB2_1-.Ltmp0, $4  }
0xd: {  	s10 =	ssub.s32 s5, s10;
	s31 =	sadd.s32 s11, s9;
	s11 =	simm.s32 $0x9C00  }
0xe: {  	s5 =	sadd.s32 $0x7A00, s6;
	s6 =	sadd.s32 $0x7A10, s6;
	s7 =	smax.u32 s10, $0x1  }
0xf: {  	s8 =	sadd.s32 s31, s12;
	s11 =	simm.s32 @!p0 $0x1D600;
	s10 =	simm.s32 $0x1000  }
0x10: {  	s12 =	simm.s32 $0x5380;
	s9 =	sadd.s32 s11, s9;
	s11 =	simm.s32 $0x3  }
.LBB2_8:
0x11: {  	s20 =	sadd.s32 $0x1, s20  }
0x12: {  	p0 =	sne.s32 s20, s7  }
.Ltmp1:
0x13: {  	_ = 	snop;
	(pc) =	sbr.rel @!p0 .LBB2_9-.Ltmp1, $4  }
0x14: {  	[hbm4b:s8+s2] =	stream.linear.scatter [tilespmem:s12], [sflag:$0x3], $0x14000, $0x38;
	[tilespmem:$0x19480] =	vst v63  }
0x15: {  	_ =	swait.ge [sflag:s11], $0x14000  }
0x16: {  	[sflag:s11] =	ssyncset.done $0x0  }
0x17: {  	[sflag:s11] =	ssyncadd.s32 $0xFFFEC000  }
.LBB2_1:
0x18: {  	[tilespmem:s10], [sflag:$0x3] =	stream.linear.gather [hbm4b:s3+s2], $0x200, $0x38;
	[tilespmem:$0x19480] =	vst v63  }
0x19: {  	_ =	swait.ge [sflag:s11], $0x200  }
0x1a: {  	[sflag:s11] =	ssyncset.done $0x0  }
0x1b: {  	[sflag:s11] =	ssyncadd.s32 $0xFFFFFE00  }
0x1c: {  	[tilespmem:s12], [sflag:$0x3] =	stream.linear.gather [hbm4b:s4+s2], $0x14000, $0x38;
	[tilespmem:$0x19480] =	vst v63  }
0x1d: {  	_ =	swait.ge [sflag:s11], $0x14000  }
0x1e: {  	[sflag:s11] =	ssyncset.done $0x0  }
0x1f: {  	[sflag:s11] =	ssyncadd.s32 $0xFFFEC000  }
0x20: {  	[tilespmem:s2], [sflag:$0x3] =	stream.strided.gather [hbm4b:s5+s13], $0x800, s14, s13, $0x38;
	[tilespmem:$0x19480] =	vst v63  }
0x21: {  	_ =	swait.ge [sflag:s11], $0x800  }
0x22: {  	[sflag:s11] =	ssyncset.done $0x0  }
.Ltmp2:
0x23: {  	[sflag:s11] =	ssyncadd.s32 $0xFFFFF800;
	(pc) =	sbr.rel .LBB2_2-.Ltmp2, $4  }
0x24: {  	[tilespmem:s15], [sflag:$0x3] =	stream.strided.gather [hbm4b:s6+s13], $0x800, s14, s13, $0x38;
	[tilespmem:$0x19480] =	vst v63  }
0x25: {  	_ =	swait.ge [sflag:s11], $0x800  }
0x26: {  	[sflag:s11] =	ssyncset.done $0x0  }
0x27: {  	p1 =	por $0x1, $0x1;
	s22 =	simm.s32 $0x0;
	[sflag:s11] =	ssyncadd.s32 $0xFFFFF800  }
.LBB2_7:
.Ltmp3:
0x28: {  	(pc) =	sbr.rel @!p0 .LBB2_8-.Ltmp3, $2  }
0x29: {  	_ =	sdelay $0x2  }
0x2a: {  	s22 =	simm.s32 $0x1;
	p1 =	por $0x0, $0x0  }
.LBB2_2:
0x2b: {  	_ =	sdelay $0x1  }
0x2c: {  	s21 =	sshll.u32 s22, $0x4  }
0x2d: {  	s21 =	sand.u32 $0x3FFFFFF0, s21  }
0x2e: {  	v2 =	vld.idx.msk [tilespmem:v1+s21+$0x0 ss:$0x1], $0xffff;
	_ =	sdelay $0x4  }
0x2f: {  	(v2sf) =	vpush v2, $0x0;
	_ =	sdelay $0xe  }
0x30: {  	s31 =	spop (v2sf)  }
0x31: {  	s21 =	sadd.s32 $0x3F, s31  }
0x32: {  	p2 =	slt.s32 s21, $0x40  }
.Ltmp4:
0x33: {  	_ = 	snop;
	(pc) =	sbr.rel @p2 .LBB2_7-.Ltmp4, $2  }
0x34: {  	_ =	sdelay $0x2  }
0x35: {  	p0 =	por p1, p1  }
0x36: {  	s22 =	sshll.u32 s22, $0xB  }
0x37: {  	s23 =	sand.u32 $0x3FFFF800, s22  }
0x38: {  	v2 =	vld [tilespmem:s23+$0x0];
	_ =	sdelay $0x4  }
0x39: {  	v3 =	vshra.s32 v2, $0xD  }
0x3a: {  	v2 =	vand.u32 $0x1FFF, v2;
	v3 =	vadd.s32 v0, v3  }
0x3b: {  	[tilespmem:$0x1280] =	vst v2;
	v2 =	vshll.u32 v3, $0x8  }
0x3c: {  	[tilespmem:$0x1300] =	vst v2  }
0x3d: {  	v2 =	vld [tilespmem:s23+$0x10];
	_ =	sdelay $0x4  }
0x3e: {  	v3 =	vshra.s32 v2, $0xD  }
0x3f: {  	v2 =	vand.u32 $0x1FFF, v2;
	v3 =	vadd.s32 v0, v3  }
0x40: {  	[tilespmem:$0x1290] =	vst v2;
	v2 =	vshll.u32 v3, $0x8  }
0x41: {  	[tilespmem:$0x1310] =	vst v2  }
0x42: {  	v2 =	vld [tilespmem:s23+$0x20];
	_ =	sdelay $0x4  }
0x43: {  	v3 =	vshra.s32 v2, $0xD  }
0x44: {  	v2 =	vand.u32 $0x1FFF, v2;
	v3 =	vadd.s32 v0, v3  }
0x45: {  	[tilespmem:$0x12A0] =	vst v2;
	v2 =	vshll.u32 v3, $0x8  }
0x46: {  	[tilespmem:$0x1320] =	vst v2  }
0x47: {  	v2 =	vld [tilespmem:s23+$0x30];
	_ =	sdelay $0x2  }
0x48: {  	s30 =	sshra.s32 s21, $0x1F  }
0x49: {  	s22 =	sshrl.u32 s30, $0x1A  }
.Ltmp5:
0x4a: {  	s31 =	sadd.s32 s22, s21;
	v3 =	vshra.s32 v2, $0xD;
	(pc) =	sbr.rel .LBB2_4-.Ltmp5, $4  }
0x4b: {  	s21 =	sshra.s32 s31, $0x6;
	v2 =	vand.u32 $0x1FFF, v2;
	v3 =	vadd.s32 v0, v3  }
0x4c: {  	p1 =	sgt.s32 s21, $0x1;
	s22 =	smov.u32 s21;
	[tilespmem:$0x12B0] =	vst v2;
	v2 =	vshll.u32 v3, $0x8  }
0x4d: {  	s24 =	simm.s32 $0x0;
	s22 =	simm.s32 @!p1 $0x1;
	[tilespmem:$0x1330] =	vst v2  }
0x4e: {  	v2 =	vmov s23;
	[tilespmem:s18], [sflag:$0x1] =	stream.indirect.gather [hbm4b:s9+s16], $0x80, s17, s16, $0xb8;
	[tilespmem:$0x19480] =	vst v63  }
.LBB2_6:
0x4f: {  	p1 =	sne.s32 s23, s22  }
.Ltmp6:
0x50: {  	_ = 	snop;
	(pc) =	sbr.rel @!p1 .LBB2_7-.Ltmp6, $2  }
0x51: {  	_ =	sdelay $0x2  }
0x52: {  	s24 =	smov.u32 s23  }
.LBB2_4:
0x53: {  	s25 =	sand.u32 $0x1, s24  }
0x54: {  	p1 =	seq.s32 s25, $0x1  }
0x55: {  	s23 =	sor.u32 @!p1 $0x1, s24  }
0x56: {  	p2 =	sge.s32 @!p1 s23, s21  }
0x57: {  	p2 =	por p2, p1  }
0x58: {  	s26 =	sshll.u32 @!p2 s23, $0x8  }
0x59: {  	s26 =	sshra.s32 @!p2 s26, $0x2  }
0x5a: {  	v3 =	vld.idx.msk @!p2 [tilespmem:v2+s26+$0x0 ss:$0x1], $0xffff;
	_ =	sdelay $0x4  }
0x5b: {  	v4 =	vshra.s32 @!p2 v3, $0xD  }
0x5c: {  	v3 =	vand.u32 @!p2 $0x1FFF, v3;
	v4 =	vadd.s32 @!p2 v0, v4  }
0x5d: {  	[tilespmem:$0x12C0] =	vst @!p2 v3;
	v3 =	vshll.u32 @!p2 v4, $0x8  }
0x5e: {  	[tilespmem:$0x1340] =	vst @!p2 v3  }
0x5f: {  	v3 =	vld.idx.msk @!p2 [tilespmem:v2+s26+$0x10 ss:$0x1], $0xffff;
	_ =	sdelay $0x4  }
0x60: {  	v4 =	vshra.s32 @!p2 v3, $0xD  }
0x61: {  	v3 =	vand.u32 @!p2 $0x1FFF, v3;
	v4 =	vadd.s32 @!p2 v0, v4  }
0x62: {  	[tilespmem:$0x12D0] =	vst @!p2 v3;
	v3 =	vshll.u32 @!p2 v4, $0x8  }
0x63: {  	[tilespmem:$0x1350] =	vst @!p2 v3  }
0x64: {  	v3 =	vld.idx.msk @!p2 [tilespmem:v2+s26+$0x20 ss:$0x1], $0xffff;
	_ =	sdelay $0x4  }
0x65: {  	v4 =	vshra.s32 @!p2 v3, $0xD  }
0x66: {  	v3 =	vand.u32 @!p2 $0x1FFF, v3;
	v4 =	vadd.s32 @!p2 v0, v4  }
0x67: {  	[tilespmem:$0x12E0] =	vst @!p2 v3;
	v3 =	vshll.u32 @!p2 v4, $0x8  }
0x68: {  	[tilespmem:$0x1360] =	vst @!p2 v3  }
0x69: {  	v3 =	vld.idx.msk @!p2 [tilespmem:v2+s26+$0x30 ss:$0x1], $0xffff;
	_ =	sdelay $0x4  }
0x6a: {  	v4 =	vshra.s32 @!p2 v3, $0xD  }
0x6b: {  	v3 =	vand.u32 @!p2 $0x1FFF, v3;
	v4 =	vadd.s32 @!p2 v0, v4  }
0x6c: {  	[tilespmem:$0x12F0] =	vst @!p2 v3;
	v3 =	vshll.u32 @!p2 v4, $0x8  }
0x6d: {  	s28 =	simm.s32 @!p2 $0x12C0;
	s29 =	simm.s32 @!p2 $0x3380;
	s26 =	simm.s32 @!p2 $0x40;
	[tilespmem:$0x1370] =	vst @!p2 v3  }
0x6e: {  	[tilespmem:s29], [sflag:$0x2] =	stream.indirect.gather @!p2 [hbm4b:s9+s26], $0x80, s28, s26, $0xb8;
	[tilespmem:$0x19480] =	vst v63  }
0x6f: {  	p2 =	seq.s32 @!p1 s25, $0x0  }
0x70: {  	p2 =	por p1, !p2  }
.Ltmp7:
0x71: {  	_ = 	snop;
	(pc) =	sbr.rel @!p2 .LBB2_6-.Ltmp7, $4  }
0x72: {  	s26 =	simm.s32 @!p1 $0x1  }
0x73: {  	_ =	swait.ge @!p1 [sflag:s26], $0x2000  }
0x74: {  	[sflag:s26] =	ssyncset.done @!p1 $0x0  }
0x75: {  	[sflag:s26] =	ssyncadd.s32 @!p1 $0xFFFFE000  }
0x76: {  	s23 =	sadd.s32 $0x1, s24  }
0x77: {  	p1 =	sge.s32 s23, s21  }
0x78: {  	s24 =	sshll.u32 @!p1 s23, $0x8  }
0x79: {  	s24 =	sshra.s32 @!p1 s24, $0x2  }
0x7a: {  	v3 =	vld.idx.msk @!p1 [tilespmem:v2+s24+$0x0 ss:$0x1], $0xffff;
	_ =	sdelay $0x4  }
0x7b: {  	v4 =	vshra.s32 @!p1 v3, $0xD  }
0x7c: {  	v3 =	vand.u32 @!p1 $0x1FFF, v3;
	v4 =	vadd.s32 @!p1 v0, v4  }
0x7d: {  	[tilespmem:$0x1280] =	vst @!p1 v3;
	v3 =	vshll.u32 @!p1 v4, $0x8  }
0x7e: {  	[tilespmem:$0x1300] =	vst @!p1 v3  }
0x7f: {  	v3 =	vld.idx.msk @!p1 [tilespmem:v2+s24+$0x10 ss:$0x1], $0xffff;
	_ =	sdelay $0x4  }
0x80: {  	v4 =	vshra.s32 @!p1 v3, $0xD  }
0x81: {  	v3 =	vand.u32 @!p1 $0x1FFF, v3;
	v4 =	vadd.s32 @!p1 v0, v4  }
0x82: {  	[tilespmem:$0x1290] =	vst @!p1 v3;
	v3 =	vshll.u32 @!p1 v4, $0x8  }
0x83: {  	[tilespmem:$0x1310] =	vst @!p1 v3  }
0x84: {  	v3 =	vld.idx.msk @!p1 [tilespmem:v2+s24+$0x20 ss:$0x1], $0xffff;
	_ =	sdelay $0x4  }
0x85: {  	v4 =	vshra.s32 @!p1 v3, $0xD  }
0x86: {  	v3 =	vand.u32 @!p1 $0x1FFF, v3;
	v4 =	vadd.s32 @!p1 v0, v4  }
0x87: {  	[tilespmem:$0x12A0] =	vst @!p1 v3;
	v3 =	vshll.u32 @!p1 v4, $0x8  }
0x88: {  	[tilespmem:$0x1320] =	vst @!p1 v3  }
0x89: {  	v3 =	vld.idx.msk @!p1 [tilespmem:v2+s24+$0x30 ss:$0x1], $0xffff;
	_ =	sdelay $0x4  }
0x8a: {  	v4 =	vshra.s32 @!p1 v3, $0xD  }
0x8b: {  	v3 =	vand.u32 @!p1 $0x1FFF, v3;
	v4 =	vadd.s32 @!p1 v0, v4  }
0x8c: {  	s25 =	simm.s32 @!p1 $0x1280;
	[tilespmem:$0x12B0] =	vst @!p1 v3;
	v3 =	vshll.u32 @!p1 v4, $0x8  }
.Ltmp8:
0x8d: {  	s26 =	simm.s32 @!p1 $0x1380;
	s24 =	simm.s32 @!p1 $0x40;
	[tilespmem:$0x1330] =	vst @!p1 v3;
	(pc) =	sbr.rel .LBB2_6-.Ltmp8, $4  }
0x8e: {  	[tilespmem:s26], [sflag:$0x1] =	stream.indirect.gather @!p1 [hbm4b:s9+s24], $0x80, s25, s24, $0xb8;
	[tilespmem:$0x19480] =	vst v63  }
0x8f: {  	_ =	swait.ge [sflag:s19], $0x2000  }
0x90: {  	[sflag:s19] =	ssyncset.done $0x0  }
0x91: {  	[sflag:s19] =	ssyncadd.s32 $0xFFFFE000  }
.LBB2_9:
0x92: {  	_ =	sfence.sel $0x180000  }
0x93: {  	[bflag:$0x0] =	sbarrier.arrive $0xFFFF  }
0x94: {  	p0 =	sne.s32 s1, $0x0;
	_ =	strace $0x9000004D  }
0x95: {  	s0 =	sadd.s32 @!p0 $0x100000, s0;
	[bflag:$0x2] =	sbarrier.arrive $0xFFFF  }
0x96: {  	[sflag:s0] =	ssyncadd.tile.s32 @!p0 $0x1;
	_ =	shalt  }
.Lfunc_end2:
_tile_overlayer_lowered:
.L_overlay_start_2:
0x97: {  	(tag) =	ssettag $0x2  }
0x98: {  	s0 =	rddreg [dreg:$0x0];
	s2 =	stileid.u32  }
0x99: {  	s1 =	rddreg [dreg:$0x1];
	p0 =	sne.s32 s2, $0x0  }
0x9a: {  	s3 =	rddreg [dreg:$0x2];
	[bflag:$0x3] =	sbarrier.arrive $0xFFFF;
	s2 =	simm.s32 @!p0 $0x1C03  }
0x9b: {  	[timem:s3], [sflag:s2] =	dma.local @!p0 [hbm:s0], s1  }
0x9c: {  	s0 =	simm.s32 @!p0 $0x3  }
0x9d: {  	_ =	swait.ge @!p0 [sflag:s0], s1  }
0x9e: {  	s1 =	ssub.s32 @!p0 $0x0, s1;
	[sflag:s0] =	ssyncset.done @!p0 $0x0  }
0x9f: {  	[sflag:s0] =	ssyncadd.s32 @!p0 s1  }
0xa0: {  	[bflag:$0x3] =	sbarrier.arrive $0xFFFF  }
0xa1: {  	_ =	shalt  }

// kernel: kernel.24.cloned.1.call-start
scs
__scs_entry_jumppad:
0x0: {  	(pc) =	sbr.rel $0x88, $3  }
0x1: {  	(tag) =	ssettag $0x0;
	lr =	simm.s32 $0x1  }
0x2: {  	[smem:$0x3F8F] =	sst lr;
	_ =	strace $0xD0000000  }
0x3: {  	_ = 	snop  }
0x4: {  	_ = 	snop  }
0x5: {  	_ = 	snop  }
0x6: {  	_ = 	snop  }
0x7: {  	_ = 	snop  }
__scs_overlays_trampoline_lowered:
0x8: {  	[smem:$0x3F9E] =	sst s0  }
0x9: {  	[smem:$0x3F9F] =	sst s1  }
0xa: {  	[smem:$0x3FA0] =	sst s2  }
0xb: {  	[smem:$0x3FA1] =	sst s3  }
0xc: {  	[smem:$0x3FA2] =	sst s4  }
0xd: {  	[smem:$0x3FA3] =	sst s5  }
0xe: {  	[smem:$0x3FA4] =	sst s6  }
0xf: {  	[smem:$0x3FA5] =	sst s7  }
0x10: {  	[smem:$0x3FA6] =	sst s8  }
0x11: {  	[smem:$0x3FA7] =	sst s9;
	s0 =	simm.s32 @!p0 $0x0  }
0x12: {  	s1 =	sld [smem:$0x3F8D];
	s0 =	simm.s32 @p0 $0x1  }
0x13: {  	[smem:$0x3FA8] =	sst s0;
	s0 =	simm.s32 @!p1 $0x0  }
0x14: {  	s2 =	sld [smem:$0x3F8C];
	s0 =	simm.s32 @p1 $0x1  }
0x15: {  	[smem:$0x3FA9] =	sst s0;
	s0 =	simm.s32 @!p2 $0x0  }
0x16: {  	s3 =	sld [smem:$0x3FDB];
	s0 =	simm.s32 @p2 $0x1  }
0x17: {  	s4 =	simm.s32 $0x1BF5;
	[smem:$0x3FAB] =	sst s0  }
0x18: {  	s0 =	sld [smem:$0x3F8E];
	_ =	swait.ge [sflag:s4], $0x0  }
0x19: {  	s7 =	sld [smem:$0x3F8F]  }
0x1a: {  	s8 =	sadd.s32 $0xFFFFE003, lr  }
0x1b: {  	s9 =	sadd.s32 $0xFFFFFEF7, lr;
	s5 =	simm.s32 $0xFFFFFFFF;
	p2 =	slt.u32 s8, $0xFFFFF086  }
0x1c: {  	p1 =	slt.u32 s9, $0xF7A;
	s5 =	simm.s32 @!p2 $0x0  }
0x1d: {  	s5 =	simm.s32 @p1 $0x1;
	p0 =	seq.s32 s7, s2  }
0x1e: {  	s7 =	smul.u32 @!p0 $0xF7A, s2;
	p2 =	seq.s32 @!p0 s5, $0x0  }
0x1f: {  	s9 =	smul.u32 $0xF7A, s1;
	s8 =	simm.s32 @!p0 $0x1BF5;
	p2 =	por !p2, p0  }
0x20: {  	[sflag:s8] =	ssyncset.s32 @!p0 $0xFFFFF086;
	s6 =	sadd.s32 @!p0 s3, s7;
	s7 =	simm.s32 @!p0 $0x108  }
0x21: {  	s3 =	sadd.s32 s3, s9;
	s6 =	sadd.s32 @!p0 $0x88, s6;
	s7 =	simm.s32 @p2 $0x1082  }
0x22: {  	[simem:s7], [sflag:s8] =	dma.local @!p0 [hbm:s6], $0xF7A  }
0x23: {  	s9 =	sor.u32 $0xD0000000, s2;
	s6 =	simm.s32 $0x108;
	_ =	swait.ge @!p0 [sflag:s8], $0x0  }
0x24: {  	s3 =	sadd.s32 $0x88, s3;
	s6 =	simm.s32 @!p1 $0x1082;
	[sflag:s4] =	ssyncset.s32 $0xFFFFF086  }
0x25: {  	[simem:s6], [sflag:s4] =	dma.local [hbm:s3], $0xF7A  }
0x26: {  	[smem:$0x3F8F] =	sst s1;
	(tag) =	ssettag s2;
	_ =	strace s9  }
0x27: {  	s1 =	sld [smem:$0x3F9F]  }
0x28: {  	s2 =	sld [smem:$0x3FA0]  }
0x29: {  	s4 =	sld [smem:$0x3FA2]  }
0x2a: {  	p0 =	seq.s32 s5, $0x0;
	s5 =	sld [smem:$0x3FA3]  }
0x2b: {  	s6 =	sld [smem:$0x3FA4]  }
0x2c: {  	s7 =	sld [smem:$0x3FA5]  }
0x2d: {  	s3 =	simm.s32 $0x108;
	s8 =	sld [smem:$0x3FA6]  }
0x2e: {  	s3 =	simm.s32 @!p0 $0x1082;
	s9 =	sld [smem:$0x3FA7]  }
0x2f: {  	lr =	sadd.s32 s0, s3;
	s0 =	sld [smem:$0x3F9E]  }
0x30: {  	s3 =	sld [smem:$0x3FA1]  }
0x31: {  	[smem:$0x3FAA] =	sst s10  }
0x32: {  	s10 =	sld [smem:$0x3FA8];
	_ =	sdelay $0x3  }
0x33: {  	p0 =	seq.s32 s10, $0x1;
	s10 =	sld [smem:$0x3FAA];
	_ =	sdelay $0x3  }
0x34: {  	[smem:$0x3FAA] =	sst s10  }
0x35: {  	s10 =	sld [smem:$0x3FA9];
	_ =	sdelay $0x3  }
0x36: {  	p1 =	seq.s32 s10, $0x1;
	s10 =	sld [smem:$0x3FAA];
	_ =	sdelay $0x3  }
0x37: {  	[smem:$0x3FAA] =	sst s10  }
0x38: {  	s10 =	sld [smem:$0x3FAB]  }
0x39: {  	_ = 	snop;
	(pc) =	sbr.ind lr, $3  }
0x3a: {  	_ = 	snop  }
0x3b: {  	_ = 	snop  }
0x3c: {  	p2 =	seq.s32 s10, $0x1;
	s10 =	sld [smem:$0x3FAA]  }
0x3d: {  	_ =	shalt  }
0x3e: {  	_ =	shalt  }
0x3f: {  	_ =	shalt  }
0x40: {  	_ =	shalt  }
0x41: {  	_ =	shalt  }
0x42: {  	_ =	shalt  }
0x43: {  	_ =	shalt  }
0x44: {  	_ =	shalt  }
0x45: {  	_ =	shalt  }
0x46: {  	_ =	shalt  }
0x47: {  	_ =	shalt  }
0x48: {  	_ =	shalt  }
0x49: {  	_ =	shalt  }
0x4a: {  	_ =	shalt  }
0x4b: {  	_ =	shalt  }
0x4c: {  	_ =	shalt  }
0x4d: {  	_ =	shalt  }
0x4e: {  	_ =	shalt  }
0x4f: {  	_ =	shalt  }
0x50: {  	_ =	shalt  }
0x51: {  	_ =	shalt  }
0x52: {  	_ =	shalt  }
0x53: {  	_ =	shalt  }
0x54: {  	_ =	shalt  }
0x55: {  	_ =	shalt  }
0x56: {  	_ =	shalt  }
0x57: {  	_ =	shalt  }
0x58: {  	_ =	shalt  }
0x59: {  	_ =	shalt  }
0x5a: {  	_ =	shalt  }
0x5b: {  	_ =	shalt  }
0x5c: {  	_ =	shalt  }
0x5d: {  	_ =	shalt  }
0x5e: {  	_ =	shalt  }
0x5f: {  	_ =	shalt  }
0x60: {  	_ =	shalt  }
0x61: {  	_ =	shalt  }
0x62: {  	_ =	shalt  }
0x63: {  	_ =	shalt  }
0x64: {  	_ =	shalt  }
0x65: {  	_ =	shalt  }
0x66: {  	_ =	shalt  }
0x67: {  	_ =	shalt  }
0x68: {  	_ =	shalt  }
0x69: {  	_ =	shalt  }
0x6a: {  	_ =	shalt  }
0x6b: {  	_ =	shalt  }
0x6c: {  	_ =	shalt  }
0x6d: {  	_ =	shalt  }
0x6e: {  	_ =	shalt  }
0x6f: {  	_ =	shalt  }
0x70: {  	_ =	shalt  }
0x71: {  	_ =	shalt  }
0x72: {  	_ =	shalt  }
0x73: {  	_ =	shalt  }
0x74: {  	_ =	shalt  }
0x75: {  	_ =	shalt  }
0x76: {  	_ =	shalt  }
0x77: {  	_ =	shalt  }
0x78: {  	_ =	shalt  }
0x79: {  	_ =	shalt  }
0x7a: {  	_ =	shalt  }
0x7b: {  	_ =	shalt  }
0x7c: {  	_ =	shalt  }
0x7d: {  	_ =	shalt  }
0x7e: {  	_ =	shalt  }
0x7f: {  	_ =	shalt  }
0x80: {  	_ =	shalt  }
0x81: {  	_ =	shalt  }
0x82: {  	_ =	shalt  }
0x83: {  	_ =	shalt  }
0x84: {  	_ =	shalt  }
0x85: {  	_ =	shalt  }
0x86: {  	_ =	shalt  }
0x87: {  	_ =	shalt  }
.Lfunc_end0:
.L_simem_size_0:
called_computation.3_lowered:
.L_overlay_start_0:
0x88: {  	s2 =	sld [smem:$0x3FD9]  }
0x89: {  	s3 =	sld [smem:$0x3FFE];
	_ =	sdelay $0x1  }
0x8a: {  	s1 =	srdreg.scid  }
0x8b: {  	s0 =	sand.u32 $0x1, s1  }
0x8c: {  	s16 =	sshll.u32 s0, $0xA;
	s2 =	sadd.s32 s3, s2  }
0x8d: {  	s2 =	sadd.s32 s2, s16  }
0x8e: {  	[smem:$0x3FB6] =	sst s2  }
0x8f: {  	_ = 	snop  }
0x90: {  	(tm) =	ssettm $0x1  }
0x91: {  	s17 =	sld [smem:$0x3FFB];
	_ =	sdelay $0x3  }
0x92: {  	_ =	strace s17  }
0x93: {  	s2 =	sld [smem:$0x3FFC];
	_ =	sdelay $0x3  }
0x94: {  	_ =	strace s2  }
0x95: {  	s2 =	sld [smem:$0x3FFD];
	_ =	sdelay $0x3  }
0x96: {  	_ =	strace s2  }
0x97: {  	_ =	strace $0x8FFFFFFF  }
0x98: {  	s18 =	sld [smem:$0x3FDB];
	_ =	sdelay $0x1  }
0x99: {  	s19 =	simm.s32 $_scs_section_size  }
0x9a: {  	s4 =	simm.s32 $_size__tile_overlayer_lowered;
	s5 =	simm.s32 $_tile_overlayer_lowered  }
0x9b: {  	s22 =	simm.s32 $0x1BFF;
	s21 =	sshll.u32 s5, $0x1;
	s2 =	sadd.s32 s19, s18  }
0x9c: {  	s6 =	simm.s32 $0x0;
	s20 =	sshll.u32 s4, $0x1;
	s4 =	sadd.s32 s21, s2  }
0x9d: {  	[timem:s6], [sflag:s22] =	dma.local [hbm:s4], s20  }
0x9e: {  	_ =	swait.ge [sflag:s22], s20  }
0x9f: {  	s3 =	ssub.s32 $0x0, s20;
	[sflag:s22] =	ssyncset.done $0x0  }
0xa0: {  	[sflag:s22] =	ssyncadd.s32 s3;
	_ =	sdelay $0x1  }
0xa1: {  	s23 =	simm.s32 $0x1B8B  }
0xa2: {  	_ =	swait.ge [sflag:s23], $0x1  }
0xa3: {  	[sflag:s23] =	ssyncset.done $0x0  }
0xa4: {  	s25 =	simm.s32 $0x1B8E;
	s24 =	sld [smem:$0x3FFE];
	[sflag:s23] =	ssyncadd.s32 $0xFFFFFFFF  }
0xa5: {  	s26 =	simm.s32 $execute0_lowered;
	[smem:$0x3FD2] =	sst s25  }
0xa6: {  	s4 =	sshll.u32 s26, $0x1;
	_ =	strace $0x8000004F;
	[dreg:$0x1] =	wrdreg $0xFFFFFFFF  }
0xa7: {  	s28 =	simm.s32 $_size_execute0_lowered;
	s2 =	sadd.s32 s2, s4;
	[dreg:$0x0] =	wrdreg $0x0  }
0xa8: {  	s4 =	sshll.u32 s28, $0x1;
	[dreg:$0x2] =	wrdreg s2  }
0xa9: {  	[dreg:$0x3] =	wrdreg s4  }
0xaa: {  	[dreg:$0x4] =	wrdreg $0xC0  }
0xab: {  	_ =	task [dreg:s6], $0x5FFFF  }
0xac: {  	[dreg:$0x1] =	wrdreg $0xFFFFFFFF  }
0xad: {  	[dreg:$0x0] =	wrdreg $0x60  }
0xae: {  	[dreg:$0x2] =	wrdreg s24  }
0xaf: {  	[dreg:$0x3] =	wrdreg $0x9  }
0xb0: {  	_ =	task.clear_ibuf [dreg:s6], $0x4FFFF;
	_ =	strace $0x9000004F  }
0xb1: {  	s29 =	simm.s32 $0x9;
	_ =	strace $0x80000051  }
0xb2: {  	_ =	swait.ge [sflag:s29], $0x1  }
0xb3: {  	[sflag:s29] =	ssyncadd.s32 $0xFFFFFFFF  }
0xb4: {  	_ =	strace $0x90000051  }
0xb5: {  	_ =	sfence  }
0xb6: {  	s30 =	sld [smem:$0x0];
	_ =	sdelay $0x2  }
0xb7: {  	s31 =	sshll.u32 s1, $0xD;
	s1 =	sshrl.u32 s1, $0x2  }
0xb8: {  	s3 =	sand.u32 $0x4000, s31;
	s1 =	sadd.s32 s1, s30  }
0xb9: {  	s0 =	sor.u32 s3, s0;
	s1 =	sshll.u32 s1, $0x11  }
0xba: {  	s0 =	sor.u32 s1, s0  }
0xbb: {  	s0 =	sadd.s32 $0x8F2B, s0  }
0xbc: {  	[sflag:s0] =	ssyncadd.remote.s32 $0x1  }
0xbd: {  	_ =	sfence.sel $0xFFFF  }
0xbe: {  	[dreg:$0x0] =	wrdreg $0xFFFFFFFF;
	(pc) =	sbr.abs _section_cstart, $3  }
0xbf: {  	[dreg:$0x1] =	wrdreg $0xFFFFFFFF  }
0xc0: {  	_ =	task.clear_ibuf [dreg:s6], $0x2FFFF;
	_ =	strace $0x9FFFFFFF  }
0xc1: {  	(tm) =	ssettm $0x7FFFFFFF  }
tec
execute0_lowered:
.L_overlay_start_1:
0x0: {  	(tag) =	ssettag $0x1  }
0x1: {  	s9 =	rddreg [dreg:$0x0]  }
0x2: {  	s1 =	stileid.u32;
	s0 =	rddreg [dreg:$0x1]  }
0x3: {  	s2 =	simm.s32 $0x0;
	s4 =	srdreg.scid;
	s11 =	simm.s32 $0x134400  }
0x4: {  	s13 =	simm.s32 $0x80;
	s14 =	simm.s32 $0x400;
	s15 =	simm.s32 $0x800  }
0x5: {  	s16 =	simm.s32 $0x40;
	s17 =	simm.s32 $0x1280;
	s19 =	simm.s32 $0x2  }
0x6: {  	s3 =	sshll.u32 s1, $0x9;
	s7 =	sshll.u32 s1, $0x5;
	[smem:$0x7FF] =	sst s2  }
0x7: {  	s8 =	sand.u32 $0x1, s4;
	s4 =	sadd.s32 $0x7F400, s9;
	s18 =	smul.u32 $0xFFFFFEC0, s1  }
0x8: {  	s12 =	smul.u32 $0x2800, s1;
	s3 =	sor.u32 s7, s3;
	_ =	strace $0x80000050  }
0x9: {  	s5 =	ssub.s32 $0x2, s8;
	p0 =	seq.s32 s8, $0x1;
	s20 =	sor.u32 $0x1000, s7  }
0xa: {  	s3 =	sand.u32 $0x1860, s3;
	s10 =	sshrl.u32 s5, $0x1;
	s11 =	simm.s32 @!p0 $0x81C00  }
0xb: {  	p0 =	seq.s32 s8, $0x0;
	v0 =	vmov s18;
	s18 =	simm.s32 $0x1380;
	v1 =	vmov s20;
	s20 =	simm.s32 $0x0  }
.Ltmp0:
0xc: {  	s6 =	sadd.s32 s3, s9;
	s3 =	sadd.s32 $0x9A00, s9;
	(pc) =	sbr.rel .LBB2_1-.Ltmp0, $4  }
0xd: {  	s10 =	ssub.s32 s5, s10;
	s31 =	sadd.s32 s11, s9;
	s11 =	simm.s32 $0x9C00  }
0xe: {  	s5 =	sadd.s32 $0x7A00, s6;
	s6 =	sadd.s32 $0x7A10, s6;
	s7 =	smax.u32 s10, $0x1  }
0xf: {  	s8 =	sadd.s32 s31, s12;
	s11 =	simm.s32 @!p0 $0x1D600;
	s10 =	simm.s32 $0x1000  }
0x10: {  	s12 =	simm.s32 $0x5380;
	s9 =	sadd.s32 s11, s9;
	s11 =	simm.s32 $0x3  }
.LBB2_8:
0x11: {  	s20 =	sadd.s32 $0x1, s20  }
0x12: {  	p0 =	sne.s32 s20, s7  }
.Ltmp1:
0x13: {  	_ = 	snop;
	(pc) =	sbr.rel @!p0 .LBB2_9-.Ltmp1, $4  }
0x14: {  	[hbm4b:s8+s2] =	stream.linear.scatter [tilespmem:s12], [sflag:$0x3], $0x14000, $0x38;
	[tilespmem:$0x19480] =	vst v63  }
0x15: {  	_ =	swait.ge [sflag:s11], $0x14000  }
0x16: {  	[sflag:s11] =	ssyncset.done $0x0  }
0x17: {  	[sflag:s11] =	ssyncadd.s32 $0xFFFEC000  }
.LBB2_1:
0x18: {  	[tilespmem:s10], [sflag:$0x3] =	stream.linear.gather [hbm4b:s3+s2], $0x200, $0x38;
	[tilespmem:$0x19480] =	vst v63  }
0x19: {  	_ =	swait.ge [sflag:s11], $0x200  }
0x1a: {  	[sflag:s11] =	ssyncset.done $0x0  }
0x1b: {  	[sflag:s11] =	ssyncadd.s32 $0xFFFFFE00  }
0x1c: {  	[tilespmem:s12], [sflag:$0x3] =	stream.linear.gather [hbm4b:s4+s2], $0x14000, $0x38;
	[tilespmem:$0x19480] =	vst v63  }
0x1d: {  	_ =	swait.ge [sflag:s11], $0x14000  }
0x1e: {  	[sflag:s11] =	ssyncset.done $0x0  }
0x1f: {  	[sflag:s11] =	ssyncadd.s32 $0xFFFEC000  }
0x20: {  	[tilespmem:s2], [sflag:$0x3] =	stream.strided.gather [hbm4b:s5+s13], $0x800, s14, s13, $0x38;
	[tilespmem:$0x19480] =	vst v63  }
0x21: {  	_ =	swait.ge [sflag:s11], $0x800  }
0x22: {  	[sflag:s11] =	ssyncset.done $0x0  }
.Ltmp2:
0x23: {  	[sflag:s11] =	ssyncadd.s32 $0xFFFFF800;
	(pc) =	sbr.rel .LBB2_2-.Ltmp2, $4  }
0x24: {  	[tilespmem:s15], [sflag:$0x3] =	stream.strided.gather [hbm4b:s6+s13], $0x800, s14, s13, $0x38;
	[tilespmem:$0x19480] =	vst v63  }
0x25: {  	_ =	swait.ge [sflag:s11], $0x800  }
0x26: {  	[sflag:s11] =	ssyncset.done $0x0  }
0x27: {  	p1 =	por $0x1, $0x1;
	s22 =	simm.s32 $0x0;
	[sflag:s11] =	ssyncadd.s32 $0xFFFFF800  }
.LBB2_7:
.Ltmp3:
0x28: {  	(pc) =	sbr.rel @!p0 .LBB2_8-.Ltmp3, $2  }
0x29: {  	_ =	sdelay $0x2  }
0x2a: {  	s22 =	simm.s32 $0x1;
	p1 =	por $0x0, $0x0  }
.LBB2_2:
0x2b: {  	_ =	sdelay $0x1  }
0x2c: {  	s21 =	sshll.u32 s22, $0x4  }
0x2d: {  	s21 =	sand.u32 $0x3FFFFFF0, s21  }
0x2e: {  	v2 =	vld.idx.msk [tilespmem:v1+s21+$0x0 ss:$0x1], $0xffff;
	_ =	sdelay $0x4  }
0x2f: {  	(v2sf) =	vpush v2, $0x0;
	_ =	sdelay $0xe  }
0x30: {  	s31 =	spop (v2sf)  }
0x31: {  	s21 =	sadd.s32 $0x3F, s31  }
0x32: {  	p2 =	slt.s32 s21, $0x40  }
.Ltmp4:
0x33: {  	_ = 	snop;
	(pc) =	sbr.rel @p2 .LBB2_7-.Ltmp4, $2  }
0x34: {  	_ =	sdelay $0x2  }
0x35: {  	p0 =	por p1, p1  }
0x36: {  	s22 =	sshll.u32 s22, $0xB  }
0x37: {  	s23 =	sand.u32 $0x3FFFF800, s22  }
0x38: {  	v2 =	vld [tilespmem:s23+$0x0];
	_ =	sdelay $0x4  }
0x39: {  	v3 =	vshra.s32 v2, $0xD  }
0x3a: {  	v2 =	vand.u32 $0x1FFF, v2;
	v3 =	vadd.s32 v0, v3  }
0x3b: {  	[tilespmem:$0x1280] =	vst v2;
	v2 =	vshll.u32 v3, $0x8  }
0x3c: {  	[tilespmem:$0x1300] =	vst v2  }
0x3d: {  	v2 =	vld [tilespmem:s23+$0x10];
	_ =	sdelay $0x4  }
0x3e: {  	v3 =	vshra.s32 v2, $0xD  }
0x3f: {  	v2 =	vand.u32 $0x1FFF, v2;
	v3 =	vadd.s32 v0, v3  }
0x40: {  	[tilespmem:$0x1290] =	vst v2;
	v2 =	vshll.u32 v3, $0x8  }
0x41: {  	[tilespmem:$0x1310] =	vst v2  }
0x42: {  	v2 =	vld [tilespmem:s23+$0x20];
	_ =	sdelay $0x4  }
0x43: {  	v3 =	vshra.s32 v2, $0xD  }
0x44: {  	v2 =	vand.u32 $0x1FFF, v2;
	v3 =	vadd.s32 v0, v3  }
0x45: {  	[tilespmem:$0x12A0] =	vst v2;
	v2 =	vshll.u32 v3, $0x8  }
0x46: {  	[tilespmem:$0x1320] =	vst v2  }
0x47: {  	v2 =	vld [tilespmem:s23+$0x30];
	_ =	sdelay $0x2  }
0x48: {  	s30 =	sshra.s32 s21, $0x1F  }
0x49: {  	s22 =	sshrl.u32 s30, $0x1A  }
.Ltmp5:
0x4a: {  	s31 =	sadd.s32 s22, s21;
	v3 =	vshra.s32 v2, $0xD;
	(pc) =	sbr.rel .LBB2_4-.Ltmp5, $4  }
0x4b: {  	s21 =	sshra.s32 s31, $0x6;
	v2 =	vand.u32 $0x1FFF, v2;
	v3 =	vadd.s32 v0, v3  }
0x4c: {  	p1 =	sgt.s32 s21, $0x1;
	s22 =	smov.u32 s21;
	[tilespmem:$0x12B0] =	vst v2;
	v2 =	vshll.u32 v3, $0x8  }
0x4d: {  	s24 =	simm.s32 $0x0;
	s22 =	simm.s32 @!p1 $0x1;
	[tilespmem:$0x1330] =	vst v2  }
0x4e: {  	v2 =	vmov s23;
	[tilespmem:s18], [sflag:$0x1] =	stream.indirect.gather [hbm4b:s9+s16], $0x80, s17, s16, $0xb8;
	[tilespmem:$0x19480] =	vst v63  }
.LBB2_6:
0x4f: {  	p1 =	sne.s32 s23, s22  }
.Ltmp6:
0x50: {  	_ = 	snop;
	(pc) =	sbr.rel @!p1 .LBB2_7-.Ltmp6, $2  }
0x51: {  	_ =	sdelay $0x2  }
0x52: {  	s24 =	smov.u32 s23  }
.LBB2_4:
0x53: {  	s25 =	sand.u32 $0x1, s24  }
0x54: {  	p1 =	seq.s32 s25, $0x1  }
0x55: {  	s23 =	sor.u32 @!p1 $0x1, s24  }
0x56: {  	p2 =	sge.s32 @!p1 s23, s21  }
0x57: {  	p2 =	por p2, p1  }
0x58: {  	s26 =	sshll.u32 @!p2 s23, $0x8  }
0x59: {  	s26 =	sshra.s32 @!p2 s26, $0x2  }
0x5a: {  	v3 =	vld.idx.msk @!p2 [tilespmem:v2+s26+$0x0 ss:$0x1], $0xffff;
	_ =	sdelay $0x4  }
0x5b: {  	v4 =	vshra.s32 @!p2 v3, $0xD  }
0x5c: {  	v3 =	vand.u32 @!p2 $0x1FFF, v3;
	v4 =	vadd.s32 @!p2 v0, v4  }
0x5d: {  	[tilespmem:$0x12C0] =	vst @!p2 v3;
	v3 =	vshll.u32 @!p2 v4, $0x8  }
0x5e: {  	[tilespmem:$0x1340] =	vst @!p2 v3  }
0x5f: {  	v3 =	vld.idx.msk @!p2 [tilespmem:v2+s26+$0x10 ss:$0x1], $0xffff;
	_ =	sdelay $0x4  }
0x60: {  	v4 =	vshra.s32 @!p2 v3, $0xD  }
0x61: {  	v3 =	vand.u32 @!p2 $0x1FFF, v3;
	v4 =	vadd.s32 @!p2 v0, v4  }
0x62: {  	[tilespmem:$0x12D0] =	vst @!p2 v3;
	v3 =	vshll.u32 @!p2 v4, $0x8  }
0x63: {  	[tilespmem:$0x1350] =	vst @!p2 v3  }
0x64: {  	v3 =	vld.idx.msk @!p2 [tilespmem:v2+s26+$0x20 ss:$0x1], $0xffff;
	_ =	sdelay $0x4  }
0x65: {  	v4 =	vshra.s32 @!p2 v3, $0xD  }
0x66: {  	v3 =	vand.u32 @!p2 $0x1FFF, v3;
	v4 =	vadd.s32 @!p2 v0, v4  }
0x67: {  	[tilespmem:$0x12E0] =	vst @!p2 v3;
	v3 =	vshll.u32 @!p2 v4, $0x8  }
0x68: {  	[tilespmem:$0x1360] =	vst @!p2 v3  }
0x69: {  	v3 =	vld.idx.msk @!p2 [tilespmem:v2+s26+$0x30 ss:$0x1], $0xffff;
	_ =	sdelay $0x4  }
0x6a: {  	v4 =	vshra.s32 @!p2 v3, $0xD  }
0x6b: {  	v3 =	vand.u32 @!p2 $0x1FFF, v3;
	v4 =	vadd.s32 @!p2 v0, v4  }
0x6c: {  	[tilespmem:$0x12F0] =	vst @!p2 v3;
	v3 =	vshll.u32 @!p2 v4, $0x8  }
0x6d: {  	s28 =	simm.s32 @!p2 $0x12C0;
	s29 =	simm.s32 @!p2 $0x3380;
	s26 =	simm.s32 @!p2 $0x40;
	[tilespmem:$0x1370] =	vst @!p2 v3  }
0x6e: {  	[tilespmem:s29], [sflag:$0x2] =	stream.indirect.gather @!p2 [hbm4b:s9+s26], $0x80, s28, s26, $0xb8;
	[tilespmem:$0x19480] =	vst v63  }
0x6f: {  	p2 =	seq.s32 @!p1 s25, $0x0  }
0x70: {  	p2 =	por p1, !p2  }
.Ltmp7:
0x71: {  	_ = 	snop;
	(pc) =	sbr.rel @!p2 .LBB2_6-.Ltmp7, $4  }
0x72: {  	s26 =	simm.s32 @!p1 $0x1  }
0x73: {  	_ =	swait.ge @!p1 [sflag:s26], $0x2000  }
0x74: {  	[sflag:s26] =	ssyncset.done @!p1 $0x0  }
0x75: {  	[sflag:s26] =	ssyncadd.s32 @!p1 $0xFFFFE000  }
0x76: {  	s23 =	sadd.s32 $0x1, s24  }
0x77: {  	p1 =	sge.s32 s23, s21  }
0x78: {  	s24 =	sshll.u32 @!p1 s23, $0x8  }
0x79: {  	s24 =	sshra.s32 @!p1 s24, $0x2  }
0x7a: {  	v3 =	vld.idx.msk @!p1 [tilespmem:v2+s24+$0x0 ss:$0x1], $0xffff;
	_ =	sdelay $0x4  }
0x7b: {  	v4 =	vshra.s32 @!p1 v3, $0xD  }
0x7c: {  	v3 =	vand.u32 @!p1 $0x1FFF, v3;
	v4 =	vadd.s32 @!p1 v0, v4  }
0x7d: {  	[tilespmem:$0x1280] =	vst @!p1 v3;
	v3 =	vshll.u32 @!p1 v4, $0x8  }
0x7e: {  	[tilespmem:$0x1300] =	vst @!p1 v3  }
0x7f: {  	v3 =	vld.idx.msk @!p1 [tilespmem:v2+s24+$0x10 ss:$0x1], $0xffff;
	_ =	sdelay $0x4  }
0x80: {  	v4 =	vshra.s32 @!p1 v3, $0xD  }
0x81: {  	v3 =	vand.u32 @!p1 $0x1FFF, v3;
	v4 =	vadd.s32 @!p1 v0, v4  }
0x82: {  	[tilespmem:$0x1290] =	vst @!p1 v3;
	v3 =	vshll.u32 @!p1 v4, $0x8  }
0x83: {  	[tilespmem:$0x1310] =	vst @!p1 v3  }
0x84: {  	v3 =	vld.idx.msk @!p1 [tilespmem:v2+s24+$0x20 ss:$0x1], $0xffff;
	_ =	sdelay $0x4  }
0x85: {  	v4 =	vshra.s32 @!p1 v3, $0xD  }
0x86: {  	v3 =	vand.u32 @!p1 $0x1FFF, v3;
	v4 =	vadd.s32 @!p1 v0, v4  }
0x87: {  	[tilespmem:$0x12A0] =	vst @!p1 v3;
	v3 =	vshll.u32 @!p1 v4, $0x8  }
0x88: {  	[tilespmem:$0x1320] =	vst @!p1 v3  }
0x89: {  	v3 =	vld.idx.msk @!p1 [tilespmem:v2+s24+$0x30 ss:$0x1], $0xffff;
	_ =	sdelay $0x4  }
0x8a: {  	v4 =	vshra.s32 @!p1 v3, $0xD  }
0x8b: {  	v3 =	vand.u32 @!p1 $0x1FFF, v3;
	v4 =	vadd.s32 @!p1 v0, v4  }
0x8c: {  	s25 =	simm.s32 @!p1 $0x1280;
	[tilespmem:$0x12B0] =	vst @!p1 v3;
	v3 =	vshll.u32 @!p1 v4, $0x8  }
.Ltmp8:
0x8d: {  	s26 =	simm.s32 @!p1 $0x1380;
	s24 =	simm.s32 @!p1 $0x40;
	[tilespmem:$0x1330] =	vst @!p1 v3;
	(pc) =	sbr.rel .LBB2_6-.Ltmp8, $4  }
0x8e: {  	[tilespmem:s26], [sflag:$0x1] =	stream.indirect.gather @!p1 [hbm4b:s9+s24], $0x80, s25, s24, $0xb8;
	[tilespmem:$0x19480] =	vst v63  }
0x8f: {  	_ =	swait.ge [sflag:s19], $0x2000  }
0x90: {  	[sflag:s19] =	ssyncset.done $0x0  }
0x91: {  	[sflag:s19] =	ssyncadd.s32 $0xFFFFE000  }
.LBB2_9:
0x92: {  	_ =	sfence.sel $0x180000  }
0x93: {  	[bflag:$0x0] =	sbarrier.arrive $0xFFFF  }
0x94: {  	p0 =	sne.s32 s1, $0x0;
	_ =	strace $0x90000050  }
0x95: {  	s0 =	sadd.s32 @!p0 $0x100000, s0;
	[bflag:$0x2] =	sbarrier.arrive $0xFFFF  }
0x96: {  	[sflag:s0] =	ssyncadd.tile.s32 @!p0 $0x1;
	_ =	shalt  }
.Lfunc_end2:
_tile_overlayer_lowered:
.L_overlay_start_2:
0x97: {  	(tag) =	ssettag $0x2  }
0x98: {  	s0 =	rddreg [dreg:$0x0];
	s2 =	stileid.u32  }
0x99: {  	s1 =	rddreg [dreg:$0x1];
	p0 =	sne.s32 s2, $0x0  }
0x9a: {  	s3 =	rddreg [dreg:$0x2];
	[bflag:$0x3] =	sbarrier.arrive $0xFFFF;
	s2 =	simm.s32 @!p0 $0x1C03  }
0x9b: {  	[timem:s3], [sflag:s2] =	dma.local @!p0 [hbm:s0], s1  }
0x9c: {  	s0 =	simm.s32 @!p0 $0x3  }
0x9d: {  	_ =	swait.ge @!p0 [sflag:s0], s1  }
0x9e: {  	s1 =	ssub.s32 @!p0 $0x0, s1;
	[sflag:s0] =	ssyncset.done @!p0 $0x0  }
0x9f: {  	[sflag:s0] =	ssyncadd.s32 @!p0 s1  }
0xa0: {  	[bflag:$0x3] =	sbarrier.arrive $0xFFFF  }
0xa1: {  	_ =	shalt  }

// kernel: kernel.27.cloned.1.call-start
scs
__scs_entry_jumppad:
0x0: {  	(pc) =	sbr.rel $0x88, $3  }
0x1: {  	(tag) =	ssettag $0x0;
	lr =	simm.s32 $0x1  }
0x2: {  	[smem:$0x3F8F] =	sst lr;
	_ =	strace $0xD0000000  }
0x3: {  	_ = 	snop  }
0x4: {  	_ = 	snop  }
0x5: {  	_ = 	snop  }
0x6: {  	_ = 	snop  }
0x7: {  	_ = 	snop  }
__scs_overlays_trampoline_lowered:
0x8: {  	[smem:$0x3F9E] =	sst s0  }
0x9: {  	[smem:$0x3F9F] =	sst s1  }
0xa: {  	[smem:$0x3FA0] =	sst s2  }
0xb: {  	[smem:$0x3FA1] =	sst s3  }
0xc: {  	[smem:$0x3FA2] =	sst s4  }
0xd: {  	[smem:$0x3FA3] =	sst s5  }
0xe: {  	[smem:$0x3FA4] =	sst s6  }
0xf: {  	[smem:$0x3FA5] =	sst s7  }
0x10: {  	[smem:$0x3FA6] =	sst s8  }
0x11: {  	[smem:$0x3FA7] =	sst s9;
	s0 =	simm.s32 @!p0 $0x0  }
0x12: {  	s1 =	sld [smem:$0x3F8D];
	s0 =	simm.s32 @p0 $0x1  }
0x13: {  	[smem:$0x3FA8] =	sst s0;
	s0 =	simm.s32 @!p1 $0x0  }
0x14: {  	s2 =	sld [smem:$0x3F8C];
	s0 =	simm.s32 @p1 $0x1  }
0x15: {  	[smem:$0x3FA9] =	sst s0;
	s0 =	simm.s32 @!p2 $0x0  }
0x16: {  	s3 =	sld [smem:$0x3FDB];
	s0 =	simm.s32 @p2 $0x1  }
0x17: {  	s4 =	simm.s32 $0x1BF5;
	[smem:$0x3FAB] =	sst s0  }
0x18: {  	s0 =	sld [smem:$0x3F8E];
	_ =	swait.ge [sflag:s4], $0x0  }
0x19: {  	s7 =	sld [smem:$0x3F8F]  }
0x1a: {  	s8 =	sadd.s32 $0xFFFFE003, lr  }
0x1b: {  	s9 =	sadd.s32 $0xFFFFFEF7, lr;
	s5 =	simm.s32 $0xFFFFFFFF;
	p2 =	slt.u32 s8, $0xFFFFF086  }
0x1c: {  	p1 =	slt.u32 s9, $0xF7A;
	s5 =	simm.s32 @!p2 $0x0  }
0x1d: {  	s5 =	simm.s32 @p1 $0x1;
	p0 =	seq.s32 s7, s2  }
0x1e: {  	s7 =	smul.u32 @!p0 $0xF7A, s2;
	p2 =	seq.s32 @!p0 s5, $0x0  }
0x1f: {  	s9 =	smul.u32 $0xF7A, s1;
	s8 =	simm.s32 @!p0 $0x1BF5;
	p2 =	por !p2, p0  }
0x20: {  	[sflag:s8] =	ssyncset.s32 @!p0 $0xFFFFF086;
	s6 =	sadd.s32 @!p0 s3, s7;
	s7 =	simm.s32 @!p0 $0x108  }
0x21: {  	s3 =	sadd.s32 s3, s9;
	s6 =	sadd.s32 @!p0 $0x88, s6;
	s7 =	simm.s32 @p2 $0x1082  }
0x22: {  	[simem:s7], [sflag:s8] =	dma.local @!p0 [hbm:s6], $0xF7A  }
0x23: {  	s9 =	sor.u32 $0xD0000000, s2;
	s6 =	simm.s32 $0x108;
	_ =	swait.ge @!p0 [sflag:s8], $0x0  }
0x24: {  	s3 =	sadd.s32 $0x88, s3;
	s6 =	simm.s32 @!p1 $0x1082;
	[sflag:s4] =	ssyncset.s32 $0xFFFFF086  }
0x25: {  	[simem:s6], [sflag:s4] =	dma.local [hbm:s3], $0xF7A  }
0x26: {  	[smem:$0x3F8F] =	sst s1;
	(tag) =	ssettag s2;
	_ =	strace s9  }
0x27: {  	s1 =	sld [smem:$0x3F9F]  }
0x28: {  	s2 =	sld [smem:$0x3FA0]  }
0x29: {  	s4 =	sld [smem:$0x3FA2]  }
0x2a: {  	p0 =	seq.s32 s5, $0x0;
	s5 =	sld [smem:$0x3FA3]  }
0x2b: {  	s6 =	sld [smem:$0x3FA4]  }
0x2c: {  	s7 =	sld [smem:$0x3FA5]  }
0x2d: {  	s3 =	simm.s32 $0x108;
	s8 =	sld [smem:$0x3FA6]  }
0x2e: {  	s3 =	simm.s32 @!p0 $0x1082;
	s9 =	sld [smem:$0x3FA7]  }
0x2f: {  	lr =	sadd.s32 s0, s3;
	s0 =	sld [smem:$0x3F9E]  }
0x30: {  	s3 =	sld [smem:$0x3FA1]  }
0x31: {  	[smem:$0x3FAA] =	sst s10  }
0x32: {  	s10 =	sld [smem:$0x3FA8];
	_ =	sdelay $0x3  }
0x33: {  	p0 =	seq.s32 s10, $0x1;
	s10 =	sld [smem:$0x3FAA];
	_ =	sdelay $0x3  }
0x34: {  	[smem:$0x3FAA] =	sst s10  }
0x35: {  	s10 =	sld [smem:$0x3FA9];
	_ =	sdelay $0x3  }
0x36: {  	p1 =	seq.s32 s10, $0x1;
	s10 =	sld [smem:$0x3FAA];
	_ =	sdelay $0x3  }
0x37: {  	[smem:$0x3FAA] =	sst s10  }
0x38: {  	s10 =	sld [smem:$0x3FAB]  }
0x39: {  	_ = 	snop;
	(pc) =	sbr.ind lr, $3  }
0x3a: {  	_ = 	snop  }
0x3b: {  	_ = 	snop  }
0x3c: {  	p2 =	seq.s32 s10, $0x1;
	s10 =	sld [smem:$0x3FAA]  }
0x3d: {  	_ =	shalt  }
0x3e: {  	_ =	shalt  }
0x3f: {  	_ =	shalt  }
0x40: {  	_ =	shalt  }
0x41: {  	_ =	shalt  }
0x42: {  	_ =	shalt  }
0x43: {  	_ =	shalt  }
0x44: {  	_ =	shalt  }
0x45: {  	_ =	shalt  }
0x46: {  	_ =	shalt  }
0x47: {  	_ =	shalt  }
0x48: {  	_ =	shalt  }
0x49: {  	_ =	shalt  }
0x4a: {  	_ =	shalt  }
0x4b: {  	_ =	shalt  }
0x4c: {  	_ =	shalt  }
0x4d: {  	_ =	shalt  }
0x4e: {  	_ =	shalt  }
0x4f: {  	_ =	shalt  }
0x50: {  	_ =	shalt  }
0x51: {  	_ =	shalt  }
0x52: {  	_ =	shalt  }
0x53: {  	_ =	shalt  }
0x54: {  	_ =	shalt  }
0x55: {  	_ =	shalt  }
0x56: {  	_ =	shalt  }
0x57: {  	_ =	shalt  }
0x58: {  	_ =	shalt  }
0x59: {  	_ =	shalt  }
0x5a: {  	_ =	shalt  }
0x5b: {  	_ =	shalt  }
0x5c: {  	_ =	shalt  }
0x5d: {  	_ =	shalt  }
0x5e: {  	_ =	shalt  }
0x5f: {  	_ =	shalt  }
0x60: {  	_ =	shalt  }
0x61: {  	_ =	shalt  }
0x62: {  	_ =	shalt  }
0x63: {  	_ =	shalt  }
0x64: {  	_ =	shalt  }
0x65: {  	_ =	shalt  }
0x66: {  	_ =	shalt  }
0x67: {  	_ =	shalt  }
0x68: {  	_ =	shalt  }
0x69: {  	_ =	shalt  }
0x6a: {  	_ =	shalt  }
0x6b: {  	_ =	shalt  }
0x6c: {  	_ =	shalt  }
0x6d: {  	_ =	shalt  }
0x6e: {  	_ =	shalt  }
0x6f: {  	_ =	shalt  }
0x70: {  	_ =	shalt  }
0x71: {  	_ =	shalt  }
0x72: {  	_ =	shalt  }
0x73: {  	_ =	shalt  }
0x74: {  	_ =	shalt  }
0x75: {  	_ =	shalt  }
0x76: {  	_ =	shalt  }
0x77: {  	_ =	shalt  }
0x78: {  	_ =	shalt  }
0x79: {  	_ =	shalt  }
0x7a: {  	_ =	shalt  }
0x7b: {  	_ =	shalt  }
0x7c: {  	_ =	shalt  }
0x7d: {  	_ =	shalt  }
0x7e: {  	_ =	shalt  }
0x7f: {  	_ =	shalt  }
0x80: {  	_ =	shalt  }
0x81: {  	_ =	shalt  }
0x82: {  	_ =	shalt  }
0x83: {  	_ =	shalt  }
0x84: {  	_ =	shalt  }
0x85: {  	_ =	shalt  }
0x86: {  	_ =	shalt  }
0x87: {  	_ =	shalt  }
.Lfunc_end0:
.L_simem_size_0:
called_computation.4_lowered:
.L_overlay_start_0:
0x88: {  	s2 =	sld [smem:$0x3FD9]  }
0x89: {  	s3 =	sld [smem:$0x3FFE];
	_ =	sdelay $0x1  }
0x8a: {  	s1 =	srdreg.scid  }
0x8b: {  	s0 =	sand.u32 $0x1, s1  }
0x8c: {  	s16 =	sshll.u32 s0, $0xA;
	s2 =	sadd.s32 s3, s2  }
0x8d: {  	s2 =	sadd.s32 s2, s16  }
0x8e: {  	[smem:$0x3FB6] =	sst s2  }
0x8f: {  	_ = 	snop  }
0x90: {  	(tm) =	ssettm $0x1  }
0x91: {  	s17 =	sld [smem:$0x3FFB];
	_ =	sdelay $0x3  }
0x92: {  	_ =	strace s17  }
0x93: {  	s2 =	sld [smem:$0x3FFC];
	_ =	sdelay $0x3  }
0x94: {  	_ =	strace s2  }
0x95: {  	s2 =	sld [smem:$0x3FFD];
	_ =	sdelay $0x3  }
0x96: {  	_ =	strace s2  }
0x97: {  	_ =	strace $0x8FFFFFFF  }
0x98: {  	s18 =	sld [smem:$0x3FDB];
	_ =	sdelay $0x1  }
0x99: {  	s19 =	simm.s32 $_scs_section_size  }
0x9a: {  	s4 =	simm.s32 $_size__tile_overlayer_lowered;
	s5 =	simm.s32 $_tile_overlayer_lowered  }
0x9b: {  	s22 =	simm.s32 $0x1BFF;
	s21 =	sshll.u32 s5, $0x1;
	s2 =	sadd.s32 s19, s18  }
0x9c: {  	s6 =	simm.s32 $0x0;
	s20 =	sshll.u32 s4, $0x1;
	s4 =	sadd.s32 s21, s2  }
0x9d: {  	[timem:s6], [sflag:s22] =	dma.local [hbm:s4], s20  }
0x9e: {  	_ =	swait.ge [sflag:s22], s20  }
0x9f: {  	s3 =	ssub.s32 $0x0, s20;
	[sflag:s22] =	ssyncset.done $0x0  }
0xa0: {  	[sflag:s22] =	ssyncadd.s32 s3;
	_ =	sdelay $0x1  }
0xa1: {  	s23 =	simm.s32 $0x1B8B  }
0xa2: {  	_ =	swait.ge [sflag:s23], $0x1  }
0xa3: {  	[sflag:s23] =	ssyncset.done $0x0  }
0xa4: {  	s25 =	simm.s32 $0x1B8E;
	s24 =	sld [smem:$0x3FFE];
	[sflag:s23] =	ssyncadd.s32 $0xFFFFFFFF  }
0xa5: {  	s26 =	simm.s32 $execute0_lowered;
	[smem:$0x3FD2] =	sst s25  }
0xa6: {  	s4 =	sshll.u32 s26, $0x1;
	_ =	strace $0x80000052;
	[dreg:$0x1] =	wrdreg $0xFFFFFFFF  }
0xa7: {  	s28 =	simm.s32 $_size_execute0_lowered;
	s2 =	sadd.s32 s2, s4;
	[dreg:$0x0] =	wrdreg $0x0  }
0xa8: {  	s4 =	sshll.u32 s28, $0x1;
	[dreg:$0x2] =	wrdreg s2  }
0xa9: {  	[dreg:$0x3] =	wrdreg s4  }
0xaa: {  	[dreg:$0x4] =	wrdreg $0xC0  }
0xab: {  	_ =	task [dreg:s6], $0x5FFFF  }
0xac: {  	[dreg:$0x1] =	wrdreg $0xFFFFFFFF  }
0xad: {  	[dreg:$0x0] =	wrdreg $0x60  }
0xae: {  	[dreg:$0x2] =	wrdreg s24  }
0xaf: {  	[dreg:$0x3] =	wrdreg $0x9  }
0xb0: {  	_ =	task.clear_ibuf [dreg:s6], $0x4FFFF;
	_ =	strace $0x90000052  }
0xb1: {  	s29 =	simm.s32 $0x9;
	_ =	strace $0x80000054  }
0xb2: {  	_ =	swait.ge [sflag:s29], $0x1  }
0xb3: {  	[sflag:s29] =	ssyncadd.s32 $0xFFFFFFFF  }
0xb4: {  	_ =	strace $0x90000054  }
0xb5: {  	_ =	sfence  }
0xb6: {  	s30 =	sld [smem:$0x0];
	_ =	sdelay $0x2  }
0xb7: {  	s31 =	sshll.u32 s1, $0xD;
	s1 =	sshrl.u32 s1, $0x2  }
0xb8: {  	s3 =	sand.u32 $0x4000, s31;
	s1 =	sadd.s32 s1, s30  }
0xb9: {  	s0 =	sor.u32 s3, s0;
	s1 =	sshll.u32 s1, $0x11  }
0xba: {  	s0 =	sor.u32 s1, s0  }
0xbb: {  	s0 =	sadd.s32 $0x8F2B, s0  }
0xbc: {  	[sflag:s0] =	ssyncadd.remote.s32 $0x1  }
0xbd: {  	_ =	sfence.sel $0xFFFF  }
0xbe: {  	[dreg:$0x0] =	wrdreg $0xFFFFFFFF;
	(pc) =	sbr.abs _section_cstart, $3  }
0xbf: {  	[dreg:$0x1] =	wrdreg $0xFFFFFFFF  }
0xc0: {  	_ =	task.clear_ibuf [dreg:s6], $0x2FFFF;
	_ =	strace $0x9FFFFFFF  }
0xc1: {  	(tm) =	ssettm $0x7FFFFFFF  }
tec
execute0_lowered:
.L_overlay_start_1:
0x0: {  	(tag) =	ssettag $0x1  }
0x1: {  	s9 =	rddreg [dreg:$0x0]  }
0x2: {  	s1 =	stileid.u32;
	s0 =	rddreg [dreg:$0x1]  }
0x3: {  	s2 =	simm.s32 $0x0;
	s4 =	srdreg.scid;
	s11 =	simm.s32 $0x81C00  }
0x4: {  	s13 =	simm.s32 $0x80;
	s14 =	simm.s32 $0x400;
	s15 =	simm.s32 $0x800  }
0x5: {  	s16 =	simm.s32 $0x40;
	s17 =	simm.s32 $0x1280;
	s19 =	simm.s32 $0x2  }
0x6: {  	s3 =	sshll.u32 s1, $0x9;
	s7 =	sshll.u32 s1, $0x5;
	[smem:$0x7FF] =	sst s2  }
0x7: {  	s8 =	sand.u32 $0x1, s4;
	s4 =	sadd.s32 $0x7F400, s9;
	s18 =	smul.u32 $0xFFFFFEC0, s1  }
0x8: {  	s12 =	smul.u32 $0x2800, s1;
	s3 =	sor.u32 s7, s3;
	_ =	strace $0x80000053  }
0x9: {  	s5 =	ssub.s32 $0x2, s8;
	p0 =	seq.s32 s8, $0x1;
	s20 =	sor.u32 $0x1000, s7  }
0xa: {  	s3 =	sand.u32 $0x1860, s3;
	s10 =	sshrl.u32 s5, $0x1;
	s11 =	simm.s32 @!p0 $0x9C00  }
0xb: {  	p0 =	seq.s32 s8, $0x0;
	v0 =	vmov s18;
	s18 =	simm.s32 $0x1380;
	v1 =	vmov s20;
	s20 =	simm.s32 $0x0  }
.Ltmp0:
0xc: {  	s6 =	sadd.s32 s3, s9;
	s3 =	sadd.s32 $0x9A00, s9;
	(pc) =	sbr.rel .LBB2_1-.Ltmp0, $4  }
0xd: {  	s10 =	ssub.s32 s5, s10;
	s31 =	sadd.s32 s11, s9;
	s11 =	simm.s32 $0x134400  }
0xe: {  	s5 =	sadd.s32 $0x7A00, s6;
	s6 =	sadd.s32 $0x7A10, s6;
	s7 =	smax.u32 s10, $0x1  }
0xf: {  	s8 =	sadd.s32 s31, s12;
	s11 =	simm.s32 @!p0 $0x147E00;
	s10 =	simm.s32 $0x1000  }
0x10: {  	s12 =	simm.s32 $0x5380;
	s9 =	sadd.s32 s11, s9;
	s11 =	simm.s32 $0x3  }
.LBB2_8:
0x11: {  	s20 =	sadd.s32 $0x1, s20  }
0x12: {  	p0 =	sne.s32 s20, s7  }
.Ltmp1:
0x13: {  	_ = 	snop;
	(pc) =	sbr.rel @!p0 .LBB2_9-.Ltmp1, $4  }
0x14: {  	[hbm4b:s8+s2] =	stream.linear.scatter [tilespmem:s12], [sflag:$0x3], $0x14000, $0x38;
	[tilespmem:$0x19480] =	vst v63  }
0x15: {  	_ =	swait.ge [sflag:s11], $0x14000  }
0x16: {  	[sflag:s11] =	ssyncset.done $0x0  }
0x17: {  	[sflag:s11] =	ssyncadd.s32 $0xFFFEC000  }
.LBB2_1:
0x18: {  	[tilespmem:s10], [sflag:$0x3] =	stream.linear.gather [hbm4b:s3+s2], $0x200, $0x38;
	[tilespmem:$0x19480] =	vst v63  }
0x19: {  	_ =	swait.ge [sflag:s11], $0x200  }
0x1a: {  	[sflag:s11] =	ssyncset.done $0x0  }
0x1b: {  	[sflag:s11] =	ssyncadd.s32 $0xFFFFFE00  }
0x1c: {  	[tilespmem:s12], [sflag:$0x3] =	stream.linear.gather [hbm4b:s4+s2], $0x14000, $0x38;
	[tilespmem:$0x19480] =	vst v63  }
0x1d: {  	_ =	swait.ge [sflag:s11], $0x14000  }
0x1e: {  	[sflag:s11] =	ssyncset.done $0x0  }
0x1f: {  	[sflag:s11] =	ssyncadd.s32 $0xFFFEC000  }
0x20: {  	[tilespmem:s2], [sflag:$0x3] =	stream.strided.gather [hbm4b:s5+s13], $0x800, s14, s13, $0x38;
	[tilespmem:$0x19480] =	vst v63  }
0x21: {  	_ =	swait.ge [sflag:s11], $0x800  }
0x22: {  	[sflag:s11] =	ssyncset.done $0x0  }
.Ltmp2:
0x23: {  	[sflag:s11] =	ssyncadd.s32 $0xFFFFF800;
	(pc) =	sbr.rel .LBB2_2-.Ltmp2, $4  }
0x24: {  	[tilespmem:s15], [sflag:$0x3] =	stream.strided.gather [hbm4b:s6+s13], $0x800, s14, s13, $0x38;
	[tilespmem:$0x19480] =	vst v63  }
0x25: {  	_ =	swait.ge [sflag:s11], $0x800  }
0x26: {  	[sflag:s11] =	ssyncset.done $0x0  }
0x27: {  	p1 =	por $0x1, $0x1;
	s22 =	simm.s32 $0x0;
	[sflag:s11] =	ssyncadd.s32 $0xFFFFF800  }
.LBB2_7:
.Ltmp3:
0x28: {  	(pc) =	sbr.rel @!p0 .LBB2_8-.Ltmp3, $2  }
0x29: {  	_ =	sdelay $0x2  }
0x2a: {  	s22 =	simm.s32 $0x1;
	p1 =	por $0x0, $0x0  }
.LBB2_2:
0x2b: {  	_ =	sdelay $0x1  }
0x2c: {  	s21 =	sshll.u32 s22, $0x4  }
0x2d: {  	s21 =	sand.u32 $0x3FFFFFF0, s21  }
0x2e: {  	v2 =	vld.idx.msk [tilespmem:v1+s21+$0x0 ss:$0x1], $0xffff;
	_ =	sdelay $0x4  }
0x2f: {  	(v2sf) =	vpush v2, $0x0;
	_ =	sdelay $0xe  }
0x30: {  	s31 =	spop (v2sf)  }
0x31: {  	s21 =	sadd.s32 $0x3F, s31  }
0x32: {  	p2 =	slt.s32 s21, $0x40  }
.Ltmp4:
0x33: {  	_ = 	snop;
	(pc) =	sbr.rel @p2 .LBB2_7-.Ltmp4, $2  }
0x34: {  	_ =	sdelay $0x2  }
0x35: {  	p0 =	por p1, p1  }
0x36: {  	s22 =	sshll.u32 s22, $0xB  }
0x37: {  	s23 =	sand.u32 $0x3FFFF800, s22  }
0x38: {  	v2 =	vld [tilespmem:s23+$0x0];
	_ =	sdelay $0x4  }
0x39: {  	v3 =	vshra.s32 v2, $0xD  }
0x3a: {  	v2 =	vand.u32 $0x1FFF, v2;
	v3 =	vadd.s32 v0, v3  }
0x3b: {  	[tilespmem:$0x1280] =	vst v2;
	v2 =	vshll.u32 v3, $0x8  }
0x3c: {  	[tilespmem:$0x1300] =	vst v2  }
0x3d: {  	v2 =	vld [tilespmem:s23+$0x10];
	_ =	sdelay $0x4  }
0x3e: {  	v3 =	vshra.s32 v2, $0xD  }
0x3f: {  	v2 =	vand.u32 $0x1FFF, v2;
	v3 =	vadd.s32 v0, v3  }
0x40: {  	[tilespmem:$0x1290] =	vst v2;
	v2 =	vshll.u32 v3, $0x8  }
0x41: {  	[tilespmem:$0x1310] =	vst v2  }
0x42: {  	v2 =	vld [tilespmem:s23+$0x20];
	_ =	sdelay $0x4  }
0x43: {  	v3 =	vshra.s32 v2, $0xD  }
0x44: {  	v2 =	vand.u32 $0x1FFF, v2;
	v3 =	vadd.s32 v0, v3  }
0x45: {  	[tilespmem:$0x12A0] =	vst v2;
	v2 =	vshll.u32 v3, $0x8  }
0x46: {  	[tilespmem:$0x1320] =	vst v2  }
0x47: {  	v2 =	vld [tilespmem:s23+$0x30];
	_ =	sdelay $0x2  }
0x48: {  	s30 =	sshra.s32 s21, $0x1F  }
0x49: {  	s22 =	sshrl.u32 s30, $0x1A  }
.Ltmp5:
0x4a: {  	s31 =	sadd.s32 s22, s21;
	v3 =	vshra.s32 v2, $0xD;
	(pc) =	sbr.rel .LBB2_4-.Ltmp5, $4  }
0x4b: {  	s21 =	sshra.s32 s31, $0x6;
	v2 =	vand.u32 $0x1FFF, v2;
	v3 =	vadd.s32 v0, v3  }
0x4c: {  	p1 =	sgt.s32 s21, $0x1;
	s22 =	smov.u32 s21;
	[tilespmem:$0x12B0] =	vst v2;
	v2 =	vshll.u32 v3, $0x8  }
0x4d: {  	s24 =	simm.s32 $0x0;
	s22 =	simm.s32 @!p1 $0x1;
	[tilespmem:$0x1330] =	vst v2  }
0x4e: {  	v2 =	vmov s23;
	[tilespmem:s18], [sflag:$0x1] =	stream.indirect.gather [hbm4b:s9+s16], $0x80, s17, s16, $0xb8;
	[tilespmem:$0x19480] =	vst v63  }
.LBB2_6:
0x4f: {  	p1 =	sne.s32 s23, s22  }
.Ltmp6:
0x50: {  	_ = 	snop;
	(pc) =	sbr.rel @!p1 .LBB2_7-.Ltmp6, $2  }
0x51: {  	_ =	sdelay $0x2  }
0x52: {  	s24 =	smov.u32 s23  }
.LBB2_4:
0x53: {  	s25 =	sand.u32 $0x1, s24  }
0x54: {  	p1 =	seq.s32 s25, $0x1  }
0x55: {  	s23 =	sor.u32 @!p1 $0x1, s24  }
0x56: {  	p2 =	sge.s32 @!p1 s23, s21  }
0x57: {  	p2 =	por p2, p1  }
0x58: {  	s26 =	sshll.u32 @!p2 s23, $0x8  }
0x59: {  	s26 =	sshra.s32 @!p2 s26, $0x2  }
0x5a: {  	v3 =	vld.idx.msk @!p2 [tilespmem:v2+s26+$0x0 ss:$0x1], $0xffff;
	_ =	sdelay $0x4  }
0x5b: {  	v4 =	vshra.s32 @!p2 v3, $0xD  }
0x5c: {  	v3 =	vand.u32 @!p2 $0x1FFF, v3;
	v4 =	vadd.s32 @!p2 v0, v4  }
0x5d: {  	[tilespmem:$0x12C0] =	vst @!p2 v3;
	v3 =	vshll.u32 @!p2 v4, $0x8  }
0x5e: {  	[tilespmem:$0x1340] =	vst @!p2 v3  }
0x5f: {  	v3 =	vld.idx.msk @!p2 [tilespmem:v2+s26+$0x10 ss:$0x1], $0xffff;
	_ =	sdelay $0x4  }
0x60: {  	v4 =	vshra.s32 @!p2 v3, $0xD  }
0x61: {  	v3 =	vand.u32 @!p2 $0x1FFF, v3;
	v4 =	vadd.s32 @!p2 v0, v4  }
0x62: {  	[tilespmem:$0x12D0] =	vst @!p2 v3;
	v3 =	vshll.u32 @!p2 v4, $0x8  }
0x63: {  	[tilespmem:$0x1350] =	vst @!p2 v3  }
0x64: {  	v3 =	vld.idx.msk @!p2 [tilespmem:v2+s26+$0x20 ss:$0x1], $0xffff;
	_ =	sdelay $0x4  }
0x65: {  	v4 =	vshra.s32 @!p2 v3, $0xD  }
0x66: {  	v3 =	vand.u32 @!p2 $0x1FFF, v3;
	v4 =	vadd.s32 @!p2 v0, v4  }
0x67: {  	[tilespmem:$0x12E0] =	vst @!p2 v3;
	v3 =	vshll.u32 @!p2 v4, $0x8  }
0x68: {  	[tilespmem:$0x1360] =	vst @!p2 v3  }
0x69: {  	v3 =	vld.idx.msk @!p2 [tilespmem:v2+s26+$0x30 ss:$0x1], $0xffff;
	_ =	sdelay $0x4  }
0x6a: {  	v4 =	vshra.s32 @!p2 v3, $0xD  }
0x6b: {  	v3 =	vand.u32 @!p2 $0x1FFF, v3;
	v4 =	vadd.s32 @!p2 v0, v4  }
0x6c: {  	[tilespmem:$0x12F0] =	vst @!p2 v3;
	v3 =	vshll.u32 @!p2 v4, $0x8  }
0x6d: {  	s28 =	simm.s32 @!p2 $0x12C0;
	s29 =	simm.s32 @!p2 $0x3380;
	s26 =	simm.s32 @!p2 $0x40;
	[tilespmem:$0x1370] =	vst @!p2 v3  }
0x6e: {  	[tilespmem:s29], [sflag:$0x2] =	stream.indirect.gather @!p2 [hbm4b:s9+s26], $0x80, s28, s26, $0xb8;
	[tilespmem:$0x19480] =	vst v63  }
0x6f: {  	p2 =	seq.s32 @!p1 s25, $0x0  }
0x70: {  	p2 =	por p1, !p2  }
.Ltmp7:
0x71: {  	_ = 	snop;
	(pc) =	sbr.rel @!p2 .LBB2_6-.Ltmp7, $4  }
0x72: {  	s26 =	simm.s32 @!p1 $0x1  }
0x73: {  	_ =	swait.ge @!p1 [sflag:s26], $0x2000  }
0x74: {  	[sflag:s26] =	ssyncset.done @!p1 $0x0  }
0x75: {  	[sflag:s26] =	ssyncadd.s32 @!p1 $0xFFFFE000  }
0x76: {  	s23 =	sadd.s32 $0x1, s24  }
0x77: {  	p1 =	sge.s32 s23, s21  }
0x78: {  	s24 =	sshll.u32 @!p1 s23, $0x8  }
0x79: {  	s24 =	sshra.s32 @!p1 s24, $0x2  }
0x7a: {  	v3 =	vld.idx.msk @!p1 [tilespmem:v2+s24+$0x0 ss:$0x1], $0xffff;
	_ =	sdelay $0x4  }
0x7b: {  	v4 =	vshra.s32 @!p1 v3, $0xD  }
0x7c: {  	v3 =	vand.u32 @!p1 $0x1FFF, v3;
	v4 =	vadd.s32 @!p1 v0, v4  }
0x7d: {  	[tilespmem:$0x1280] =	vst @!p1 v3;
	v3 =	vshll.u32 @!p1 v4, $0x8  }
0x7e: {  	[tilespmem:$0x1300] =	vst @!p1 v3  }
0x7f: {  	v3 =	vld.idx.msk @!p1 [tilespmem:v2+s24+$0x10 ss:$0x1], $0xffff;
	_ =	sdelay $0x4  }
0x80: {  	v4 =	vshra.s32 @!p1 v3, $0xD  }
0x81: {  	v3 =	vand.u32 @!p1 $0x1FFF, v3;
	v4 =	vadd.s32 @!p1 v0, v4  }
0x82: {  	[tilespmem:$0x1290] =	vst @!p1 v3;
	v3 =	vshll.u32 @!p1 v4, $0x8  }
0x83: {  	[tilespmem:$0x1310] =	vst @!p1 v3  }
0x84: {  	v3 =	vld.idx.msk @!p1 [tilespmem:v2+s24+$0x20 ss:$0x1], $0xffff;
	_ =	sdelay $0x4  }
0x85: {  	v4 =	vshra.s32 @!p1 v3, $0xD  }
0x86: {  	v3 =	vand.u32 @!p1 $0x1FFF, v3;
	v4 =	vadd.s32 @!p1 v0, v4  }
0x87: {  	[tilespmem:$0x12A0] =	vst @!p1 v3;
	v3 =	vshll.u32 @!p1 v4, $0x8  }
0x88: {  	[tilespmem:$0x1320] =	vst @!p1 v3  }
0x89: {  	v3 =	vld.idx.msk @!p1 [tilespmem:v2+s24+$0x30 ss:$0x1], $0xffff;
	_ =	sdelay $0x4  }
0x8a: {  	v4 =	vshra.s32 @!p1 v3, $0xD  }
0x8b: {  	v3 =	vand.u32 @!p1 $0x1FFF, v3;
	v4 =	vadd.s32 @!p1 v0, v4  }
0x8c: {  	s25 =	simm.s32 @!p1 $0x1280;
	[tilespmem:$0x12B0] =	vst @!p1 v3;
	v3 =	vshll.u32 @!p1 v4, $0x8  }
.Ltmp8:
0x8d: {  	s26 =	simm.s32 @!p1 $0x1380;
	s24 =	simm.s32 @!p1 $0x40;
	[tilespmem:$0x1330] =	vst @!p1 v3;
	(pc) =	sbr.rel .LBB2_6-.Ltmp8, $4  }
0x8e: {  	[tilespmem:s26], [sflag:$0x1] =	stream.indirect.gather @!p1 [hbm4b:s9+s24], $0x80, s25, s24, $0xb8;
	[tilespmem:$0x19480] =	vst v63  }
0x8f: {  	_ =	swait.ge [sflag:s19], $0x2000  }
0x90: {  	[sflag:s19] =	ssyncset.done $0x0  }
0x91: {  	[sflag:s19] =	ssyncadd.s32 $0xFFFFE000  }
.LBB2_9:
0x92: {  	_ =	sfence.sel $0x180000  }
0x93: {  	[bflag:$0x0] =	sbarrier.arrive $0xFFFF  }
0x94: {  	p0 =	sne.s32 s1, $0x0;
	_ =	strace $0x90000053  }
0x95: {  	s0 =	sadd.s32 @!p0 $0x100000, s0;
	[bflag:$0x2] =	sbarrier.arrive $0xFFFF  }
0x96: {  	[sflag:s0] =	ssyncadd.tile.s32 @!p0 $0x1;
	_ =	shalt  }
.Lfunc_end2:
_tile_overlayer_lowered:
.L_overlay_start_2:
0x97: {  	(tag) =	ssettag $0x2  }
0x98: {  	s0 =	rddreg [dreg:$0x0];
	s2 =	stileid.u32  }
0x99: {  	s1 =	rddreg [dreg:$0x1];
	p0 =	sne.s32 s2, $0x0  }
0x9a: {  	s3 =	rddreg [dreg:$0x2];
	[bflag:$0x3] =	sbarrier.arrive $0xFFFF;
	s2 =	simm.s32 @!p0 $0x1C03  }
0x9b: {  	[timem:s3], [sflag:s2] =	dma.local @!p0 [hbm:s0], s1  }
0x9c: {  	s0 =	simm.s32 @!p0 $0x3  }
0x9d: {  	_ =	swait.ge @!p0 [sflag:s0], s1  }
0x9e: {  	s1 =	ssub.s32 @!p0 $0x0, s1;
	[sflag:s0] =	ssyncset.done @!p0 $0x0  }
0x9f: {  	[sflag:s0] =	ssyncadd.s32 @!p0 s1  }
0xa0: {  	[bflag:$0x3] =	sbarrier.arrive $0xFFFF  }
0xa1: {  	_ =	shalt  }

</sc_bundles>
